<compile_context>
chip_gen: v7x
topology: tpu7x:2x2x1
jax: 0.10.2.dev20260603
libtpu: 0.0.44.dev20260713+nightly
codegen_flags: <defaults>
</compile_context>

<pallas_src>
import functools

import jax
import jax.numpy as jnp
from jax import lax
from jax.experimental import pallas as pl
from jax.experimental.pallas import tpu as pltpu
from jax.experimental.pallas import tpu_sc as plsc

N = 10000
E = 320000
D = 128
NC = 2
NS = 16
NW = NC * NS
EPW = E // NW
C = 80
NCHUNK = EPW // C
DB = 80
NBLK = N // DB
CM = 96
HCH = 53
PADE = NW * 2 * HCH * CM - E
PADR = 16

_mesh = plsc.VectorSubcoreMesh(core_axis_name="c", subcore_axis_name="s")


@functools.partial(
    pl.kernel,
    out_type=jax.ShapeDtypeStruct((NC * N,), jnp.float32),
    mesh=_mesh,
    scratch_types=[
        pltpu.VMEM((NCHUNK, C), jnp.int32),
        pltpu.VMEM((C,), jnp.float32),
        pltpu.VMEM((2000,), jnp.float32),
        pltpu.VMEM_SHARED((N,), jnp.float32),
    ],
)
def _deg_kernel(src_hbm, out_hbm, idx_v, ones_v, stage_v, acc_sh):
    c = lax.axis_index("c")
    s = lax.axis_index("s")
    w = c * NS + s

    def zstore(i, carry):
        stage_v[pl.ds(i * 16, 16)] = jnp.zeros((16,), jnp.float32)
        return carry

    lax.fori_loop(0, 125, zstore, 0)

    @pl.when(s < 5)
    def _zero():
        pltpu.sync_copy(stage_v, acc_sh.at[pl.ds(s * 2000, 2000)])

    pltpu.sync_copy(src_hbm.at[w], idx_v)
    for i in range(C // 16):
        ones_v[pl.ds(i * 16, 16)] = jnp.ones((16,), jnp.float32)
    plsc.subcore_barrier()

    def body(j, carry):
        pltpu.sync_copy(ones_v, acc_sh.at[idx_v.at[j]], add=True)
        return carry

    lax.fori_loop(0, NCHUNK, body, 0)
    plsc.subcore_barrier()

    @pl.when(s < 5)
    def _dump():
        pltpu.sync_copy(acc_sh.at[pl.ds(s * 2000, 2000)], stage_v)
        pltpu.sync_copy(stage_v, out_hbm.at[pl.ds(c * N + s * 2000, 2000)])


@functools.partial(
    pl.kernel,
    out_type=jax.ShapeDtypeStruct((NC, N, D), jnp.float32),
    mesh=_mesh,
    scratch_types=[
        pltpu.VMEM((HCH, CM), jnp.int32),
        pltpu.VMEM((HCH, CM), jnp.int32),
        pltpu.VMEM((CM, D), jnp.float32),
        pltpu.VMEM((CM, D), jnp.float32),
        pltpu.VMEM_SHARED((N + PADR, D), jnp.float32),
        pltpu.SemaphoreType.DMA,
        pltpu.SemaphoreType.DMA,
    ],
)
def _msg_kernel(xn_hbm, src_hbm, dst_hbm, out_hbm,
                sidx_v, didx_v, rows0_v, rows1_v, acc_sh, sem0, sem1):
    c = lax.axis_index("c")
    s = lax.axis_index("s")
    w = c * NS + s

    def zstore(i, carry):
        for j in range(D // 16):
            rows0_v[i, pl.ds(j * 16, 16)] = jnp.zeros((16,), jnp.float32)
        return carry

    lax.fori_loop(0, DB, zstore, 0)
    for k in range(8):
        blk = s * 8 + k

        @pl.when(blk < NBLK)
        def _z():
            pltpu.async_copy(rows0_v.at[pl.ds(0, DB)],
                             acc_sh.at[pl.ds(blk * DB, DB)], sem0)
    pltpu.sync_copy(src_hbm.at[w, 0], sidx_v)
    pltpu.sync_copy(dst_hbm.at[w, 0], didx_v)
    for k in range(8):
        blk = s * 8 + k

        @pl.when(blk < NBLK)
        def _zw():
            pltpu.make_async_copy(rows0_v.at[pl.ds(0, DB)],
                                  acc_sh.at[pl.ds(blk * DB, DB)], sem0).wait()
    plsc.subcore_barrier()

    for half in range(2):
        nch = HCH
        if half == 1:
            pltpu.sync_copy(src_hbm.at[w, half], sidx_v)
            pltpu.sync_copy(dst_hbm.at[w, half], didx_v)
        pltpu.async_copy(xn_hbm.at[sidx_v.at[0]], rows0_v, sem0)

        def body(t, carry, n=nch):
            j0 = 2 * t

            @pl.when(j0 + 1 < n)
            def _g1():
                pltpu.async_copy(xn_hbm.at[sidx_v.at[j0 + 1]], rows1_v, sem1)

            pltpu.make_async_copy(xn_hbm.at[sidx_v.at[j0]],
                                  rows0_v, sem0).wait()
            pltpu.sync_copy(rows0_v, acc_sh.at[didx_v.at[j0]], add=True)

            @pl.when(j0 + 2 < n)
            def _g2():
                pltpu.async_copy(xn_hbm.at[sidx_v.at[j0 + 2]], rows0_v, sem0)

            @pl.when(j0 + 1 < n)
            def _s1():
                pltpu.make_async_copy(xn_hbm.at[sidx_v.at[j0 + 1]],
                                      rows1_v, sem1).wait()
                pltpu.sync_copy(rows1_v, acc_sh.at[didx_v.at[j0 + 1]],
                                add=True)

            return carry

        lax.fori_loop(0, (nch + 1) // 2, body, 0)
    plsc.subcore_barrier()

    for k in range(8):
        blk = s * 8 + k
        buf = rows0_v if k % 2 == 0 else rows1_v
        sem = sem0 if k % 2 == 0 else sem1
        if k >= 2:
            pblk = s * 8 + (k - 2)

            @pl.when(pblk < NBLK)
            def _dw():
                pltpu.make_async_copy(
                    buf.at[pl.ds(0, DB)],
                    out_hbm.at[c, pl.ds(pblk * DB, DB)], sem).wait()

        @pl.when(blk < NBLK)
        def _d():
            pltpu.sync_copy(acc_sh.at[pl.ds(blk * DB, DB)],
                            buf.at[pl.ds(0, DB)])
            pltpu.async_copy(buf.at[pl.ds(0, DB)],
                             out_hbm.at[c, pl.ds(blk * DB, DB)], sem)
    for k in (6, 7):
        blk = s * 8 + k
        buf = rows0_v if k % 2 == 0 else rows1_v
        sem = sem0 if k % 2 == 0 else sem1

        @pl.when(blk < NBLK)
        def _dw2():
            pltpu.make_async_copy(buf.at[pl.ds(0, DB)],
                                  out_hbm.at[c, pl.ds(blk * DB, DB)],
                                  sem).wait()


RB = 1000
GRID = N // RB


def _norm_body(dp0_ref, dp1_ref, x_ref, xn_ref):
    deg = jnp.maximum(dp0_ref[0, 0, :] + dp1_ref[0, 0, :], 1.0)
    xn_ref[...] = x_ref[...] * (1.0 / deg)[:, None]


_DPSPEC = pl.BlockSpec((1, 1, RB), lambda i: (i, 0, 0))


def _normalize(dp0, dp1, x):
    return pl.pallas_call(
        _norm_body,
        grid=(GRID,),
        in_specs=[
            _DPSPEC,
            _DPSPEC,
            pl.BlockSpec((RB, D), lambda i: (i, 0)),
        ],
        out_specs=pl.BlockSpec((RB, D), lambda i: (i, 0)),
        out_shape=jax.ShapeDtypeStruct((N, D), jnp.float32),
    )(dp0, dp1, x)


def _layer0_body(dp0_ref, dp1_ref, x_ref, hp_ref, w0a_ref, w0b_ref, b0_ref,
                 x1_ref, xn1_ref):
    h = hp_ref[0] + hp_ref[1]
    z = (jnp.dot(x_ref[...], w0a_ref[...], preferred_element_type=jnp.float32)
         + jnp.dot(h, w0b_ref[...], preferred_element_type=jnp.float32)
         + b0_ref[...])
    x1 = jnp.maximum(z, 0.0)
    x1_ref[...] = x1
    deg = jnp.maximum(dp0_ref[0, 0, :] + dp1_ref[0, 0, :], 1.0)
    xn1_ref[...] = x1 * (1.0 / deg)[:, None]


def _layer0(dp0, dp1, x, hp, w0a, w0b, b0):
    return pl.pallas_call(
        _layer0_body,
        grid=(GRID,),
        in_specs=[
            _DPSPEC,
            _DPSPEC,
            pl.BlockSpec((RB, D), lambda i: (i, 0)),
            pl.BlockSpec((NC, RB, D), lambda i: (0, i, 0)),
            pl.BlockSpec((D, D), lambda i: (0, 0)),
            pl.BlockSpec((D, D), lambda i: (0, 0)),
            pl.BlockSpec((1, D), lambda i: (0, 0)),
        ],
        out_specs=[
            pl.BlockSpec((RB, D), lambda i: (i, 0)),
            pl.BlockSpec((RB, D), lambda i: (i, 0)),
        ],
        out_shape=[
            jax.ShapeDtypeStruct((N, D), jnp.float32),
            jax.ShapeDtypeStruct((N, D), jnp.float32),
        ],
    )(dp0, dp1, x, hp, w0a, w0b, b0)


def _layer1_body(x1_ref, hp_ref, w1a_ref, w1b_ref, b1_ref, out_ref):
    h = hp_ref[0] + hp_ref[1]
    out_ref[...] = (
        jnp.dot(x1_ref[...], w1a_ref[...], preferred_element_type=jnp.float32)
        + jnp.dot(h, w1b_ref[...], preferred_element_type=jnp.float32)
        + b1_ref[...])


def _layer1(x1, hp, w1a, w1b, b1):
    return pl.pallas_call(
        _layer1_body,
        grid=(GRID,),
        in_specs=[
            pl.BlockSpec((RB, D), lambda i: (i, 0)),
            pl.BlockSpec((NC, RB, D), lambda i: (0, i, 0)),
            pl.BlockSpec((D, D), lambda i: (0, 0)),
            pl.BlockSpec((D, D), lambda i: (0, 0)),
            pl.BlockSpec((1, D), lambda i: (0, 0)),
        ],
        out_specs=pl.BlockSpec((RB, D), lambda i: (i, 0)),
        out_shape=jax.ShapeDtypeStruct((N, D), jnp.float32),
    )(x1, hp, w1a, w1b, b1)


def kernel(x, edge_index, W0, b0, W1, b1):
    ei = edge_index.astype(jnp.int32)
    src = ei[0].reshape(NW, NCHUNK, C)
    dst = ei[1].reshape(NW, NCHUNK, C)
    pad_i = jnp.arange(PADE, dtype=jnp.int32)
    src_pad = (pad_i * 97) % N
    dst_pad = N + (pad_i % PADR)
    srcm = jnp.concatenate([ei[0], src_pad]).reshape(NW, 2, HCH, CM)
    dstm = jnp.concatenate([ei[1], dst_pad]).reshape(NW, 2, HCH, CM)
    w0a, w0b = W0[:D], W0[D:]
    w1a, w1b = W1[:D], W1[D:]
    b0r = b0.reshape(1, D)
    b1r = b1.reshape(1, D)

    dpflat = _deg_kernel(src)
    dp0 = dpflat[:N].reshape(GRID, 1, RB)
    dp1 = dpflat[N:].reshape(GRID, 1, RB)
    xn0 = _normalize(dp0, dp1, x)
    hp0 = _msg_kernel(xn0, srcm, dstm)
    x1, xn1 = _layer0(dp0, dp1, x, hp0, w0a, w0b, b0r)
    hp1 = _msg_kernel(xn1, srcm, dstm)
    out = _layer1(x1, hp1, w1a, w1b, b1r)
    return out

# --- scband reference (transcript-rebuilt; emitter-appended) ---
"""Pipeline reference for scband-graph-sage-83408264888606 (READ-ONLY COPY).

The authoritative reference and input builder live on the scoring server;
editing this copy changes nothing except your own understanding.
"""

import jax, jax.numpy as jnp
import numpy as np

N_NODES = 10000
N_EDGES = 320000
D_IN = 128
D_HID = 128
D_OUT = 128


def setup_inputs(seed: int = 0) -> dict:
    key = jax.random.key(seed)
    k_x, k_e, k_w0, k_w1 = jax.random.split(key, 4)
    x = jax.random.normal(k_x, (N_NODES, D_IN), dtype=jnp.float32)
    edge_index = jax.random.randint(k_e, (2, N_EDGES), 0, N_NODES, dtype=jnp.int64)
    # fc0: Linear(2*in_dim -> hid_dim); fc1: Linear(2*hid_dim -> out_dim)
    W0 = jax.random.normal(k_w0, (2 * D_IN, D_HID), dtype=jnp.float32) * (1.0 / np.sqrt(2 * D_IN))
    b0 = jnp.zeros((D_HID,), dtype=jnp.float32)
    W1 = jax.random.normal(k_w1, (2 * D_HID, D_OUT), dtype=jnp.float32) * (1.0 / np.sqrt(2 * D_HID))
    b1 = jnp.zeros((D_OUT,), dtype=jnp.float32)
    return {"x": x, "edge_index": edge_index, "W0": W0, "b0": b0, "W1": W1, "b1": b1}


def _graph_conv_left(x, src, dst, n_nodes):
    # DGL GraphConv(norm='left', weight=False, bias=False):
    # message = x[src] / out_degree(src).clamp(min=1); aggregate = sum at dst.
    ones = jnp.ones((src.shape[0],), dtype=x.dtype)
    out_deg = jax.ops.segment_sum(ones, src, num_segments=n_nodes)
    out_deg = jnp.clip(out_deg, 1.0, None)
    x_norm = x / out_deg[:, None]
    msg = jnp.take(x_norm, src, axis=0)
    return jax.ops.segment_sum(msg, dst, num_segments=n_nodes)


def reference(x, edge_index, W0, b0, W1, b1):
    src = edge_index[0]
    dst = edge_index[1]
    n = x.shape[0]
    # layer 0
    h = _graph_conv_left(x, src, dst, n)
    inter = jnp.concatenate((x, h), axis=1)
    x1 = jax.nn.relu(inter @ W0 + b0)
    # layer 1 (final, no relu)
    h1 = _graph_conv_left(x1, src, dst, n)
    inter1 = jnp.concatenate((x1, h1), axis=1)
    out = inter1 @ W1 + b1
    return out

if __name__ == "__main__":
    import jax
    _d = setup_inputs()
    print(jax.jit(kernel)(*tuple(_d.values())))

</pallas_src>

<mosaic_0001>
#map = affine_map<(d0, d1) -> (0, 0)>
#map1 = affine_map<(d0, d1) -> (0, 0, 0, 0)>
#map2 = affine_map<(d0, d1) -> (0, 0, 0)>
module attributes {stable_mosaic.version = 14 : i64} {
  func.func @_msg_kernel(%arg0: i32, %arg1: i32, %arg2: memref<10000x128xf32, #tpu.memory_space<hbm>>, %arg3: memref<32x2x53x96xi32, #tpu.memory_space<hbm>>, %arg4: memref<32x2x53x96xi32, #tpu.memory_space<hbm>>, %arg5: memref<2x10000x128xf32, #tpu.memory_space<hbm>>, %arg6: memref<53x96xi32, #tpu.memory_space<vmem>>, %arg7: memref<53x96xi32, #tpu.memory_space<vmem>>, %arg8: memref<96x128xf32, #tpu.memory_space<vmem>>, %arg9: memref<96x128xf32, #tpu.memory_space<vmem>>, %arg10: memref<10016x128xf32, #tpu.memory_space<vmem_shared>>, %arg11: memref<!tpu.dma_semaphore, #tpu.memory_space<semaphore_mem>>, %arg12: memref<!tpu.dma_semaphore, #tpu.memory_space<semaphore_mem>>) attributes {dimension_semantics = [#tpu.dimension_semantics<core_parallel>, #tpu.dimension_semantics<subcore_parallel>], iteration_bounds = array<i64: 2, 16>, scalar_prefetch = 0 : i64, scratch_operands = 7 : i64, tpu.core_type = #tpu.core_type<sc_vector_subcore>, window_params = [{transform_indices = #map}, {transform_indices = #map1}, {transform_indices = #map1}, {transform_indices = #map2}]} {
    %mul3A = arith.constant 16 : i32
    %mul3A_0 = arith.muli %arg0, %mul3A : i32
    %add3A = arith.addi %mul3A_0, %arg1 : i32
    %scan3A = arith.constant 0 : i32
    %scan3A_1 = arith.constant 0 : i32
    %scan3A_2 = arith.constant 80 : i32
    %scan3A_3 = arith.addi %scan3A_1, %scan3A_2 : i32
    %scan3A_4 = arith.constant 1 : i32
    scf.for %scan3A_320 = %scan3A_1 to %scan3A_3 step %scan3A_4  : i32 {
      %broadcast_in_dim3A = arith.constant 0.000000e+00 : f32
      %broadcast_in_dim3A_321 = vector.broadcast %broadcast_in_dim3A : f32 to vector<16xf32>
      %swap3A = arith.index_cast %scan3A_320 : i32 to index
      %swap3A_322 = arith.constant 0 : index
      %swap3A_323 = tpu.vector_load %arg8[%swap3A, %swap3A_322] {strides = array<i32>} : memref<96x128xf32, #tpu.memory_space<vmem>>, vector<1x16xf32>,
      %swap3A_324 = vector.shape_cast %swap3A_323 : vector<1x16xf32> to vector<16xf32>
      %swap3A_325 = vector.shape_cast %broadcast_in_dim3A_321 : vector<16xf32> to vector<1x16xf32>
      tpu.vector_store %arg8[%swap3A, %swap3A_322], %swap3A_325 {strides = array<i32>} : memref<96x128xf32, #tpu.memory_space<vmem>>, vector<1x16xf32>,
      %broadcast_in_dim3A_326 = arith.constant 0.000000e+00 : f32
      %broadcast_in_dim3A_327 = vector.broadcast %broadcast_in_dim3A_326 : f32 to vector<16xf32>
      %swap3A_328 = arith.index_cast %scan3A_320 : i32 to index
      %swap3A_329 = arith.constant 16 : index
      %swap3A_330 = tpu.vector_load %arg8[%swap3A_328, %swap3A_329] {strides = array<i32>} : memref<96x128xf32, #tpu.memory_space<vmem>>, vector<1x16xf32>,
      %swap3A_331 = vector.shape_cast %swap3A_330 : vector<1x16xf32> to vector<16xf32>
      %swap3A_332 = vector.shape_cast %broadcast_in_dim3A_327 : vector<16xf32> to vector<1x16xf32>
      tpu.vector_store %arg8[%swap3A_328, %swap3A_329], %swap3A_332 {strides = array<i32>} : memref<96x128xf32, #tpu.memory_space<vmem>>, vector<1x16xf32>,
      %broadcast_in_dim3A_333 = arith.constant 0.000000e+00 : f32
      %broadcast_in_dim3A_334 = vector.broadcast %broadcast_in_dim3A_333 : f32 to vector<16xf32>
      %swap3A_335 = arith.index_cast %scan3A_320 : i32 to index
      %swap3A_336 = arith.constant 32 : index
      %swap3A_337 = tpu.vector_load %arg8[%swap3A_335, %swap3A_336] {strides = array<i32>} : memref<96x128xf32, #tpu.memory_space<vmem>>, vector<1x16xf32>,
      %swap3A_338 = vector.shape_cast %swap3A_337 : vector<1x16xf32> to vector<16xf32>
      %swap3A_339 = vector.shape_cast %broadcast_in_dim3A_334 : vector<16xf32> to vector<1x16xf32>
      tpu.vector_store %arg8[%swap3A_335, %swap3A_336], %swap3A_339 {strides = array<i32>} : memref<96x128xf32, #tpu.memory_space<vmem>>, vector<1x16xf32>,
      %broadcast_in_dim3A_340 = arith.constant 0.000000e+00 : f32
      %broadcast_in_dim3A_341 = vector.broadcast %broadcast_in_dim3A_340 : f32 to vector<16xf32>
      %swap3A_342 = arith.index_cast %scan3A_320 : i32 to index
      %swap3A_343 = arith.constant 48 : index
      %swap3A_344 = tpu.vector_load %arg8[%swap3A_342, %swap3A_343] {strides = array<i32>} : memref<96x128xf32, #tpu.memory_space<vmem>>, vector<1x16xf32>,
      %swap3A_345 = vector.shape_cast %swap3A_344 : vector<1x16xf32> to vector<16xf32>
      %swap3A_346 = vector.shape_cast %broadcast_in_dim3A_341 : vector<16xf32> to vector<1x16xf32>
      tpu.vector_store %arg8[%swap3A_342, %swap3A_343], %swap3A_346 {strides = array<i32>} : memref<96x128xf32, #tpu.memory_space<vmem>>, vector<1x16xf32>,
      %broadcast_in_dim3A_347 = arith.constant 0.000000e+00 : f32
      %broadcast_in_dim3A_348 = vector.broadcast %broadcast_in_dim3A_347 : f32 to vector<16xf32>
      %swap3A_349 = arith.index_cast %scan3A_320 : i32 to index
      %swap3A_350 = arith.constant 64 : index
      %swap3A_351 = tpu.vector_load %arg8[%swap3A_349, %swap3A_350] {strides = array<i32>} : memref<96x128xf32, #tpu.memory_space<vmem>>, vector<1x16xf32>,
      %swap3A_352 = vector.shape_cast %swap3A_351 : vector<1x16xf32> to vector<16xf32>
      %swap3A_353 = vector.shape_cast %broadcast_in_dim3A_348 : vector<16xf32> to vector<1x16xf32>
      tpu.vector_store %arg8[%swap3A_349, %swap3A_350], %swap3A_353 {strides = array<i32>} : memref<96x128xf32, #tpu.memory_space<vmem>>, vector<1x16xf32>,
      %broadcast_in_dim3A_354 = arith.constant 0.000000e+00 : f32
      %broadcast_in_dim3A_355 = vector.broadcast %broadcast_in_dim3A_354 : f32 to vector<16xf32>
      %swap3A_356 = arith.index_cast %scan3A_320 : i32 to index
      %swap3A_357 = arith.constant 80 : index
      %swap3A_358 = tpu.vector_load %arg8[%swap3A_356, %swap3A_357] {strides = array<i32>} : memref<96x128xf32, #tpu.memory_space<vmem>>, vector<1x16xf32>,
      %swap3A_359 = vector.shape_cast %swap3A_358 : vector<1x16xf32> to vector<16xf32>
      %swap3A_360 = vector.shape_cast %broadcast_in_dim3A_355 : vector<16xf32> to vector<1x16xf32>
      tpu.vector_store %arg8[%swap3A_356, %swap3A_357], %swap3A_360 {strides = array<i32>} : memref<96x128xf32, #tpu.memory_space<vmem>>, vector<1x16xf32>,
      %broadcast_in_dim3A_361 = arith.constant 0.000000e+00 : f32
      %broadcast_in_dim3A_362 = vector.broadcast %broadcast_in_dim3A_361 : f32 to vector<16xf32>
      %swap3A_363 = arith.index_cast %scan3A_320 : i32 to index
      %swap3A_364 = arith.constant 96 : index
      %swap3A_365 = tpu.vector_load %arg8[%swap3A_363, %swap3A_364] {strides = array<i32>} : memref<96x128xf32, #tpu.memory_space<vmem>>, vector<1x16xf32>,
      %swap3A_366 = vector.shape_cast %swap3A_365 : vector<1x16xf32> to vector<16xf32>
      %swap3A_367 = vector.shape_cast %broadcast_in_dim3A_362 : vector<16xf32> to vector<1x16xf32>
      tpu.vector_store %arg8[%swap3A_363, %swap3A_364], %swap3A_367 {strides = array<i32>} : memref<96x128xf32, #tpu.memory_space<vmem>>, vector<1x16xf32>,
      %broadcast_in_dim3A_368 = arith.constant 0.000000e+00 : f32
      %broadcast_in_dim3A_369 = vector.broadcast %broadcast_in_dim3A_368 : f32 to vector<16xf32>
      %swap3A_370 = arith.index_cast %scan3A_320 : i32 to index
      %swap3A_371 = arith.constant 112 : index
      %swap3A_372 = tpu.vector_load %arg8[%swap3A_370, %swap3A_371] {strides = array<i32>} : memref<96x128xf32, #tpu.memory_space<vmem>>, vector<1x16xf32>,
      %swap3A_373 = vector.shape_cast %swap3A_372 : vector<1x16xf32> to vector<16xf32>
      %swap3A_374 = vector.shape_cast %broadcast_in_dim3A_369 : vector<16xf32> to vector<1x16xf32>
      tpu.vector_store %arg8[%swap3A_370, %swap3A_371], %swap3A_374 {strides = array<i32>} : memref<96x128xf32, #tpu.memory_space<vmem>>, vector<1x16xf32>,
    }
    %scan3A_5 = arith.constant 80 : i32
    %mul3A_6 = arith.constant 8 : i32
    %mul3A_7 = arith.muli %arg1, %mul3A_6 : i32
    %add3A_8 = arith.constant 0 : i32
    %add3A_9 = arith.addi %mul3A_7, %add3A_8 : i32
    %lt3A = arith.constant 125 : i32
    %lt3A_10 = arith.cmpi slt, %add3A_9, %lt3A : i32
    %convert_element_type3A = arith.extui %lt3A_10 : i1 to i32
    %cond3A = arith.constant 0 : i32
    %cond3A_11 = arith.cmpi ne, %convert_element_type3A, %cond3A : i32
    scf.if %cond3A_11 {
      %mul3A_320 = arith.constant 80 : i32
      %mul3A_321 = arith.muli %add3A_9, %mul3A_320 : i32
      %dma_start3A_322 = arith.constant 0 : i32
      %dma_start3A_323 = arith.constant 0 : i32
      %dma_start3A_324 = tpu.memref_slice %arg8[%dma_start3A_322, %dma_start3A_323] : memref<96x128xf32, #tpu.memory_space<vmem>> -> memref<80x128xf32, #tpu.memory_space<vmem>>
      %dma_start3A_325 = arith.constant 0 : i32
      %dma_start3A_326 = tpu.memref_slice %arg10[%mul3A_321, %dma_start3A_325] : memref<10016x128xf32, #tpu.memory_space<vmem_shared>> -> memref<80x128xf32, #tpu.memory_space<vmem_shared>>
      %dma_start3A_327 = arith.constant 0 : i32
      %dma_start3A_328 = tpu.memref_slice %arg10[%mul3A_321, %dma_start3A_327] : memref<10016x128xf32, #tpu.memory_space<vmem_shared>> -> memref<80x128xf32, #tpu.memory_space<vmem_shared>>
      %dma_start3A_329 = arith.constant 0 : i32
      %dma_start3A_330 = arith.constant 0 : i32
      %dma_start3A_331 = tpu.memref_slice %arg8[%dma_start3A_329, %dma_start3A_330] : memref<96x128xf32, #tpu.memory_space<vmem>> -> memref<80x128xf32, #tpu.memory_space<vmem>>
      tpu.enqueue_dma source(%dma_start3A_331 : memref<80x128xf32, #tpu.memory_space<vmem>>) target(%dma_start3A_328 : memref<80x128xf32, #tpu.memory_space<vmem_shared>>) target_semaphore(%arg11 : memref<!tpu.dma_semaphore, #tpu.memory_space<semaphore_mem>>)
    } else {
    }
    %mul3A_12 = arith.constant 8 : i32
    %mul3A_13 = arith.muli %arg1, %mul3A_12 : i32
    %add3A_14 = arith.constant 1 : i32
    %add3A_15 = arith.addi %mul3A_13, %add3A_14 : i32
    %lt3A_16 = arith.constant 125 : i32
    %lt3A_17 = arith.cmpi slt, %add3A_15, %lt3A_16 : i32
    %convert_element_type3A_18 = arith.extui %lt3A_17 : i1 to i32
    %cond3A_19 = arith.constant 0 : i32
    %cond3A_20 = arith.cmpi ne, %convert_element_type3A_18, %cond3A_19 : i32
    scf.if %cond3A_20 {
      %mul3A_320 = arith.constant 80 : i32
      %mul3A_321 = arith.muli %add3A_15, %mul3A_320 : i32
      %dma_start3A_322 = arith.constant 0 : i32
      %dma_start3A_323 = arith.constant 0 : i32
      %dma_start3A_324 = tpu.memref_slice %arg8[%dma_start3A_322, %dma_start3A_323] : memref<96x128xf32, #tpu.memory_space<vmem>> -> memref<80x128xf32, #tpu.memory_space<vmem>>
      %dma_start3A_325 = arith.constant 0 : i32
      %dma_start3A_326 = tpu.memref_slice %arg10[%mul3A_321, %dma_start3A_325] : memref<10016x128xf32, #tpu.memory_space<vmem_shared>> -> memref<80x128xf32, #tpu.memory_space<vmem_shared>>
      %dma_start3A_327 = arith.constant 0 : i32
      %dma_start3A_328 = tpu.memref_slice %arg10[%mul3A_321, %dma_start3A_327] : memref<10016x128xf32, #tpu.memory_space<vmem_shared>> -> memref<80x128xf32, #tpu.memory_space<vmem_shared>>
      %dma_start3A_329 = arith.constant 0 : i32
      %dma_start3A_330 = arith.constant 0 : i32
      %dma_start3A_331 = tpu.memref_slice %arg8[%dma_start3A_329, %dma_start3A_330] : memref<96x128xf32, #tpu.memory_space<vmem>> -> memref<80x128xf32, #tpu.memory_space<vmem>>
      tpu.enqueue_dma source(%dma_start3A_331 : memref<80x128xf32, #tpu.memory_space<vmem>>) target(%dma_start3A_328 : memref<80x128xf32, #tpu.memory_space<vmem_shared>>) target_semaphore(%arg11 : memref<!tpu.dma_semaphore, #tpu.memory_space<semaphore_mem>>)
    } else {
    }
    %mul3A_21 = arith.constant 8 : i32
    %mul3A_22 = arith.muli %arg1, %mul3A_21 : i32
    %add3A_23 = arith.constant 2 : i32
    %add3A_24 = arith.addi %mul3A_22, %add3A_23 : i32
    %lt3A_25 = arith.constant 125 : i32
    %lt3A_26 = arith.cmpi slt, %add3A_24, %lt3A_25 : i32
    %convert_element_type3A_27 = arith.extui %lt3A_26 : i1 to i32
    %cond3A_28 = arith.constant 0 : i32
    %cond3A_29 = arith.cmpi ne, %convert_element_type3A_27, %cond3A_28 : i32
    scf.if %cond3A_29 {
      %mul3A_320 = arith.constant 80 : i32
      %mul3A_321 = arith.muli %add3A_24, %mul3A_320 : i32
      %dma_start3A_322 = arith.constant 0 : i32
      %dma_start3A_323 = arith.constant 0 : i32
      %dma_start3A_324 = tpu.memref_slice %arg8[%dma_start3A_322, %dma_start3A_323] : memref<96x128xf32, #tpu.memory_space<vmem>> -> memref<80x128xf32, #tpu.memory_space<vmem>>
      %dma_start3A_325 = arith.constant 0 : i32
      %dma_start3A_326 = tpu.memref_slice %arg10[%mul3A_321, %dma_start3A_325] : memref<10016x128xf32, #tpu.memory_space<vmem_shared>> -> memref<80x128xf32, #tpu.memory_space<vmem_shared>>
      %dma_start3A_327 = arith.constant 0 : i32
      %dma_start3A_328 = tpu.memref_slice %arg10[%mul3A_321, %dma_start3A_327] : memref<10016x128xf32, #tpu.memory_space<vmem_shared>> -> memref<80x128xf32, #tpu.memory_space<vmem_shared>>
      %dma_start3A_329 = arith.constant 0 : i32
      %dma_start3A_330 = arith.constant 0 : i32
      %dma_start3A_331 = tpu.memref_slice %arg8[%dma_start3A_329, %dma_start3A_330] : memref<96x128xf32, #tpu.memory_space<vmem>> -> memref<80x128xf32, #tpu.memory_space<vmem>>
      tpu.enqueue_dma source(%dma_start3A_331 : memref<80x128xf32, #tpu.memory_space<vmem>>) target(%dma_start3A_328 : memref<80x128xf32, #tpu.memory_space<vmem_shared>>) target_semaphore(%arg11 : memref<!tpu.dma_semaphore, #tpu.memory_space<semaphore_mem>>)
    } else {
    }
    %mul3A_30 = arith.constant 8 : i32
    %mul3A_31 = arith.muli %arg1, %mul3A_30 : i32
    %add3A_32 = arith.constant 3 : i32
    %add3A_33 = arith.addi %mul3A_31, %add3A_32 : i32
    %lt3A_34 = arith.constant 125 : i32
    %lt3A_35 = arith.cmpi slt, %add3A_33, %lt3A_34 : i32
    %convert_element_type3A_36 = arith.extui %lt3A_35 : i1 to i32
    %cond3A_37 = arith.constant 0 : i32
    %cond3A_38 = arith.cmpi ne, %convert_element_type3A_36, %cond3A_37 : i32
    scf.if %cond3A_38 {
      %mul3A_320 = arith.constant 80 : i32
      %mul3A_321 = arith.muli %add3A_33, %mul3A_320 : i32
      %dma_start3A_322 = arith.constant 0 : i32
      %dma_start3A_323 = arith.constant 0 : i32
      %dma_start3A_324 = tpu.memref_slice %arg8[%dma_start3A_322, %dma_start3A_323] : memref<96x128xf32, #tpu.memory_space<vmem>> -> memref<80x128xf32, #tpu.memory_space<vmem>>
      %dma_start3A_325 = arith.constant 0 : i32
      %dma_start3A_326 = tpu.memref_slice %arg10[%mul3A_321, %dma_start3A_325] : memref<10016x128xf32, #tpu.memory_space<vmem_shared>> -> memref<80x128xf32, #tpu.memory_space<vmem_shared>>
      %dma_start3A_327 = arith.constant 0 : i32
      %dma_start3A_328 = tpu.memref_slice %arg10[%mul3A_321, %dma_start3A_327] : memref<10016x128xf32, #tpu.memory_space<vmem_shared>> -> memref<80x128xf32, #tpu.memory_space<vmem_shared>>
      %dma_start3A_329 = arith.constant 0 : i32
      %dma_start3A_330 = arith.constant 0 : i32
      %dma_start3A_331 = tpu.memref_slice %arg8[%dma_start3A_329, %dma_start3A_330] : memref<96x128xf32, #tpu.memory_space<vmem>> -> memref<80x128xf32, #tpu.memory_space<vmem>>
      tpu.enqueue_dma source(%dma_start3A_331 : memref<80x128xf32, #tpu.memory_space<vmem>>) target(%dma_start3A_328 : memref<80x128xf32, #tpu.memory_space<vmem_shared>>) target_semaphore(%arg11 : memref<!tpu.dma_semaphore, #tpu.memory_space<semaphore_mem>>)
    } else {
    }
    %mul3A_39 = arith.constant 8 : i32
    %mul3A_40 = arith.muli %arg1, %mul3A_39 : i32
    %add3A_41 = arith.constant 4 : i32
    %add3A_42 = arith.addi %mul3A_40, %add3A_41 : i32
    %lt3A_43 = arith.constant 125 : i32
    %lt3A_44 = arith.cmpi slt, %add3A_42, %lt3A_43 : i32
    %convert_element_type3A_45 = arith.extui %lt3A_44 : i1 to i32
    %cond3A_46 = arith.constant 0 : i32
    %cond3A_47 = arith.cmpi ne, %convert_element_type3A_45, %cond3A_46 : i32
    scf.if %cond3A_47 {
      %mul3A_320 = arith.constant 80 : i32
      %mul3A_321 = arith.muli %add3A_42, %mul3A_320 : i32
      %dma_start3A_322 = arith.constant 0 : i32
      %dma_start3A_323 = arith.constant 0 : i32
      %dma_start3A_324 = tpu.memref_slice %arg8[%dma_start3A_322, %dma_start3A_323] : memref<96x128xf32, #tpu.memory_space<vmem>> -> memref<80x128xf32, #tpu.memory_space<vmem>>
      %dma_start3A_325 = arith.constant 0 : i32
      %dma_start3A_326 = tpu.memref_slice %arg10[%mul3A_321, %dma_start3A_325] : memref<10016x128xf32, #tpu.memory_space<vmem_shared>> -> memref<80x128xf32, #tpu.memory_space<vmem_shared>>
      %dma_start3A_327 = arith.constant 0 : i32
      %dma_start3A_328 = tpu.memref_slice %arg10[%mul3A_321, %dma_start3A_327] : memref<10016x128xf32, #tpu.memory_space<vmem_shared>> -> memref<80x128xf32, #tpu.memory_space<vmem_shared>>
      %dma_start3A_329 = arith.constant 0 : i32
      %dma_start3A_330 = arith.constant 0 : i32
      %dma_start3A_331 = tpu.memref_slice %arg8[%dma_start3A_329, %dma_start3A_330] : memref<96x128xf32, #tpu.memory_space<vmem>> -> memref<80x128xf32, #tpu.memory_space<vmem>>
      tpu.enqueue_dma source(%dma_start3A_331 : memref<80x128xf32, #tpu.memory_space<vmem>>) target(%dma_start3A_328 : memref<80x128xf32, #tpu.memory_space<vmem_shared>>) target_semaphore(%arg11 : memref<!tpu.dma_semaphore, #tpu.memory_space<semaphore_mem>>)
    } else {
    }
    %mul3A_48 = arith.constant 8 : i32
    %mul3A_49 = arith.muli %arg1, %mul3A_48 : i32
    %add3A_50 = arith.constant 5 : i32
    %add3A_51 = arith.addi %mul3A_49, %add3A_50 : i32
    %lt3A_52 = arith.constant 125 : i32
    %lt3A_53 = arith.cmpi slt, %add3A_51, %lt3A_52 : i32
    %convert_element_type3A_54 = arith.extui %lt3A_53 : i1 to i32
    %cond3A_55 = arith.constant 0 : i32
    %cond3A_56 = arith.cmpi ne, %convert_element_type3A_54, %cond3A_55 : i32
    scf.if %cond3A_56 {
      %mul3A_320 = arith.constant 80 : i32
      %mul3A_321 = arith.muli %add3A_51, %mul3A_320 : i32
      %dma_start3A_322 = arith.constant 0 : i32
      %dma_start3A_323 = arith.constant 0 : i32
      %dma_start3A_324 = tpu.memref_slice %arg8[%dma_start3A_322, %dma_start3A_323] : memref<96x128xf32, #tpu.memory_space<vmem>> -> memref<80x128xf32, #tpu.memory_space<vmem>>
      %dma_start3A_325 = arith.constant 0 : i32
      %dma_start3A_326 = tpu.memref_slice %arg10[%mul3A_321, %dma_start3A_325] : memref<10016x128xf32, #tpu.memory_space<vmem_shared>> -> memref<80x128xf32, #tpu.memory_space<vmem_shared>>
      %dma_start3A_327 = arith.constant 0 : i32
      %dma_start3A_328 = tpu.memref_slice %arg10[%mul3A_321, %dma_start3A_327] : memref<10016x128xf32, #tpu.memory_space<vmem_shared>> -> memref<80x128xf32, #tpu.memory_space<vmem_shared>>
      %dma_start3A_329 = arith.constant 0 : i32
      %dma_start3A_330 = arith.constant 0 : i32
      %dma_start3A_331 = tpu.memref_slice %arg8[%dma_start3A_329, %dma_start3A_330] : memref<96x128xf32, #tpu.memory_space<vmem>> -> memref<80x128xf32, #tpu.memory_space<vmem>>
      tpu.enqueue_dma source(%dma_start3A_331 : memref<80x128xf32, #tpu.memory_space<vmem>>) target(%dma_start3A_328 : memref<80x128xf32, #tpu.memory_space<vmem_shared>>) target_semaphore(%arg11 : memref<!tpu.dma_semaphore, #tpu.memory_space<semaphore_mem>>)
    } else {
    }
    %mul3A_57 = arith.constant 8 : i32
    %mul3A_58 = arith.muli %arg1, %mul3A_57 : i32
    %add3A_59 = arith.constant 6 : i32
    %add3A_60 = arith.addi %mul3A_58, %add3A_59 : i32
    %lt3A_61 = arith.constant 125 : i32
    %lt3A_62 = arith.cmpi slt, %add3A_60, %lt3A_61 : i32
    %convert_element_type3A_63 = arith.extui %lt3A_62 : i1 to i32
    %cond3A_64 = arith.constant 0 : i32
    %cond3A_65 = arith.cmpi ne, %convert_element_type3A_63, %cond3A_64 : i32
    scf.if %cond3A_65 {
      %mul3A_320 = arith.constant 80 : i32
      %mul3A_321 = arith.muli %add3A_60, %mul3A_320 : i32
      %dma_start3A_322 = arith.constant 0 : i32
      %dma_start3A_323 = arith.constant 0 : i32
      %dma_start3A_324 = tpu.memref_slice %arg8[%dma_start3A_322, %dma_start3A_323] : memref<96x128xf32, #tpu.memory_space<vmem>> -> memref<80x128xf32, #tpu.memory_space<vmem>>
      %dma_start3A_325 = arith.constant 0 : i32
      %dma_start3A_326 = tpu.memref_slice %arg10[%mul3A_321, %dma_start3A_325] : memref<10016x128xf32, #tpu.memory_space<vmem_shared>> -> memref<80x128xf32, #tpu.memory_space<vmem_shared>>
      %dma_start3A_327 = arith.constant 0 : i32
      %dma_start3A_328 = tpu.memref_slice %arg10[%mul3A_321, %dma_start3A_327] : memref<10016x128xf32, #tpu.memory_space<vmem_shared>> -> memref<80x128xf32, #tpu.memory_space<vmem_shared>>
      %dma_start3A_329 = arith.constant 0 : i32
      %dma_start3A_330 = arith.constant 0 : i32
      %dma_start3A_331 = tpu.memref_slice %arg8[%dma_start3A_329, %dma_start3A_330] : memref<96x128xf32, #tpu.memory_space<vmem>> -> memref<80x128xf32, #tpu.memory_space<vmem>>
      tpu.enqueue_dma source(%dma_start3A_331 : memref<80x128xf32, #tpu.memory_space<vmem>>) target(%dma_start3A_328 : memref<80x128xf32, #tpu.memory_space<vmem_shared>>) target_semaphore(%arg11 : memref<!tpu.dma_semaphore, #tpu.memory_space<semaphore_mem>>)
    } else {
    }
    %mul3A_66 = arith.constant 8 : i32
    %mul3A_67 = arith.muli %arg1, %mul3A_66 : i32
    %add3A_68 = arith.constant 7 : i32
    %add3A_69 = arith.addi %mul3A_67, %add3A_68 : i32
    %lt3A_70 = arith.constant 125 : i32
    %lt3A_71 = arith.cmpi slt, %add3A_69, %lt3A_70 : i32
    %convert_element_type3A_72 = arith.extui %lt3A_71 : i1 to i32
    %cond3A_73 = arith.constant 0 : i32
    %cond3A_74 = arith.cmpi ne, %convert_element_type3A_72, %cond3A_73 : i32
    scf.if %cond3A_74 {
      %mul3A_320 = arith.constant 80 : i32
      %mul3A_321 = arith.muli %add3A_69, %mul3A_320 : i32
      %dma_start3A_322 = arith.constant 0 : i32
      %dma_start3A_323 = arith.constant 0 : i32
      %dma_start3A_324 = tpu.memref_slice %arg8[%dma_start3A_322, %dma_start3A_323] : memref<96x128xf32, #tpu.memory_space<vmem>> -> memref<80x128xf32, #tpu.memory_space<vmem>>
      %dma_start3A_325 = arith.constant 0 : i32
      %dma_start3A_326 = tpu.memref_slice %arg10[%mul3A_321, %dma_start3A_325] : memref<10016x128xf32, #tpu.memory_space<vmem_shared>> -> memref<80x128xf32, #tpu.memory_space<vmem_shared>>
      %dma_start3A_327 = arith.constant 0 : i32
      %dma_start3A_328 = tpu.memref_slice %arg10[%mul3A_321, %dma_start3A_327] : memref<10016x128xf32, #tpu.memory_space<vmem_shared>> -> memref<80x128xf32, #tpu.memory_space<vmem_shared>>
      %dma_start3A_329 = arith.constant 0 : i32
      %dma_start3A_330 = arith.constant 0 : i32
      %dma_start3A_331 = tpu.memref_slice %arg8[%dma_start3A_329, %dma_start3A_330] : memref<96x128xf32, #tpu.memory_space<vmem>> -> memref<80x128xf32, #tpu.memory_space<vmem>>
      tpu.enqueue_dma source(%dma_start3A_331 : memref<80x128xf32, #tpu.memory_space<vmem>>) target(%dma_start3A_328 : memref<80x128xf32, #tpu.memory_space<vmem_shared>>) target_semaphore(%arg11 : memref<!tpu.dma_semaphore, #tpu.memory_space<semaphore_mem>>)
    } else {
    }
    %run_scoped3A = arith.constant 0 : i32
    "tpu.region"() ({
      %run_scoped3A_320 = tpu.sem_alloc : memref<!tpu.dma_semaphore, #tpu.memory_space<semaphore_mem>>
      %dma_start3A_321 = arith.constant 0 : i32
      %dma_start3A_322 = arith.constant 0 : i32
      %dma_start3A_323 = tpu.memref_slice %arg3[%add3A, %run_scoped3A, %dma_start3A_321, %dma_start3A_322] : memref<32x2x53x96xi32, #tpu.memory_space<hbm>> -> memref<1x1x53x96xi32, #tpu.memory_space<hbm>>
      %dma_start3A_324 = tpu.memref_squeeze %dma_start3A_323 : memref<1x1x53x96xi32, #tpu.memory_space<hbm>> -> memref<53x96xi32, #tpu.memory_space<hbm>>
      %dma_start3A_325 = arith.constant 0 : i32
      %dma_start3A_326 = arith.constant 0 : i32
      %dma_start3A_327 = tpu.memref_slice %arg3[%add3A, %run_scoped3A, %dma_start3A_325, %dma_start3A_326] : memref<32x2x53x96xi32, #tpu.memory_space<hbm>> -> memref<1x1x53x96xi32, #tpu.memory_space<hbm>>
      %dma_start3A_328 = tpu.memref_squeeze %dma_start3A_327 : memref<1x1x53x96xi32, #tpu.memory_space<hbm>> -> memref<53x96xi32, #tpu.memory_space<hbm>>
      tpu.enqueue_dma source(%dma_start3A_328 : memref<53x96xi32, #tpu.memory_space<hbm>>) target(%arg6 : memref<53x96xi32, #tpu.memory_space<vmem>>) target_semaphore(%run_scoped3A_320 : memref<!tpu.dma_semaphore, #tpu.memory_space<semaphore_mem>>)
      %dma_wait3A = arith.constant 0 : i32
      %dma_wait3A_329 = arith.constant 0 : i32
      %dma_wait3A_330 = tpu.memref_slice %arg3[%add3A, %run_scoped3A, %dma_wait3A, %dma_wait3A_329] : memref<32x2x53x96xi32, #tpu.memory_space<hbm>> -> memref<1x1x53x96xi32, #tpu.memory_space<hbm>>
      %dma_wait3A_331 = tpu.memref_squeeze %dma_wait3A_330 : memref<1x1x53x96xi32, #tpu.memory_space<hbm>> -> memref<53x96xi32, #tpu.memory_space<hbm>>
      %dma_wait3A_332 = arith.constant 0 : i32
      %dma_wait3A_333 = arith.constant 0 : i32
      %dma_wait3A_334 = tpu.memref_slice %arg3[%add3A, %run_scoped3A, %dma_wait3A_332, %dma_wait3A_333] : memref<32x2x53x96xi32, #tpu.memory_space<hbm>> -> memref<1x1x53x96xi32, #tpu.memory_space<hbm>>
      %dma_wait3A_335 = tpu.memref_squeeze %dma_wait3A_334 : memref<1x1x53x96xi32, #tpu.memory_space<hbm>> -> memref<53x96xi32, #tpu.memory_space<hbm>>
      tpu.wait_dma2 semaphore(%run_scoped3A_320 : memref<!tpu.dma_semaphore, #tpu.memory_space<semaphore_mem>>) src(%dma_wait3A_335 : memref<53x96xi32, #tpu.memory_space<hbm>>) dst(%arg6 : memref<53x96xi32, #tpu.memory_space<vmem>>)
      tpu.yield
    }) : () -> ()
    %run_scoped3A_75 = arith.constant 0 : i32
    "tpu.region"() ({
      %run_scoped3A_320 = tpu.sem_alloc : memref<!tpu.dma_semaphore, #tpu.memory_space<semaphore_mem>>
      %dma_start3A_321 = arith.constant 0 : i32
      %dma_start3A_322 = arith.constant 0 : i32
      %dma_start3A_323 = tpu.memref_slice %arg4[%add3A, %run_scoped3A_75, %dma_start3A_321, %dma_start3A_322] : memref<32x2x53x96xi32, #tpu.memory_space<hbm>> -> memref<1x1x53x96xi32, #tpu.memory_space<hbm>>
      %dma_start3A_324 = tpu.memref_squeeze %dma_start3A_323 : memref<1x1x53x96xi32, #tpu.memory_space<hbm>> -> memref<53x96xi32, #tpu.memory_space<hbm>>
      %dma_start3A_325 = arith.constant 0 : i32
      %dma_start3A_326 = arith.constant 0 : i32
      %dma_start3A_327 = tpu.memref_slice %arg4[%add3A, %run_scoped3A_75, %dma_start3A_325, %dma_start3A_326] : memref<32x2x53x96xi32, #tpu.memory_space<hbm>> -> memref<1x1x53x96xi32, #tpu.memory_space<hbm>>
      %dma_start3A_328 = tpu.memref_squeeze %dma_start3A_327 : memref<1x1x53x96xi32, #tpu.memory_space<hbm>> -> memref<53x96xi32, #tpu.memory_space<hbm>>
      tpu.enqueue_dma source(%dma_start3A_328 : memref<53x96xi32, #tpu.memory_space<hbm>>) target(%arg7 : memref<53x96xi32, #tpu.memory_space<vmem>>) target_semaphore(%run_scoped3A_320 : memref<!tpu.dma_semaphore, #tpu.memory_space<semaphore_mem>>)
      %dma_wait3A = arith.constant 0 : i32
      %dma_wait3A_329 = arith.constant 0 : i32
      %dma_wait3A_330 = tpu.memref_slice %arg4[%add3A, %run_scoped3A_75, %dma_wait3A, %dma_wait3A_329] : memref<32x2x53x96xi32, #tpu.memory_space<hbm>> -> memref<1x1x53x96xi32, #tpu.memory_space<hbm>>
      %dma_wait3A_331 = tpu.memref_squeeze %dma_wait3A_330 : memref<1x1x53x96xi32, #tpu.memory_space<hbm>> -> memref<53x96xi32, #tpu.memory_space<hbm>>
      %dma_wait3A_332 = arith.constant 0 : i32
      %dma_wait3A_333 = arith.constant 0 : i32
      %dma_wait3A_334 = tpu.memref_slice %arg4[%add3A, %run_scoped3A_75, %dma_wait3A_332, %dma_wait3A_333] : memref<32x2x53x96xi32, #tpu.memory_space<hbm>> -> memref<1x1x53x96xi32, #tpu.memory_space<hbm>>
      %dma_wait3A_335 = tpu.memref_squeeze %dma_wait3A_334 : memref<1x1x53x96xi32, #tpu.memory_space<hbm>> -> memref<53x96xi32, #tpu.memory_space<hbm>>
      tpu.wait_dma2 semaphore(%run_scoped3A_320 : memref<!tpu.dma_semaphore, #tpu.memory_space<semaphore_mem>>) src(%dma_wait3A_335 : memref<53x96xi32, #tpu.memory_space<hbm>>) dst(%arg7 : memref<53x96xi32, #tpu.memory_space<vmem>>)
      tpu.yield
    }) : () -> ()
    %mul3A_76 = arith.constant 8 : i32
    %mul3A_77 = arith.muli %arg1, %mul3A_76 : i32
    %add3A_78 = arith.constant 0 : i32
    %add3A_79 = arith.addi %mul3A_77, %add3A_78 : i32
    %lt3A_80 = arith.constant 125 : i32
    %lt3A_81 = arith.cmpi slt, %add3A_79, %lt3A_80 : i32
    %convert_element_type3A_82 = arith.extui %lt3A_81 : i1 to i32
    %cond3A_83 = arith.constant 0 : i32
    %cond3A_84 = arith.cmpi ne, %convert_element_type3A_82, %cond3A_83 : i32
    scf.if %cond3A_84 {
      %mul3A_320 = arith.constant 80 : i32
      %mul3A_321 = arith.muli %add3A_79, %mul3A_320 : i32
      %dma_wait3A = arith.constant 0 : i32
      %dma_wait3A_322 = arith.constant 0 : i32
      %dma_wait3A_323 = tpu.memref_slice %arg8[%dma_wait3A, %dma_wait3A_322] : memref<96x128xf32, #tpu.memory_space<vmem>> -> memref<80x128xf32, #tpu.memory_space<vmem>>
      %dma_wait3A_324 = arith.constant 0 : i32
      %dma_wait3A_325 = tpu.memref_slice %arg10[%mul3A_321, %dma_wait3A_324] : memref<10016x128xf32, #tpu.memory_space<vmem_shared>> -> memref<80x128xf32, #tpu.memory_space<vmem_shared>>
      %dma_wait3A_326 = arith.constant 0 : i32
      %dma_wait3A_327 = tpu.memref_slice %arg10[%mul3A_321, %dma_wait3A_326] : memref<10016x128xf32, #tpu.memory_space<vmem_shared>> -> memref<80x128xf32, #tpu.memory_space<vmem_shared>>
      %dma_wait3A_328 = arith.constant 0 : i32
      %dma_wait3A_329 = arith.constant 0 : i32
      %dma_wait3A_330 = tpu.memref_slice %arg8[%dma_wait3A_328, %dma_wait3A_329] : memref<96x128xf32, #tpu.memory_space<vmem>> -> memref<80x128xf32, #tpu.memory_space<vmem>>
      tpu.wait_dma2 semaphore(%arg11 : memref<!tpu.dma_semaphore, #tpu.memory_space<semaphore_mem>>) src(%dma_wait3A_330 : memref<80x128xf32, #tpu.memory_space<vmem>>) dst(%dma_wait3A_327 : memref<80x128xf32, #tpu.memory_space<vmem_shared>>)
    } else {
    }
    %mul3A_85 = arith.constant 8 : i32
    %mul3A_86 = arith.muli %arg1, %mul3A_85 : i32
    %add3A_87 = arith.constant 1 : i32
    %add3A_88 = arith.addi %mul3A_86, %add3A_87 : i32
    %lt3A_89 = arith.constant 125 : i32
    %lt3A_90 = arith.cmpi slt, %add3A_88, %lt3A_89 : i32
    %convert_element_type3A_91 = arith.extui %lt3A_90 : i1 to i32
    %cond3A_92 = arith.constant 0 : i32
    %cond3A_93 = arith.cmpi ne, %convert_element_type3A_91, %cond3A_92 : i32
    scf.if %cond3A_93 {
      %mul3A_320 = arith.constant 80 : i32
      %mul3A_321 = arith.muli %add3A_88, %mul3A_320 : i32
      %dma_wait3A = arith.constant 0 : i32
      %dma_wait3A_322 = arith.constant 0 : i32
      %dma_wait3A_323 = tpu.memref_slice %arg8[%dma_wait3A, %dma_wait3A_322] : memref<96x128xf32, #tpu.memory_space<vmem>> -> memref<80x128xf32, #tpu.memory_space<vmem>>
      %dma_wait3A_324 = arith.constant 0 : i32
      %dma_wait3A_325 = tpu.memref_slice %arg10[%mul3A_321, %dma_wait3A_324] : memref<10016x128xf32, #tpu.memory_space<vmem_shared>> -> memref<80x128xf32, #tpu.memory_space<vmem_shared>>
      %dma_wait3A_326 = arith.constant 0 : i32
      %dma_wait3A_327 = tpu.memref_slice %arg10[%mul3A_321, %dma_wait3A_326] : memref<10016x128xf32, #tpu.memory_space<vmem_shared>> -> memref<80x128xf32, #tpu.memory_space<vmem_shared>>
      %dma_wait3A_328 = arith.constant 0 : i32
      %dma_wait3A_329 = arith.constant 0 : i32
      %dma_wait3A_330 = tpu.memref_slice %arg8[%dma_wait3A_328, %dma_wait3A_329] : memref<96x128xf32, #tpu.memory_space<vmem>> -> memref<80x128xf32, #tpu.memory_space<vmem>>
      tpu.wait_dma2 semaphore(%arg11 : memref<!tpu.dma_semaphore, #tpu.memory_space<semaphore_mem>>) src(%dma_wait3A_330 : memref<80x128xf32, #tpu.memory_space<vmem>>) dst(%dma_wait3A_327 : memref<80x128xf32, #tpu.memory_space<vmem_shared>>)
    } else {
    }
    %mul3A_94 = arith.constant 8 : i32
    %mul3A_95 = arith.muli %arg1, %mul3A_94 : i32
    %add3A_96 = arith.constant 2 : i32
    %add3A_97 = arith.addi %mul3A_95, %add3A_96 : i32
    %lt3A_98 = arith.constant 125 : i32
    %lt3A_99 = arith.cmpi slt, %add3A_97, %lt3A_98 : i32
    %convert_element_type3A_100 = arith.extui %lt3A_99 : i1 to i32
    %cond3A_101 = arith.constant 0 : i32
    %cond3A_102 = arith.cmpi ne, %convert_element_type3A_100, %cond3A_101 : i32
    scf.if %cond3A_102 {
      %mul3A_320 = arith.constant 80 : i32
      %mul3A_321 = arith.muli %add3A_97, %mul3A_320 : i32
      %dma_wait3A = arith.constant 0 : i32
      %dma_wait3A_322 = arith.constant 0 : i32
      %dma_wait3A_323 = tpu.memref_slice %arg8[%dma_wait3A, %dma_wait3A_322] : memref<96x128xf32, #tpu.memory_space<vmem>> -> memref<80x128xf32, #tpu.memory_space<vmem>>
      %dma_wait3A_324 = arith.constant 0 : i32
      %dma_wait3A_325 = tpu.memref_slice %arg10[%mul3A_321, %dma_wait3A_324] : memref<10016x128xf32, #tpu.memory_space<vmem_shared>> -> memref<80x128xf32, #tpu.memory_space<vmem_shared>>
      %dma_wait3A_326 = arith.constant 0 : i32
      %dma_wait3A_327 = tpu.memref_slice %arg10[%mul3A_321, %dma_wait3A_326] : memref<10016x128xf32, #tpu.memory_space<vmem_shared>> -> memref<80x128xf32, #tpu.memory_space<vmem_shared>>
      %dma_wait3A_328 = arith.constant 0 : i32
      %dma_wait3A_329 = arith.constant 0 : i32
      %dma_wait3A_330 = tpu.memref_slice %arg8[%dma_wait3A_328, %dma_wait3A_329] : memref<96x128xf32, #tpu.memory_space<vmem>> -> memref<80x128xf32, #tpu.memory_space<vmem>>
      tpu.wait_dma2 semaphore(%arg11 : memref<!tpu.dma_semaphore, #tpu.memory_space<semaphore_mem>>) src(%dma_wait3A_330 : memref<80x128xf32, #tpu.memory_space<vmem>>) dst(%dma_wait3A_327 : memref<80x128xf32, #tpu.memory_space<vmem_shared>>)
    } else {
    }
    %mul3A_103 = arith.constant 8 : i32
    %mul3A_104 = arith.muli %arg1, %mul3A_103 : i32
    %add3A_105 = arith.constant 3 : i32
    %add3A_106 = arith.addi %mul3A_104, %add3A_105 : i32
    %lt3A_107 = arith.constant 125 : i32
    %lt3A_108 = arith.cmpi slt, %add3A_106, %lt3A_107 : i32
    %convert_element_type3A_109 = arith.extui %lt3A_108 : i1 to i32
    %cond3A_110 = arith.constant 0 : i32
    %cond3A_111 = arith.cmpi ne, %convert_element_type3A_109, %cond3A_110 : i32
    scf.if %cond3A_111 {
      %mul3A_320 = arith.constant 80 : i32
      %mul3A_321 = arith.muli %add3A_106, %mul3A_320 : i32
      %dma_wait3A = arith.constant 0 : i32
      %dma_wait3A_322 = arith.constant 0 : i32
      %dma_wait3A_323 = tpu.memref_slice %arg8[%dma_wait3A, %dma_wait3A_322] : memref<96x128xf32, #tpu.memory_space<vmem>> -> memref<80x128xf32, #tpu.memory_space<vmem>>
      %dma_wait3A_324 = arith.constant 0 : i32
      %dma_wait3A_325 = tpu.memref_slice %arg10[%mul3A_321, %dma_wait3A_324] : memref<10016x128xf32, #tpu.memory_space<vmem_shared>> -> memref<80x128xf32, #tpu.memory_space<vmem_shared>>
      %dma_wait3A_326 = arith.constant 0 : i32
      %dma_wait3A_327 = tpu.memref_slice %arg10[%mul3A_321, %dma_wait3A_326] : memref<10016x128xf32, #tpu.memory_space<vmem_shared>> -> memref<80x128xf32, #tpu.memory_space<vmem_shared>>
      %dma_wait3A_328 = arith.constant 0 : i32
      %dma_wait3A_329 = arith.constant 0 : i32
      %dma_wait3A_330 = tpu.memref_slice %arg8[%dma_wait3A_328, %dma_wait3A_329] : memref<96x128xf32, #tpu.memory_space<vmem>> -> memref<80x128xf32, #tpu.memory_space<vmem>>
      tpu.wait_dma2 semaphore(%arg11 : memref<!tpu.dma_semaphore, #tpu.memory_space<semaphore_mem>>) src(%dma_wait3A_330 : memref<80x128xf32, #tpu.memory_space<vmem>>) dst(%dma_wait3A_327 : memref<80x128xf32, #tpu.memory_space<vmem_shared>>)
    } else {
    }
    %mul3A_112 = arith.constant 8 : i32
    %mul3A_113 = arith.muli %arg1, %mul3A_112 : i32
    %add3A_114 = arith.constant 4 : i32
    %add3A_115 = arith.addi %mul3A_113, %add3A_114 : i32
    %lt3A_116 = arith.constant 125 : i32
    %lt3A_117 = arith.cmpi slt, %add3A_115, %lt3A_116 : i32
    %convert_element_type3A_118 = arith.extui %lt3A_117 : i1 to i32
    %cond3A_119 = arith.constant 0 : i32
    %cond3A_120 = arith.cmpi ne, %convert_element_type3A_118, %cond3A_119 : i32
    scf.if %cond3A_120 {
      %mul3A_320 = arith.constant 80 : i32
      %mul3A_321 = arith.muli %add3A_115, %mul3A_320 : i32
      %dma_wait3A = arith.constant 0 : i32
      %dma_wait3A_322 = arith.constant 0 : i32
      %dma_wait3A_323 = tpu.memref_slice %arg8[%dma_wait3A, %dma_wait3A_322] : memref<96x128xf32, #tpu.memory_space<vmem>> -> memref<80x128xf32, #tpu.memory_space<vmem>>
      %dma_wait3A_324 = arith.constant 0 : i32
      %dma_wait3A_325 = tpu.memref_slice %arg10[%mul3A_321, %dma_wait3A_324] : memref<10016x128xf32, #tpu.memory_space<vmem_shared>> -> memref<80x128xf32, #tpu.memory_space<vmem_shared>>
      %dma_wait3A_326 = arith.constant 0 : i32
      %dma_wait3A_327 = tpu.memref_slice %arg10[%mul3A_321, %dma_wait3A_326] : memref<10016x128xf32, #tpu.memory_space<vmem_shared>> -> memref<80x128xf32, #tpu.memory_space<vmem_shared>>
      %dma_wait3A_328 = arith.constant 0 : i32
      %dma_wait3A_329 = arith.constant 0 : i32
      %dma_wait3A_330 = tpu.memref_slice %arg8[%dma_wait3A_328, %dma_wait3A_329] : memref<96x128xf32, #tpu.memory_space<vmem>> -> memref<80x128xf32, #tpu.memory_space<vmem>>
      tpu.wait_dma2 semaphore(%arg11 : memref<!tpu.dma_semaphore, #tpu.memory_space<semaphore_mem>>) src(%dma_wait3A_330 : memref<80x128xf32, #tpu.memory_space<vmem>>) dst(%dma_wait3A_327 : memref<80x128xf32, #tpu.memory_space<vmem_shared>>)
    } else {
    }
    %mul3A_121 = arith.constant 8 : i32
    %mul3A_122 = arith.muli %arg1, %mul3A_121 : i32
    %add3A_123 = arith.constant 5 : i32
    %add3A_124 = arith.addi %mul3A_122, %add3A_123 : i32
    %lt3A_125 = arith.constant 125 : i32
    %lt3A_126 = arith.cmpi slt, %add3A_124, %lt3A_125 : i32
    %convert_element_type3A_127 = arith.extui %lt3A_126 : i1 to i32
    %cond3A_128 = arith.constant 0 : i32
    %cond3A_129 = arith.cmpi ne, %convert_element_type3A_127, %cond3A_128 : i32
    scf.if %cond3A_129 {
      %mul3A_320 = arith.constant 80 : i32
      %mul3A_321 = arith.muli %add3A_124, %mul3A_320 : i32
      %dma_wait3A = arith.constant 0 : i32
      %dma_wait3A_322 = arith.constant 0 : i32
      %dma_wait3A_323 = tpu.memref_slice %arg8[%dma_wait3A, %dma_wait3A_322] : memref<96x128xf32, #tpu.memory_space<vmem>> -> memref<80x128xf32, #tpu.memory_space<vmem>>
      %dma_wait3A_324 = arith.constant 0 : i32
      %dma_wait3A_325 = tpu.memref_slice %arg10[%mul3A_321, %dma_wait3A_324] : memref<10016x128xf32, #tpu.memory_space<vmem_shared>> -> memref<80x128xf32, #tpu.memory_space<vmem_shared>>
      %dma_wait3A_326 = arith.constant 0 : i32
      %dma_wait3A_327 = tpu.memref_slice %arg10[%mul3A_321, %dma_wait3A_326] : memref<10016x128xf32, #tpu.memory_space<vmem_shared>> -> memref<80x128xf32, #tpu.memory_space<vmem_shared>>
      %dma_wait3A_328 = arith.constant 0 : i32
      %dma_wait3A_329 = arith.constant 0 : i32
      %dma_wait3A_330 = tpu.memref_slice %arg8[%dma_wait3A_328, %dma_wait3A_329] : memref<96x128xf32, #tpu.memory_space<vmem>> -> memref<80x128xf32, #tpu.memory_space<vmem>>
      tpu.wait_dma2 semaphore(%arg11 : memref<!tpu.dma_semaphore, #tpu.memory_space<semaphore_mem>>) src(%dma_wait3A_330 : memref<80x128xf32, #tpu.memory_space<vmem>>) dst(%dma_wait3A_327 : memref<80x128xf32, #tpu.memory_space<vmem_shared>>)
    } else {
    }
    %mul3A_130 = arith.constant 8 : i32
    %mul3A_131 = arith.muli %arg1, %mul3A_130 : i32
    %add3A_132 = arith.constant 6 : i32
    %add3A_133 = arith.addi %mul3A_131, %add3A_132 : i32
    %lt3A_134 = arith.constant 125 : i32
    %lt3A_135 = arith.cmpi slt, %add3A_133, %lt3A_134 : i32
    %convert_element_type3A_136 = arith.extui %lt3A_135 : i1 to i32
    %cond3A_137 = arith.constant 0 : i32
    %cond3A_138 = arith.cmpi ne, %convert_element_type3A_136, %cond3A_137 : i32
    scf.if %cond3A_138 {
      %mul3A_320 = arith.constant 80 : i32
      %mul3A_321 = arith.muli %add3A_133, %mul3A_320 : i32
      %dma_wait3A = arith.constant 0 : i32
      %dma_wait3A_322 = arith.constant 0 : i32
      %dma_wait3A_323 = tpu.memref_slice %arg8[%dma_wait3A, %dma_wait3A_322] : memref<96x128xf32, #tpu.memory_space<vmem>> -> memref<80x128xf32, #tpu.memory_space<vmem>>
      %dma_wait3A_324 = arith.constant 0 : i32
      %dma_wait3A_325 = tpu.memref_slice %arg10[%mul3A_321, %dma_wait3A_324] : memref<10016x128xf32, #tpu.memory_space<vmem_shared>> -> memref<80x128xf32, #tpu.memory_space<vmem_shared>>
      %dma_wait3A_326 = arith.constant 0 : i32
      %dma_wait3A_327 = tpu.memref_slice %arg10[%mul3A_321, %dma_wait3A_326] : memref<10016x128xf32, #tpu.memory_space<vmem_shared>> -> memref<80x128xf32, #tpu.memory_space<vmem_shared>>
      %dma_wait3A_328 = arith.constant 0 : i32
      %dma_wait3A_329 = arith.constant 0 : i32
      %dma_wait3A_330 = tpu.memref_slice %arg8[%dma_wait3A_328, %dma_wait3A_329] : memref<96x128xf32, #tpu.memory_space<vmem>> -> memref<80x128xf32, #tpu.memory_space<vmem>>
      tpu.wait_dma2 semaphore(%arg11 : memref<!tpu.dma_semaphore, #tpu.memory_space<semaphore_mem>>) src(%dma_wait3A_330 : memref<80x128xf32, #tpu.memory_space<vmem>>) dst(%dma_wait3A_327 : memref<80x128xf32, #tpu.memory_space<vmem_shared>>)
    } else {
    }
    %mul3A_139 = arith.constant 8 : i32
    %mul3A_140 = arith.muli %arg1, %mul3A_139 : i32
    %add3A_141 = arith.constant 7 : i32
    %add3A_142 = arith.addi %mul3A_140, %add3A_141 : i32
    %lt3A_143 = arith.constant 125 : i32
    %lt3A_144 = arith.cmpi slt, %add3A_142, %lt3A_143 : i32
    %convert_element_type3A_145 = arith.extui %lt3A_144 : i1 to i32
    %cond3A_146 = arith.constant 0 : i32
    %cond3A_147 = arith.cmpi ne, %convert_element_type3A_145, %cond3A_146 : i32
    scf.if %cond3A_147 {
      %mul3A_320 = arith.constant 80 : i32
      %mul3A_321 = arith.muli %add3A_142, %mul3A_320 : i32
      %dma_wait3A = arith.constant 0 : i32
      %dma_wait3A_322 = arith.constant 0 : i32
      %dma_wait3A_323 = tpu.memref_slice %arg8[%dma_wait3A, %dma_wait3A_322] : memref<96x128xf32, #tpu.memory_space<vmem>> -> memref<80x128xf32, #tpu.memory_space<vmem>>
      %dma_wait3A_324 = arith.constant 0 : i32
      %dma_wait3A_325 = tpu.memref_slice %arg10[%mul3A_321, %dma_wait3A_324] : memref<10016x128xf32, #tpu.memory_space<vmem_shared>> -> memref<80x128xf32, #tpu.memory_space<vmem_shared>>
      %dma_wait3A_326 = arith.constant 0 : i32
      %dma_wait3A_327 = tpu.memref_slice %arg10[%mul3A_321, %dma_wait3A_326] : memref<10016x128xf32, #tpu.memory_space<vmem_shared>> -> memref<80x128xf32, #tpu.memory_space<vmem_shared>>
      %dma_wait3A_328 = arith.constant 0 : i32
      %dma_wait3A_329 = arith.constant 0 : i32
      %dma_wait3A_330 = tpu.memref_slice %arg8[%dma_wait3A_328, %dma_wait3A_329] : memref<96x128xf32, #tpu.memory_space<vmem>> -> memref<80x128xf32, #tpu.memory_space<vmem>>
      tpu.wait_dma2 semaphore(%arg11 : memref<!tpu.dma_semaphore, #tpu.memory_space<semaphore_mem>>) src(%dma_wait3A_330 : memref<80x128xf32, #tpu.memory_space<vmem>>) dst(%dma_wait3A_327 : memref<80x128xf32, #tpu.memory_space<vmem_shared>>)
    } else {
    }
    %barrier3A = arith.constant 0 : index
    tpu.barrier barrier_id(%barrier3A)
    %dma_start3A = arith.constant 0 : i32
    %dma_start3A_148 = arith.constant 0 : i32
    %dma_start3A_149 = tpu.memref_slice %arg6[%dma_start3A, %dma_start3A_148] : memref<53x96xi32, #tpu.memory_space<vmem>> -> memref<1x96xi32, #tpu.memory_space<vmem>>
    %dma_start3A_150 = tpu.memref_squeeze %dma_start3A_149 : memref<1x96xi32, #tpu.memory_space<vmem>> -> memref<96xi32, #tpu.memory_space<vmem>>
    %dma_start3A_151 = arith.constant 0 : i32
    %dma_start3A_152 = arith.constant 0 : i32
    %dma_start3A_153 = tpu.memref_slice %arg2[%dma_start3A_151, %dma_start3A_152] : memref<10000x128xf32, #tpu.memory_space<hbm>> -> memref<10000x128xf32, #tpu.memory_space<hbm>>
    tpu.enqueue_indirect_dma source(%dma_start3A_153 : memref<10000x128xf32, #tpu.memory_space<hbm>>) target(%arg8 : memref<96x128xf32, #tpu.memory_space<vmem>>) offsets(%dma_start3A_150 : memref<96xi32, #tpu.memory_space<vmem>>) semaphore(%arg11 : memref<!tpu.dma_semaphore, #tpu.memory_space<semaphore_mem>>)
    %scan3A_154 = arith.constant 0 : i32
    %scan3A_155 = arith.constant 0 : i32
    %scan3A_156 = arith.constant 27 : i32
    %scan3A_157 = arith.addi %scan3A_155, %scan3A_156 : i32
    %scan3A_158 = arith.constant 1 : i32
    scf.for %scan3A_320 = %scan3A_155 to %scan3A_157 step %scan3A_158  : i32 {
      %mul3A_321 = arith.constant 2 : i32
      %mul3A_322 = arith.muli %mul3A_321, %scan3A_320 : i32
      %add3A_323 = arith.constant 1 : i32
      %add3A_324 = arith.addi %mul3A_322, %add3A_323 : i32
      %lt3A_325 = arith.constant 53 : i32
      %lt3A_326 = arith.cmpi slt, %add3A_324, %lt3A_325 : i32
      %convert_element_type3A_327 = arith.extui %lt3A_326 : i1 to i32
      %cond3A_328 = arith.constant 0 : i32
      %cond3A_329 = arith.cmpi ne, %convert_element_type3A_327, %cond3A_328 : i32
      scf.if %cond3A_329 {
        %add3A_349 = arith.constant 1 : i32
        %add3A_350 = arith.addi %mul3A_322, %add3A_349 : i32
        %dma_start3A_351 = arith.constant 0 : i32
        %dma_start3A_352 = tpu.memref_slice %arg6[%add3A_350, %dma_start3A_351] : memref<53x96xi32, #tpu.memory_space<vmem>> -> memref<1x96xi32, #tpu.memory_space<vmem>>
        %dma_start3A_353 = tpu.memref_squeeze %dma_start3A_352 : memref<1x96xi32, #tpu.memory_space<vmem>> -> memref<96xi32, #tpu.memory_space<vmem>>
        %dma_start3A_354 = arith.constant 0 : i32
        %dma_start3A_355 = arith.constant 0 : i32
        %dma_start3A_356 = tpu.memref_slice %arg2[%dma_start3A_354, %dma_start3A_355] : memref<10000x128xf32, #tpu.memory_space<hbm>> -> memref<10000x128xf32, #tpu.memory_space<hbm>>
        tpu.enqueue_indirect_dma source(%dma_start3A_356 : memref<10000x128xf32, #tpu.memory_space<hbm>>) target(%arg9 : memref<96x128xf32, #tpu.memory_space<vmem>>) offsets(%dma_start3A_353 : memref<96xi32, #tpu.memory_space<vmem>>) semaphore(%arg12 : memref<!tpu.dma_semaphore, #tpu.memory_space<semaphore_mem>>)
      } else {
      }
      %dma_wait3A = arith.constant 0 : i32
      %dma_wait3A_330 = tpu.memref_slice %arg6[%mul3A_322, %dma_wait3A] : memref<53x96xi32, #tpu.memory_space<vmem>> -> memref<1x96xi32, #tpu.memory_space<vmem>>
      %dma_wait3A_331 = tpu.memref_squeeze %dma_wait3A_330 : memref<1x96xi32, #tpu.memory_space<vmem>> -> memref<96xi32, #tpu.memory_space<vmem>>
      %dma_wait3A_332 = arith.constant 0 : i32
      %dma_wait3A_333 = arith.constant 0 : i32
      %dma_wait3A_334 = tpu.memref_slice %arg2[%dma_wait3A_332, %dma_wait3A_333] : memref<10000x128xf32, #tpu.memory_space<hbm>> -> memref<10000x128xf32, #tpu.memory_space<hbm>>
      tpu.wait_indirect_dma semaphore(%arg11 : memref<!tpu.dma_semaphore, #tpu.memory_space<semaphore_mem>>) src(%dma_wait3A_334 : memref<10000x128xf32, #tpu.memory_space<hbm>>) dst(%arg8 : memref<96x128xf32, #tpu.memory_space<vmem>>)
      "tpu.region"() ({
        %run_scoped3A_349 = tpu.sem_alloc : memref<!tpu.dma_semaphore, #tpu.memory_space<semaphore_mem>>
        %dma_start3A_350 = arith.constant 0 : i32
        %dma_start3A_351 = tpu.memref_slice %arg7[%mul3A_322, %dma_start3A_350] : memref<53x96xi32, #tpu.memory_space<vmem>> -> memref<1x96xi32, #tpu.memory_space<vmem>>
        %dma_start3A_352 = tpu.memref_squeeze %dma_start3A_351 : memref<1x96xi32, #tpu.memory_space<vmem>> -> memref<96xi32, #tpu.memory_space<vmem>>
        %dma_start3A_353 = arith.constant 0 : i32
        %dma_start3A_354 = arith.constant 0 : i32
        %dma_start3A_355 = tpu.memref_slice %arg10[%dma_start3A_353, %dma_start3A_354] : memref<10016x128xf32, #tpu.memory_space<vmem_shared>> -> memref<10016x128xf32, #tpu.memory_space<vmem_shared>>
        tpu.enqueue_indirect_dma source(%arg8 : memref<96x128xf32, #tpu.memory_space<vmem>>) target(%dma_start3A_355 : memref<10016x128xf32, #tpu.memory_space<vmem_shared>>) offsets(%dma_start3A_352 : memref<96xi32, #tpu.memory_space<vmem>>) semaphore(%run_scoped3A_349 : memref<!tpu.dma_semaphore, #tpu.memory_space<semaphore_mem>>) {add = true}
        %dma_wait3A_356 = arith.constant 0 : i32
        %dma_wait3A_357 = tpu.memref_slice %arg7[%mul3A_322, %dma_wait3A_356] : memref<53x96xi32, #tpu.memory_space<vmem>> -> memref<1x96xi32, #tpu.memory_space<vmem>>
        %dma_wait3A_358 = tpu.memref_squeeze %dma_wait3A_357 : memref<1x96xi32, #tpu.memory_space<vmem>> -> memref<96xi32, #tpu.memory_space<vmem>>
        %dma_wait3A_359 = arith.constant 0 : i32
        %dma_wait3A_360 = arith.constant 0 : i32
        %dma_wait3A_361 = tpu.memref_slice %arg10[%dma_wait3A_359, %dma_wait3A_360] : memref<10016x128xf32, #tpu.memory_space<vmem_shared>> -> memref<10016x128xf32, #tpu.memory_space<vmem_shared>>
        tpu.wait_indirect_dma semaphore(%run_scoped3A_349 : memref<!tpu.dma_semaphore, #tpu.memory_space<semaphore_mem>>) src(%arg8 : memref<96x128xf32, #tpu.memory_space<vmem>>) dst(%dma_wait3A_361 : memref<10016x128xf32, #tpu.memory_space<vmem_shared>>)
        tpu.yield
      }) : () -> ()
      %add3A_335 = arith.constant 2 : i32
      %add3A_336 = arith.addi %mul3A_322, %add3A_335 : i32
      %lt3A_337 = arith.constant 53 : i32
      %lt3A_338 = arith.cmpi slt, %add3A_336, %lt3A_337 : i32
      %convert_element_type3A_339 = arith.extui %lt3A_338 : i1 to i32
      %cond3A_340 = arith.constant 0 : i32
      %cond3A_341 = arith.cmpi ne, %convert_element_type3A_339, %cond3A_340 : i32
      scf.if %cond3A_341 {
        %add3A_349 = arith.constant 2 : i32
        %add3A_350 = arith.addi %mul3A_322, %add3A_349 : i32
        %dma_start3A_351 = arith.constant 0 : i32
        %dma_start3A_352 = tpu.memref_slice %arg6[%add3A_350, %dma_start3A_351] : memref<53x96xi32, #tpu.memory_space<vmem>> -> memref<1x96xi32, #tpu.memory_space<vmem>>
        %dma_start3A_353 = tpu.memref_squeeze %dma_start3A_352 : memref<1x96xi32, #tpu.memory_space<vmem>> -> memref<96xi32, #tpu.memory_space<vmem>>
        %dma_start3A_354 = arith.constant 0 : i32
        %dma_start3A_355 = arith.constant 0 : i32
        %dma_start3A_356 = tpu.memref_slice %arg2[%dma_start3A_354, %dma_start3A_355] : memref<10000x128xf32, #tpu.memory_space<hbm>> -> memref<10000x128xf32, #tpu.memory_space<hbm>>
        tpu.enqueue_indirect_dma source(%dma_start3A_356 : memref<10000x128xf32, #tpu.memory_space<hbm>>) target(%arg8 : memref<96x128xf32, #tpu.memory_space<vmem>>) offsets(%dma_start3A_353 : memref<96xi32, #tpu.memory_space<vmem>>) semaphore(%arg11 : memref<!tpu.dma_semaphore, #tpu.memory_space<semaphore_mem>>)
      } else {
      }
      %add3A_342 = arith.constant 1 : i32
      %add3A_343 = arith.addi %mul3A_322, %add3A_342 : i32
      %lt3A_344 = arith.constant 53 : i32
      %lt3A_345 = arith.cmpi slt, %add3A_343, %lt3A_344 : i32
      %convert_element_type3A_346 = arith.extui %lt3A_345 : i1 to i32
      %cond3A_347 = arith.constant 0 : i32
      %cond3A_348 = arith.cmpi ne, %convert_element_type3A_346, %cond3A_347 : i32
      scf.if %cond3A_348 {
        %add3A_349 = arith.constant 1 : i32
        %add3A_350 = arith.addi %mul3A_322, %add3A_349 : i32
        %dma_wait3A_351 = arith.constant 0 : i32
        %dma_wait3A_352 = tpu.memref_slice %arg6[%add3A_350, %dma_wait3A_351] : memref<53x96xi32, #tpu.memory_space<vmem>> -> memref<1x96xi32, #tpu.memory_space<vmem>>
        %dma_wait3A_353 = tpu.memref_squeeze %dma_wait3A_352 : memref<1x96xi32, #tpu.memory_space<vmem>> -> memref<96xi32, #tpu.memory_space<vmem>>
        %dma_wait3A_354 = arith.constant 0 : i32
        %dma_wait3A_355 = arith.constant 0 : i32
        %dma_wait3A_356 = tpu.memref_slice %arg2[%dma_wait3A_354, %dma_wait3A_355] : memref<10000x128xf32, #tpu.memory_space<hbm>> -> memref<10000x128xf32, #tpu.memory_space<hbm>>
        tpu.wait_indirect_dma semaphore(%arg12 : memref<!tpu.dma_semaphore, #tpu.memory_space<semaphore_mem>>) src(%dma_wait3A_356 : memref<10000x128xf32, #tpu.memory_space<hbm>>) dst(%arg9 : memref<96x128xf32, #tpu.memory_space<vmem>>)
        %add3A_357 = arith.constant 1 : i32
        %add3A_358 = arith.addi %mul3A_322, %add3A_357 : i32
        "tpu.region"() ({
          %run_scoped3A_359 = tpu.sem_alloc : memref<!tpu.dma_semaphore, #tpu.memory_space<semaphore_mem>>
          %dma_start3A_360 = arith.constant 0 : i32
          %dma_start3A_361 = tpu.memref_slice %arg7[%add3A_358, %dma_start3A_360] : memref<53x96xi32, #tpu.memory_space<vmem>> -> memref<1x96xi32, #tpu.memory_space<vmem>>
          %dma_start3A_362 = tpu.memref_squeeze %dma_start3A_361 : memref<1x96xi32, #tpu.memory_space<vmem>> -> memref<96xi32, #tpu.memory_space<vmem>>
          %dma_start3A_363 = arith.constant 0 : i32
          %dma_start3A_364 = arith.constant 0 : i32
          %dma_start3A_365 = tpu.memref_slice %arg10[%dma_start3A_363, %dma_start3A_364] : memref<10016x128xf32, #tpu.memory_space<vmem_shared>> -> memref<10016x128xf32, #tpu.memory_space<vmem_shared>>
          tpu.enqueue_indirect_dma source(%arg9 : memref<96x128xf32, #tpu.memory_space<vmem>>) target(%dma_start3A_365 : memref<10016x128xf32, #tpu.memory_space<vmem_shared>>) offsets(%dma_start3A_362 : memref<96xi32, #tpu.memory_space<vmem>>) semaphore(%run_scoped3A_359 : memref<!tpu.dma_semaphore, #tpu.memory_space<semaphore_mem>>) {add = true}
          %dma_wait3A_366 = arith.constant 0 : i32
          %dma_wait3A_367 = tpu.memref_slice %arg7[%add3A_358, %dma_wait3A_366] : memref<53x96xi32, #tpu.memory_space<vmem>> -> memref<1x96xi32, #tpu.memory_space<vmem>>
          %dma_wait3A_368 = tpu.memref_squeeze %dma_wait3A_367 : memref<1x96xi32, #tpu.memory_space<vmem>> -> memref<96xi32, #tpu.memory_space<vmem>>
          %dma_wait3A_369 = arith.constant 0 : i32
          %dma_wait3A_370 = arith.constant 0 : i32
          %dma_wait3A_371 = tpu.memref_slice %arg10[%dma_wait3A_369, %dma_wait3A_370] : memref<10016x128xf32, #tpu.memory_space<vmem_shared>> -> memref<10016x128xf32, #tpu.memory_space<vmem_shared>>
          tpu.wait_indirect_dma semaphore(%run_scoped3A_359 : memref<!tpu.dma_semaphore, #tpu.memory_space<semaphore_mem>>) src(%arg9 : memref<96x128xf32, #tpu.memory_space<vmem>>) dst(%dma_wait3A_371 : memref<10016x128xf32, #tpu.memory_space<vmem_shared>>)
          tpu.yield
        }) : () -> ()
      } else {
      }
    }
    %scan3A_159 = arith.constant 27 : i32
    %run_scoped3A_160 = arith.constant 1 : i32
    "tpu.region"() ({
      %run_scoped3A_320 = tpu.sem_alloc : memref<!tpu.dma_semaphore, #tpu.memory_space<semaphore_mem>>
      %dma_start3A_321 = arith.constant 0 : i32
      %dma_start3A_322 = arith.constant 0 : i32
      %dma_start3A_323 = tpu.memref_slice %arg3[%add3A, %run_scoped3A_160, %dma_start3A_321, %dma_start3A_322] : memref<32x2x53x96xi32, #tpu.memory_space<hbm>> -> memref<1x1x53x96xi32, #tpu.memory_space<hbm>>
      %dma_start3A_324 = tpu.memref_squeeze %dma_start3A_323 : memref<1x1x53x96xi32, #tpu.memory_space<hbm>> -> memref<53x96xi32, #tpu.memory_space<hbm>>
      %dma_start3A_325 = arith.constant 0 : i32
      %dma_start3A_326 = arith.constant 0 : i32
      %dma_start3A_327 = tpu.memref_slice %arg3[%add3A, %run_scoped3A_160, %dma_start3A_325, %dma_start3A_326] : memref<32x2x53x96xi32, #tpu.memory_space<hbm>> -> memref<1x1x53x96xi32, #tpu.memory_space<hbm>>
      %dma_start3A_328 = tpu.memref_squeeze %dma_start3A_327 : memref<1x1x53x96xi32, #tpu.memory_space<hbm>> -> memref<53x96xi32, #tpu.memory_space<hbm>>
      tpu.enqueue_dma source(%dma_start3A_328 : memref<53x96xi32, #tpu.memory_space<hbm>>) target(%arg6 : memref<53x96xi32, #tpu.memory_space<vmem>>) target_semaphore(%run_scoped3A_320 : memref<!tpu.dma_semaphore, #tpu.memory_space<semaphore_mem>>)
      %dma_wait3A = arith.constant 0 : i32
      %dma_wait3A_329 = arith.constant 0 : i32
      %dma_wait3A_330 = tpu.memref_slice %arg3[%add3A, %run_scoped3A_160, %dma_wait3A, %dma_wait3A_329] : memref<32x2x53x96xi32, #tpu.memory_space<hbm>> -> memref<1x1x53x96xi32, #tpu.memory_space<hbm>>
      %dma_wait3A_331 = tpu.memref_squeeze %dma_wait3A_330 : memref<1x1x53x96xi32, #tpu.memory_space<hbm>> -> memref<53x96xi32, #tpu.memory_space<hbm>>
      %dma_wait3A_332 = arith.constant 0 : i32
      %dma_wait3A_333 = arith.constant 0 : i32
      %dma_wait3A_334 = tpu.memref_slice %arg3[%add3A, %run_scoped3A_160, %dma_wait3A_332, %dma_wait3A_333] : memref<32x2x53x96xi32, #tpu.memory_space<hbm>> -> memref<1x1x53x96xi32, #tpu.memory_space<hbm>>
      %dma_wait3A_335 = tpu.memref_squeeze %dma_wait3A_334 : memref<1x1x53x96xi32, #tpu.memory_space<hbm>> -> memref<53x96xi32, #tpu.memory_space<hbm>>
      tpu.wait_dma2 semaphore(%run_scoped3A_320 : memref<!tpu.dma_semaphore, #tpu.memory_space<semaphore_mem>>) src(%dma_wait3A_335 : memref<53x96xi32, #tpu.memory_space<hbm>>) dst(%arg6 : memref<53x96xi32, #tpu.memory_space<vmem>>)
      tpu.yield
    }) : () -> ()
    %run_scoped3A_161 = arith.constant 1 : i32
    "tpu.region"() ({
      %run_scoped3A_320 = tpu.sem_alloc : memref<!tpu.dma_semaphore, #tpu.memory_space<semaphore_mem>>
      %dma_start3A_321 = arith.constant 0 : i32
      %dma_start3A_322 = arith.constant 0 : i32
      %dma_start3A_323 = tpu.memref_slice %arg4[%add3A, %run_scoped3A_161, %dma_start3A_321, %dma_start3A_322] : memref<32x2x53x96xi32, #tpu.memory_space<hbm>> -> memref<1x1x53x96xi32, #tpu.memory_space<hbm>>
      %dma_start3A_324 = tpu.memref_squeeze %dma_start3A_323 : memref<1x1x53x96xi32, #tpu.memory_space<hbm>> -> memref<53x96xi32, #tpu.memory_space<hbm>>
      %dma_start3A_325 = arith.constant 0 : i32
      %dma_start3A_326 = arith.constant 0 : i32
      %dma_start3A_327 = tpu.memref_slice %arg4[%add3A, %run_scoped3A_161, %dma_start3A_325, %dma_start3A_326] : memref<32x2x53x96xi32, #tpu.memory_space<hbm>> -> memref<1x1x53x96xi32, #tpu.memory_space<hbm>>
      %dma_start3A_328 = tpu.memref_squeeze %dma_start3A_327 : memref<1x1x53x96xi32, #tpu.memory_space<hbm>> -> memref<53x96xi32, #tpu.memory_space<hbm>>
      tpu.enqueue_dma source(%dma_start3A_328 : memref<53x96xi32, #tpu.memory_space<hbm>>) target(%arg7 : memref<53x96xi32, #tpu.memory_space<vmem>>) target_semaphore(%run_scoped3A_320 : memref<!tpu.dma_semaphore, #tpu.memory_space<semaphore_mem>>)
      %dma_wait3A = arith.constant 0 : i32
      %dma_wait3A_329 = arith.constant 0 : i32
      %dma_wait3A_330 = tpu.memref_slice %arg4[%add3A, %run_scoped3A_161, %dma_wait3A, %dma_wait3A_329] : memref<32x2x53x96xi32, #tpu.memory_space<hbm>> -> memref<1x1x53x96xi32, #tpu.memory_space<hbm>>
      %dma_wait3A_331 = tpu.memref_squeeze %dma_wait3A_330 : memref<1x1x53x96xi32, #tpu.memory_space<hbm>> -> memref<53x96xi32, #tpu.memory_space<hbm>>
      %dma_wait3A_332 = arith.constant 0 : i32
      %dma_wait3A_333 = arith.constant 0 : i32
      %dma_wait3A_334 = tpu.memref_slice %arg4[%add3A, %run_scoped3A_161, %dma_wait3A_332, %dma_wait3A_333] : memref<32x2x53x96xi32, #tpu.memory_space<hbm>> -> memref<1x1x53x96xi32, #tpu.memory_space<hbm>>
      %dma_wait3A_335 = tpu.memref_squeeze %dma_wait3A_334 : memref<1x1x53x96xi32, #tpu.memory_space<hbm>> -> memref<53x96xi32, #tpu.memory_space<hbm>>
      tpu.wait_dma2 semaphore(%run_scoped3A_320 : memref<!tpu.dma_semaphore, #tpu.memory_space<semaphore_mem>>) src(%dma_wait3A_335 : memref<53x96xi32, #tpu.memory_space<hbm>>) dst(%arg7 : memref<53x96xi32, #tpu.memory_space<vmem>>)
      tpu.yield
    }) : () -> ()
    %dma_start3A_162 = arith.constant 0 : i32
    %dma_start3A_163 = arith.constant 0 : i32
    %dma_start3A_164 = tpu.memref_slice %arg6[%dma_start3A_162, %dma_start3A_163] : memref<53x96xi32, #tpu.memory_space<vmem>> -> memref<1x96xi32, #tpu.memory_space<vmem>>
    %dma_start3A_165 = tpu.memref_squeeze %dma_start3A_164 : memref<1x96xi32, #tpu.memory_space<vmem>> -> memref<96xi32, #tpu.memory_space<vmem>>
    %dma_start3A_166 = arith.constant 0 : i32
    %dma_start3A_167 = arith.constant 0 : i32
    %dma_start3A_168 = tpu.memref_slice %arg2[%dma_start3A_166, %dma_start3A_167] : memref<10000x128xf32, #tpu.memory_space<hbm>> -> memref<10000x128xf32, #tpu.memory_space<hbm>>
    tpu.enqueue_indirect_dma source(%dma_start3A_168 : memref<10000x128xf32, #tpu.memory_space<hbm>>) target(%arg8 : memref<96x128xf32, #tpu.memory_space<vmem>>) offsets(%dma_start3A_165 : memref<96xi32, #tpu.memory_space<vmem>>) semaphore(%arg11 : memref<!tpu.dma_semaphore, #tpu.memory_space<semaphore_mem>>)
    %scan3A_169 = arith.constant 0 : i32
    %scan3A_170 = arith.constant 0 : i32
    %scan3A_171 = arith.constant 27 : i32
    %scan3A_172 = arith.addi %scan3A_170, %scan3A_171 : i32
    %scan3A_173 = arith.constant 1 : i32
    scf.for %scan3A_320 = %scan3A_170 to %scan3A_172 step %scan3A_173  : i32 {
      %mul3A_321 = arith.constant 2 : i32
      %mul3A_322 = arith.muli %mul3A_321, %scan3A_320 : i32
      %add3A_323 = arith.constant 1 : i32
      %add3A_324 = arith.addi %mul3A_322, %add3A_323 : i32
      %lt3A_325 = arith.constant 53 : i32
      %lt3A_326 = arith.cmpi slt, %add3A_324, %lt3A_325 : i32
      %convert_element_type3A_327 = arith.extui %lt3A_326 : i1 to i32
      %cond3A_328 = arith.constant 0 : i32
      %cond3A_329 = arith.cmpi ne, %convert_element_type3A_327, %cond3A_328 : i32
      scf.if %cond3A_329 {
        %add3A_349 = arith.constant 1 : i32
        %add3A_350 = arith.addi %mul3A_322, %add3A_349 : i32
        %dma_start3A_351 = arith.constant 0 : i32
        %dma_start3A_352 = tpu.memref_slice %arg6[%add3A_350, %dma_start3A_351] : memref<53x96xi32, #tpu.memory_space<vmem>> -> memref<1x96xi32, #tpu.memory_space<vmem>>
        %dma_start3A_353 = tpu.memref_squeeze %dma_start3A_352 : memref<1x96xi32, #tpu.memory_space<vmem>> -> memref<96xi32, #tpu.memory_space<vmem>>
        %dma_start3A_354 = arith.constant 0 : i32
        %dma_start3A_355 = arith.constant 0 : i32
        %dma_start3A_356 = tpu.memref_slice %arg2[%dma_start3A_354, %dma_start3A_355] : memref<10000x128xf32, #tpu.memory_space<hbm>> -> memref<10000x128xf32, #tpu.memory_space<hbm>>
        tpu.enqueue_indirect_dma source(%dma_start3A_356 : memref<10000x128xf32, #tpu.memory_space<hbm>>) target(%arg9 : memref<96x128xf32, #tpu.memory_space<vmem>>) offsets(%dma_start3A_353 : memref<96xi32, #tpu.memory_space<vmem>>) semaphore(%arg12 : memref<!tpu.dma_semaphore, #tpu.memory_space<semaphore_mem>>)
      } else {
      }
      %dma_wait3A = arith.constant 0 : i32
      %dma_wait3A_330 = tpu.memref_slice %arg6[%mul3A_322, %dma_wait3A] : memref<53x96xi32, #tpu.memory_space<vmem>> -> memref<1x96xi32, #tpu.memory_space<vmem>>
      %dma_wait3A_331 = tpu.memref_squeeze %dma_wait3A_330 : memref<1x96xi32, #tpu.memory_space<vmem>> -> memref<96xi32, #tpu.memory_space<vmem>>
      %dma_wait3A_332 = arith.constant 0 : i32
      %dma_wait3A_333 = arith.constant 0 : i32
      %dma_wait3A_334 = tpu.memref_slice %arg2[%dma_wait3A_332, %dma_wait3A_333] : memref<10000x128xf32, #tpu.memory_space<hbm>> -> memref<10000x128xf32, #tpu.memory_space<hbm>>
      tpu.wait_indirect_dma semaphore(%arg11 : memref<!tpu.dma_semaphore, #tpu.memory_space<semaphore_mem>>) src(%dma_wait3A_334 : memref<10000x128xf32, #tpu.memory_space<hbm>>) dst(%arg8 : memref<96x128xf32, #tpu.memory_space<vmem>>)
      "tpu.region"() ({
        %run_scoped3A_349 = tpu.sem_alloc : memref<!tpu.dma_semaphore, #tpu.memory_space<semaphore_mem>>
        %dma_start3A_350 = arith.constant 0 : i32
        %dma_start3A_351 = tpu.memref_slice %arg7[%mul3A_322, %dma_start3A_350] : memref<53x96xi32, #tpu.memory_space<vmem>> -> memref<1x96xi32, #tpu.memory_space<vmem>>
        %dma_start3A_352 = tpu.memref_squeeze %dma_start3A_351 : memref<1x96xi32, #tpu.memory_space<vmem>> -> memref<96xi32, #tpu.memory_space<vmem>>
        %dma_start3A_353 = arith.constant 0 : i32
        %dma_start3A_354 = arith.constant 0 : i32
        %dma_start3A_355 = tpu.memref_slice %arg10[%dma_start3A_353, %dma_start3A_354] : memref<10016x128xf32, #tpu.memory_space<vmem_shared>> -> memref<10016x128xf32, #tpu.memory_space<vmem_shared>>
        tpu.enqueue_indirect_dma source(%arg8 : memref<96x128xf32, #tpu.memory_space<vmem>>) target(%dma_start3A_355 : memref<10016x128xf32, #tpu.memory_space<vmem_shared>>) offsets(%dma_start3A_352 : memref<96xi32, #tpu.memory_space<vmem>>) semaphore(%run_scoped3A_349 : memref<!tpu.dma_semaphore, #tpu.memory_space<semaphore_mem>>) {add = true}
        %dma_wait3A_356 = arith.constant 0 : i32
        %dma_wait3A_357 = tpu.memref_slice %arg7[%mul3A_322, %dma_wait3A_356] : memref<53x96xi32, #tpu.memory_space<vmem>> -> memref<1x96xi32, #tpu.memory_space<vmem>>
        %dma_wait3A_358 = tpu.memref_squeeze %dma_wait3A_357 : memref<1x96xi32, #tpu.memory_space<vmem>> -> memref<96xi32, #tpu.memory_space<vmem>>
        %dma_wait3A_359 = arith.constant 0 : i32
        %dma_wait3A_360 = arith.constant 0 : i32
        %dma_wait3A_361 = tpu.memref_slice %arg10[%dma_wait3A_359, %dma_wait3A_360] : memref<10016x128xf32, #tpu.memory_space<vmem_shared>> -> memref<10016x128xf32, #tpu.memory_space<vmem_shared>>
        tpu.wait_indirect_dma semaphore(%run_scoped3A_349 : memref<!tpu.dma_semaphore, #tpu.memory_space<semaphore_mem>>) src(%arg8 : memref<96x128xf32, #tpu.memory_space<vmem>>) dst(%dma_wait3A_361 : memref<10016x128xf32, #tpu.memory_space<vmem_shared>>)
        tpu.yield
      }) : () -> ()
      %add3A_335 = arith.constant 2 : i32
      %add3A_336 = arith.addi %mul3A_322, %add3A_335 : i32
      %lt3A_337 = arith.constant 53 : i32
      %lt3A_338 = arith.cmpi slt, %add3A_336, %lt3A_337 : i32
      %convert_element_type3A_339 = arith.extui %lt3A_338 : i1 to i32
      %cond3A_340 = arith.constant 0 : i32
      %cond3A_341 = arith.cmpi ne, %convert_element_type3A_339, %cond3A_340 : i32
      scf.if %cond3A_341 {
        %add3A_349 = arith.constant 2 : i32
        %add3A_350 = arith.addi %mul3A_322, %add3A_349 : i32
        %dma_start3A_351 = arith.constant 0 : i32
        %dma_start3A_352 = tpu.memref_slice %arg6[%add3A_350, %dma_start3A_351] : memref<53x96xi32, #tpu.memory_space<vmem>> -> memref<1x96xi32, #tpu.memory_space<vmem>>
        %dma_start3A_353 = tpu.memref_squeeze %dma_start3A_352 : memref<1x96xi32, #tpu.memory_space<vmem>> -> memref<96xi32, #tpu.memory_space<vmem>>
        %dma_start3A_354 = arith.constant 0 : i32
        %dma_start3A_355 = arith.constant 0 : i32
        %dma_start3A_356 = tpu.memref_slice %arg2[%dma_start3A_354, %dma_start3A_355] : memref<10000x128xf32, #tpu.memory_space<hbm>> -> memref<10000x128xf32, #tpu.memory_space<hbm>>
        tpu.enqueue_indirect_dma source(%dma_start3A_356 : memref<10000x128xf32, #tpu.memory_space<hbm>>) target(%arg8 : memref<96x128xf32, #tpu.memory_space<vmem>>) offsets(%dma_start3A_353 : memref<96xi32, #tpu.memory_space<vmem>>) semaphore(%arg11 : memref<!tpu.dma_semaphore, #tpu.memory_space<semaphore_mem>>)
      } else {
      }
      %add3A_342 = arith.constant 1 : i32
      %add3A_343 = arith.addi %mul3A_322, %add3A_342 : i32
      %lt3A_344 = arith.constant 53 : i32
      %lt3A_345 = arith.cmpi slt, %add3A_343, %lt3A_344 : i32
      %convert_element_type3A_346 = arith.extui %lt3A_345 : i1 to i32
      %cond3A_347 = arith.constant 0 : i32
      %cond3A_348 = arith.cmpi ne, %convert_element_type3A_346, %cond3A_347 : i32
      scf.if %cond3A_348 {
        %add3A_349 = arith.constant 1 : i32
        %add3A_350 = arith.addi %mul3A_322, %add3A_349 : i32
        %dma_wait3A_351 = arith.constant 0 : i32
        %dma_wait3A_352 = tpu.memref_slice %arg6[%add3A_350, %dma_wait3A_351] : memref<53x96xi32, #tpu.memory_space<vmem>> -> memref<1x96xi32, #tpu.memory_space<vmem>>
        %dma_wait3A_353 = tpu.memref_squeeze %dma_wait3A_352 : memref<1x96xi32, #tpu.memory_space<vmem>> -> memref<96xi32, #tpu.memory_space<vmem>>
        %dma_wait3A_354 = arith.constant 0 : i32
        %dma_wait3A_355 = arith.constant 0 : i32
        %dma_wait3A_356 = tpu.memref_slice %arg2[%dma_wait3A_354, %dma_wait3A_355] : memref<10000x128xf32, #tpu.memory_space<hbm>> -> memref<10000x128xf32, #tpu.memory_space<hbm>>
        tpu.wait_indirect_dma semaphore(%arg12 : memref<!tpu.dma_semaphore, #tpu.memory_space<semaphore_mem>>) src(%dma_wait3A_356 : memref<10000x128xf32, #tpu.memory_space<hbm>>) dst(%arg9 : memref<96x128xf32, #tpu.memory_space<vmem>>)
        %add3A_357 = arith.constant 1 : i32
        %add3A_358 = arith.addi %mul3A_322, %add3A_357 : i32
        "tpu.region"() ({
          %run_scoped3A_359 = tpu.sem_alloc : memref<!tpu.dma_semaphore, #tpu.memory_space<semaphore_mem>>
          %dma_start3A_360 = arith.constant 0 : i32
          %dma_start3A_361 = tpu.memref_slice %arg7[%add3A_358, %dma_start3A_360] : memref<53x96xi32, #tpu.memory_space<vmem>> -> memref<1x96xi32, #tpu.memory_space<vmem>>
          %dma_start3A_362 = tpu.memref_squeeze %dma_start3A_361 : memref<1x96xi32, #tpu.memory_space<vmem>> -> memref<96xi32, #tpu.memory_space<vmem>>
          %dma_start3A_363 = arith.constant 0 : i32
          %dma_start3A_364 = arith.constant 0 : i32
          %dma_start3A_365 = tpu.memref_slice %arg10[%dma_start3A_363, %dma_start3A_364] : memref<10016x128xf32, #tpu.memory_space<vmem_shared>> -> memref<10016x128xf32, #tpu.memory_space<vmem_shared>>
          tpu.enqueue_indirect_dma source(%arg9 : memref<96x128xf32, #tpu.memory_space<vmem>>) target(%dma_start3A_365 : memref<10016x128xf32, #tpu.memory_space<vmem_shared>>) offsets(%dma_start3A_362 : memref<96xi32, #tpu.memory_space<vmem>>) semaphore(%run_scoped3A_359 : memref<!tpu.dma_semaphore, #tpu.memory_space<semaphore_mem>>) {add = true}
          %dma_wait3A_366 = arith.constant 0 : i32
          %dma_wait3A_367 = tpu.memref_slice %arg7[%add3A_358, %dma_wait3A_366] : memref<53x96xi32, #tpu.memory_space<vmem>> -> memref<1x96xi32, #tpu.memory_space<vmem>>
          %dma_wait3A_368 = tpu.memref_squeeze %dma_wait3A_367 : memref<1x96xi32, #tpu.memory_space<vmem>> -> memref<96xi32, #tpu.memory_space<vmem>>
          %dma_wait3A_369 = arith.constant 0 : i32
          %dma_wait3A_370 = arith.constant 0 : i32
          %dma_wait3A_371 = tpu.memref_slice %arg10[%dma_wait3A_369, %dma_wait3A_370] : memref<10016x128xf32, #tpu.memory_space<vmem_shared>> -> memref<10016x128xf32, #tpu.memory_space<vmem_shared>>
          tpu.wait_indirect_dma semaphore(%run_scoped3A_359 : memref<!tpu.dma_semaphore, #tpu.memory_space<semaphore_mem>>) src(%arg9 : memref<96x128xf32, #tpu.memory_space<vmem>>) dst(%dma_wait3A_371 : memref<10016x128xf32, #tpu.memory_space<vmem_shared>>)
          tpu.yield
        }) : () -> ()
      } else {
      }
    }
    %scan3A_174 = arith.constant 27 : i32
    %barrier3A_175 = arith.constant 0 : index
    tpu.barrier barrier_id(%barrier3A_175)
    %mul3A_176 = arith.constant 8 : i32
    %mul3A_177 = arith.muli %arg1, %mul3A_176 : i32
    %add3A_178 = arith.constant 0 : i32
    %add3A_179 = arith.addi %mul3A_177, %add3A_178 : i32
    %lt3A_180 = arith.constant 125 : i32
    %lt3A_181 = arith.cmpi slt, %add3A_179, %lt3A_180 : i32
    %convert_element_type3A_182 = arith.extui %lt3A_181 : i1 to i32
    %cond3A_183 = arith.constant 0 : i32
    %cond3A_184 = arith.cmpi ne, %convert_element_type3A_182, %cond3A_183 : i32
    scf.if %cond3A_184 {
      %mul3A_320 = arith.constant 80 : i32
      %mul3A_321 = arith.muli %add3A_179, %mul3A_320 : i32
      "tpu.region"() ({
        %run_scoped3A_336 = tpu.sem_alloc : memref<!tpu.dma_semaphore, #tpu.memory_space<semaphore_mem>>
        %dma_start3A_337 = arith.constant 0 : i32
        %dma_start3A_338 = arith.constant 0 : i32
        %dma_start3A_339 = tpu.memref_slice %arg8[%dma_start3A_337, %dma_start3A_338] : memref<96x128xf32, #tpu.memory_space<vmem>> -> memref<80x128xf32, #tpu.memory_space<vmem>>
        %dma_start3A_340 = arith.constant 0 : i32
        %dma_start3A_341 = tpu.memref_slice %arg10[%mul3A_321, %dma_start3A_340] : memref<10016x128xf32, #tpu.memory_space<vmem_shared>> -> memref<80x128xf32, #tpu.memory_space<vmem_shared>>
        %dma_start3A_342 = arith.constant 0 : i32
        %dma_start3A_343 = arith.constant 0 : i32
        %dma_start3A_344 = tpu.memref_slice %arg8[%dma_start3A_342, %dma_start3A_343] : memref<96x128xf32, #tpu.memory_space<vmem>> -> memref<80x128xf32, #tpu.memory_space<vmem>>
        %dma_start3A_345 = arith.constant 0 : i32
        %dma_start3A_346 = tpu.memref_slice %arg10[%mul3A_321, %dma_start3A_345] : memref<10016x128xf32, #tpu.memory_space<vmem_shared>> -> memref<80x128xf32, #tpu.memory_space<vmem_shared>>
        tpu.enqueue_dma source(%dma_start3A_346 : memref<80x128xf32, #tpu.memory_space<vmem_shared>>) target(%dma_start3A_344 : memref<80x128xf32, #tpu.memory_space<vmem>>) target_semaphore(%run_scoped3A_336 : memref<!tpu.dma_semaphore, #tpu.memory_space<semaphore_mem>>)
        %dma_wait3A = arith.constant 0 : i32
        %dma_wait3A_347 = arith.constant 0 : i32
        %dma_wait3A_348 = tpu.memref_slice %arg8[%dma_wait3A, %dma_wait3A_347] : memref<96x128xf32, #tpu.memory_space<vmem>> -> memref<80x128xf32, #tpu.memory_space<vmem>>
        %dma_wait3A_349 = arith.constant 0 : i32
        %dma_wait3A_350 = tpu.memref_slice %arg10[%mul3A_321, %dma_wait3A_349] : memref<10016x128xf32, #tpu.memory_space<vmem_shared>> -> memref<80x128xf32, #tpu.memory_space<vmem_shared>>
        %dma_wait3A_351 = arith.constant 0 : i32
        %dma_wait3A_352 = arith.constant 0 : i32
        %dma_wait3A_353 = tpu.memref_slice %arg8[%dma_wait3A_351, %dma_wait3A_352] : memref<96x128xf32, #tpu.memory_space<vmem>> -> memref<80x128xf32, #tpu.memory_space<vmem>>
        %dma_wait3A_354 = arith.constant 0 : i32
        %dma_wait3A_355 = tpu.memref_slice %arg10[%mul3A_321, %dma_wait3A_354] : memref<10016x128xf32, #tpu.memory_space<vmem_shared>> -> memref<80x128xf32, #tpu.memory_space<vmem_shared>>
        tpu.wait_dma2 semaphore(%run_scoped3A_336 : memref<!tpu.dma_semaphore, #tpu.memory_space<semaphore_mem>>) src(%dma_wait3A_355 : memref<80x128xf32, #tpu.memory_space<vmem_shared>>) dst(%dma_wait3A_353 : memref<80x128xf32, #tpu.memory_space<vmem>>)
        tpu.yield
      }) : () -> ()
      %mul3A_322 = arith.constant 80 : i32
      %mul3A_323 = arith.muli %add3A_179, %mul3A_322 : i32
      %dma_start3A_324 = arith.constant 0 : i32
      %dma_start3A_325 = arith.constant 0 : i32
      %dma_start3A_326 = tpu.memref_slice %arg8[%dma_start3A_324, %dma_start3A_325] : memref<96x128xf32, #tpu.memory_space<vmem>> -> memref<80x128xf32, #tpu.memory_space<vmem>>
      %dma_start3A_327 = arith.constant 0 : i32
      %dma_start3A_328 = tpu.memref_slice %arg5[%arg0, %mul3A_323, %dma_start3A_327] : memref<2x10000x128xf32, #tpu.memory_space<hbm>> -> memref<1x80x128xf32, #tpu.memory_space<hbm>>
      %dma_start3A_329 = tpu.memref_squeeze %dma_start3A_328 : memref<1x80x128xf32, #tpu.memory_space<hbm>> -> memref<80x128xf32, #tpu.memory_space<hbm>>
      %dma_start3A_330 = arith.constant 0 : i32
      %dma_start3A_331 = tpu.memref_slice %arg5[%arg0, %mul3A_323, %dma_start3A_330] : memref<2x10000x128xf32, #tpu.memory_space<hbm>> -> memref<1x80x128xf32, #tpu.memory_space<hbm>>
      %dma_start3A_332 = tpu.memref_squeeze %dma_start3A_331 : memref<1x80x128xf32, #tpu.memory_space<hbm>> -> memref<80x128xf32, #tpu.memory_space<hbm>>
      %dma_start3A_333 = arith.constant 0 : i32
      %dma_start3A_334 = arith.constant 0 : i32
      %dma_start3A_335 = tpu.memref_slice %arg8[%dma_start3A_333, %dma_start3A_334] : memref<96x128xf32, #tpu.memory_space<vmem>> -> memref<80x128xf32, #tpu.memory_space<vmem>>
      tpu.enqueue_dma source(%dma_start3A_335 : memref<80x128xf32, #tpu.memory_space<vmem>>) target(%dma_start3A_332 : memref<80x128xf32, #tpu.memory_space<hbm>>) target_semaphore(%arg11 : memref<!tpu.dma_semaphore, #tpu.memory_space<semaphore_mem>>)
    } else {
    }
    %mul3A_185 = arith.constant 8 : i32
    %mul3A_186 = arith.muli %arg1, %mul3A_185 : i32
    %add3A_187 = arith.constant 1 : i32
    %add3A_188 = arith.addi %mul3A_186, %add3A_187 : i32
    %lt3A_189 = arith.constant 125 : i32
    %lt3A_190 = arith.cmpi slt, %add3A_188, %lt3A_189 : i32
    %convert_element_type3A_191 = arith.extui %lt3A_190 : i1 to i32
    %cond3A_192 = arith.constant 0 : i32
    %cond3A_193 = arith.cmpi ne, %convert_element_type3A_191, %cond3A_192 : i32
    scf.if %cond3A_193 {
      %mul3A_320 = arith.constant 80 : i32
      %mul3A_321 = arith.muli %add3A_188, %mul3A_320 : i32
      "tpu.region"() ({
        %run_scoped3A_336 = tpu.sem_alloc : memref<!tpu.dma_semaphore, #tpu.memory_space<semaphore_mem>>
        %dma_start3A_337 = arith.constant 0 : i32
        %dma_start3A_338 = arith.constant 0 : i32
        %dma_start3A_339 = tpu.memref_slice %arg9[%dma_start3A_337, %dma_start3A_338] : memref<96x128xf32, #tpu.memory_space<vmem>> -> memref<80x128xf32, #tpu.memory_space<vmem>>
        %dma_start3A_340 = arith.constant 0 : i32
        %dma_start3A_341 = tpu.memref_slice %arg10[%mul3A_321, %dma_start3A_340] : memref<10016x128xf32, #tpu.memory_space<vmem_shared>> -> memref<80x128xf32, #tpu.memory_space<vmem_shared>>
        %dma_start3A_342 = arith.constant 0 : i32
        %dma_start3A_343 = arith.constant 0 : i32
        %dma_start3A_344 = tpu.memref_slice %arg9[%dma_start3A_342, %dma_start3A_343] : memref<96x128xf32, #tpu.memory_space<vmem>> -> memref<80x128xf32, #tpu.memory_space<vmem>>
        %dma_start3A_345 = arith.constant 0 : i32
        %dma_start3A_346 = tpu.memref_slice %arg10[%mul3A_321, %dma_start3A_345] : memref<10016x128xf32, #tpu.memory_space<vmem_shared>> -> memref<80x128xf32, #tpu.memory_space<vmem_shared>>
        tpu.enqueue_dma source(%dma_start3A_346 : memref<80x128xf32, #tpu.memory_space<vmem_shared>>) target(%dma_start3A_344 : memref<80x128xf32, #tpu.memory_space<vmem>>) target_semaphore(%run_scoped3A_336 : memref<!tpu.dma_semaphore, #tpu.memory_space<semaphore_mem>>)
        %dma_wait3A = arith.constant 0 : i32
        %dma_wait3A_347 = arith.constant 0 : i32
        %dma_wait3A_348 = tpu.memref_slice %arg9[%dma_wait3A, %dma_wait3A_347] : memref<96x128xf32, #tpu.memory_space<vmem>> -> memref<80x128xf32, #tpu.memory_space<vmem>>
        %dma_wait3A_349 = arith.constant 0 : i32
        %dma_wait3A_350 = tpu.memref_slice %arg10[%mul3A_321, %dma_wait3A_349] : memref<10016x128xf32, #tpu.memory_space<vmem_shared>> -> memref<80x128xf32, #tpu.memory_space<vmem_shared>>
        %dma_wait3A_351 = arith.constant 0 : i32
        %dma_wait3A_352 = arith.constant 0 : i32
        %dma_wait3A_353 = tpu.memref_slice %arg9[%dma_wait3A_351, %dma_wait3A_352] : memref<96x128xf32, #tpu.memory_space<vmem>> -> memref<80x128xf32, #tpu.memory_space<vmem>>
        %dma_wait3A_354 = arith.constant 0 : i32
        %dma_wait3A_355 = tpu.memref_slice %arg10[%mul3A_321, %dma_wait3A_354] : memref<10016x128xf32, #tpu.memory_space<vmem_shared>> -> memref<80x128xf32, #tpu.memory_space<vmem_shared>>
        tpu.wait_dma2 semaphore(%run_scoped3A_336 : memref<!tpu.dma_semaphore, #tpu.memory_space<semaphore_mem>>) src(%dma_wait3A_355 : memref<80x128xf32, #tpu.memory_space<vmem_shared>>) dst(%dma_wait3A_353 : memref<80x128xf32, #tpu.memory_space<vmem>>)
        tpu.yield
      }) : () -> ()
      %mul3A_322 = arith.constant 80 : i32
      %mul3A_323 = arith.muli %add3A_188, %mul3A_322 : i32
      %dma_start3A_324 = arith.constant 0 : i32
      %dma_start3A_325 = arith.constant 0 : i32
      %dma_start3A_326 = tpu.memref_slice %arg9[%dma_start3A_324, %dma_start3A_325] : memref<96x128xf32, #tpu.memory_space<vmem>> -> memref<80x128xf32, #tpu.memory_space<vmem>>
      %dma_start3A_327 = arith.constant 0 : i32
      %dma_start3A_328 = tpu.memref_slice %arg5[%arg0, %mul3A_323, %dma_start3A_327] : memref<2x10000x128xf32, #tpu.memory_space<hbm>> -> memref<1x80x128xf32, #tpu.memory_space<hbm>>
      %dma_start3A_329 = tpu.memref_squeeze %dma_start3A_328 : memref<1x80x128xf32, #tpu.memory_space<hbm>> -> memref<80x128xf32, #tpu.memory_space<hbm>>
      %dma_start3A_330 = arith.constant 0 : i32
      %dma_start3A_331 = tpu.memref_slice %arg5[%arg0, %mul3A_323, %dma_start3A_330] : memref<2x10000x128xf32, #tpu.memory_space<hbm>> -> memref<1x80x128xf32, #tpu.memory_space<hbm>>
      %dma_start3A_332 = tpu.memref_squeeze %dma_start3A_331 : memref<1x80x128xf32, #tpu.memory_space<hbm>> -> memref<80x128xf32, #tpu.memory_space<hbm>>
      %dma_start3A_333 = arith.constant 0 : i32
      %dma_start3A_334 = arith.constant 0 : i32
      %dma_start3A_335 = tpu.memref_slice %arg9[%dma_start3A_333, %dma_start3A_334] : memref<96x128xf32, #tpu.memory_space<vmem>> -> memref<80x128xf32, #tpu.memory_space<vmem>>
      tpu.enqueue_dma source(%dma_start3A_335 : memref<80x128xf32, #tpu.memory_space<vmem>>) target(%dma_start3A_332 : memref<80x128xf32, #tpu.memory_space<hbm>>) target_semaphore(%arg12 : memref<!tpu.dma_semaphore, #tpu.memory_space<semaphore_mem>>)
    } else {
    }
    %mul3A_194 = arith.constant 8 : i32
    %mul3A_195 = arith.muli %arg1, %mul3A_194 : i32
    %add3A_196 = arith.constant 2 : i32
    %add3A_197 = arith.addi %mul3A_195, %add3A_196 : i32
    %mul3A_198 = arith.constant 8 : i32
    %mul3A_199 = arith.muli %arg1, %mul3A_198 : i32
    %add3A_200 = arith.constant 0 : i32
    %add3A_201 = arith.addi %mul3A_199, %add3A_200 : i32
    %lt3A_202 = arith.constant 125 : i32
    %lt3A_203 = arith.cmpi slt, %add3A_201, %lt3A_202 : i32
    %convert_element_type3A_204 = arith.extui %lt3A_203 : i1 to i32
    %cond3A_205 = arith.constant 0 : i32
    %cond3A_206 = arith.cmpi ne, %convert_element_type3A_204, %cond3A_205 : i32
    scf.if %cond3A_206 {
      %mul3A_320 = arith.constant 80 : i32
      %mul3A_321 = arith.muli %add3A_201, %mul3A_320 : i32
      %dma_wait3A = arith.constant 0 : i32
      %dma_wait3A_322 = arith.constant 0 : i32
      %dma_wait3A_323 = tpu.memref_slice %arg8[%dma_wait3A, %dma_wait3A_322] : memref<96x128xf32, #tpu.memory_space<vmem>> -> memref<80x128xf32, #tpu.memory_space<vmem>>
      %dma_wait3A_324 = arith.constant 0 : i32
      %dma_wait3A_325 = tpu.memref_slice %arg5[%arg0, %mul3A_321, %dma_wait3A_324] : memref<2x10000x128xf32, #tpu.memory_space<hbm>> -> memref<1x80x128xf32, #tpu.memory_space<hbm>>
      %dma_wait3A_326 = tpu.memref_squeeze %dma_wait3A_325 : memref<1x80x128xf32, #tpu.memory_space<hbm>> -> memref<80x128xf32, #tpu.memory_space<hbm>>
      %dma_wait3A_327 = arith.constant 0 : i32
      %dma_wait3A_328 = tpu.memref_slice %arg5[%arg0, %mul3A_321, %dma_wait3A_327] : memref<2x10000x128xf32, #tpu.memory_space<hbm>> -> memref<1x80x128xf32, #tpu.memory_space<hbm>>
      %dma_wait3A_329 = tpu.memref_squeeze %dma_wait3A_328 : memref<1x80x128xf32, #tpu.memory_space<hbm>> -> memref<80x128xf32, #tpu.memory_space<hbm>>
      %dma_wait3A_330 = arith.constant 0 : i32
      %dma_wait3A_331 = arith.constant 0 : i32
      %dma_wait3A_332 = tpu.memref_slice %arg8[%dma_wait3A_330, %dma_wait3A_331] : memref<96x128xf32, #tpu.memory_space<vmem>> -> memref<80x128xf32, #tpu.memory_space<vmem>>
      tpu.wait_dma2 semaphore(%arg11 : memref<!tpu.dma_semaphore, #tpu.memory_space<semaphore_mem>>) src(%dma_wait3A_332 : memref<80x128xf32, #tpu.memory_space<vmem>>) dst(%dma_wait3A_329 : memref<80x128xf32, #tpu.memory_space<hbm>>)
    } else {
    }
    %lt3A_207 = arith.constant 125 : i32
    %lt3A_208 = arith.cmpi slt, %add3A_197, %lt3A_207 : i32
    %convert_element_type3A_209 = arith.extui %lt3A_208 : i1 to i32
    %cond3A_210 = arith.constant 0 : i32
    %cond3A_211 = arith.cmpi ne, %convert_element_type3A_209, %cond3A_210 : i32
    scf.if %cond3A_211 {
      %mul3A_320 = arith.constant 80 : i32
      %mul3A_321 = arith.muli %add3A_197, %mul3A_320 : i32
      "tpu.region"() ({
        %run_scoped3A_336 = tpu.sem_alloc : memref<!tpu.dma_semaphore, #tpu.memory_space<semaphore_mem>>
        %dma_start3A_337 = arith.constant 0 : i32
        %dma_start3A_338 = arith.constant 0 : i32
        %dma_start3A_339 = tpu.memref_slice %arg8[%dma_start3A_337, %dma_start3A_338] : memref<96x128xf32, #tpu.memory_space<vmem>> -> memref<80x128xf32, #tpu.memory_space<vmem>>
        %dma_start3A_340 = arith.constant 0 : i32
        %dma_start3A_341 = tpu.memref_slice %arg10[%mul3A_321, %dma_start3A_340] : memref<10016x128xf32, #tpu.memory_space<vmem_shared>> -> memref<80x128xf32, #tpu.memory_space<vmem_shared>>
        %dma_start3A_342 = arith.constant 0 : i32
        %dma_start3A_343 = arith.constant 0 : i32
        %dma_start3A_344 = tpu.memref_slice %arg8[%dma_start3A_342, %dma_start3A_343] : memref<96x128xf32, #tpu.memory_space<vmem>> -> memref<80x128xf32, #tpu.memory_space<vmem>>
        %dma_start3A_345 = arith.constant 0 : i32
        %dma_start3A_346 = tpu.memref_slice %arg10[%mul3A_321, %dma_start3A_345] : memref<10016x128xf32, #tpu.memory_space<vmem_shared>> -> memref<80x128xf32, #tpu.memory_space<vmem_shared>>
        tpu.enqueue_dma source(%dma_start3A_346 : memref<80x128xf32, #tpu.memory_space<vmem_shared>>) target(%dma_start3A_344 : memref<80x128xf32, #tpu.memory_space<vmem>>) target_semaphore(%run_scoped3A_336 : memref<!tpu.dma_semaphore, #tpu.memory_space<semaphore_mem>>)
        %dma_wait3A = arith.constant 0 : i32
        %dma_wait3A_347 = arith.constant 0 : i32
        %dma_wait3A_348 = tpu.memref_slice %arg8[%dma_wait3A, %dma_wait3A_347] : memref<96x128xf32, #tpu.memory_space<vmem>> -> memref<80x128xf32, #tpu.memory_space<vmem>>
        %dma_wait3A_349 = arith.constant 0 : i32
        %dma_wait3A_350 = tpu.memref_slice %arg10[%mul3A_321, %dma_wait3A_349] : memref<10016x128xf32, #tpu.memory_space<vmem_shared>> -> memref<80x128xf32, #tpu.memory_space<vmem_shared>>
        %dma_wait3A_351 = arith.constant 0 : i32
        %dma_wait3A_352 = arith.constant 0 : i32
        %dma_wait3A_353 = tpu.memref_slice %arg8[%dma_wait3A_351, %dma_wait3A_352] : memref<96x128xf32, #tpu.memory_space<vmem>> -> memref<80x128xf32, #tpu.memory_space<vmem>>
        %dma_wait3A_354 = arith.constant 0 : i32
        %dma_wait3A_355 = tpu.memref_slice %arg10[%mul3A_321, %dma_wait3A_354] : memref<10016x128xf32, #tpu.memory_space<vmem_shared>> -> memref<80x128xf32, #tpu.memory_space<vmem_shared>>
        tpu.wait_dma2 semaphore(%run_scoped3A_336 : memref<!tpu.dma_semaphore, #tpu.memory_space<semaphore_mem>>) src(%dma_wait3A_355 : memref<80x128xf32, #tpu.memory_space<vmem_shared>>) dst(%dma_wait3A_353 : memref<80x128xf32, #tpu.memory_space<vmem>>)
        tpu.yield
      }) : () -> ()
      %mul3A_322 = arith.constant 80 : i32
      %mul3A_323 = arith.muli %add3A_197, %mul3A_322 : i32
      %dma_start3A_324 = arith.constant 0 : i32
      %dma_start3A_325 = arith.constant 0 : i32
      %dma_start3A_326 = tpu.memref_slice %arg8[%dma_start3A_324, %dma_start3A_325] : memref<96x128xf32, #tpu.memory_space<vmem>> -> memref<80x128xf32, #tpu.memory_space<vmem>>
      %dma_start3A_327 = arith.constant 0 : i32
      %dma_start3A_328 = tpu.memref_slice %arg5[%arg0, %mul3A_323, %dma_start3A_327] : memref<2x10000x128xf32, #tpu.memory_space<hbm>> -> memref<1x80x128xf32, #tpu.memory_space<hbm>>
      %dma_start3A_329 = tpu.memref_squeeze %dma_start3A_328 : memref<1x80x128xf32, #tpu.memory_space<hbm>> -> memref<80x128xf32, #tpu.memory_space<hbm>>
      %dma_start3A_330 = arith.constant 0 : i32
      %dma_start3A_331 = tpu.memref_slice %arg5[%arg0, %mul3A_323, %dma_start3A_330] : memref<2x10000x128xf32, #tpu.memory_space<hbm>> -> memref<1x80x128xf32, #tpu.memory_space<hbm>>
      %dma_start3A_332 = tpu.memref_squeeze %dma_start3A_331 : memref<1x80x128xf32, #tpu.memory_space<hbm>> -> memref<80x128xf32, #tpu.memory_space<hbm>>
      %dma_start3A_333 = arith.constant 0 : i32
      %dma_start3A_334 = arith.constant 0 : i32
      %dma_start3A_335 = tpu.memref_slice %arg8[%dma_start3A_333, %dma_start3A_334] : memref<96x128xf32, #tpu.memory_space<vmem>> -> memref<80x128xf32, #tpu.memory_space<vmem>>
      tpu.enqueue_dma source(%dma_start3A_335 : memref<80x128xf32, #tpu.memory_space<vmem>>) target(%dma_start3A_332 : memref<80x128xf32, #tpu.memory_space<hbm>>) target_semaphore(%arg11 : memref<!tpu.dma_semaphore, #tpu.memory_space<semaphore_mem>>)
    } else {
    }
    %mul3A_212 = arith.constant 8 : i32
    %mul3A_213 = arith.muli %arg1, %mul3A_212 : i32
    %add3A_214 = arith.constant 3 : i32
    %add3A_215 = arith.addi %mul3A_213, %add3A_214 : i32
    %mul3A_216 = arith.constant 8 : i32
    %mul3A_217 = arith.muli %arg1, %mul3A_216 : i32
    %add3A_218 = arith.constant 1 : i32
    %add3A_219 = arith.addi %mul3A_217, %add3A_218 : i32
    %lt3A_220 = arith.constant 125 : i32
    %lt3A_221 = arith.cmpi slt, %add3A_219, %lt3A_220 : i32
    %convert_element_type3A_222 = arith.extui %lt3A_221 : i1 to i32
    %cond3A_223 = arith.constant 0 : i32
    %cond3A_224 = arith.cmpi ne, %convert_element_type3A_222, %cond3A_223 : i32
    scf.if %cond3A_224 {
      %mul3A_320 = arith.constant 80 : i32
      %mul3A_321 = arith.muli %add3A_219, %mul3A_320 : i32
      %dma_wait3A = arith.constant 0 : i32
      %dma_wait3A_322 = arith.constant 0 : i32
      %dma_wait3A_323 = tpu.memref_slice %arg9[%dma_wait3A, %dma_wait3A_322] : memref<96x128xf32, #tpu.memory_space<vmem>> -> memref<80x128xf32, #tpu.memory_space<vmem>>
      %dma_wait3A_324 = arith.constant 0 : i32
      %dma_wait3A_325 = tpu.memref_slice %arg5[%arg0, %mul3A_321, %dma_wait3A_324] : memref<2x10000x128xf32, #tpu.memory_space<hbm>> -> memref<1x80x128xf32, #tpu.memory_space<hbm>>
      %dma_wait3A_326 = tpu.memref_squeeze %dma_wait3A_325 : memref<1x80x128xf32, #tpu.memory_space<hbm>> -> memref<80x128xf32, #tpu.memory_space<hbm>>
      %dma_wait3A_327 = arith.constant 0 : i32
      %dma_wait3A_328 = tpu.memref_slice %arg5[%arg0, %mul3A_321, %dma_wait3A_327] : memref<2x10000x128xf32, #tpu.memory_space<hbm>> -> memref<1x80x128xf32, #tpu.memory_space<hbm>>
      %dma_wait3A_329 = tpu.memref_squeeze %dma_wait3A_328 : memref<1x80x128xf32, #tpu.memory_space<hbm>> -> memref<80x128xf32, #tpu.memory_space<hbm>>
      %dma_wait3A_330 = arith.constant 0 : i32
      %dma_wait3A_331 = arith.constant 0 : i32
      %dma_wait3A_332 = tpu.memref_slice %arg9[%dma_wait3A_330, %dma_wait3A_331] : memref<96x128xf32, #tpu.memory_space<vmem>> -> memref<80x128xf32, #tpu.memory_space<vmem>>
      tpu.wait_dma2 semaphore(%arg12 : memref<!tpu.dma_semaphore, #tpu.memory_space<semaphore_mem>>) src(%dma_wait3A_332 : memref<80x128xf32, #tpu.memory_space<vmem>>) dst(%dma_wait3A_329 : memref<80x128xf32, #tpu.memory_space<hbm>>)
    } else {
    }
    %lt3A_225 = arith.constant 125 : i32
    %lt3A_226 = arith.cmpi slt, %add3A_215, %lt3A_225 : i32
    %convert_element_type3A_227 = arith.extui %lt3A_226 : i1 to i32
    %cond3A_228 = arith.constant 0 : i32
    %cond3A_229 = arith.cmpi ne, %convert_element_type3A_227, %cond3A_228 : i32
    scf.if %cond3A_229 {
      %mul3A_320 = arith.constant 80 : i32
      %mul3A_321 = arith.muli %add3A_215, %mul3A_320 : i32
      "tpu.region"() ({
        %run_scoped3A_336 = tpu.sem_alloc : memref<!tpu.dma_semaphore, #tpu.memory_space<semaphore_mem>>
        %dma_start3A_337 = arith.constant 0 : i32
        %dma_start3A_338 = arith.constant 0 : i32
        %dma_start3A_339 = tpu.memref_slice %arg9[%dma_start3A_337, %dma_start3A_338] : memref<96x128xf32, #tpu.memory_space<vmem>> -> memref<80x128xf32, #tpu.memory_space<vmem>>
        %dma_start3A_340 = arith.constant 0 : i32
        %dma_start3A_341 = tpu.memref_slice %arg10[%mul3A_321, %dma_start3A_340] : memref<10016x128xf32, #tpu.memory_space<vmem_shared>> -> memref<80x128xf32, #tpu.memory_space<vmem_shared>>
        %dma_start3A_342 = arith.constant 0 : i32
        %dma_start3A_343 = arith.constant 0 : i32
        %dma_start3A_344 = tpu.memref_slice %arg9[%dma_start3A_342, %dma_start3A_343] : memref<96x128xf32, #tpu.memory_space<vmem>> -> memref<80x128xf32, #tpu.memory_space<vmem>>
        %dma_start3A_345 = arith.constant 0 : i32
        %dma_start3A_346 = tpu.memref_slice %arg10[%mul3A_321, %dma_start3A_345] : memref<10016x128xf32, #tpu.memory_space<vmem_shared>> -> memref<80x128xf32, #tpu.memory_space<vmem_shared>>
        tpu.enqueue_dma source(%dma_start3A_346 : memref<80x128xf32, #tpu.memory_space<vmem_shared>>) target(%dma_start3A_344 : memref<80x128xf32, #tpu.memory_space<vmem>>) target_semaphore(%run_scoped3A_336 : memref<!tpu.dma_semaphore, #tpu.memory_space<semaphore_mem>>)
        %dma_wait3A = arith.constant 0 : i32
        %dma_wait3A_347 = arith.constant 0 : i32
        %dma_wait3A_348 = tpu.memref_slice %arg9[%dma_wait3A, %dma_wait3A_347] : memref<96x128xf32, #tpu.memory_space<vmem>> -> memref<80x128xf32, #tpu.memory_space<vmem>>
        %dma_wait3A_349 = arith.constant 0 : i32
        %dma_wait3A_350 = tpu.memref_slice %arg10[%mul3A_321, %dma_wait3A_349] : memref<10016x128xf32, #tpu.memory_space<vmem_shared>> -> memref<80x128xf32, #tpu.memory_space<vmem_shared>>
        %dma_wait3A_351 = arith.constant 0 : i32
        %dma_wait3A_352 = arith.constant 0 : i32
        %dma_wait3A_353 = tpu.memref_slice %arg9[%dma_wait3A_351, %dma_wait3A_352] : memref<96x128xf32, #tpu.memory_space<vmem>> -> memref<80x128xf32, #tpu.memory_space<vmem>>
        %dma_wait3A_354 = arith.constant 0 : i32
        %dma_wait3A_355 = tpu.memref_slice %arg10[%mul3A_321, %dma_wait3A_354] : memref<10016x128xf32, #tpu.memory_space<vmem_shared>> -> memref<80x128xf32, #tpu.memory_space<vmem_shared>>
        tpu.wait_dma2 semaphore(%run_scoped3A_336 : memref<!tpu.dma_semaphore, #tpu.memory_space<semaphore_mem>>) src(%dma_wait3A_355 : memref<80x128xf32, #tpu.memory_space<vmem_shared>>) dst(%dma_wait3A_353 : memref<80x128xf32, #tpu.memory_space<vmem>>)
        tpu.yield
      }) : () -> ()
      %mul3A_322 = arith.constant 80 : i32
      %mul3A_323 = arith.muli %add3A_215, %mul3A_322 : i32
      %dma_start3A_324 = arith.constant 0 : i32
      %dma_start3A_325 = arith.constant 0 : i32
      %dma_start3A_326 = tpu.memref_slice %arg9[%dma_start3A_324, %dma_start3A_325] : memref<96x128xf32, #tpu.memory_space<vmem>> -> memref<80x128xf32, #tpu.memory_space<vmem>>
      %dma_start3A_327 = arith.constant 0 : i32
      %dma_start3A_328 = tpu.memref_slice %arg5[%arg0, %mul3A_323, %dma_start3A_327] : memref<2x10000x128xf32, #tpu.memory_space<hbm>> -> memref<1x80x128xf32, #tpu.memory_space<hbm>>
      %dma_start3A_329 = tpu.memref_squeeze %dma_start3A_328 : memref<1x80x128xf32, #tpu.memory_space<hbm>> -> memref<80x128xf32, #tpu.memory_space<hbm>>
      %dma_start3A_330 = arith.constant 0 : i32
      %dma_start3A_331 = tpu.memref_slice %arg5[%arg0, %mul3A_323, %dma_start3A_330] : memref<2x10000x128xf32, #tpu.memory_space<hbm>> -> memref<1x80x128xf32, #tpu.memory_space<hbm>>
      %dma_start3A_332 = tpu.memref_squeeze %dma_start3A_331 : memref<1x80x128xf32, #tpu.memory_space<hbm>> -> memref<80x128xf32, #tpu.memory_space<hbm>>
      %dma_start3A_333 = arith.constant 0 : i32
      %dma_start3A_334 = arith.constant 0 : i32
      %dma_start3A_335 = tpu.memref_slice %arg9[%dma_start3A_333, %dma_start3A_334] : memref<96x128xf32, #tpu.memory_space<vmem>> -> memref<80x128xf32, #tpu.memory_space<vmem>>
      tpu.enqueue_dma source(%dma_start3A_335 : memref<80x128xf32, #tpu.memory_space<vmem>>) target(%dma_start3A_332 : memref<80x128xf32, #tpu.memory_space<hbm>>) target_semaphore(%arg12 : memref<!tpu.dma_semaphore, #tpu.memory_space<semaphore_mem>>)
    } else {
    }
    %mul3A_230 = arith.constant 8 : i32
    %mul3A_231 = arith.muli %arg1, %mul3A_230 : i32
    %add3A_232 = arith.constant 4 : i32
    %add3A_233 = arith.addi %mul3A_231, %add3A_232 : i32
    %mul3A_234 = arith.constant 8 : i32
    %mul3A_235 = arith.muli %arg1, %mul3A_234 : i32
    %add3A_236 = arith.constant 2 : i32
    %add3A_237 = arith.addi %mul3A_235, %add3A_236 : i32
    %lt3A_238 = arith.constant 125 : i32
    %lt3A_239 = arith.cmpi slt, %add3A_237, %lt3A_238 : i32
    %convert_element_type3A_240 = arith.extui %lt3A_239 : i1 to i32
    %cond3A_241 = arith.constant 0 : i32
    %cond3A_242 = arith.cmpi ne, %convert_element_type3A_240, %cond3A_241 : i32
    scf.if %cond3A_242 {
      %mul3A_320 = arith.constant 80 : i32
      %mul3A_321 = arith.muli %add3A_237, %mul3A_320 : i32
      %dma_wait3A = arith.constant 0 : i32
      %dma_wait3A_322 = arith.constant 0 : i32
      %dma_wait3A_323 = tpu.memref_slice %arg8[%dma_wait3A, %dma_wait3A_322] : memref<96x128xf32, #tpu.memory_space<vmem>> -> memref<80x128xf32, #tpu.memory_space<vmem>>
      %dma_wait3A_324 = arith.constant 0 : i32
      %dma_wait3A_325 = tpu.memref_slice %arg5[%arg0, %mul3A_321, %dma_wait3A_324] : memref<2x10000x128xf32, #tpu.memory_space<hbm>> -> memref<1x80x128xf32, #tpu.memory_space<hbm>>
      %dma_wait3A_326 = tpu.memref_squeeze %dma_wait3A_325 : memref<1x80x128xf32, #tpu.memory_space<hbm>> -> memref<80x128xf32, #tpu.memory_space<hbm>>
      %dma_wait3A_327 = arith.constant 0 : i32
      %dma_wait3A_328 = tpu.memref_slice %arg5[%arg0, %mul3A_321, %dma_wait3A_327] : memref<2x10000x128xf32, #tpu.memory_space<hbm>> -> memref<1x80x128xf32, #tpu.memory_space<hbm>>
      %dma_wait3A_329 = tpu.memref_squeeze %dma_wait3A_328 : memref<1x80x128xf32, #tpu.memory_space<hbm>> -> memref<80x128xf32, #tpu.memory_space<hbm>>
      %dma_wait3A_330 = arith.constant 0 : i32
      %dma_wait3A_331 = arith.constant 0 : i32
      %dma_wait3A_332 = tpu.memref_slice %arg8[%dma_wait3A_330, %dma_wait3A_331] : memref<96x128xf32, #tpu.memory_space<vmem>> -> memref<80x128xf32, #tpu.memory_space<vmem>>
      tpu.wait_dma2 semaphore(%arg11 : memref<!tpu.dma_semaphore, #tpu.memory_space<semaphore_mem>>) src(%dma_wait3A_332 : memref<80x128xf32, #tpu.memory_space<vmem>>) dst(%dma_wait3A_329 : memref<80x128xf32, #tpu.memory_space<hbm>>)
    } else {
    }
    %lt3A_243 = arith.constant 125 : i32
    %lt3A_244 = arith.cmpi slt, %add3A_233, %lt3A_243 : i32
    %convert_element_type3A_245 = arith.extui %lt3A_244 : i1 to i32
    %cond3A_246 = arith.constant 0 : i32
    %cond3A_247 = arith.cmpi ne, %convert_element_type3A_245, %cond3A_246 : i32
    scf.if %cond3A_247 {
      %mul3A_320 = arith.constant 80 : i32
      %mul3A_321 = arith.muli %add3A_233, %mul3A_320 : i32
      "tpu.region"() ({
        %run_scoped3A_336 = tpu.sem_alloc : memref<!tpu.dma_semaphore, #tpu.memory_space<semaphore_mem>>
        %dma_start3A_337 = arith.constant 0 : i32
        %dma_start3A_338 = arith.constant 0 : i32
        %dma_start3A_339 = tpu.memref_slice %arg8[%dma_start3A_337, %dma_start3A_338] : memref<96x128xf32, #tpu.memory_space<vmem>> -> memref<80x128xf32, #tpu.memory_space<vmem>>
        %dma_start3A_340 = arith.constant 0 : i32
        %dma_start3A_341 = tpu.memref_slice %arg10[%mul3A_321, %dma_start3A_340] : memref<10016x128xf32, #tpu.memory_space<vmem_shared>> -> memref<80x128xf32, #tpu.memory_space<vmem_shared>>
        %dma_start3A_342 = arith.constant 0 : i32
        %dma_start3A_343 = arith.constant 0 : i32
        %dma_start3A_344 = tpu.memref_slice %arg8[%dma_start3A_342, %dma_start3A_343] : memref<96x128xf32, #tpu.memory_space<vmem>> -> memref<80x128xf32, #tpu.memory_space<vmem>>
        %dma_start3A_345 = arith.constant 0 : i32
        %dma_start3A_346 = tpu.memref_slice %arg10[%mul3A_321, %dma_start3A_345] : memref<10016x128xf32, #tpu.memory_space<vmem_shared>> -> memref<80x128xf32, #tpu.memory_space<vmem_shared>>
        tpu.enqueue_dma source(%dma_start3A_346 : memref<80x128xf32, #tpu.memory_space<vmem_shared>>) target(%dma_start3A_344 : memref<80x128xf32, #tpu.memory_space<vmem>>) target_semaphore(%run_scoped3A_336 : memref<!tpu.dma_semaphore, #tpu.memory_space<semaphore_mem>>)
        %dma_wait3A = arith.constant 0 : i32
        %dma_wait3A_347 = arith.constant 0 : i32
        %dma_wait3A_348 = tpu.memref_slice %arg8[%dma_wait3A, %dma_wait3A_347] : memref<96x128xf32, #tpu.memory_space<vmem>> -> memref<80x128xf32, #tpu.memory_space<vmem>>
        %dma_wait3A_349 = arith.constant 0 : i32
        %dma_wait3A_350 = tpu.memref_slice %arg10[%mul3A_321, %dma_wait3A_349] : memref<10016x128xf32, #tpu.memory_space<vmem_shared>> -> memref<80x128xf32, #tpu.memory_space<vmem_shared>>
        %dma_wait3A_351 = arith.constant 0 : i32
        %dma_wait3A_352 = arith.constant 0 : i32
        %dma_wait3A_353 = tpu.memref_slice %arg8[%dma_wait3A_351, %dma_wait3A_352] : memref<96x128xf32, #tpu.memory_space<vmem>> -> memref<80x128xf32, #tpu.memory_space<vmem>>
        %dma_wait3A_354 = arith.constant 0 : i32
        %dma_wait3A_355 = tpu.memref_slice %arg10[%mul3A_321, %dma_wait3A_354] : memref<10016x128xf32, #tpu.memory_space<vmem_shared>> -> memref<80x128xf32, #tpu.memory_space<vmem_shared>>
        tpu.wait_dma2 semaphore(%run_scoped3A_336 : memref<!tpu.dma_semaphore, #tpu.memory_space<semaphore_mem>>) src(%dma_wait3A_355 : memref<80x128xf32, #tpu.memory_space<vmem_shared>>) dst(%dma_wait3A_353 : memref<80x128xf32, #tpu.memory_space<vmem>>)
        tpu.yield
      }) : () -> ()
      %mul3A_322 = arith.constant 80 : i32
      %mul3A_323 = arith.muli %add3A_233, %mul3A_322 : i32
      %dma_start3A_324 = arith.constant 0 : i32
      %dma_start3A_325 = arith.constant 0 : i32
      %dma_start3A_326 = tpu.memref_slice %arg8[%dma_start3A_324, %dma_start3A_325] : memref<96x128xf32, #tpu.memory_space<vmem>> -> memref<80x128xf32, #tpu.memory_space<vmem>>
      %dma_start3A_327 = arith.constant 0 : i32
      %dma_start3A_328 = tpu.memref_slice %arg5[%arg0, %mul3A_323, %dma_start3A_327] : memref<2x10000x128xf32, #tpu.memory_space<hbm>> -> memref<1x80x128xf32, #tpu.memory_space<hbm>>
      %dma_start3A_329 = tpu.memref_squeeze %dma_start3A_328 : memref<1x80x128xf32, #tpu.memory_space<hbm>> -> memref<80x128xf32, #tpu.memory_space<hbm>>
      %dma_start3A_330 = arith.constant 0 : i32
      %dma_start3A_331 = tpu.memref_slice %arg5[%arg0, %mul3A_323, %dma_start3A_330] : memref<2x10000x128xf32, #tpu.memory_space<hbm>> -> memref<1x80x128xf32, #tpu.memory_space<hbm>>
      %dma_start3A_332 = tpu.memref_squeeze %dma_start3A_331 : memref<1x80x128xf32, #tpu.memory_space<hbm>> -> memref<80x128xf32, #tpu.memory_space<hbm>>
      %dma_start3A_333 = arith.constant 0 : i32
      %dma_start3A_334 = arith.constant 0 : i32
      %dma_start3A_335 = tpu.memref_slice %arg8[%dma_start3A_333, %dma_start3A_334] : memref<96x128xf32, #tpu.memory_space<vmem>> -> memref<80x128xf32, #tpu.memory_space<vmem>>
      tpu.enqueue_dma source(%dma_start3A_335 : memref<80x128xf32, #tpu.memory_space<vmem>>) target(%dma_start3A_332 : memref<80x128xf32, #tpu.memory_space<hbm>>) target_semaphore(%arg11 : memref<!tpu.dma_semaphore, #tpu.memory_space<semaphore_mem>>)
    } else {
    }
    %mul3A_248 = arith.constant 8 : i32
    %mul3A_249 = arith.muli %arg1, %mul3A_248 : i32
    %add3A_250 = arith.constant 5 : i32
    %add3A_251 = arith.addi %mul3A_249, %add3A_250 : i32
    %mul3A_252 = arith.constant 8 : i32
    %mul3A_253 = arith.muli %arg1, %mul3A_252 : i32
    %add3A_254 = arith.constant 3 : i32
    %add3A_255 = arith.addi %mul3A_253, %add3A_254 : i32
    %lt3A_256 = arith.constant 125 : i32
    %lt3A_257 = arith.cmpi slt, %add3A_255, %lt3A_256 : i32
    %convert_element_type3A_258 = arith.extui %lt3A_257 : i1 to i32
    %cond3A_259 = arith.constant 0 : i32
    %cond3A_260 = arith.cmpi ne, %convert_element_type3A_258, %cond3A_259 : i32
    scf.if %cond3A_260 {
      %mul3A_320 = arith.constant 80 : i32
      %mul3A_321 = arith.muli %add3A_255, %mul3A_320 : i32
      %dma_wait3A = arith.constant 0 : i32
      %dma_wait3A_322 = arith.constant 0 : i32
      %dma_wait3A_323 = tpu.memref_slice %arg9[%dma_wait3A, %dma_wait3A_322] : memref<96x128xf32, #tpu.memory_space<vmem>> -> memref<80x128xf32, #tpu.memory_space<vmem>>
      %dma_wait3A_324 = arith.constant 0 : i32
      %dma_wait3A_325 = tpu.memref_slice %arg5[%arg0, %mul3A_321, %dma_wait3A_324] : memref<2x10000x128xf32, #tpu.memory_space<hbm>> -> memref<1x80x128xf32, #tpu.memory_space<hbm>>
      %dma_wait3A_326 = tpu.memref_squeeze %dma_wait3A_325 : memref<1x80x128xf32, #tpu.memory_space<hbm>> -> memref<80x128xf32, #tpu.memory_space<hbm>>
      %dma_wait3A_327 = arith.constant 0 : i32
      %dma_wait3A_328 = tpu.memref_slice %arg5[%arg0, %mul3A_321, %dma_wait3A_327] : memref<2x10000x128xf32, #tpu.memory_space<hbm>> -> memref<1x80x128xf32, #tpu.memory_space<hbm>>
      %dma_wait3A_329 = tpu.memref_squeeze %dma_wait3A_328 : memref<1x80x128xf32, #tpu.memory_space<hbm>> -> memref<80x128xf32, #tpu.memory_space<hbm>>
      %dma_wait3A_330 = arith.constant 0 : i32
      %dma_wait3A_331 = arith.constant 0 : i32
      %dma_wait3A_332 = tpu.memref_slice %arg9[%dma_wait3A_330, %dma_wait3A_331] : memref<96x128xf32, #tpu.memory_space<vmem>> -> memref<80x128xf32, #tpu.memory_space<vmem>>
      tpu.wait_dma2 semaphore(%arg12 : memref<!tpu.dma_semaphore, #tpu.memory_space<semaphore_mem>>) src(%dma_wait3A_332 : memref<80x128xf32, #tpu.memory_space<vmem>>) dst(%dma_wait3A_329 : memref<80x128xf32, #tpu.memory_space<hbm>>)
    } else {
    }
    %lt3A_261 = arith.constant 125 : i32
    %lt3A_262 = arith.cmpi slt, %add3A_251, %lt3A_261 : i32
    %convert_element_type3A_263 = arith.extui %lt3A_262 : i1 to i32
    %cond3A_264 = arith.constant 0 : i32
    %cond3A_265 = arith.cmpi ne, %convert_element_type3A_263, %cond3A_264 : i32
    scf.if %cond3A_265 {
      %mul3A_320 = arith.constant 80 : i32
      %mul3A_321 = arith.muli %add3A_251, %mul3A_320 : i32
      "tpu.region"() ({
        %run_scoped3A_336 = tpu.sem_alloc : memref<!tpu.dma_semaphore, #tpu.memory_space<semaphore_mem>>
        %dma_start3A_337 = arith.constant 0 : i32
        %dma_start3A_338 = arith.constant 0 : i32
        %dma_start3A_339 = tpu.memref_slice %arg9[%dma_start3A_337, %dma_start3A_338] : memref<96x128xf32, #tpu.memory_space<vmem>> -> memref<80x128xf32, #tpu.memory_space<vmem>>
        %dma_start3A_340 = arith.constant 0 : i32
        %dma_start3A_341 = tpu.memref_slice %arg10[%mul3A_321, %dma_start3A_340] : memref<10016x128xf32, #tpu.memory_space<vmem_shared>> -> memref<80x128xf32, #tpu.memory_space<vmem_shared>>
        %dma_start3A_342 = arith.constant 0 : i32
        %dma_start3A_343 = arith.constant 0 : i32
        %dma_start3A_344 = tpu.memref_slice %arg9[%dma_start3A_342, %dma_start3A_343] : memref<96x128xf32, #tpu.memory_space<vmem>> -> memref<80x128xf32, #tpu.memory_space<vmem>>
        %dma_start3A_345 = arith.constant 0 : i32
        %dma_start3A_346 = tpu.memref_slice %arg10[%mul3A_321, %dma_start3A_345] : memref<10016x128xf32, #tpu.memory_space<vmem_shared>> -> memref<80x128xf32, #tpu.memory_space<vmem_shared>>
        tpu.enqueue_dma source(%dma_start3A_346 : memref<80x128xf32, #tpu.memory_space<vmem_shared>>) target(%dma_start3A_344 : memref<80x128xf32, #tpu.memory_space<vmem>>) target_semaphore(%run_scoped3A_336 : memref<!tpu.dma_semaphore, #tpu.memory_space<semaphore_mem>>)
        %dma_wait3A = arith.constant 0 : i32
        %dma_wait3A_347 = arith.constant 0 : i32
        %dma_wait3A_348 = tpu.memref_slice %arg9[%dma_wait3A, %dma_wait3A_347] : memref<96x128xf32, #tpu.memory_space<vmem>> -> memref<80x128xf32, #tpu.memory_space<vmem>>
        %dma_wait3A_349 = arith.constant 0 : i32
        %dma_wait3A_350 = tpu.memref_slice %arg10[%mul3A_321, %dma_wait3A_349] : memref<10016x128xf32, #tpu.memory_space<vmem_shared>> -> memref<80x128xf32, #tpu.memory_space<vmem_shared>>
        %dma_wait3A_351 = arith.constant 0 : i32
        %dma_wait3A_352 = arith.constant 0 : i32
        %dma_wait3A_353 = tpu.memref_slice %arg9[%dma_wait3A_351, %dma_wait3A_352] : memref<96x128xf32, #tpu.memory_space<vmem>> -> memref<80x128xf32, #tpu.memory_space<vmem>>
        %dma_wait3A_354 = arith.constant 0 : i32
        %dma_wait3A_355 = tpu.memref_slice %arg10[%mul3A_321, %dma_wait3A_354] : memref<10016x128xf32, #tpu.memory_space<vmem_shared>> -> memref<80x128xf32, #tpu.memory_space<vmem_shared>>
        tpu.wait_dma2 semaphore(%run_scoped3A_336 : memref<!tpu.dma_semaphore, #tpu.memory_space<semaphore_mem>>) src(%dma_wait3A_355 : memref<80x128xf32, #tpu.memory_space<vmem_shared>>) dst(%dma_wait3A_353 : memref<80x128xf32, #tpu.memory_space<vmem>>)
        tpu.yield
      }) : () -> ()
      %mul3A_322 = arith.constant 80 : i32
      %mul3A_323 = arith.muli %add3A_251, %mul3A_322 : i32
      %dma_start3A_324 = arith.constant 0 : i32
      %dma_start3A_325 = arith.constant 0 : i32
      %dma_start3A_326 = tpu.memref_slice %arg9[%dma_start3A_324, %dma_start3A_325] : memref<96x128xf32, #tpu.memory_space<vmem>> -> memref<80x128xf32, #tpu.memory_space<vmem>>
      %dma_start3A_327 = arith.constant 0 : i32
      %dma_start3A_328 = tpu.memref_slice %arg5[%arg0, %mul3A_323, %dma_start3A_327] : memref<2x10000x128xf32, #tpu.memory_space<hbm>> -> memref<1x80x128xf32, #tpu.memory_space<hbm>>
      %dma_start3A_329 = tpu.memref_squeeze %dma_start3A_328 : memref<1x80x128xf32, #tpu.memory_space<hbm>> -> memref<80x128xf32, #tpu.memory_space<hbm>>
      %dma_start3A_330 = arith.constant 0 : i32
      %dma_start3A_331 = tpu.memref_slice %arg5[%arg0, %mul3A_323, %dma_start3A_330] : memref<2x10000x128xf32, #tpu.memory_space<hbm>> -> memref<1x80x128xf32, #tpu.memory_space<hbm>>
      %dma_start3A_332 = tpu.memref_squeeze %dma_start3A_331 : memref<1x80x128xf32, #tpu.memory_space<hbm>> -> memref<80x128xf32, #tpu.memory_space<hbm>>
      %dma_start3A_333 = arith.constant 0 : i32
      %dma_start3A_334 = arith.constant 0 : i32
      %dma_start3A_335 = tpu.memref_slice %arg9[%dma_start3A_333, %dma_start3A_334] : memref<96x128xf32, #tpu.memory_space<vmem>> -> memref<80x128xf32, #tpu.memory_space<vmem>>
      tpu.enqueue_dma source(%dma_start3A_335 : memref<80x128xf32, #tpu.memory_space<vmem>>) target(%dma_start3A_332 : memref<80x128xf32, #tpu.memory_space<hbm>>) target_semaphore(%arg12 : memref<!tpu.dma_semaphore, #tpu.memory_space<semaphore_mem>>)
    } else {
    }
    %mul3A_266 = arith.constant 8 : i32
    %mul3A_267 = arith.muli %arg1, %mul3A_266 : i32
    %add3A_268 = arith.constant 6 : i32
    %add3A_269 = arith.addi %mul3A_267, %add3A_268 : i32
    %mul3A_270 = arith.constant 8 : i32
    %mul3A_271 = arith.muli %arg1, %mul3A_270 : i32
    %add3A_272 = arith.constant 4 : i32
    %add3A_273 = arith.addi %mul3A_271, %add3A_272 : i32
    %lt3A_274 = arith.constant 125 : i32
    %lt3A_275 = arith.cmpi slt, %add3A_273, %lt3A_274 : i32
    %convert_element_type3A_276 = arith.extui %lt3A_275 : i1 to i32
    %cond3A_277 = arith.constant 0 : i32
    %cond3A_278 = arith.cmpi ne, %convert_element_type3A_276, %cond3A_277 : i32
    scf.if %cond3A_278 {
      %mul3A_320 = arith.constant 80 : i32
      %mul3A_321 = arith.muli %add3A_273, %mul3A_320 : i32
      %dma_wait3A = arith.constant 0 : i32
      %dma_wait3A_322 = arith.constant 0 : i32
      %dma_wait3A_323 = tpu.memref_slice %arg8[%dma_wait3A, %dma_wait3A_322] : memref<96x128xf32, #tpu.memory_space<vmem>> -> memref<80x128xf32, #tpu.memory_space<vmem>>
      %dma_wait3A_324 = arith.constant 0 : i32
      %dma_wait3A_325 = tpu.memref_slice %arg5[%arg0, %mul3A_321, %dma_wait3A_324] : memref<2x10000x128xf32, #tpu.memory_space<hbm>> -> memref<1x80x128xf32, #tpu.memory_space<hbm>>
      %dma_wait3A_326 = tpu.memref_squeeze %dma_wait3A_325 : memref<1x80x128xf32, #tpu.memory_space<hbm>> -> memref<80x128xf32, #tpu.memory_space<hbm>>
      %dma_wait3A_327 = arith.constant 0 : i32
      %dma_wait3A_328 = tpu.memref_slice %arg5[%arg0, %mul3A_321, %dma_wait3A_327] : memref<2x10000x128xf32, #tpu.memory_space<hbm>> -> memref<1x80x128xf32, #tpu.memory_space<hbm>>
      %dma_wait3A_329 = tpu.memref_squeeze %dma_wait3A_328 : memref<1x80x128xf32, #tpu.memory_space<hbm>> -> memref<80x128xf32, #tpu.memory_space<hbm>>
      %dma_wait3A_330 = arith.constant 0 : i32
      %dma_wait3A_331 = arith.constant 0 : i32
      %dma_wait3A_332 = tpu.memref_slice %arg8[%dma_wait3A_330, %dma_wait3A_331] : memref<96x128xf32, #tpu.memory_space<vmem>> -> memref<80x128xf32, #tpu.memory_space<vmem>>
      tpu.wait_dma2 semaphore(%arg11 : memref<!tpu.dma_semaphore, #tpu.memory_space<semaphore_mem>>) src(%dma_wait3A_332 : memref<80x128xf32, #tpu.memory_space<vmem>>) dst(%dma_wait3A_329 : memref<80x128xf32, #tpu.memory_space<hbm>>)
    } else {
    }
    %lt3A_279 = arith.constant 125 : i32
    %lt3A_280 = arith.cmpi slt, %add3A_269, %lt3A_279 : i32
    %convert_element_type3A_281 = arith.extui %lt3A_280 : i1 to i32
    %cond3A_282 = arith.constant 0 : i32
    %cond3A_283 = arith.cmpi ne, %convert_element_type3A_281, %cond3A_282 : i32
    scf.if %cond3A_283 {
      %mul3A_320 = arith.constant 80 : i32
      %mul3A_321 = arith.muli %add3A_269, %mul3A_320 : i32
      "tpu.region"() ({
        %run_scoped3A_336 = tpu.sem_alloc : memref<!tpu.dma_semaphore, #tpu.memory_space<semaphore_mem>>
        %dma_start3A_337 = arith.constant 0 : i32
        %dma_start3A_338 = arith.constant 0 : i32
        %dma_start3A_339 = tpu.memref_slice %arg8[%dma_start3A_337, %dma_start3A_338] : memref<96x128xf32, #tpu.memory_space<vmem>> -> memref<80x128xf32, #tpu.memory_space<vmem>>
        %dma_start3A_340 = arith.constant 0 : i32
        %dma_start3A_341 = tpu.memref_slice %arg10[%mul3A_321, %dma_start3A_340] : memref<10016x128xf32, #tpu.memory_space<vmem_shared>> -> memref<80x128xf32, #tpu.memory_space<vmem_shared>>
        %dma_start3A_342 = arith.constant 0 : i32
        %dma_start3A_343 = arith.constant 0 : i32
        %dma_start3A_344 = tpu.memref_slice %arg8[%dma_start3A_342, %dma_start3A_343] : memref<96x128xf32, #tpu.memory_space<vmem>> -> memref<80x128xf32, #tpu.memory_space<vmem>>
        %dma_start3A_345 = arith.constant 0 : i32
        %dma_start3A_346 = tpu.memref_slice %arg10[%mul3A_321, %dma_start3A_345] : memref<10016x128xf32, #tpu.memory_space<vmem_shared>> -> memref<80x128xf32, #tpu.memory_space<vmem_shared>>
        tpu.enqueue_dma source(%dma_start3A_346 : memref<80x128xf32, #tpu.memory_space<vmem_shared>>) target(%dma_start3A_344 : memref<80x128xf32, #tpu.memory_space<vmem>>) target_semaphore(%run_scoped3A_336 : memref<!tpu.dma_semaphore, #tpu.memory_space<semaphore_mem>>)
        %dma_wait3A = arith.constant 0 : i32
        %dma_wait3A_347 = arith.constant 0 : i32
        %dma_wait3A_348 = tpu.memref_slice %arg8[%dma_wait3A, %dma_wait3A_347] : memref<96x128xf32, #tpu.memory_space<vmem>> -> memref<80x128xf32, #tpu.memory_space<vmem>>
        %dma_wait3A_349 = arith.constant 0 : i32
        %dma_wait3A_350 = tpu.memref_slice %arg10[%mul3A_321, %dma_wait3A_349] : memref<10016x128xf32, #tpu.memory_space<vmem_shared>> -> memref<80x128xf32, #tpu.memory_space<vmem_shared>>
        %dma_wait3A_351 = arith.constant 0 : i32
        %dma_wait3A_352 = arith.constant 0 : i32
        %dma_wait3A_353 = tpu.memref_slice %arg8[%dma_wait3A_351, %dma_wait3A_352] : memref<96x128xf32, #tpu.memory_space<vmem>> -> memref<80x128xf32, #tpu.memory_space<vmem>>
        %dma_wait3A_354 = arith.constant 0 : i32
        %dma_wait3A_355 = tpu.memref_slice %arg10[%mul3A_321, %dma_wait3A_354] : memref<10016x128xf32, #tpu.memory_space<vmem_shared>> -> memref<80x128xf32, #tpu.memory_space<vmem_shared>>
        tpu.wait_dma2 semaphore(%run_scoped3A_336 : memref<!tpu.dma_semaphore, #tpu.memory_space<semaphore_mem>>) src(%dma_wait3A_355 : memref<80x128xf32, #tpu.memory_space<vmem_shared>>) dst(%dma_wait3A_353 : memref<80x128xf32, #tpu.memory_space<vmem>>)
        tpu.yield
      }) : () -> ()
      %mul3A_322 = arith.constant 80 : i32
      %mul3A_323 = arith.muli %add3A_269, %mul3A_322 : i32
      %dma_start3A_324 = arith.constant 0 : i32
      %dma_start3A_325 = arith.constant 0 : i32
      %dma_start3A_326 = tpu.memref_slice %arg8[%dma_start3A_324, %dma_start3A_325] : memref<96x128xf32, #tpu.memory_space<vmem>> -> memref<80x128xf32, #tpu.memory_space<vmem>>
      %dma_start3A_327 = arith.constant 0 : i32
      %dma_start3A_328 = tpu.memref_slice %arg5[%arg0, %mul3A_323, %dma_start3A_327] : memref<2x10000x128xf32, #tpu.memory_space<hbm>> -> memref<1x80x128xf32, #tpu.memory_space<hbm>>
      %dma_start3A_329 = tpu.memref_squeeze %dma_start3A_328 : memref<1x80x128xf32, #tpu.memory_space<hbm>> -> memref<80x128xf32, #tpu.memory_space<hbm>>
      %dma_start3A_330 = arith.constant 0 : i32
      %dma_start3A_331 = tpu.memref_slice %arg5[%arg0, %mul3A_323, %dma_start3A_330] : memref<2x10000x128xf32, #tpu.memory_space<hbm>> -> memref<1x80x128xf32, #tpu.memory_space<hbm>>
      %dma_start3A_332 = tpu.memref_squeeze %dma_start3A_331 : memref<1x80x128xf32, #tpu.memory_space<hbm>> -> memref<80x128xf32, #tpu.memory_space<hbm>>
      %dma_start3A_333 = arith.constant 0 : i32
      %dma_start3A_334 = arith.constant 0 : i32
      %dma_start3A_335 = tpu.memref_slice %arg8[%dma_start3A_333, %dma_start3A_334] : memref<96x128xf32, #tpu.memory_space<vmem>> -> memref<80x128xf32, #tpu.memory_space<vmem>>
      tpu.enqueue_dma source(%dma_start3A_335 : memref<80x128xf32, #tpu.memory_space<vmem>>) target(%dma_start3A_332 : memref<80x128xf32, #tpu.memory_space<hbm>>) target_semaphore(%arg11 : memref<!tpu.dma_semaphore, #tpu.memory_space<semaphore_mem>>)
    } else {
    }
    %mul3A_284 = arith.constant 8 : i32
    %mul3A_285 = arith.muli %arg1, %mul3A_284 : i32
    %add3A_286 = arith.constant 7 : i32
    %add3A_287 = arith.addi %mul3A_285, %add3A_286 : i32
    %mul3A_288 = arith.constant 8 : i32
    %mul3A_289 = arith.muli %arg1, %mul3A_288 : i32
    %add3A_290 = arith.constant 5 : i32
    %add3A_291 = arith.addi %mul3A_289, %add3A_290 : i32
    %lt3A_292 = arith.constant 125 : i32
    %lt3A_293 = arith.cmpi slt, %add3A_291, %lt3A_292 : i32
    %convert_element_type3A_294 = arith.extui %lt3A_293 : i1 to i32
    %cond3A_295 = arith.constant 0 : i32
    %cond3A_296 = arith.cmpi ne, %convert_element_type3A_294, %cond3A_295 : i32
    scf.if %cond3A_296 {
      %mul3A_320 = arith.constant 80 : i32
      %mul3A_321 = arith.muli %add3A_291, %mul3A_320 : i32
      %dma_wait3A = arith.constant 0 : i32
      %dma_wait3A_322 = arith.constant 0 : i32
      %dma_wait3A_323 = tpu.memref_slice %arg9[%dma_wait3A, %dma_wait3A_322] : memref<96x128xf32, #tpu.memory_space<vmem>> -> memref<80x128xf32, #tpu.memory_space<vmem>>
      %dma_wait3A_324 = arith.constant 0 : i32
      %dma_wait3A_325 = tpu.memref_slice %arg5[%arg0, %mul3A_321, %dma_wait3A_324] : memref<2x10000x128xf32, #tpu.memory_space<hbm>> -> memref<1x80x128xf32, #tpu.memory_space<hbm>>
      %dma_wait3A_326 = tpu.memref_squeeze %dma_wait3A_325 : memref<1x80x128xf32, #tpu.memory_space<hbm>> -> memref<80x128xf32, #tpu.memory_space<hbm>>
      %dma_wait3A_327 = arith.constant 0 : i32
      %dma_wait3A_328 = tpu.memref_slice %arg5[%arg0, %mul3A_321, %dma_wait3A_327] : memref<2x10000x128xf32, #tpu.memory_space<hbm>> -> memref<1x80x128xf32, #tpu.memory_space<hbm>>
      %dma_wait3A_329 = tpu.memref_squeeze %dma_wait3A_328 : memref<1x80x128xf32, #tpu.memory_space<hbm>> -> memref<80x128xf32, #tpu.memory_space<hbm>>
      %dma_wait3A_330 = arith.constant 0 : i32
      %dma_wait3A_331 = arith.constant 0 : i32
      %dma_wait3A_332 = tpu.memref_slice %arg9[%dma_wait3A_330, %dma_wait3A_331] : memref<96x128xf32, #tpu.memory_space<vmem>> -> memref<80x128xf32, #tpu.memory_space<vmem>>
      tpu.wait_dma2 semaphore(%arg12 : memref<!tpu.dma_semaphore, #tpu.memory_space<semaphore_mem>>) src(%dma_wait3A_332 : memref<80x128xf32, #tpu.memory_space<vmem>>) dst(%dma_wait3A_329 : memref<80x128xf32, #tpu.memory_space<hbm>>)
    } else {
    }
    %lt3A_297 = arith.constant 125 : i32
    %lt3A_298 = arith.cmpi slt, %add3A_287, %lt3A_297 : i32
    %convert_element_type3A_299 = arith.extui %lt3A_298 : i1 to i32
    %cond3A_300 = arith.constant 0 : i32
    %cond3A_301 = arith.cmpi ne, %convert_element_type3A_299, %cond3A_300 : i32
    scf.if %cond3A_301 {
      %mul3A_320 = arith.constant 80 : i32
      %mul3A_321 = arith.muli %add3A_287, %mul3A_320 : i32
      "tpu.region"() ({
        %run_scoped3A_336 = tpu.sem_alloc : memref<!tpu.dma_semaphore, #tpu.memory_space<semaphore_mem>>
        %dma_start3A_337 = arith.constant 0 : i32
        %dma_start3A_338 = arith.constant 0 : i32
        %dma_start3A_339 = tpu.memref_slice %arg9[%dma_start3A_337, %dma_start3A_338] : memref<96x128xf32, #tpu.memory_space<vmem>> -> memref<80x128xf32, #tpu.memory_space<vmem>>
        %dma_start3A_340 = arith.constant 0 : i32
        %dma_start3A_341 = tpu.memref_slice %arg10[%mul3A_321, %dma_start3A_340] : memref<10016x128xf32, #tpu.memory_space<vmem_shared>> -> memref<80x128xf32, #tpu.memory_space<vmem_shared>>
        %dma_start3A_342 = arith.constant 0 : i32
        %dma_start3A_343 = arith.constant 0 : i32
        %dma_start3A_344 = tpu.memref_slice %arg9[%dma_start3A_342, %dma_start3A_343] : memref<96x128xf32, #tpu.memory_space<vmem>> -> memref<80x128xf32, #tpu.memory_space<vmem>>
        %dma_start3A_345 = arith.constant 0 : i32
        %dma_start3A_346 = tpu.memref_slice %arg10[%mul3A_321, %dma_start3A_345] : memref<10016x128xf32, #tpu.memory_space<vmem_shared>> -> memref<80x128xf32, #tpu.memory_space<vmem_shared>>
        tpu.enqueue_dma source(%dma_start3A_346 : memref<80x128xf32, #tpu.memory_space<vmem_shared>>) target(%dma_start3A_344 : memref<80x128xf32, #tpu.memory_space<vmem>>) target_semaphore(%run_scoped3A_336 : memref<!tpu.dma_semaphore, #tpu.memory_space<semaphore_mem>>)
        %dma_wait3A = arith.constant 0 : i32
        %dma_wait3A_347 = arith.constant 0 : i32
        %dma_wait3A_348 = tpu.memref_slice %arg9[%dma_wait3A, %dma_wait3A_347] : memref<96x128xf32, #tpu.memory_space<vmem>> -> memref<80x128xf32, #tpu.memory_space<vmem>>
        %dma_wait3A_349 = arith.constant 0 : i32
        %dma_wait3A_350 = tpu.memref_slice %arg10[%mul3A_321, %dma_wait3A_349] : memref<10016x128xf32, #tpu.memory_space<vmem_shared>> -> memref<80x128xf32, #tpu.memory_space<vmem_shared>>
        %dma_wait3A_351 = arith.constant 0 : i32
        %dma_wait3A_352 = arith.constant 0 : i32
        %dma_wait3A_353 = tpu.memref_slice %arg9[%dma_wait3A_351, %dma_wait3A_352] : memref<96x128xf32, #tpu.memory_space<vmem>> -> memref<80x128xf32, #tpu.memory_space<vmem>>
        %dma_wait3A_354 = arith.constant 0 : i32
        %dma_wait3A_355 = tpu.memref_slice %arg10[%mul3A_321, %dma_wait3A_354] : memref<10016x128xf32, #tpu.memory_space<vmem_shared>> -> memref<80x128xf32, #tpu.memory_space<vmem_shared>>
        tpu.wait_dma2 semaphore(%run_scoped3A_336 : memref<!tpu.dma_semaphore, #tpu.memory_space<semaphore_mem>>) src(%dma_wait3A_355 : memref<80x128xf32, #tpu.memory_space<vmem_shared>>) dst(%dma_wait3A_353 : memref<80x128xf32, #tpu.memory_space<vmem>>)
        tpu.yield
      }) : () -> ()
      %mul3A_322 = arith.constant 80 : i32
      %mul3A_323 = arith.muli %add3A_287, %mul3A_322 : i32
      %dma_start3A_324 = arith.constant 0 : i32
      %dma_start3A_325 = arith.constant 0 : i32
      %dma_start3A_326 = tpu.memref_slice %arg9[%dma_start3A_324, %dma_start3A_325] : memref<96x128xf32, #tpu.memory_space<vmem>> -> memref<80x128xf32, #tpu.memory_space<vmem>>
      %dma_start3A_327 = arith.constant 0 : i32
      %dma_start3A_328 = tpu.memref_slice %arg5[%arg0, %mul3A_323, %dma_start3A_327] : memref<2x10000x128xf32, #tpu.memory_space<hbm>> -> memref<1x80x128xf32, #tpu.memory_space<hbm>>
      %dma_start3A_329 = tpu.memref_squeeze %dma_start3A_328 : memref<1x80x128xf32, #tpu.memory_space<hbm>> -> memref<80x128xf32, #tpu.memory_space<hbm>>
      %dma_start3A_330 = arith.constant 0 : i32
      %dma_start3A_331 = tpu.memref_slice %arg5[%arg0, %mul3A_323, %dma_start3A_330] : memref<2x10000x128xf32, #tpu.memory_space<hbm>> -> memref<1x80x128xf32, #tpu.memory_space<hbm>>
      %dma_start3A_332 = tpu.memref_squeeze %dma_start3A_331 : memref<1x80x128xf32, #tpu.memory_space<hbm>> -> memref<80x128xf32, #tpu.memory_space<hbm>>
      %dma_start3A_333 = arith.constant 0 : i32
      %dma_start3A_334 = arith.constant 0 : i32
      %dma_start3A_335 = tpu.memref_slice %arg9[%dma_start3A_333, %dma_start3A_334] : memref<96x128xf32, #tpu.memory_space<vmem>> -> memref<80x128xf32, #tpu.memory_space<vmem>>
      tpu.enqueue_dma source(%dma_start3A_335 : memref<80x128xf32, #tpu.memory_space<vmem>>) target(%dma_start3A_332 : memref<80x128xf32, #tpu.memory_space<hbm>>) target_semaphore(%arg12 : memref<!tpu.dma_semaphore, #tpu.memory_space<semaphore_mem>>)
    } else {
    }
    %mul3A_302 = arith.constant 8 : i32
    %mul3A_303 = arith.muli %arg1, %mul3A_302 : i32
    %add3A_304 = arith.constant 6 : i32
    %add3A_305 = arith.addi %mul3A_303, %add3A_304 : i32
    %lt3A_306 = arith.constant 125 : i32
    %lt3A_307 = arith.cmpi slt, %add3A_305, %lt3A_306 : i32
    %convert_element_type3A_308 = arith.extui %lt3A_307 : i1 to i32
    %cond3A_309 = arith.constant 0 : i32
    %cond3A_310 = arith.cmpi ne, %convert_element_type3A_308, %cond3A_309 : i32
    scf.if %cond3A_310 {
      %mul3A_320 = arith.constant 80 : i32
      %mul3A_321 = arith.muli %add3A_305, %mul3A_320 : i32
      %dma_wait3A = arith.constant 0 : i32
      %dma_wait3A_322 = arith.constant 0 : i32
      %dma_wait3A_323 = tpu.memref_slice %arg8[%dma_wait3A, %dma_wait3A_322] : memref<96x128xf32, #tpu.memory_space<vmem>> -> memref<80x128xf32, #tpu.memory_space<vmem>>
      %dma_wait3A_324 = arith.constant 0 : i32
      %dma_wait3A_325 = tpu.memref_slice %arg5[%arg0, %mul3A_321, %dma_wait3A_324] : memref<2x10000x128xf32, #tpu.memory_space<hbm>> -> memref<1x80x128xf32, #tpu.memory_space<hbm>>
      %dma_wait3A_326 = tpu.memref_squeeze %dma_wait3A_325 : memref<1x80x128xf32, #tpu.memory_space<hbm>> -> memref<80x128xf32, #tpu.memory_space<hbm>>
      %dma_wait3A_327 = arith.constant 0 : i32
      %dma_wait3A_328 = tpu.memref_slice %arg5[%arg0, %mul3A_321, %dma_wait3A_327] : memref<2x10000x128xf32, #tpu.memory_space<hbm>> -> memref<1x80x128xf32, #tpu.memory_space<hbm>>
      %dma_wait3A_329 = tpu.memref_squeeze %dma_wait3A_328 : memref<1x80x128xf32, #tpu.memory_space<hbm>> -> memref<80x128xf32, #tpu.memory_space<hbm>>
      %dma_wait3A_330 = arith.constant 0 : i32
      %dma_wait3A_331 = arith.constant 0 : i32
      %dma_wait3A_332 = tpu.memref_slice %arg8[%dma_wait3A_330, %dma_wait3A_331] : memref<96x128xf32, #tpu.memory_space<vmem>> -> memref<80x128xf32, #tpu.memory_space<vmem>>
      tpu.wait_dma2 semaphore(%arg11 : memref<!tpu.dma_semaphore, #tpu.memory_space<semaphore_mem>>) src(%dma_wait3A_332 : memref<80x128xf32, #tpu.memory_space<vmem>>) dst(%dma_wait3A_329 : memref<80x128xf32, #tpu.memory_space<hbm>>)
    } else {
    }
    %mul3A_311 = arith.constant 8 : i32
    %mul3A_312 = arith.muli %arg1, %mul3A_311 : i32
    %add3A_313 = arith.constant 7 : i32
    %add3A_314 = arith.addi %mul3A_312, %add3A_313 : i32
    %lt3A_315 = arith.constant 125 : i32
    %lt3A_316 = arith.cmpi slt, %add3A_314, %lt3A_315 : i32
    %convert_element_type3A_317 = arith.extui %lt3A_316 : i1 to i32
    %cond3A_318 = arith.constant 0 : i32
    %cond3A_319 = arith.cmpi ne, %convert_element_type3A_317, %cond3A_318 : i32
    scf.if %cond3A_319 {
      %mul3A_320 = arith.constant 80 : i32
      %mul3A_321 = arith.muli %add3A_314, %mul3A_320 : i32
      %dma_wait3A = arith.constant 0 : i32
      %dma_wait3A_322 = arith.constant 0 : i32
      %dma_wait3A_323 = tpu.memref_slice %arg9[%dma_wait3A, %dma_wait3A_322] : memref<96x128xf32, #tpu.memory_space<vmem>> -> memref<80x128xf32, #tpu.memory_space<vmem>>
      %dma_wait3A_324 = arith.constant 0 : i32
      %dma_wait3A_325 = tpu.memref_slice %arg5[%arg0, %mul3A_321, %dma_wait3A_324] : memref<2x10000x128xf32, #tpu.memory_space<hbm>> -> memref<1x80x128xf32, #tpu.memory_space<hbm>>
      %dma_wait3A_326 = tpu.memref_squeeze %dma_wait3A_325 : memref<1x80x128xf32, #tpu.memory_space<hbm>> -> memref<80x128xf32, #tpu.memory_space<hbm>>
      %dma_wait3A_327 = arith.constant 0 : i32
      %dma_wait3A_328 = tpu.memref_slice %arg5[%arg0, %mul3A_321, %dma_wait3A_327] : memref<2x10000x128xf32, #tpu.memory_space<hbm>> -> memref<1x80x128xf32, #tpu.memory_space<hbm>>
      %dma_wait3A_329 = tpu.memref_squeeze %dma_wait3A_328 : memref<1x80x128xf32, #tpu.memory_space<hbm>> -> memref<80x128xf32, #tpu.memory_space<hbm>>
      %dma_wait3A_330 = arith.constant 0 : i32
      %dma_wait3A_331 = arith.constant 0 : i32
      %dma_wait3A_332 = tpu.memref_slice %arg9[%dma_wait3A_330, %dma_wait3A_331] : memref<96x128xf32, #tpu.memory_space<vmem>> -> memref<80x128xf32, #tpu.memory_space<vmem>>
      tpu.wait_dma2 semaphore(%arg12 : memref<!tpu.dma_semaphore, #tpu.memory_space<semaphore_mem>>) src(%dma_wait3A_332 : memref<80x128xf32, #tpu.memory_space<vmem>>) dst(%dma_wait3A_329 : memref<80x128xf32, #tpu.memory_space<hbm>>)
    } else {
    }
    return
  }
}

#map = affine_map<(d0, d1) -> (0, 0, 0)>
#map1 = affine_map<(d0, d1) -> (0)>
module attributes {stable_mosaic.version = 14 : i64} {
  func.func @_deg_kernel(%arg0: i32, %arg1: i32, %arg2: memref<32x125x80xi32, #tpu.memory_space<hbm>>, %arg3: memref<20000xf32, #tpu.memory_space<hbm>>, %arg4: memref<125x80xi32, #tpu.memory_space<vmem>>, %arg5: memref<80xf32, #tpu.memory_space<vmem>>, %arg6: memref<2000xf32, #tpu.memory_space<vmem>>, %arg7: memref<10000xf32, #tpu.memory_space<vmem_shared>>) attributes {dimension_semantics = [#tpu.dimension_semantics<core_parallel>, #tpu.dimension_semantics<subcore_parallel>], iteration_bounds = array<i64: 2, 16>, scalar_prefetch = 0 : i64, scratch_operands = 4 : i64, tpu.core_type = #tpu.core_type<sc_vector_subcore>, window_params = [{transform_indices = #map}, {transform_indices = #map1}]} {
    %mul3A = arith.constant 16 : i32
    %mul3A_0 = arith.muli %arg0, %mul3A : i32
    %add3A = arith.addi %mul3A_0, %arg1 : i32
    %scan3A = arith.constant 0 : i32
    %scan3A_1 = arith.constant 0 : i32
    %scan3A_2 = arith.constant 125 : i32
    %scan3A_3 = arith.addi %scan3A_1, %scan3A_2 : i32
    %scan3A_4 = arith.constant 1 : i32
    scf.for %scan3A_48 = %scan3A_1 to %scan3A_3 step %scan3A_4  : i32 {
      %broadcast_in_dim3A_49 = arith.constant 0.000000e+00 : f32
      %broadcast_in_dim3A_50 = vector.broadcast %broadcast_in_dim3A_49 : f32 to vector<16xf32>
      %mul3A_51 = arith.constant 16 : i32
      %mul3A_52 = arith.muli %scan3A_48, %mul3A_51 : i32
      %swap3A_53 = arith.index_cast %mul3A_52 : i32 to index
      %swap3A_54 = tpu.vector_load %arg6[%swap3A_53] {strides = array<i32>} : memref<2000xf32, #tpu.memory_space<vmem>>, vector<16xf32>,
      %swap3A_55 = vector.shape_cast %swap3A_54 : vector<16xf32> to vector<16xf32>
      %swap3A_56 = vector.shape_cast %broadcast_in_dim3A_50 : vector<16xf32> to vector<16xf32>
      tpu.vector_store %arg6[%swap3A_53], %swap3A_56 {strides = array<i32>} : memref<2000xf32, #tpu.memory_space<vmem>>, vector<16xf32>,
    }
    %scan3A_5 = arith.constant 125 : i32
    %lt3A = arith.constant 5 : i32
    %lt3A_6 = arith.cmpi slt, %arg1, %lt3A : i32
    %convert_element_type3A = arith.extui %lt3A_6 : i1 to i32
    %cond3A = arith.constant 0 : i32
    %cond3A_7 = arith.cmpi ne, %convert_element_type3A, %cond3A : i32
    scf.if %cond3A_7 {
      %mul3A_48 = arith.constant 2000 : i32
      %mul3A_49 = arith.muli %arg1, %mul3A_48 : i32
      "tpu.region"() ({
        %run_scoped3A = tpu.sem_alloc : memref<!tpu.dma_semaphore, #tpu.memory_space<semaphore_mem>>
        %dma_start3A = tpu.memref_slice %arg7[%mul3A_49] : memref<10000xf32, #tpu.memory_space<vmem_shared>> -> memref<2000xf32, #tpu.memory_space<vmem_shared>>
        %dma_start3A_50 = tpu.memref_slice %arg7[%mul3A_49] : memref<10000xf32, #tpu.memory_space<vmem_shared>> -> memref<2000xf32, #tpu.memory_space<vmem_shared>>
        tpu.enqueue_dma source(%arg6 : memref<2000xf32, #tpu.memory_space<vmem>>) target(%dma_start3A_50 : memref<2000xf32, #tpu.memory_space<vmem_shared>>) target_semaphore(%run_scoped3A : memref<!tpu.dma_semaphore, #tpu.memory_space<semaphore_mem>>)
        %dma_wait3A = tpu.memref_slice %arg7[%mul3A_49] : memref<10000xf32, #tpu.memory_space<vmem_shared>> -> memref<2000xf32, #tpu.memory_space<vmem_shared>>
        %dma_wait3A_51 = tpu.memref_slice %arg7[%mul3A_49] : memref<10000xf32, #tpu.memory_space<vmem_shared>> -> memref<2000xf32, #tpu.memory_space<vmem_shared>>
        tpu.wait_dma2 semaphore(%run_scoped3A : memref<!tpu.dma_semaphore, #tpu.memory_space<semaphore_mem>>) src(%arg6 : memref<2000xf32, #tpu.memory_space<vmem>>) dst(%dma_wait3A_51 : memref<2000xf32, #tpu.memory_space<vmem_shared>>)
        tpu.yield
      }) : () -> ()
    } else {
    }
    "tpu.region"() ({
      %run_scoped3A = tpu.sem_alloc : memref<!tpu.dma_semaphore, #tpu.memory_space<semaphore_mem>>
      %dma_start3A = arith.constant 0 : i32
      %dma_start3A_48 = arith.constant 0 : i32
      %dma_start3A_49 = tpu.memref_slice %arg2[%add3A, %dma_start3A, %dma_start3A_48] : memref<32x125x80xi32, #tpu.memory_space<hbm>> -> memref<1x125x80xi32, #tpu.memory_space<hbm>>
      %dma_start3A_50 = tpu.memref_squeeze %dma_start3A_49 : memref<1x125x80xi32, #tpu.memory_space<hbm>> -> memref<125x80xi32, #tpu.memory_space<hbm>>
      %dma_start3A_51 = arith.constant 0 : i32
      %dma_start3A_52 = arith.constant 0 : i32
      %dma_start3A_53 = tpu.memref_slice %arg2[%add3A, %dma_start3A_51, %dma_start3A_52] : memref<32x125x80xi32, #tpu.memory_space<hbm>> -> memref<1x125x80xi32, #tpu.memory_space<hbm>>
      %dma_start3A_54 = tpu.memref_squeeze %dma_start3A_53 : memref<1x125x80xi32, #tpu.memory_space<hbm>> -> memref<125x80xi32, #tpu.memory_space<hbm>>
      tpu.enqueue_dma source(%dma_start3A_54 : memref<125x80xi32, #tpu.memory_space<hbm>>) target(%arg4 : memref<125x80xi32, #tpu.memory_space<vmem>>) target_semaphore(%run_scoped3A : memref<!tpu.dma_semaphore, #tpu.memory_space<semaphore_mem>>)
      %dma_wait3A = arith.constant 0 : i32
      %dma_wait3A_55 = arith.constant 0 : i32
      %dma_wait3A_56 = tpu.memref_slice %arg2[%add3A, %dma_wait3A, %dma_wait3A_55] : memref<32x125x80xi32, #tpu.memory_space<hbm>> -> memref<1x125x80xi32, #tpu.memory_space<hbm>>
      %dma_wait3A_57 = tpu.memref_squeeze %dma_wait3A_56 : memref<1x125x80xi32, #tpu.memory_space<hbm>> -> memref<125x80xi32, #tpu.memory_space<hbm>>
      %dma_wait3A_58 = arith.constant 0 : i32
      %dma_wait3A_59 = arith.constant 0 : i32
      %dma_wait3A_60 = tpu.memref_slice %arg2[%add3A, %dma_wait3A_58, %dma_wait3A_59] : memref<32x125x80xi32, #tpu.memory_space<hbm>> -> memref<1x125x80xi32, #tpu.memory_space<hbm>>
      %dma_wait3A_61 = tpu.memref_squeeze %dma_wait3A_60 : memref<1x125x80xi32, #tpu.memory_space<hbm>> -> memref<125x80xi32, #tpu.memory_space<hbm>>
      tpu.wait_dma2 semaphore(%run_scoped3A : memref<!tpu.dma_semaphore, #tpu.memory_space<semaphore_mem>>) src(%dma_wait3A_61 : memref<125x80xi32, #tpu.memory_space<hbm>>) dst(%arg4 : memref<125x80xi32, #tpu.memory_space<vmem>>)
      tpu.yield
    }) : () -> ()
    %broadcast_in_dim3A = arith.constant 1.000000e+00 : f32
    %broadcast_in_dim3A_8 = vector.broadcast %broadcast_in_dim3A : f32 to vector<16xf32>
    %swap3A = arith.constant 0 : index
    %swap3A_9 = tpu.vector_load %arg5[%swap3A] {strides = array<i32>} : memref<80xf32, #tpu.memory_space<vmem>>, vector<16xf32>,
    %swap3A_10 = vector.shape_cast %swap3A_9 : vector<16xf32> to vector<16xf32>
    %swap3A_11 = vector.shape_cast %broadcast_in_dim3A_8 : vector<16xf32> to vector<16xf32>
    tpu.vector_store %arg5[%swap3A], %swap3A_11 {strides = array<i32>} : memref<80xf32, #tpu.memory_space<vmem>>, vector<16xf32>,
    %broadcast_in_dim3A_12 = arith.constant 1.000000e+00 : f32
    %broadcast_in_dim3A_13 = vector.broadcast %broadcast_in_dim3A_12 : f32 to vector<16xf32>
    %swap3A_14 = arith.constant 16 : index
    %swap3A_15 = tpu.vector_load %arg5[%swap3A_14] {strides = array<i32>} : memref<80xf32, #tpu.memory_space<vmem>>, vector<16xf32>,
    %swap3A_16 = vector.shape_cast %swap3A_15 : vector<16xf32> to vector<16xf32>
    %swap3A_17 = vector.shape_cast %broadcast_in_dim3A_13 : vector<16xf32> to vector<16xf32>
    tpu.vector_store %arg5[%swap3A_14], %swap3A_17 {strides = array<i32>} : memref<80xf32, #tpu.memory_space<vmem>>, vector<16xf32>,
    %broadcast_in_dim3A_18 = arith.constant 1.000000e+00 : f32
    %broadcast_in_dim3A_19 = vector.broadcast %broadcast_in_dim3A_18 : f32 to vector<16xf32>
    %swap3A_20 = arith.constant 32 : index
    %swap3A_21 = tpu.vector_load %arg5[%swap3A_20] {strides = array<i32>} : memref<80xf32, #tpu.memory_space<vmem>>, vector<16xf32>,
    %swap3A_22 = vector.shape_cast %swap3A_21 : vector<16xf32> to vector<16xf32>
    %swap3A_23 = vector.shape_cast %broadcast_in_dim3A_19 : vector<16xf32> to vector<16xf32>
    tpu.vector_store %arg5[%swap3A_20], %swap3A_23 {strides = array<i32>} : memref<80xf32, #tpu.memory_space<vmem>>, vector<16xf32>,
    %broadcast_in_dim3A_24 = arith.constant 1.000000e+00 : f32
    %broadcast_in_dim3A_25 = vector.broadcast %broadcast_in_dim3A_24 : f32 to vector<16xf32>
    %swap3A_26 = arith.constant 48 : index
    %swap3A_27 = tpu.vector_load %arg5[%swap3A_26] {strides = array<i32>} : memref<80xf32, #tpu.memory_space<vmem>>, vector<16xf32>,
    %swap3A_28 = vector.shape_cast %swap3A_27 : vector<16xf32> to vector<16xf32>
    %swap3A_29 = vector.shape_cast %broadcast_in_dim3A_25 : vector<16xf32> to vector<16xf32>
    tpu.vector_store %arg5[%swap3A_26], %swap3A_29 {strides = array<i32>} : memref<80xf32, #tpu.memory_space<vmem>>, vector<16xf32>,
    %broadcast_in_dim3A_30 = arith.constant 1.000000e+00 : f32
    %broadcast_in_dim3A_31 = vector.broadcast %broadcast_in_dim3A_30 : f32 to vector<16xf32>
    %swap3A_32 = arith.constant 64 : index
    %swap3A_33 = tpu.vector_load %arg5[%swap3A_32] {strides = array<i32>} : memref<80xf32, #tpu.memory_space<vmem>>, vector<16xf32>,
    %swap3A_34 = vector.shape_cast %swap3A_33 : vector<16xf32> to vector<16xf32>
    %swap3A_35 = vector.shape_cast %broadcast_in_dim3A_31 : vector<16xf32> to vector<16xf32>
    tpu.vector_store %arg5[%swap3A_32], %swap3A_35 {strides = array<i32>} : memref<80xf32, #tpu.memory_space<vmem>>, vector<16xf32>,
    %barrier3A = arith.constant 0 : index
    tpu.barrier barrier_id(%barrier3A)
    %scan3A_36 = arith.constant 0 : i32
    %scan3A_37 = arith.constant 0 : i32
    %scan3A_38 = arith.constant 125 : i32
    %scan3A_39 = arith.addi %scan3A_37, %scan3A_38 : i32
    %scan3A_40 = arith.constant 1 : i32
    scf.for %scan3A_48 = %scan3A_37 to %scan3A_39 step %scan3A_40  : i32 {
      "tpu.region"() ({
        %run_scoped3A = tpu.sem_alloc : memref<!tpu.dma_semaphore, #tpu.memory_space<semaphore_mem>>
        %dma_start3A = arith.constant 0 : i32
        %dma_start3A_49 = tpu.memref_slice %arg4[%scan3A_48, %dma_start3A] : memref<125x80xi32, #tpu.memory_space<vmem>> -> memref<1x80xi32, #tpu.memory_space<vmem>>
        %dma_start3A_50 = tpu.memref_squeeze %dma_start3A_49 : memref<1x80xi32, #tpu.memory_space<vmem>> -> memref<80xi32, #tpu.memory_space<vmem>>
        %dma_start3A_51 = arith.constant 0 : i32
        %dma_start3A_52 = tpu.memref_slice %arg7[%dma_start3A_51] : memref<10000xf32, #tpu.memory_space<vmem_shared>> -> memref<10000xf32, #tpu.memory_space<vmem_shared>>
        tpu.enqueue_indirect_dma source(%arg5 : memref<80xf32, #tpu.memory_space<vmem>>) target(%dma_start3A_52 : memref<10000xf32, #tpu.memory_space<vmem_shared>>) offsets(%dma_start3A_50 : memref<80xi32, #tpu.memory_space<vmem>>) semaphore(%run_scoped3A : memref<!tpu.dma_semaphore, #tpu.memory_space<semaphore_mem>>) {add = true}
        %dma_wait3A = arith.constant 0 : i32
        %dma_wait3A_53 = tpu.memref_slice %arg4[%scan3A_48, %dma_wait3A] : memref<125x80xi32, #tpu.memory_space<vmem>> -> memref<1x80xi32, #tpu.memory_space<vmem>>
        %dma_wait3A_54 = tpu.memref_squeeze %dma_wait3A_53 : memref<1x80xi32, #tpu.memory_space<vmem>> -> memref<80xi32, #tpu.memory_space<vmem>>
        %dma_wait3A_55 = arith.constant 0 : i32
        %dma_wait3A_56 = tpu.memref_slice %arg7[%dma_wait3A_55] : memref<10000xf32, #tpu.memory_space<vmem_shared>> -> memref<10000xf32, #tpu.memory_space<vmem_shared>>
        tpu.wait_indirect_dma semaphore(%run_scoped3A : memref<!tpu.dma_semaphore, #tpu.memory_space<semaphore_mem>>) src(%arg5 : memref<80xf32, #tpu.memory_space<vmem>>) dst(%dma_wait3A_56 : memref<10000xf32, #tpu.memory_space<vmem_shared>>)
        tpu.yield
      }) : () -> ()
    }
    %scan3A_41 = arith.constant 125 : i32
    %barrier3A_42 = arith.constant 0 : index
    tpu.barrier barrier_id(%barrier3A_42)
    %lt3A_43 = arith.constant 5 : i32
    %lt3A_44 = arith.cmpi slt, %arg1, %lt3A_43 : i32
    %convert_element_type3A_45 = arith.extui %lt3A_44 : i1 to i32
    %cond3A_46 = arith.constant 0 : i32
    %cond3A_47 = arith.cmpi ne, %convert_element_type3A_45, %cond3A_46 : i32
    scf.if %cond3A_47 {
      %mul3A_48 = arith.constant 2000 : i32
      %mul3A_49 = arith.muli %arg1, %mul3A_48 : i32
      "tpu.region"() ({
        %run_scoped3A = tpu.sem_alloc : memref<!tpu.dma_semaphore, #tpu.memory_space<semaphore_mem>>
        %dma_start3A = tpu.memref_slice %arg7[%mul3A_49] : memref<10000xf32, #tpu.memory_space<vmem_shared>> -> memref<2000xf32, #tpu.memory_space<vmem_shared>>
        %dma_start3A_55 = tpu.memref_slice %arg7[%mul3A_49] : memref<10000xf32, #tpu.memory_space<vmem_shared>> -> memref<2000xf32, #tpu.memory_space<vmem_shared>>
        tpu.enqueue_dma source(%dma_start3A_55 : memref<2000xf32, #tpu.memory_space<vmem_shared>>) target(%arg6 : memref<2000xf32, #tpu.memory_space<vmem>>) target_semaphore(%run_scoped3A : memref<!tpu.dma_semaphore, #tpu.memory_space<semaphore_mem>>)
        %dma_wait3A = tpu.memref_slice %arg7[%mul3A_49] : memref<10000xf32, #tpu.memory_space<vmem_shared>> -> memref<2000xf32, #tpu.memory_space<vmem_shared>>
        %dma_wait3A_56 = tpu.memref_slice %arg7[%mul3A_49] : memref<10000xf32, #tpu.memory_space<vmem_shared>> -> memref<2000xf32, #tpu.memory_space<vmem_shared>>
        tpu.wait_dma2 semaphore(%run_scoped3A : memref<!tpu.dma_semaphore, #tpu.memory_space<semaphore_mem>>) src(%dma_wait3A_56 : memref<2000xf32, #tpu.memory_space<vmem_shared>>) dst(%arg6 : memref<2000xf32, #tpu.memory_space<vmem>>)
        tpu.yield
      }) : () -> ()
      %mul3A_50 = arith.constant 10000 : i32
      %mul3A_51 = arith.muli %arg0, %mul3A_50 : i32
      %mul3A_52 = arith.constant 2000 : i32
      %mul3A_53 = arith.muli %arg1, %mul3A_52 : i32
      %add3A_54 = arith.addi %mul3A_51, %mul3A_53 : i32
      "tpu.region"() ({
        %run_scoped3A = tpu.sem_alloc : memref<!tpu.dma_semaphore, #tpu.memory_space<semaphore_mem>>
        %dma_start3A = tpu.memref_slice %arg3[%add3A_54] : memref<20000xf32, #tpu.memory_space<hbm>> -> memref<2000xf32, #tpu.memory_space<hbm>>
        %dma_start3A_55 = tpu.memref_slice %arg3[%add3A_54] : memref<20000xf32, #tpu.memory_space<hbm>> -> memref<2000xf32, #tpu.memory_space<hbm>>
        tpu.enqueue_dma source(%arg6 : memref<2000xf32, #tpu.memory_space<vmem>>) target(%dma_start3A_55 : memref<2000xf32, #tpu.memory_space<hbm>>) target_semaphore(%run_scoped3A : memref<!tpu.dma_semaphore, #tpu.memory_space<semaphore_mem>>)
        %dma_wait3A = tpu.memref_slice %arg3[%add3A_54] : memref<20000xf32, #tpu.memory_space<hbm>> -> memref<2000xf32, #tpu.memory_space<hbm>>
        %dma_wait3A_56 = tpu.memref_slice %arg3[%add3A_54] : memref<20000xf32, #tpu.memory_space<hbm>> -> memref<2000xf32, #tpu.memory_space<hbm>>
        tpu.wait_dma2 semaphore(%run_scoped3A : memref<!tpu.dma_semaphore, #tpu.memory_space<semaphore_mem>>) src(%arg6 : memref<2000xf32, #tpu.memory_space<vmem>>) dst(%dma_wait3A_56 : memref<2000xf32, #tpu.memory_space<hbm>>)
        tpu.yield
      }) : () -> ()
    } else {
    }
    return
  }
}

#map = affine_map<(d0, d1) -> (0, 0)>
#map1 = affine_map<(d0, d1) -> (0, 0, 0, 0)>
#map2 = affine_map<(d0, d1) -> (0, 0, 0)>
module attributes {stable_mosaic.version = 14 : i64} {
  func.func @_msg_kernel(%arg0: i32, %arg1: i32, %arg2: memref<10000x128xf32, #tpu.memory_space<hbm>>, %arg3: memref<32x2x53x96xi32, #tpu.memory_space<hbm>>, %arg4: memref<32x2x53x96xi32, #tpu.memory_space<hbm>>, %arg5: memref<2x10000x128xf32, #tpu.memory_space<hbm>>, %arg6: memref<53x96xi32, #tpu.memory_space<vmem>>, %arg7: memref<53x96xi32, #tpu.memory_space<vmem>>, %arg8: memref<96x128xf32, #tpu.memory_space<vmem>>, %arg9: memref<96x128xf32, #tpu.memory_space<vmem>>, %arg10: memref<10016x128xf32, #tpu.memory_space<vmem_shared>>, %arg11: memref<!tpu.dma_semaphore, #tpu.memory_space<semaphore_mem>>, %arg12: memref<!tpu.dma_semaphore, #tpu.memory_space<semaphore_mem>>) attributes {dimension_semantics = [#tpu.dimension_semantics<core_parallel>, #tpu.dimension_semantics<subcore_parallel>], iteration_bounds = array<i64: 2, 16>, scalar_prefetch = 0 : i64, scratch_operands = 7 : i64, tpu.core_type = #tpu.core_type<sc_vector_subcore>, window_params = [{transform_indices = #map}, {transform_indices = #map1}, {transform_indices = #map1}, {transform_indices = #map2}]} {
    %mul3A = arith.constant 16 : i32
    %mul3A_0 = arith.muli %arg0, %mul3A : i32
    %add3A = arith.addi %mul3A_0, %arg1 : i32
    %scan3A = arith.constant 0 : i32
    %scan3A_1 = arith.constant 0 : i32
    %scan3A_2 = arith.constant 80 : i32
    %scan3A_3 = arith.addi %scan3A_1, %scan3A_2 : i32
    %scan3A_4 = arith.constant 1 : i32
    scf.for %scan3A_320 = %scan3A_1 to %scan3A_3 step %scan3A_4  : i32 {
      %broadcast_in_dim3A = arith.constant 0.000000e+00 : f32
      %broadcast_in_dim3A_321 = vector.broadcast %broadcast_in_dim3A : f32 to vector<16xf32>
      %swap3A = arith.index_cast %scan3A_320 : i32 to index
      %swap3A_322 = arith.constant 0 : index
      %swap3A_323 = tpu.vector_load %arg8[%swap3A, %swap3A_322] {strides = array<i32>} : memref<96x128xf32, #tpu.memory_space<vmem>>, vector<1x16xf32>,
      %swap3A_324 = vector.shape_cast %swap3A_323 : vector<1x16xf32> to vector<16xf32>
      %swap3A_325 = vector.shape_cast %broadcast_in_dim3A_321 : vector<16xf32> to vector<1x16xf32>
      tpu.vector_store %arg8[%swap3A, %swap3A_322], %swap3A_325 {strides = array<i32>} : memref<96x128xf32, #tpu.memory_space<vmem>>, vector<1x16xf32>,
      %broadcast_in_dim3A_326 = arith.constant 0.000000e+00 : f32
      %broadcast_in_dim3A_327 = vector.broadcast %broadcast_in_dim3A_326 : f32 to vector<16xf32>
      %swap3A_328 = arith.index_cast %scan3A_320 : i32 to index
      %swap3A_329 = arith.constant 16 : index
      %swap3A_330 = tpu.vector_load %arg8[%swap3A_328, %swap3A_329] {strides = array<i32>} : memref<96x128xf32, #tpu.memory_space<vmem>>, vector<1x16xf32>,
      %swap3A_331 = vector.shape_cast %swap3A_330 : vector<1x16xf32> to vector<16xf32>
      %swap3A_332 = vector.shape_cast %broadcast_in_dim3A_327 : vector<16xf32> to vector<1x16xf32>
      tpu.vector_store %arg8[%swap3A_328, %swap3A_329], %swap3A_332 {strides = array<i32>} : memref<96x128xf32, #tpu.memory_space<vmem>>, vector<1x16xf32>,
      %broadcast_in_dim3A_333 = arith.constant 0.000000e+00 : f32
      %broadcast_in_dim3A_334 = vector.broadcast %broadcast_in_dim3A_333 : f32 to vector<16xf32>
      %swap3A_335 = arith.index_cast %scan3A_320 : i32 to index
      %swap3A_336 = arith.constant 32 : index
      %swap3A_337 = tpu.vector_load %arg8[%swap3A_335, %swap3A_336] {strides = array<i32>} : memref<96x128xf32, #tpu.memory_space<vmem>>, vector<1x16xf32>,
      %swap3A_338 = vector.shape_cast %swap3A_337 : vector<1x16xf32> to vector<16xf32>
      %swap3A_339 = vector.shape_cast %broadcast_in_dim3A_334 : vector<16xf32> to vector<1x16xf32>
      tpu.vector_store %arg8[%swap3A_335, %swap3A_336], %swap3A_339 {strides = array<i32>} : memref<96x128xf32, #tpu.memory_space<vmem>>, vector<1x16xf32>,
      %broadcast_in_dim3A_340 = arith.constant 0.000000e+00 : f32
      %broadcast_in_dim3A_341 = vector.broadcast %broadcast_in_dim3A_340 : f32 to vector<16xf32>
      %swap3A_342 = arith.index_cast %scan3A_320 : i32 to index
      %swap3A_343 = arith.constant 48 : index
      %swap3A_344 = tpu.vector_load %arg8[%swap3A_342, %swap3A_343] {strides = array<i32>} : memref<96x128xf32, #tpu.memory_space<vmem>>, vector<1x16xf32>,
      %swap3A_345 = vector.shape_cast %swap3A_344 : vector<1x16xf32> to vector<16xf32>
      %swap3A_346 = vector.shape_cast %broadcast_in_dim3A_341 : vector<16xf32> to vector<1x16xf32>
      tpu.vector_store %arg8[%swap3A_342, %swap3A_343], %swap3A_346 {strides = array<i32>} : memref<96x128xf32, #tpu.memory_space<vmem>>, vector<1x16xf32>,
      %broadcast_in_dim3A_347 = arith.constant 0.000000e+00 : f32
      %broadcast_in_dim3A_348 = vector.broadcast %broadcast_in_dim3A_347 : f32 to vector<16xf32>
      %swap3A_349 = arith.index_cast %scan3A_320 : i32 to index
      %swap3A_350 = arith.constant 64 : index
      %swap3A_351 = tpu.vector_load %arg8[%swap3A_349, %swap3A_350] {strides = array<i32>} : memref<96x128xf32, #tpu.memory_space<vmem>>, vector<1x16xf32>,
      %swap3A_352 = vector.shape_cast %swap3A_351 : vector<1x16xf32> to vector<16xf32>
      %swap3A_353 = vector.shape_cast %broadcast_in_dim3A_348 : vector<16xf32> to vector<1x16xf32>
      tpu.vector_store %arg8[%swap3A_349, %swap3A_350], %swap3A_353 {strides = array<i32>} : memref<96x128xf32, #tpu.memory_space<vmem>>, vector<1x16xf32>,
      %broadcast_in_dim3A_354 = arith.constant 0.000000e+00 : f32
      %broadcast_in_dim3A_355 = vector.broadcast %broadcast_in_dim3A_354 : f32 to vector<16xf32>
      %swap3A_356 = arith.index_cast %scan3A_320 : i32 to index
      %swap3A_357 = arith.constant 80 : index
      %swap3A_358 = tpu.vector_load %arg8[%swap3A_356, %swap3A_357] {strides = array<i32>} : memref<96x128xf32, #tpu.memory_space<vmem>>, vector<1x16xf32>,
      %swap3A_359 = vector.shape_cast %swap3A_358 : vector<1x16xf32> to vector<16xf32>
      %swap3A_360 = vector.shape_cast %broadcast_in_dim3A_355 : vector<16xf32> to vector<1x16xf32>
      tpu.vector_store %arg8[%swap3A_356, %swap3A_357], %swap3A_360 {strides = array<i32>} : memref<96x128xf32, #tpu.memory_space<vmem>>, vector<1x16xf32>,
      %broadcast_in_dim3A_361 = arith.constant 0.000000e+00 : f32
      %broadcast_in_dim3A_362 = vector.broadcast %broadcast_in_dim3A_361 : f32 to vector<16xf32>
      %swap3A_363 = arith.index_cast %scan3A_320 : i32 to index
      %swap3A_364 = arith.constant 96 : index
      %swap3A_365 = tpu.vector_load %arg8[%swap3A_363, %swap3A_364] {strides = array<i32>} : memref<96x128xf32, #tpu.memory_space<vmem>>, vector<1x16xf32>,
      %swap3A_366 = vector.shape_cast %swap3A_365 : vector<1x16xf32> to vector<16xf32>
      %swap3A_367 = vector.shape_cast %broadcast_in_dim3A_362 : vector<16xf32> to vector<1x16xf32>
      tpu.vector_store %arg8[%swap3A_363, %swap3A_364], %swap3A_367 {strides = array<i32>} : memref<96x128xf32, #tpu.memory_space<vmem>>, vector<1x16xf32>,
      %broadcast_in_dim3A_368 = arith.constant 0.000000e+00 : f32
      %broadcast_in_dim3A_369 = vector.broadcast %broadcast_in_dim3A_368 : f32 to vector<16xf32>
      %swap3A_370 = arith.index_cast %scan3A_320 : i32 to index
      %swap3A_371 = arith.constant 112 : index
      %swap3A_372 = tpu.vector_load %arg8[%swap3A_370, %swap3A_371] {strides = array<i32>} : memref<96x128xf32, #tpu.memory_space<vmem>>, vector<1x16xf32>,
      %swap3A_373 = vector.shape_cast %swap3A_372 : vector<1x16xf32> to vector<16xf32>
      %swap3A_374 = vector.shape_cast %broadcast_in_dim3A_369 : vector<16xf32> to vector<1x16xf32>
      tpu.vector_store %arg8[%swap3A_370, %swap3A_371], %swap3A_374 {strides = array<i32>} : memref<96x128xf32, #tpu.memory_space<vmem>>, vector<1x16xf32>,
    }
    %scan3A_5 = arith.constant 80 : i32
    %mul3A_6 = arith.constant 8 : i32
    %mul3A_7 = arith.muli %arg1, %mul3A_6 : i32
    %add3A_8 = arith.constant 0 : i32
    %add3A_9 = arith.addi %mul3A_7, %add3A_8 : i32
    %lt3A = arith.constant 125 : i32
    %lt3A_10 = arith.cmpi slt, %add3A_9, %lt3A : i32
    %convert_element_type3A = arith.extui %lt3A_10 : i1 to i32
    %cond3A = arith.constant 0 : i32
    %cond3A_11 = arith.cmpi ne, %convert_element_type3A, %cond3A : i32
    scf.if %cond3A_11 {
      %mul3A_320 = arith.constant 80 : i32
      %mul3A_321 = arith.muli %add3A_9, %mul3A_320 : i32
      %dma_start3A_322 = arith.constant 0 : i32
      %dma_start3A_323 = arith.constant 0 : i32
      %dma_start3A_324 = tpu.memref_slice %arg8[%dma_start3A_322, %dma_start3A_323] : memref<96x128xf32, #tpu.memory_space<vmem>> -> memref<80x128xf32, #tpu.memory_space<vmem>>
      %dma_start3A_325 = arith.constant 0 : i32
      %dma_start3A_326 = tpu.memref_slice %arg10[%mul3A_321, %dma_start3A_325] : memref<10016x128xf32, #tpu.memory_space<vmem_shared>> -> memref<80x128xf32, #tpu.memory_space<vmem_shared>>
      %dma_start3A_327 = arith.constant 0 : i32
      %dma_start3A_328 = tpu.memref_slice %arg10[%mul3A_321, %dma_start3A_327] : memref<10016x128xf32, #tpu.memory_space<vmem_shared>> -> memref<80x128xf32, #tpu.memory_space<vmem_shared>>
      %dma_start3A_329 = arith.constant 0 : i32
      %dma_start3A_330 = arith.constant 0 : i32
      %dma_start3A_331 = tpu.memref_slice %arg8[%dma_start3A_329, %dma_start3A_330] : memref<96x128xf32, #tpu.memory_space<vmem>> -> memref<80x128xf32, #tpu.memory_space<vmem>>
      tpu.enqueue_dma source(%dma_start3A_331 : memref<80x128xf32, #tpu.memory_space<vmem>>) target(%dma_start3A_328 : memref<80x128xf32, #tpu.memory_space<vmem_shared>>) target_semaphore(%arg11 : memref<!tpu.dma_semaphore, #tpu.memory_space<semaphore_mem>>)
    } else {
    }
    %mul3A_12 = arith.constant 8 : i32
    %mul3A_13 = arith.muli %arg1, %mul3A_12 : i32
    %add3A_14 = arith.constant 1 : i32
    %add3A_15 = arith.addi %mul3A_13, %add3A_14 : i32
    %lt3A_16 = arith.constant 125 : i32
    %lt3A_17 = arith.cmpi slt, %add3A_15, %lt3A_16 : i32
    %convert_element_type3A_18 = arith.extui %lt3A_17 : i1 to i32
    %cond3A_19 = arith.constant 0 : i32
    %cond3A_20 = arith.cmpi ne, %convert_element_type3A_18, %cond3A_19 : i32
    scf.if %cond3A_20 {
      %mul3A_320 = arith.constant 80 : i32
      %mul3A_321 = arith.muli %add3A_15, %mul3A_320 : i32
      %dma_start3A_322 = arith.constant 0 : i32
      %dma_start3A_323 = arith.constant 0 : i32
      %dma_start3A_324 = tpu.memref_slice %arg8[%dma_start3A_322, %dma_start3A_323] : memref<96x128xf32, #tpu.memory_space<vmem>> -> memref<80x128xf32, #tpu.memory_space<vmem>>
      %dma_start3A_325 = arith.constant 0 : i32
      %dma_start3A_326 = tpu.memref_slice %arg10[%mul3A_321, %dma_start3A_325] : memref<10016x128xf32, #tpu.memory_space<vmem_shared>> -> memref<80x128xf32, #tpu.memory_space<vmem_shared>>
      %dma_start3A_327 = arith.constant 0 : i32
      %dma_start3A_328 = tpu.memref_slice %arg10[%mul3A_321, %dma_start3A_327] : memref<10016x128xf32, #tpu.memory_space<vmem_shared>> -> memref<80x128xf32, #tpu.memory_space<vmem_shared>>
      %dma_start3A_329 = arith.constant 0 : i32
      %dma_start3A_330 = arith.constant 0 : i32
      %dma_start3A_331 = tpu.memref_slice %arg8[%dma_start3A_329, %dma_start3A_330] : memref<96x128xf32, #tpu.memory_space<vmem>> -> memref<80x128xf32, #tpu.memory_space<vmem>>
      tpu.enqueue_dma source(%dma_start3A_331 : memref<80x128xf32, #tpu.memory_space<vmem>>) target(%dma_start3A_328 : memref<80x128xf32, #tpu.memory_space<vmem_shared>>) target_semaphore(%arg11 : memref<!tpu.dma_semaphore, #tpu.memory_space<semaphore_mem>>)
    } else {
    }
    %mul3A_21 = arith.constant 8 : i32
    %mul3A_22 = arith.muli %arg1, %mul3A_21 : i32
    %add3A_23 = arith.constant 2 : i32
    %add3A_24 = arith.addi %mul3A_22, %add3A_23 : i32
    %lt3A_25 = arith.constant 125 : i32
    %lt3A_26 = arith.cmpi slt, %add3A_24, %lt3A_25 : i32
    %convert_element_type3A_27 = arith.extui %lt3A_26 : i1 to i32
    %cond3A_28 = arith.constant 0 : i32
    %cond3A_29 = arith.cmpi ne, %convert_element_type3A_27, %cond3A_28 : i32
    scf.if %cond3A_29 {
      %mul3A_320 = arith.constant 80 : i32
      %mul3A_321 = arith.muli %add3A_24, %mul3A_320 : i32
      %dma_start3A_322 = arith.constant 0 : i32
      %dma_start3A_323 = arith.constant 0 : i32
      %dma_start3A_324 = tpu.memref_slice %arg8[%dma_start3A_322, %dma_start3A_323] : memref<96x128xf32, #tpu.memory_space<vmem>> -> memref<80x128xf32, #tpu.memory_space<vmem>>
      %dma_start3A_325 = arith.constant 0 : i32
      %dma_start3A_326 = tpu.memref_slice %arg10[%mul3A_321, %dma_start3A_325] : memref<10016x128xf32, #tpu.memory_space<vmem_shared>> -> memref<80x128xf32, #tpu.memory_space<vmem_shared>>
      %dma_start3A_327 = arith.constant 0 : i32
      %dma_start3A_328 = tpu.memref_slice %arg10[%mul3A_321, %dma_start3A_327] : memref<10016x128xf32, #tpu.memory_space<vmem_shared>> -> memref<80x128xf32, #tpu.memory_space<vmem_shared>>
      %dma_start3A_329 = arith.constant 0 : i32
      %dma_start3A_330 = arith.constant 0 : i32
      %dma_start3A_331 = tpu.memref_slice %arg8[%dma_start3A_329, %dma_start3A_330] : memref<96x128xf32, #tpu.memory_space<vmem>> -> memref<80x128xf32, #tpu.memory_space<vmem>>
      tpu.enqueue_dma source(%dma_start3A_331 : memref<80x128xf32, #tpu.memory_space<vmem>>) target(%dma_start3A_328 : memref<80x128xf32, #tpu.memory_space<vmem_shared>>) target_semaphore(%arg11 : memref<!tpu.dma_semaphore, #tpu.memory_space<semaphore_mem>>)
    } else {
    }
    %mul3A_30 = arith.constant 8 : i32
    %mul3A_31 = arith.muli %arg1, %mul3A_30 : i32
    %add3A_32 = arith.constant 3 : i32
    %add3A_33 = arith.addi %mul3A_31, %add3A_32 : i32
    %lt3A_34 = arith.constant 125 : i32
    %lt3A_35 = arith.cmpi slt, %add3A_33, %lt3A_34 : i32
    %convert_element_type3A_36 = arith.extui %lt3A_35 : i1 to i32
    %cond3A_37 = arith.constant 0 : i32
    %cond3A_38 = arith.cmpi ne, %convert_element_type3A_36, %cond3A_37 : i32
    scf.if %cond3A_38 {
      %mul3A_320 = arith.constant 80 : i32
      %mul3A_321 = arith.muli %add3A_33, %mul3A_320 : i32
      %dma_start3A_322 = arith.constant 0 : i32
      %dma_start3A_323 = arith.constant 0 : i32
      %dma_start3A_324 = tpu.memref_slice %arg8[%dma_start3A_322, %dma_start3A_323] : memref<96x128xf32, #tpu.memory_space<vmem>> -> memref<80x128xf32, #tpu.memory_space<vmem>>
      %dma_start3A_325 = arith.constant 0 : i32
      %dma_start3A_326 = tpu.memref_slice %arg10[%mul3A_321, %dma_start3A_325] : memref<10016x128xf32, #tpu.memory_space<vmem_shared>> -> memref<80x128xf32, #tpu.memory_space<vmem_shared>>
      %dma_start3A_327 = arith.constant 0 : i32
      %dma_start3A_328 = tpu.memref_slice %arg10[%mul3A_321, %dma_start3A_327] : memref<10016x128xf32, #tpu.memory_space<vmem_shared>> -> memref<80x128xf32, #tpu.memory_space<vmem_shared>>
      %dma_start3A_329 = arith.constant 0 : i32
      %dma_start3A_330 = arith.constant 0 : i32
      %dma_start3A_331 = tpu.memref_slice %arg8[%dma_start3A_329, %dma_start3A_330] : memref<96x128xf32, #tpu.memory_space<vmem>> -> memref<80x128xf32, #tpu.memory_space<vmem>>
      tpu.enqueue_dma source(%dma_start3A_331 : memref<80x128xf32, #tpu.memory_space<vmem>>) target(%dma_start3A_328 : memref<80x128xf32, #tpu.memory_space<vmem_shared>>) target_semaphore(%arg11 : memref<!tpu.dma_semaphore, #tpu.memory_space<semaphore_mem>>)
    } else {
    }
    %mul3A_39 = arith.constant 8 : i32
    %mul3A_40 = arith.muli %arg1, %mul3A_39 : i32
    %add3A_41 = arith.constant 4 : i32
    %add3A_42 = arith.addi %mul3A_40, %add3A_41 : i32
    %lt3A_43 = arith.constant 125 : i32
    %lt3A_44 = arith.cmpi slt, %add3A_42, %lt3A_43 : i32
    %convert_element_type3A_45 = arith.extui %lt3A_44 : i1 to i32
    %cond3A_46 = arith.constant 0 : i32
    %cond3A_47 = arith.cmpi ne, %convert_element_type3A_45, %cond3A_46 : i32
    scf.if %cond3A_47 {
      %mul3A_320 = arith.constant 80 : i32
      %mul3A_321 = arith.muli %add3A_42, %mul3A_320 : i32
      %dma_start3A_322 = arith.constant 0 : i32
      %dma_start3A_323 = arith.constant 0 : i32
      %dma_start3A_324 = tpu.memref_slice %arg8[%dma_start3A_322, %dma_start3A_323] : memref<96x128xf32, #tpu.memory_space<vmem>> -> memref<80x128xf32, #tpu.memory_space<vmem>>
      %dma_start3A_325 = arith.constant 0 : i32
      %dma_start3A_326 = tpu.memref_slice %arg10[%mul3A_321, %dma_start3A_325] : memref<10016x128xf32, #tpu.memory_space<vmem_shared>> -> memref<80x128xf32, #tpu.memory_space<vmem_shared>>
      %dma_start3A_327 = arith.constant 0 : i32
      %dma_start3A_328 = tpu.memref_slice %arg10[%mul3A_321, %dma_start3A_327] : memref<10016x128xf32, #tpu.memory_space<vmem_shared>> -> memref<80x128xf32, #tpu.memory_space<vmem_shared>>
      %dma_start3A_329 = arith.constant 0 : i32
      %dma_start3A_330 = arith.constant 0 : i32
      %dma_start3A_331 = tpu.memref_slice %arg8[%dma_start3A_329, %dma_start3A_330] : memref<96x128xf32, #tpu.memory_space<vmem>> -> memref<80x128xf32, #tpu.memory_space<vmem>>
      tpu.enqueue_dma source(%dma_start3A_331 : memref<80x128xf32, #tpu.memory_space<vmem>>) target(%dma_start3A_328 : memref<80x128xf32, #tpu.memory_space<vmem_shared>>) target_semaphore(%arg11 : memref<!tpu.dma_semaphore, #tpu.memory_space<semaphore_mem>>)
    } else {
    }
    %mul3A_48 = arith.constant 8 : i32
    %mul3A_49 = arith.muli %arg1, %mul3A_48 : i32
    %add3A_50 = arith.constant 5 : i32
    %add3A_51 = arith.addi %mul3A_49, %add3A_50 : i32
    %lt3A_52 = arith.constant 125 : i32
    %lt3A_53 = arith.cmpi slt, %add3A_51, %lt3A_52 : i32
    %convert_element_type3A_54 = arith.extui %lt3A_53 : i1 to i32
    %cond3A_55 = arith.constant 0 : i32
    %cond3A_56 = arith.cmpi ne, %convert_element_type3A_54, %cond3A_55 : i32
    scf.if %cond3A_56 {
      %mul3A_320 = arith.constant 80 : i32
      %mul3A_321 = arith.muli %add3A_51, %mul3A_320 : i32
      %dma_start3A_322 = arith.constant 0 : i32
      %dma_start3A_323 = arith.constant 0 : i32
      %dma_start3A_324 = tpu.memref_slice %arg8[%dma_start3A_322, %dma_start3A_323] : memref<96x128xf32, #tpu.memory_space<vmem>> -> memref<80x128xf32, #tpu.memory_space<vmem>>
      %dma_start3A_325 = arith.constant 0 : i32
      %dma_start3A_326 = tpu.memref_slice %arg10[%mul3A_321, %dma_start3A_325] : memref<10016x128xf32, #tpu.memory_space<vmem_shared>> -> memref<80x128xf32, #tpu.memory_space<vmem_shared>>
      %dma_start3A_327 = arith.constant 0 : i32
      %dma_start3A_328 = tpu.memref_slice %arg10[%mul3A_321, %dma_start3A_327] : memref<10016x128xf32, #tpu.memory_space<vmem_shared>> -> memref<80x128xf32, #tpu.memory_space<vmem_shared>>
      %dma_start3A_329 = arith.constant 0 : i32
      %dma_start3A_330 = arith.constant 0 : i32
      %dma_start3A_331 = tpu.memref_slice %arg8[%dma_start3A_329, %dma_start3A_330] : memref<96x128xf32, #tpu.memory_space<vmem>> -> memref<80x128xf32, #tpu.memory_space<vmem>>
      tpu.enqueue_dma source(%dma_start3A_331 : memref<80x128xf32, #tpu.memory_space<vmem>>) target(%dma_start3A_328 : memref<80x128xf32, #tpu.memory_space<vmem_shared>>) target_semaphore(%arg11 : memref<!tpu.dma_semaphore, #tpu.memory_space<semaphore_mem>>)
    } else {
    }
    %mul3A_57 = arith.constant 8 : i32
    %mul3A_58 = arith.muli %arg1, %mul3A_57 : i32
    %add3A_59 = arith.constant 6 : i32
    %add3A_60 = arith.addi %mul3A_58, %add3A_59 : i32
    %lt3A_61 = arith.constant 125 : i32
    %lt3A_62 = arith.cmpi slt, %add3A_60, %lt3A_61 : i32
    %convert_element_type3A_63 = arith.extui %lt3A_62 : i1 to i32
    %cond3A_64 = arith.constant 0 : i32
    %cond3A_65 = arith.cmpi ne, %convert_element_type3A_63, %cond3A_64 : i32
    scf.if %cond3A_65 {
      %mul3A_320 = arith.constant 80 : i32
      %mul3A_321 = arith.muli %add3A_60, %mul3A_320 : i32
      %dma_start3A_322 = arith.constant 0 : i32
      %dma_start3A_323 = arith.constant 0 : i32
      %dma_start3A_324 = tpu.memref_slice %arg8[%dma_start3A_322, %dma_start3A_323] : memref<96x128xf32, #tpu.memory_space<vmem>> -> memref<80x128xf32, #tpu.memory_space<vmem>>
      %dma_start3A_325 = arith.constant 0 : i32
      %dma_start3A_326 = tpu.memref_slice %arg10[%mul3A_321, %dma_start3A_325] : memref<10016x128xf32, #tpu.memory_space<vmem_shared>> -> memref<80x128xf32, #tpu.memory_space<vmem_shared>>
      %dma_start3A_327 = arith.constant 0 : i32
      %dma_start3A_328 = tpu.memref_slice %arg10[%mul3A_321, %dma_start3A_327] : memref<10016x128xf32, #tpu.memory_space<vmem_shared>> -> memref<80x128xf32, #tpu.memory_space<vmem_shared>>
      %dma_start3A_329 = arith.constant 0 : i32
      %dma_start3A_330 = arith.constant 0 : i32
      %dma_start3A_331 = tpu.memref_slice %arg8[%dma_start3A_329, %dma_start3A_330] : memref<96x128xf32, #tpu.memory_space<vmem>> -> memref<80x128xf32, #tpu.memory_space<vmem>>
      tpu.enqueue_dma source(%dma_start3A_331 : memref<80x128xf32, #tpu.memory_space<vmem>>) target(%dma_start3A_328 : memref<80x128xf32, #tpu.memory_space<vmem_shared>>) target_semaphore(%arg11 : memref<!tpu.dma_semaphore, #tpu.memory_space<semaphore_mem>>)
    } else {
    }
    %mul3A_66 = arith.constant 8 : i32
    %mul3A_67 = arith.muli %arg1, %mul3A_66 : i32
    %add3A_68 = arith.constant 7 : i32
    %add3A_69 = arith.addi %mul3A_67, %add3A_68 : i32
    %lt3A_70 = arith.constant 125 : i32
    %lt3A_71 = arith.cmpi slt, %add3A_69, %lt3A_70 : i32
    %convert_element_type3A_72 = arith.extui %lt3A_71 : i1 to i32
    %cond3A_73 = arith.constant 0 : i32
    %cond3A_74 = arith.cmpi ne, %convert_element_type3A_72, %cond3A_73 : i32
    scf.if %cond3A_74 {
      %mul3A_320 = arith.constant 80 : i32
      %mul3A_321 = arith.muli %add3A_69, %mul3A_320 : i32
      %dma_start3A_322 = arith.constant 0 : i32
      %dma_start3A_323 = arith.constant 0 : i32
      %dma_start3A_324 = tpu.memref_slice %arg8[%dma_start3A_322, %dma_start3A_323] : memref<96x128xf32, #tpu.memory_space<vmem>> -> memref<80x128xf32, #tpu.memory_space<vmem>>
      %dma_start3A_325 = arith.constant 0 : i32
      %dma_start3A_326 = tpu.memref_slice %arg10[%mul3A_321, %dma_start3A_325] : memref<10016x128xf32, #tpu.memory_space<vmem_shared>> -> memref<80x128xf32, #tpu.memory_space<vmem_shared>>
      %dma_start3A_327 = arith.constant 0 : i32
      %dma_start3A_328 = tpu.memref_slice %arg10[%mul3A_321, %dma_start3A_327] : memref<10016x128xf32, #tpu.memory_space<vmem_shared>> -> memref<80x128xf32, #tpu.memory_space<vmem_shared>>
      %dma_start3A_329 = arith.constant 0 : i32
      %dma_start3A_330 = arith.constant 0 : i32
      %dma_start3A_331 = tpu.memref_slice %arg8[%dma_start3A_329, %dma_start3A_330] : memref<96x128xf32, #tpu.memory_space<vmem>> -> memref<80x128xf32, #tpu.memory_space<vmem>>
      tpu.enqueue_dma source(%dma_start3A_331 : memref<80x128xf32, #tpu.memory_space<vmem>>) target(%dma_start3A_328 : memref<80x128xf32, #tpu.memory_space<vmem_shared>>) target_semaphore(%arg11 : memref<!tpu.dma_semaphore, #tpu.memory_space<semaphore_mem>>)
    } else {
    }
    %run_scoped3A = arith.constant 0 : i32
    "tpu.region"() ({
      %run_scoped3A_320 = tpu.sem_alloc : memref<!tpu.dma_semaphore, #tpu.memory_space<semaphore_mem>>
      %dma_start3A_321 = arith.constant 0 : i32
      %dma_start3A_322 = arith.constant 0 : i32
      %dma_start3A_323 = tpu.memref_slice %arg3[%add3A, %run_scoped3A, %dma_start3A_321, %dma_start3A_322] : memref<32x2x53x96xi32, #tpu.memory_space<hbm>> -> memref<1x1x53x96xi32, #tpu.memory_space<hbm>>
      %dma_start3A_324 = tpu.memref_squeeze %dma_start3A_323 : memref<1x1x53x96xi32, #tpu.memory_space<hbm>> -> memref<53x96xi32, #tpu.memory_space<hbm>>
      %dma_start3A_325 = arith.constant 0 : i32
      %dma_start3A_326 = arith.constant 0 : i32
      %dma_start3A_327 = tpu.memref_slice %arg3[%add3A, %run_scoped3A, %dma_start3A_325, %dma_start3A_326] : memref<32x2x53x96xi32, #tpu.memory_space<hbm>> -> memref<1x1x53x96xi32, #tpu.memory_space<hbm>>
      %dma_start3A_328 = tpu.memref_squeeze %dma_start3A_327 : memref<1x1x53x96xi32, #tpu.memory_space<hbm>> -> memref<53x96xi32, #tpu.memory_space<hbm>>
      tpu.enqueue_dma source(%dma_start3A_328 : memref<53x96xi32, #tpu.memory_space<hbm>>) target(%arg6 : memref<53x96xi32, #tpu.memory_space<vmem>>) target_semaphore(%run_scoped3A_320 : memref<!tpu.dma_semaphore, #tpu.memory_space<semaphore_mem>>)
      %dma_wait3A = arith.constant 0 : i32
      %dma_wait3A_329 = arith.constant 0 : i32
      %dma_wait3A_330 = tpu.memref_slice %arg3[%add3A, %run_scoped3A, %dma_wait3A, %dma_wait3A_329] : memref<32x2x53x96xi32, #tpu.memory_space<hbm>> -> memref<1x1x53x96xi32, #tpu.memory_space<hbm>>
      %dma_wait3A_331 = tpu.memref_squeeze %dma_wait3A_330 : memref<1x1x53x96xi32, #tpu.memory_space<hbm>> -> memref<53x96xi32, #tpu.memory_space<hbm>>
      %dma_wait3A_332 = arith.constant 0 : i32
      %dma_wait3A_333 = arith.constant 0 : i32
      %dma_wait3A_334 = tpu.memref_slice %arg3[%add3A, %run_scoped3A, %dma_wait3A_332, %dma_wait3A_333] : memref<32x2x53x96xi32, #tpu.memory_space<hbm>> -> memref<1x1x53x96xi32, #tpu.memory_space<hbm>>
      %dma_wait3A_335 = tpu.memref_squeeze %dma_wait3A_334 : memref<1x1x53x96xi32, #tpu.memory_space<hbm>> -> memref<53x96xi32, #tpu.memory_space<hbm>>
      tpu.wait_dma2 semaphore(%run_scoped3A_320 : memref<!tpu.dma_semaphore, #tpu.memory_space<semaphore_mem>>) src(%dma_wait3A_335 : memref<53x96xi32, #tpu.memory_space<hbm>>) dst(%arg6 : memref<53x96xi32, #tpu.memory_space<vmem>>)
      tpu.yield
    }) : () -> ()
    %run_scoped3A_75 = arith.constant 0 : i32
    "tpu.region"() ({
      %run_scoped3A_320 = tpu.sem_alloc : memref<!tpu.dma_semaphore, #tpu.memory_space<semaphore_mem>>
      %dma_start3A_321 = arith.constant 0 : i32
      %dma_start3A_322 = arith.constant 0 : i32
      %dma_start3A_323 = tpu.memref_slice %arg4[%add3A, %run_scoped3A_75, %dma_start3A_321, %dma_start3A_322] : memref<32x2x53x96xi32, #tpu.memory_space<hbm>> -> memref<1x1x53x96xi32, #tpu.memory_space<hbm>>
      %dma_start3A_324 = tpu.memref_squeeze %dma_start3A_323 : memref<1x1x53x96xi32, #tpu.memory_space<hbm>> -> memref<53x96xi32, #tpu.memory_space<hbm>>
      %dma_start3A_325 = arith.constant 0 : i32
      %dma_start3A_326 = arith.constant 0 : i32
      %dma_start3A_327 = tpu.memref_slice %arg4[%add3A, %run_scoped3A_75, %dma_start3A_325, %dma_start3A_326] : memref<32x2x53x96xi32, #tpu.memory_space<hbm>> -> memref<1x1x53x96xi32, #tpu.memory_space<hbm>>
      %dma_start3A_328 = tpu.memref_squeeze %dma_start3A_327 : memref<1x1x53x96xi32, #tpu.memory_space<hbm>> -> memref<53x96xi32, #tpu.memory_space<hbm>>
      tpu.enqueue_dma source(%dma_start3A_328 : memref<53x96xi32, #tpu.memory_space<hbm>>) target(%arg7 : memref<53x96xi32, #tpu.memory_space<vmem>>) target_semaphore(%run_scoped3A_320 : memref<!tpu.dma_semaphore, #tpu.memory_space<semaphore_mem>>)
      %dma_wait3A = arith.constant 0 : i32
      %dma_wait3A_329 = arith.constant 0 : i32
      %dma_wait3A_330 = tpu.memref_slice %arg4[%add3A, %run_scoped3A_75, %dma_wait3A, %dma_wait3A_329] : memref<32x2x53x96xi32, #tpu.memory_space<hbm>> -> memref<1x1x53x96xi32, #tpu.memory_space<hbm>>
      %dma_wait3A_331 = tpu.memref_squeeze %dma_wait3A_330 : memref<1x1x53x96xi32, #tpu.memory_space<hbm>> -> memref<53x96xi32, #tpu.memory_space<hbm>>
      %dma_wait3A_332 = arith.constant 0 : i32
      %dma_wait3A_333 = arith.constant 0 : i32
      %dma_wait3A_334 = tpu.memref_slice %arg4[%add3A, %run_scoped3A_75, %dma_wait3A_332, %dma_wait3A_333] : memref<32x2x53x96xi32, #tpu.memory_space<hbm>> -> memref<1x1x53x96xi32, #tpu.memory_space<hbm>>
      %dma_wait3A_335 = tpu.memref_squeeze %dma_wait3A_334 : memref<1x1x53x96xi32, #tpu.memory_space<hbm>> -> memref<53x96xi32, #tpu.memory_space<hbm>>
      tpu.wait_dma2 semaphore(%run_scoped3A_320 : memref<!tpu.dma_semaphore, #tpu.memory_space<semaphore_mem>>) src(%dma_wait3A_335 : memref<53x96xi32, #tpu.memory_space<hbm>>) dst(%arg7 : memref<53x96xi32, #tpu.memory_space<vmem>>)
      tpu.yield
    }) : () -> ()
    %mul3A_76 = arith.constant 8 : i32
    %mul3A_77 = arith.muli %arg1, %mul3A_76 : i32
    %add3A_78 = arith.constant 0 : i32
    %add3A_79 = arith.addi %mul3A_77, %add3A_78 : i32
    %lt3A_80 = arith.constant 125 : i32
    %lt3A_81 = arith.cmpi slt, %add3A_79, %lt3A_80 : i32
    %convert_element_type3A_82 = arith.extui %lt3A_81 : i1 to i32
    %cond3A_83 = arith.constant 0 : i32
    %cond3A_84 = arith.cmpi ne, %convert_element_type3A_82, %cond3A_83 : i32
    scf.if %cond3A_84 {
      %mul3A_320 = arith.constant 80 : i32
      %mul3A_321 = arith.muli %add3A_79, %mul3A_320 : i32
      %dma_wait3A = arith.constant 0 : i32
      %dma_wait3A_322 = arith.constant 0 : i32
      %dma_wait3A_323 = tpu.memref_slice %arg8[%dma_wait3A, %dma_wait3A_322] : memref<96x128xf32, #tpu.memory_space<vmem>> -> memref<80x128xf32, #tpu.memory_space<vmem>>
      %dma_wait3A_324 = arith.constant 0 : i32
      %dma_wait3A_325 = tpu.memref_slice %arg10[%mul3A_321, %dma_wait3A_324] : memref<10016x128xf32, #tpu.memory_space<vmem_shared>> -> memref<80x128xf32, #tpu.memory_space<vmem_shared>>
      %dma_wait3A_326 = arith.constant 0 : i32
      %dma_wait3A_327 = tpu.memref_slice %arg10[%mul3A_321, %dma_wait3A_326] : memref<10016x128xf32, #tpu.memory_space<vmem_shared>> -> memref<80x128xf32, #tpu.memory_space<vmem_shared>>
      %dma_wait3A_328 = arith.constant 0 : i32
      %dma_wait3A_329 = arith.constant 0 : i32
      %dma_wait3A_330 = tpu.memref_slice %arg8[%dma_wait3A_328, %dma_wait3A_329] : memref<96x128xf32, #tpu.memory_space<vmem>> -> memref<80x128xf32, #tpu.memory_space<vmem>>
      tpu.wait_dma2 semaphore(%arg11 : memref<!tpu.dma_semaphore, #tpu.memory_space<semaphore_mem>>) src(%dma_wait3A_330 : memref<80x128xf32, #tpu.memory_space<vmem>>) dst(%dma_wait3A_327 : memref<80x128xf32, #tpu.memory_space<vmem_shared>>)
    } else {
    }
    %mul3A_85 = arith.constant 8 : i32
    %mul3A_86 = arith.muli %arg1, %mul3A_85 : i32
    %add3A_87 = arith.constant 1 : i32
    %add3A_88 = arith.addi %mul3A_86, %add3A_87 : i32
    %lt3A_89 = arith.constant 125 : i32
    %lt3A_90 = arith.cmpi slt, %add3A_88, %lt3A_89 : i32
    %convert_element_type3A_91 = arith.extui %lt3A_90 : i1 to i32
    %cond3A_92 = arith.constant 0 : i32
    %cond3A_93 = arith.cmpi ne, %convert_element_type3A_91, %cond3A_92 : i32
    scf.if %cond3A_93 {
      %mul3A_320 = arith.constant 80 : i32
      %mul3A_321 = arith.muli %add3A_88, %mul3A_320 : i32
      %dma_wait3A = arith.constant 0 : i32
      %dma_wait3A_322 = arith.constant 0 : i32
      %dma_wait3A_323 = tpu.memref_slice %arg8[%dma_wait3A, %dma_wait3A_322] : memref<96x128xf32, #tpu.memory_space<vmem>> -> memref<80x128xf32, #tpu.memory_space<vmem>>
      %dma_wait3A_324 = arith.constant 0 : i32
      %dma_wait3A_325 = tpu.memref_slice %arg10[%mul3A_321, %dma_wait3A_324] : memref<10016x128xf32, #tpu.memory_space<vmem_shared>> -> memref<80x128xf32, #tpu.memory_space<vmem_shared>>
      %dma_wait3A_326 = arith.constant 0 : i32
      %dma_wait3A_327 = tpu.memref_slice %arg10[%mul3A_321, %dma_wait3A_326] : memref<10016x128xf32, #tpu.memory_space<vmem_shared>> -> memref<80x128xf32, #tpu.memory_space<vmem_shared>>
      %dma_wait3A_328 = arith.constant 0 : i32
      %dma_wait3A_329 = arith.constant 0 : i32
      %dma_wait3A_330 = tpu.memref_slice %arg8[%dma_wait3A_328, %dma_wait3A_329] : memref<96x128xf32, #tpu.memory_space<vmem>> -> memref<80x128xf32, #tpu.memory_space<vmem>>
      tpu.wait_dma2 semaphore(%arg11 : memref<!tpu.dma_semaphore, #tpu.memory_space<semaphore_mem>>) src(%dma_wait3A_330 : memref<80x128xf32, #tpu.memory_space<vmem>>) dst(%dma_wait3A_327 : memref<80x128xf32, #tpu.memory_space<vmem_shared>>)
    } else {
    }
    %mul3A_94 = arith.constant 8 : i32
    %mul3A_95 = arith.muli %arg1, %mul3A_94 : i32
    %add3A_96 = arith.constant 2 : i32
    %add3A_97 = arith.addi %mul3A_95, %add3A_96 : i32
    %lt3A_98 = arith.constant 125 : i32
    %lt3A_99 = arith.cmpi slt, %add3A_97, %lt3A_98 : i32
    %convert_element_type3A_100 = arith.extui %lt3A_99 : i1 to i32
    %cond3A_101 = arith.constant 0 : i32
    %cond3A_102 = arith.cmpi ne, %convert_element_type3A_100, %cond3A_101 : i32
    scf.if %cond3A_102 {
      %mul3A_320 = arith.constant 80 : i32
      %mul3A_321 = arith.muli %add3A_97, %mul3A_320 : i32
      %dma_wait3A = arith.constant 0 : i32
      %dma_wait3A_322 = arith.constant 0 : i32
      %dma_wait3A_323 = tpu.memref_slice %arg8[%dma_wait3A, %dma_wait3A_322] : memref<96x128xf32, #tpu.memory_space<vmem>> -> memref<80x128xf32, #tpu.memory_space<vmem>>
      %dma_wait3A_324 = arith.constant 0 : i32
      %dma_wait3A_325 = tpu.memref_slice %arg10[%mul3A_321, %dma_wait3A_324] : memref<10016x128xf32, #tpu.memory_space<vmem_shared>> -> memref<80x128xf32, #tpu.memory_space<vmem_shared>>
      %dma_wait3A_326 = arith.constant 0 : i32
      %dma_wait3A_327 = tpu.memref_slice %arg10[%mul3A_321, %dma_wait3A_326] : memref<10016x128xf32, #tpu.memory_space<vmem_shared>> -> memref<80x128xf32, #tpu.memory_space<vmem_shared>>
      %dma_wait3A_328 = arith.constant 0 : i32
      %dma_wait3A_329 = arith.constant 0 : i32
      %dma_wait3A_330 = tpu.memref_slice %arg8[%dma_wait3A_328, %dma_wait3A_329] : memref<96x128xf32, #tpu.memory_space<vmem>> -> memref<80x128xf32, #tpu.memory_space<vmem>>
      tpu.wait_dma2 semaphore(%arg11 : memref<!tpu.dma_semaphore, #tpu.memory_space<semaphore_mem>>) src(%dma_wait3A_330 : memref<80x128xf32, #tpu.memory_space<vmem>>) dst(%dma_wait3A_327 : memref<80x128xf32, #tpu.memory_space<vmem_shared>>)
    } else {
    }
    %mul3A_103 = arith.constant 8 : i32
    %mul3A_104 = arith.muli %arg1, %mul3A_103 : i32
    %add3A_105 = arith.constant 3 : i32
    %add3A_106 = arith.addi %mul3A_104, %add3A_105 : i32
    %lt3A_107 = arith.constant 125 : i32
    %lt3A_108 = arith.cmpi slt, %add3A_106, %lt3A_107 : i32
    %convert_element_type3A_109 = arith.extui %lt3A_108 : i1 to i32
    %cond3A_110 = arith.constant 0 : i32
    %cond3A_111 = arith.cmpi ne, %convert_element_type3A_109, %cond3A_110 : i32
    scf.if %cond3A_111 {
      %mul3A_320 = arith.constant 80 : i32
      %mul3A_321 = arith.muli %add3A_106, %mul3A_320 : i32
      %dma_wait3A = arith.constant 0 : i32
      %dma_wait3A_322 = arith.constant 0 : i32
      %dma_wait3A_323 = tpu.memref_slice %arg8[%dma_wait3A, %dma_wait3A_322] : memref<96x128xf32, #tpu.memory_space<vmem>> -> memref<80x128xf32, #tpu.memory_space<vmem>>
      %dma_wait3A_324 = arith.constant 0 : i32
      %dma_wait3A_325 = tpu.memref_slice %arg10[%mul3A_321, %dma_wait3A_324] : memref<10016x128xf32, #tpu.memory_space<vmem_shared>> -> memref<80x128xf32, #tpu.memory_space<vmem_shared>>
      %dma_wait3A_326 = arith.constant 0 : i32
      %dma_wait3A_327 = tpu.memref_slice %arg10[%mul3A_321, %dma_wait3A_326] : memref<10016x128xf32, #tpu.memory_space<vmem_shared>> -> memref<80x128xf32, #tpu.memory_space<vmem_shared>>
      %dma_wait3A_328 = arith.constant 0 : i32
      %dma_wait3A_329 = arith.constant 0 : i32
      %dma_wait3A_330 = tpu.memref_slice %arg8[%dma_wait3A_328, %dma_wait3A_329] : memref<96x128xf32, #tpu.memory_space<vmem>> -> memref<80x128xf32, #tpu.memory_space<vmem>>
      tpu.wait_dma2 semaphore(%arg11 : memref<!tpu.dma_semaphore, #tpu.memory_space<semaphore_mem>>) src(%dma_wait3A_330 : memref<80x128xf32, #tpu.memory_space<vmem>>) dst(%dma_wait3A_327 : memref<80x128xf32, #tpu.memory_space<vmem_shared>>)
    } else {
    }
    %mul3A_112 = arith.constant 8 : i32
    %mul3A_113 = arith.muli %arg1, %mul3A_112 : i32
    %add3A_114 = arith.constant 4 : i32
    %add3A_115 = arith.addi %mul3A_113, %add3A_114 : i32
    %lt3A_116 = arith.constant 125 : i32
    %lt3A_117 = arith.cmpi slt, %add3A_115, %lt3A_116 : i32
    %convert_element_type3A_118 = arith.extui %lt3A_117 : i1 to i32
    %cond3A_119 = arith.constant 0 : i32
    %cond3A_120 = arith.cmpi ne, %convert_element_type3A_118, %cond3A_119 : i32
    scf.if %cond3A_120 {
      %mul3A_320 = arith.constant 80 : i32
      %mul3A_321 = arith.muli %add3A_115, %mul3A_320 : i32
      %dma_wait3A = arith.constant 0 : i32
      %dma_wait3A_322 = arith.constant 0 : i32
      %dma_wait3A_323 = tpu.memref_slice %arg8[%dma_wait3A, %dma_wait3A_322] : memref<96x128xf32, #tpu.memory_space<vmem>> -> memref<80x128xf32, #tpu.memory_space<vmem>>
      %dma_wait3A_324 = arith.constant 0 : i32
      %dma_wait3A_325 = tpu.memref_slice %arg10[%mul3A_321, %dma_wait3A_324] : memref<10016x128xf32, #tpu.memory_space<vmem_shared>> -> memref<80x128xf32, #tpu.memory_space<vmem_shared>>
      %dma_wait3A_326 = arith.constant 0 : i32
      %dma_wait3A_327 = tpu.memref_slice %arg10[%mul3A_321, %dma_wait3A_326] : memref<10016x128xf32, #tpu.memory_space<vmem_shared>> -> memref<80x128xf32, #tpu.memory_space<vmem_shared>>
      %dma_wait3A_328 = arith.constant 0 : i32
      %dma_wait3A_329 = arith.constant 0 : i32
      %dma_wait3A_330 = tpu.memref_slice %arg8[%dma_wait3A_328, %dma_wait3A_329] : memref<96x128xf32, #tpu.memory_space<vmem>> -> memref<80x128xf32, #tpu.memory_space<vmem>>
      tpu.wait_dma2 semaphore(%arg11 : memref<!tpu.dma_semaphore, #tpu.memory_space<semaphore_mem>>) src(%dma_wait3A_330 : memref<80x128xf32, #tpu.memory_space<vmem>>) dst(%dma_wait3A_327 : memref<80x128xf32, #tpu.memory_space<vmem_shared>>)
    } else {
    }
    %mul3A_121 = arith.constant 8 : i32
    %mul3A_122 = arith.muli %arg1, %mul3A_121 : i32
    %add3A_123 = arith.constant 5 : i32
    %add3A_124 = arith.addi %mul3A_122, %add3A_123 : i32
    %lt3A_125 = arith.constant 125 : i32
    %lt3A_126 = arith.cmpi slt, %add3A_124, %lt3A_125 : i32
    %convert_element_type3A_127 = arith.extui %lt3A_126 : i1 to i32
    %cond3A_128 = arith.constant 0 : i32
    %cond3A_129 = arith.cmpi ne, %convert_element_type3A_127, %cond3A_128 : i32
    scf.if %cond3A_129 {
      %mul3A_320 = arith.constant 80 : i32
      %mul3A_321 = arith.muli %add3A_124, %mul3A_320 : i32
      %dma_wait3A = arith.constant 0 : i32
      %dma_wait3A_322 = arith.constant 0 : i32
      %dma_wait3A_323 = tpu.memref_slice %arg8[%dma_wait3A, %dma_wait3A_322] : memref<96x128xf32, #tpu.memory_space<vmem>> -> memref<80x128xf32, #tpu.memory_space<vmem>>
      %dma_wait3A_324 = arith.constant 0 : i32
      %dma_wait3A_325 = tpu.memref_slice %arg10[%mul3A_321, %dma_wait3A_324] : memref<10016x128xf32, #tpu.memory_space<vmem_shared>> -> memref<80x128xf32, #tpu.memory_space<vmem_shared>>
      %dma_wait3A_326 = arith.constant 0 : i32
      %dma_wait3A_327 = tpu.memref_slice %arg10[%mul3A_321, %dma_wait3A_326] : memref<10016x128xf32, #tpu.memory_space<vmem_shared>> -> memref<80x128xf32, #tpu.memory_space<vmem_shared>>
      %dma_wait3A_328 = arith.constant 0 : i32
      %dma_wait3A_329 = arith.constant 0 : i32
      %dma_wait3A_330 = tpu.memref_slice %arg8[%dma_wait3A_328, %dma_wait3A_329] : memref<96x128xf32, #tpu.memory_space<vmem>> -> memref<80x128xf32, #tpu.memory_space<vmem>>
      tpu.wait_dma2 semaphore(%arg11 : memref<!tpu.dma_semaphore, #tpu.memory_space<semaphore_mem>>) src(%dma_wait3A_330 : memref<80x128xf32, #tpu.memory_space<vmem>>) dst(%dma_wait3A_327 : memref<80x128xf32, #tpu.memory_space<vmem_shared>>)
    } else {
    }
    %mul3A_130 = arith.constant 8 : i32
    %mul3A_131 = arith.muli %arg1, %mul3A_130 : i32
    %add3A_132 = arith.constant 6 : i32
    %add3A_133 = arith.addi %mul3A_131, %add3A_132 : i32
    %lt3A_134 = arith.constant 125 : i32
    %lt3A_135 = arith.cmpi slt, %add3A_133, %lt3A_134 : i32
    %convert_element_type3A_136 = arith.extui %lt3A_135 : i1 to i32
    %cond3A_137 = arith.constant 0 : i32
    %cond3A_138 = arith.cmpi ne, %convert_element_type3A_136, %cond3A_137 : i32
    scf.if %cond3A_138 {
      %mul3A_320 = arith.constant 80 : i32
      %mul3A_321 = arith.muli %add3A_133, %mul3A_320 : i32
      %dma_wait3A = arith.constant 0 : i32
      %dma_wait3A_322 = arith.constant 0 : i32
      %dma_wait3A_323 = tpu.memref_slice %arg8[%dma_wait3A, %dma_wait3A_322] : memref<96x128xf32, #tpu.memory_space<vmem>> -> memref<80x128xf32, #tpu.memory_space<vmem>>
      %dma_wait3A_324 = arith.constant 0 : i32
      %dma_wait3A_325 = tpu.memref_slice %arg10[%mul3A_321, %dma_wait3A_324] : memref<10016x128xf32, #tpu.memory_space<vmem_shared>> -> memref<80x128xf32, #tpu.memory_space<vmem_shared>>
      %dma_wait3A_326 = arith.constant 0 : i32
      %dma_wait3A_327 = tpu.memref_slice %arg10[%mul3A_321, %dma_wait3A_326] : memref<10016x128xf32, #tpu.memory_space<vmem_shared>> -> memref<80x128xf32, #tpu.memory_space<vmem_shared>>
      %dma_wait3A_328 = arith.constant 0 : i32
      %dma_wait3A_329 = arith.constant 0 : i32
      %dma_wait3A_330 = tpu.memref_slice %arg8[%dma_wait3A_328, %dma_wait3A_329] : memref<96x128xf32, #tpu.memory_space<vmem>> -> memref<80x128xf32, #tpu.memory_space<vmem>>
      tpu.wait_dma2 semaphore(%arg11 : memref<!tpu.dma_semaphore, #tpu.memory_space<semaphore_mem>>) src(%dma_wait3A_330 : memref<80x128xf32, #tpu.memory_space<vmem>>) dst(%dma_wait3A_327 : memref<80x128xf32, #tpu.memory_space<vmem_shared>>)
    } else {
    }
    %mul3A_139 = arith.constant 8 : i32
    %mul3A_140 = arith.muli %arg1, %mul3A_139 : i32
    %add3A_141 = arith.constant 7 : i32
    %add3A_142 = arith.addi %mul3A_140, %add3A_141 : i32
    %lt3A_143 = arith.constant 125 : i32
    %lt3A_144 = arith.cmpi slt, %add3A_142, %lt3A_143 : i32
    %convert_element_type3A_145 = arith.extui %lt3A_144 : i1 to i32
    %cond3A_146 = arith.constant 0 : i32
    %cond3A_147 = arith.cmpi ne, %convert_element_type3A_145, %cond3A_146 : i32
    scf.if %cond3A_147 {
      %mul3A_320 = arith.constant 80 : i32
      %mul3A_321 = arith.muli %add3A_142, %mul3A_320 : i32
      %dma_wait3A = arith.constant 0 : i32
      %dma_wait3A_322 = arith.constant 0 : i32
      %dma_wait3A_323 = tpu.memref_slice %arg8[%dma_wait3A, %dma_wait3A_322] : memref<96x128xf32, #tpu.memory_space<vmem>> -> memref<80x128xf32, #tpu.memory_space<vmem>>
      %dma_wait3A_324 = arith.constant 0 : i32
      %dma_wait3A_325 = tpu.memref_slice %arg10[%mul3A_321, %dma_wait3A_324] : memref<10016x128xf32, #tpu.memory_space<vmem_shared>> -> memref<80x128xf32, #tpu.memory_space<vmem_shared>>
      %dma_wait3A_326 = arith.constant 0 : i32
      %dma_wait3A_327 = tpu.memref_slice %arg10[%mul3A_321, %dma_wait3A_326] : memref<10016x128xf32, #tpu.memory_space<vmem_shared>> -> memref<80x128xf32, #tpu.memory_space<vmem_shared>>
      %dma_wait3A_328 = arith.constant 0 : i32
      %dma_wait3A_329 = arith.constant 0 : i32
      %dma_wait3A_330 = tpu.memref_slice %arg8[%dma_wait3A_328, %dma_wait3A_329] : memref<96x128xf32, #tpu.memory_space<vmem>> -> memref<80x128xf32, #tpu.memory_space<vmem>>
      tpu.wait_dma2 semaphore(%arg11 : memref<!tpu.dma_semaphore, #tpu.memory_space<semaphore_mem>>) src(%dma_wait3A_330 : memref<80x128xf32, #tpu.memory_space<vmem>>) dst(%dma_wait3A_327 : memref<80x128xf32, #tpu.memory_space<vmem_shared>>)
    } else {
    }
    %barrier3A = arith.constant 0 : index
    tpu.barrier barrier_id(%barrier3A)
    %dma_start3A = arith.constant 0 : i32
    %dma_start3A_148 = arith.constant 0 : i32
    %dma_start3A_149 = tpu.memref_slice %arg6[%dma_start3A, %dma_start3A_148] : memref<53x96xi32, #tpu.memory_space<vmem>> -> memref<1x96xi32, #tpu.memory_space<vmem>>
    %dma_start3A_150 = tpu.memref_squeeze %dma_start3A_149 : memref<1x96xi32, #tpu.memory_space<vmem>> -> memref<96xi32, #tpu.memory_space<vmem>>
    %dma_start3A_151 = arith.constant 0 : i32
    %dma_start3A_152 = arith.constant 0 : i32
    %dma_start3A_153 = tpu.memref_slice %arg2[%dma_start3A_151, %dma_start3A_152] : memref<10000x128xf32, #tpu.memory_space<hbm>> -> memref<10000x128xf32, #tpu.memory_space<hbm>>
    tpu.enqueue_indirect_dma source(%dma_start3A_153 : memref<10000x128xf32, #tpu.memory_space<hbm>>) target(%arg8 : memref<96x128xf32, #tpu.memory_space<vmem>>) offsets(%dma_start3A_150 : memref<96xi32, #tpu.memory_space<vmem>>) semaphore(%arg11 : memref<!tpu.dma_semaphore, #tpu.memory_space<semaphore_mem>>)
    %scan3A_154 = arith.constant 0 : i32
    %scan3A_155 = arith.constant 0 : i32
    %scan3A_156 = arith.constant 27 : i32
    %scan3A_157 = arith.addi %scan3A_155, %scan3A_156 : i32
    %scan3A_158 = arith.constant 1 : i32
    scf.for %scan3A_320 = %scan3A_155 to %scan3A_157 step %scan3A_158  : i32 {
      %mul3A_321 = arith.constant 2 : i32
      %mul3A_322 = arith.muli %mul3A_321, %scan3A_320 : i32
      %add3A_323 = arith.constant 1 : i32
      %add3A_324 = arith.addi %mul3A_322, %add3A_323 : i32
      %lt3A_325 = arith.constant 53 : i32
      %lt3A_326 = arith.cmpi slt, %add3A_324, %lt3A_325 : i32
      %convert_element_type3A_327 = arith.extui %lt3A_326 : i1 to i32
      %cond3A_328 = arith.constant 0 : i32
      %cond3A_329 = arith.cmpi ne, %convert_element_type3A_327, %cond3A_328 : i32
      scf.if %cond3A_329 {
        %add3A_349 = arith.constant 1 : i32
        %add3A_350 = arith.addi %mul3A_322, %add3A_349 : i32
        %dma_start3A_351 = arith.constant 0 : i32
        %dma_start3A_352 = tpu.memref_slice %arg6[%add3A_350, %dma_start3A_351] : memref<53x96xi32, #tpu.memory_space<vmem>> -> memref<1x96xi32, #tpu.memory_space<vmem>>
        %dma_start3A_353 = tpu.memref_squeeze %dma_start3A_352 : memref<1x96xi32, #tpu.memory_space<vmem>> -> memref<96xi32, #tpu.memory_space<vmem>>
        %dma_start3A_354 = arith.constant 0 : i32
        %dma_start3A_355 = arith.constant 0 : i32
        %dma_start3A_356 = tpu.memref_slice %arg2[%dma_start3A_354, %dma_start3A_355] : memref<10000x128xf32, #tpu.memory_space<hbm>> -> memref<10000x128xf32, #tpu.memory_space<hbm>>
        tpu.enqueue_indirect_dma source(%dma_start3A_356 : memref<10000x128xf32, #tpu.memory_space<hbm>>) target(%arg9 : memref<96x128xf32, #tpu.memory_space<vmem>>) offsets(%dma_start3A_353 : memref<96xi32, #tpu.memory_space<vmem>>) semaphore(%arg12 : memref<!tpu.dma_semaphore, #tpu.memory_space<semaphore_mem>>)
      } else {
      }
      %dma_wait3A = arith.constant 0 : i32
      %dma_wait3A_330 = tpu.memref_slice %arg6[%mul3A_322, %dma_wait3A] : memref<53x96xi32, #tpu.memory_space<vmem>> -> memref<1x96xi32, #tpu.memory_space<vmem>>
      %dma_wait3A_331 = tpu.memref_squeeze %dma_wait3A_330 : memref<1x96xi32, #tpu.memory_space<vmem>> -> memref<96xi32, #tpu.memory_space<vmem>>
      %dma_wait3A_332 = arith.constant 0 : i32
      %dma_wait3A_333 = arith.constant 0 : i32
      %dma_wait3A_334 = tpu.memref_slice %arg2[%dma_wait3A_332, %dma_wait3A_333] : memref<10000x128xf32, #tpu.memory_space<hbm>> -> memref<10000x128xf32, #tpu.memory_space<hbm>>
      tpu.wait_indirect_dma semaphore(%arg11 : memref<!tpu.dma_semaphore, #tpu.memory_space<semaphore_mem>>) src(%dma_wait3A_334 : memref<10000x128xf32, #tpu.memory_space<hbm>>) dst(%arg8 : memref<96x128xf32, #tpu.memory_space<vmem>>)
      "tpu.region"() ({
        %run_scoped3A_349 = tpu.sem_alloc : memref<!tpu.dma_semaphore, #tpu.memory_space<semaphore_mem>>
        %dma_start3A_350 = arith.constant 0 : i32
        %dma_start3A_351 = tpu.memref_slice %arg7[%mul3A_322, %dma_start3A_350] : memref<53x96xi32, #tpu.memory_space<vmem>> -> memref<1x96xi32, #tpu.memory_space<vmem>>
        %dma_start3A_352 = tpu.memref_squeeze %dma_start3A_351 : memref<1x96xi32, #tpu.memory_space<vmem>> -> memref<96xi32, #tpu.memory_space<vmem>>
        %dma_start3A_353 = arith.constant 0 : i32
        %dma_start3A_354 = arith.constant 0 : i32
        %dma_start3A_355 = tpu.memref_slice %arg10[%dma_start3A_353, %dma_start3A_354] : memref<10016x128xf32, #tpu.memory_space<vmem_shared>> -> memref<10016x128xf32, #tpu.memory_space<vmem_shared>>
        tpu.enqueue_indirect_dma source(%arg8 : memref<96x128xf32, #tpu.memory_space<vmem>>) target(%dma_start3A_355 : memref<10016x128xf32, #tpu.memory_space<vmem_shared>>) offsets(%dma_start3A_352 : memref<96xi32, #tpu.memory_space<vmem>>) semaphore(%run_scoped3A_349 : memref<!tpu.dma_semaphore, #tpu.memory_space<semaphore_mem>>) {add = true}
        %dma_wait3A_356 = arith.constant 0 : i32
        %dma_wait3A_357 = tpu.memref_slice %arg7[%mul3A_322, %dma_wait3A_356] : memref<53x96xi32, #tpu.memory_space<vmem>> -> memref<1x96xi32, #tpu.memory_space<vmem>>
        %dma_wait3A_358 = tpu.memref_squeeze %dma_wait3A_357 : memref<1x96xi32, #tpu.memory_space<vmem>> -> memref<96xi32, #tpu.memory_space<vmem>>
        %dma_wait3A_359 = arith.constant 0 : i32
        %dma_wait3A_360 = arith.constant 0 : i32
        %dma_wait3A_361 = tpu.memref_slice %arg10[%dma_wait3A_359, %dma_wait3A_360] : memref<10016x128xf32, #tpu.memory_space<vmem_shared>> -> memref<10016x128xf32, #tpu.memory_space<vmem_shared>>
        tpu.wait_indirect_dma semaphore(%run_scoped3A_349 : memref<!tpu.dma_semaphore, #tpu.memory_space<semaphore_mem>>) src(%arg8 : memref<96x128xf32, #tpu.memory_space<vmem>>) dst(%dma_wait3A_361 : memref<10016x128xf32, #tpu.memory_space<vmem_shared>>)
        tpu.yield
      }) : () -> ()
      %add3A_335 = arith.constant 2 : i32
      %add3A_336 = arith.addi %mul3A_322, %add3A_335 : i32
      %lt3A_337 = arith.constant 53 : i32
      %lt3A_338 = arith.cmpi slt, %add3A_336, %lt3A_337 : i32
      %convert_element_type3A_339 = arith.extui %lt3A_338 : i1 to i32
      %cond3A_340 = arith.constant 0 : i32
      %cond3A_341 = arith.cmpi ne, %convert_element_type3A_339, %cond3A_340 : i32
      scf.if %cond3A_341 {
        %add3A_349 = arith.constant 2 : i32
        %add3A_350 = arith.addi %mul3A_322, %add3A_349 : i32
        %dma_start3A_351 = arith.constant 0 : i32
        %dma_start3A_352 = tpu.memref_slice %arg6[%add3A_350, %dma_start3A_351] : memref<53x96xi32, #tpu.memory_space<vmem>> -> memref<1x96xi32, #tpu.memory_space<vmem>>
        %dma_start3A_353 = tpu.memref_squeeze %dma_start3A_352 : memref<1x96xi32, #tpu.memory_space<vmem>> -> memref<96xi32, #tpu.memory_space<vmem>>
        %dma_start3A_354 = arith.constant 0 : i32
        %dma_start3A_355 = arith.constant 0 : i32
        %dma_start3A_356 = tpu.memref_slice %arg2[%dma_start3A_354, %dma_start3A_355] : memref<10000x128xf32, #tpu.memory_space<hbm>> -> memref<10000x128xf32, #tpu.memory_space<hbm>>
        tpu.enqueue_indirect_dma source(%dma_start3A_356 : memref<10000x128xf32, #tpu.memory_space<hbm>>) target(%arg8 : memref<96x128xf32, #tpu.memory_space<vmem>>) offsets(%dma_start3A_353 : memref<96xi32, #tpu.memory_space<vmem>>) semaphore(%arg11 : memref<!tpu.dma_semaphore, #tpu.memory_space<semaphore_mem>>)
      } else {
      }
      %add3A_342 = arith.constant 1 : i32
      %add3A_343 = arith.addi %mul3A_322, %add3A_342 : i32
      %lt3A_344 = arith.constant 53 : i32
      %lt3A_345 = arith.cmpi slt, %add3A_343, %lt3A_344 : i32
      %convert_element_type3A_346 = arith.extui %lt3A_345 : i1 to i32
      %cond3A_347 = arith.constant 0 : i32
      %cond3A_348 = arith.cmpi ne, %convert_element_type3A_346, %cond3A_347 : i32
      scf.if %cond3A_348 {
        %add3A_349 = arith.constant 1 : i32
        %add3A_350 = arith.addi %mul3A_322, %add3A_349 : i32
        %dma_wait3A_351 = arith.constant 0 : i32
        %dma_wait3A_352 = tpu.memref_slice %arg6[%add3A_350, %dma_wait3A_351] : memref<53x96xi32, #tpu.memory_space<vmem>> -> memref<1x96xi32, #tpu.memory_space<vmem>>
        %dma_wait3A_353 = tpu.memref_squeeze %dma_wait3A_352 : memref<1x96xi32, #tpu.memory_space<vmem>> -> memref<96xi32, #tpu.memory_space<vmem>>
        %dma_wait3A_354 = arith.constant 0 : i32
        %dma_wait3A_355 = arith.constant 0 : i32
        %dma_wait3A_356 = tpu.memref_slice %arg2[%dma_wait3A_354, %dma_wait3A_355] : memref<10000x128xf32, #tpu.memory_space<hbm>> -> memref<10000x128xf32, #tpu.memory_space<hbm>>
        tpu.wait_indirect_dma semaphore(%arg12 : memref<!tpu.dma_semaphore, #tpu.memory_space<semaphore_mem>>) src(%dma_wait3A_356 : memref<10000x128xf32, #tpu.memory_space<hbm>>) dst(%arg9 : memref<96x128xf32, #tpu.memory_space<vmem>>)
        %add3A_357 = arith.constant 1 : i32
        %add3A_358 = arith.addi %mul3A_322, %add3A_357 : i32
        "tpu.region"() ({
          %run_scoped3A_359 = tpu.sem_alloc : memref<!tpu.dma_semaphore, #tpu.memory_space<semaphore_mem>>
          %dma_start3A_360 = arith.constant 0 : i32
          %dma_start3A_361 = tpu.memref_slice %arg7[%add3A_358, %dma_start3A_360] : memref<53x96xi32, #tpu.memory_space<vmem>> -> memref<1x96xi32, #tpu.memory_space<vmem>>
          %dma_start3A_362 = tpu.memref_squeeze %dma_start3A_361 : memref<1x96xi32, #tpu.memory_space<vmem>> -> memref<96xi32, #tpu.memory_space<vmem>>
          %dma_start3A_363 = arith.constant 0 : i32
          %dma_start3A_364 = arith.constant 0 : i32
          %dma_start3A_365 = tpu.memref_slice %arg10[%dma_start3A_363, %dma_start3A_364] : memref<10016x128xf32, #tpu.memory_space<vmem_shared>> -> memref<10016x128xf32, #tpu.memory_space<vmem_shared>>
          tpu.enqueue_indirect_dma source(%arg9 : memref<96x128xf32, #tpu.memory_space<vmem>>) target(%dma_start3A_365 : memref<10016x128xf32, #tpu.memory_space<vmem_shared>>) offsets(%dma_start3A_362 : memref<96xi32, #tpu.memory_space<vmem>>) semaphore(%run_scoped3A_359 : memref<!tpu.dma_semaphore, #tpu.memory_space<semaphore_mem>>) {add = true}
          %dma_wait3A_366 = arith.constant 0 : i32
          %dma_wait3A_367 = tpu.memref_slice %arg7[%add3A_358, %dma_wait3A_366] : memref<53x96xi32, #tpu.memory_space<vmem>> -> memref<1x96xi32, #tpu.memory_space<vmem>>
          %dma_wait3A_368 = tpu.memref_squeeze %dma_wait3A_367 : memref<1x96xi32, #tpu.memory_space<vmem>> -> memref<96xi32, #tpu.memory_space<vmem>>
          %dma_wait3A_369 = arith.constant 0 : i32
          %dma_wait3A_370 = arith.constant 0 : i32
          %dma_wait3A_371 = tpu.memref_slice %arg10[%dma_wait3A_369, %dma_wait3A_370] : memref<10016x128xf32, #tpu.memory_space<vmem_shared>> -> memref<10016x128xf32, #tpu.memory_space<vmem_shared>>
          tpu.wait_indirect_dma semaphore(%run_scoped3A_359 : memref<!tpu.dma_semaphore, #tpu.memory_space<semaphore_mem>>) src(%arg9 : memref<96x128xf32, #tpu.memory_space<vmem>>) dst(%dma_wait3A_371 : memref<10016x128xf32, #tpu.memory_space<vmem_shared>>)
          tpu.yield
        }) : () -> ()
      } else {
      }
    }
    %scan3A_159 = arith.constant 27 : i32
    %run_scoped3A_160 = arith.constant 1 : i32
    "tpu.region"() ({
      %run_scoped3A_320 = tpu.sem_alloc : memref<!tpu.dma_semaphore, #tpu.memory_space<semaphore_mem>>
      %dma_start3A_321 = arith.constant 0 : i32
      %dma_start3A_322 = arith.constant 0 : i32
      %dma_start3A_323 = tpu.memref_slice %arg3[%add3A, %run_scoped3A_160, %dma_start3A_321, %dma_start3A_322] : memref<32x2x53x96xi32, #tpu.memory_space<hbm>> -> memref<1x1x53x96xi32, #tpu.memory_space<hbm>>
      %dma_start3A_324 = tpu.memref_squeeze %dma_start3A_323 : memref<1x1x53x96xi32, #tpu.memory_space<hbm>> -> memref<53x96xi32, #tpu.memory_space<hbm>>
      %dma_start3A_325 = arith.constant 0 : i32
      %dma_start3A_326 = arith.constant 0 : i32
      %dma_start3A_327 = tpu.memref_slice %arg3[%add3A, %run_scoped3A_160, %dma_start3A_325, %dma_start3A_326] : memref<32x2x53x96xi32, #tpu.memory_space<hbm>> -> memref<1x1x53x96xi32, #tpu.memory_space<hbm>>
      %dma_start3A_328 = tpu.memref_squeeze %dma_start3A_327 : memref<1x1x53x96xi32, #tpu.memory_space<hbm>> -> memref<53x96xi32, #tpu.memory_space<hbm>>
      tpu.enqueue_dma source(%dma_start3A_328 : memref<53x96xi32, #tpu.memory_space<hbm>>) target(%arg6 : memref<53x96xi32, #tpu.memory_space<vmem>>) target_semaphore(%run_scoped3A_320 : memref<!tpu.dma_semaphore, #tpu.memory_space<semaphore_mem>>)
      %dma_wait3A = arith.constant 0 : i32
      %dma_wait3A_329 = arith.constant 0 : i32
      %dma_wait3A_330 = tpu.memref_slice %arg3[%add3A, %run_scoped3A_160, %dma_wait3A, %dma_wait3A_329] : memref<32x2x53x96xi32, #tpu.memory_space<hbm>> -> memref<1x1x53x96xi32, #tpu.memory_space<hbm>>
      %dma_wait3A_331 = tpu.memref_squeeze %dma_wait3A_330 : memref<1x1x53x96xi32, #tpu.memory_space<hbm>> -> memref<53x96xi32, #tpu.memory_space<hbm>>
      %dma_wait3A_332 = arith.constant 0 : i32
      %dma_wait3A_333 = arith.constant 0 : i32
      %dma_wait3A_334 = tpu.memref_slice %arg3[%add3A, %run_scoped3A_160, %dma_wait3A_332, %dma_wait3A_333] : memref<32x2x53x96xi32, #tpu.memory_space<hbm>> -> memref<1x1x53x96xi32, #tpu.memory_space<hbm>>
      %dma_wait3A_335 = tpu.memref_squeeze %dma_wait3A_334 : memref<1x1x53x96xi32, #tpu.memory_space<hbm>> -> memref<53x96xi32, #tpu.memory_space<hbm>>
      tpu.wait_dma2 semaphore(%run_scoped3A_320 : memref<!tpu.dma_semaphore, #tpu.memory_space<semaphore_mem>>) src(%dma_wait3A_335 : memref<53x96xi32, #tpu.memory_space<hbm>>) dst(%arg6 : memref<53x96xi32, #tpu.memory_space<vmem>>)
      tpu.yield
    }) : () -> ()
    %run_scoped3A_161 = arith.constant 1 : i32
    "tpu.region"() ({
      %run_scoped3A_320 = tpu.sem_alloc : memref<!tpu.dma_semaphore, #tpu.memory_space<semaphore_mem>>
      %dma_start3A_321 = arith.constant 0 : i32
      %dma_start3A_322 = arith.constant 0 : i32
      %dma_start3A_323 = tpu.memref_slice %arg4[%add3A, %run_scoped3A_161, %dma_start3A_321, %dma_start3A_322] : memref<32x2x53x96xi32, #tpu.memory_space<hbm>> -> memref<1x1x53x96xi32, #tpu.memory_space<hbm>>
      %dma_start3A_324 = tpu.memref_squeeze %dma_start3A_323 : memref<1x1x53x96xi32, #tpu.memory_space<hbm>> -> memref<53x96xi32, #tpu.memory_space<hbm>>
      %dma_start3A_325 = arith.constant 0 : i32
      %dma_start3A_326 = arith.constant 0 : i32
      %dma_start3A_327 = tpu.memref_slice %arg4[%add3A, %run_scoped3A_161, %dma_start3A_325, %dma_start3A_326] : memref<32x2x53x96xi32, #tpu.memory_space<hbm>> -> memref<1x1x53x96xi32, #tpu.memory_space<hbm>>
      %dma_start3A_328 = tpu.memref_squeeze %dma_start3A_327 : memref<1x1x53x96xi32, #tpu.memory_space<hbm>> -> memref<53x96xi32, #tpu.memory_space<hbm>>
      tpu.enqueue_dma source(%dma_start3A_328 : memref<53x96xi32, #tpu.memory_space<hbm>>) target(%arg7 : memref<53x96xi32, #tpu.memory_space<vmem>>) target_semaphore(%run_scoped3A_320 : memref<!tpu.dma_semaphore, #tpu.memory_space<semaphore_mem>>)
      %dma_wait3A = arith.constant 0 : i32
      %dma_wait3A_329 = arith.constant 0 : i32
      %dma_wait3A_330 = tpu.memref_slice %arg4[%add3A, %run_scoped3A_161, %dma_wait3A, %dma_wait3A_329] : memref<32x2x53x96xi32, #tpu.memory_space<hbm>> -> memref<1x1x53x96xi32, #tpu.memory_space<hbm>>
      %dma_wait3A_331 = tpu.memref_squeeze %dma_wait3A_330 : memref<1x1x53x96xi32, #tpu.memory_space<hbm>> -> memref<53x96xi32, #tpu.memory_space<hbm>>
      %dma_wait3A_332 = arith.constant 0 : i32
      %dma_wait3A_333 = arith.constant 0 : i32
      %dma_wait3A_334 = tpu.memref_slice %arg4[%add3A, %run_scoped3A_161, %dma_wait3A_332, %dma_wait3A_333] : memref<32x2x53x96xi32, #tpu.memory_space<hbm>> -> memref<1x1x53x96xi32, #tpu.memory_space<hbm>>
      %dma_wait3A_335 = tpu.memref_squeeze %dma_wait3A_334 : memref<1x1x53x96xi32, #tpu.memory_space<hbm>> -> memref<53x96xi32, #tpu.memory_space<hbm>>
      tpu.wait_dma2 semaphore(%run_scoped3A_320 : memref<!tpu.dma_semaphore, #tpu.memory_space<semaphore_mem>>) src(%dma_wait3A_335 : memref<53x96xi32, #tpu.memory_space<hbm>>) dst(%arg7 : memref<53x96xi32, #tpu.memory_space<vmem>>)
      tpu.yield
    }) : () -> ()
    %dma_start3A_162 = arith.constant 0 : i32
    %dma_start3A_163 = arith.constant 0 : i32
    %dma_start3A_164 = tpu.memref_slice %arg6[%dma_start3A_162, %dma_start3A_163] : memref<53x96xi32, #tpu.memory_space<vmem>> -> memref<1x96xi32, #tpu.memory_space<vmem>>
    %dma_start3A_165 = tpu.memref_squeeze %dma_start3A_164 : memref<1x96xi32, #tpu.memory_space<vmem>> -> memref<96xi32, #tpu.memory_space<vmem>>
    %dma_start3A_166 = arith.constant 0 : i32
    %dma_start3A_167 = arith.constant 0 : i32
    %dma_start3A_168 = tpu.memref_slice %arg2[%dma_start3A_166, %dma_start3A_167] : memref<10000x128xf32, #tpu.memory_space<hbm>> -> memref<10000x128xf32, #tpu.memory_space<hbm>>
    tpu.enqueue_indirect_dma source(%dma_start3A_168 : memref<10000x128xf32, #tpu.memory_space<hbm>>) target(%arg8 : memref<96x128xf32, #tpu.memory_space<vmem>>) offsets(%dma_start3A_165 : memref<96xi32, #tpu.memory_space<vmem>>) semaphore(%arg11 : memref<!tpu.dma_semaphore, #tpu.memory_space<semaphore_mem>>)
    %scan3A_169 = arith.constant 0 : i32
    %scan3A_170 = arith.constant 0 : i32
    %scan3A_171 = arith.constant 27 : i32
    %scan3A_172 = arith.addi %scan3A_170, %scan3A_171 : i32
    %scan3A_173 = arith.constant 1 : i32
    scf.for %scan3A_320 = %scan3A_170 to %scan3A_172 step %scan3A_173  : i32 {
      %mul3A_321 = arith.constant 2 : i32
      %mul3A_322 = arith.muli %mul3A_321, %scan3A_320 : i32
      %add3A_323 = arith.constant 1 : i32
      %add3A_324 = arith.addi %mul3A_322, %add3A_323 : i32
      %lt3A_325 = arith.constant 53 : i32
      %lt3A_326 = arith.cmpi slt, %add3A_324, %lt3A_325 : i32
      %convert_element_type3A_327 = arith.extui %lt3A_326 : i1 to i32
      %cond3A_328 = arith.constant 0 : i32
      %cond3A_329 = arith.cmpi ne, %convert_element_type3A_327, %cond3A_328 : i32
      scf.if %cond3A_329 {
        %add3A_349 = arith.constant 1 : i32
        %add3A_350 = arith.addi %mul3A_322, %add3A_349 : i32
        %dma_start3A_351 = arith.constant 0 : i32
        %dma_start3A_352 = tpu.memref_slice %arg6[%add3A_350, %dma_start3A_351] : memref<53x96xi32, #tpu.memory_space<vmem>> -> memref<1x96xi32, #tpu.memory_space<vmem>>
        %dma_start3A_353 = tpu.memref_squeeze %dma_start3A_352 : memref<1x96xi32, #tpu.memory_space<vmem>> -> memref<96xi32, #tpu.memory_space<vmem>>
        %dma_start3A_354 = arith.constant 0 : i32
        %dma_start3A_355 = arith.constant 0 : i32
        %dma_start3A_356 = tpu.memref_slice %arg2[%dma_start3A_354, %dma_start3A_355] : memref<10000x128xf32, #tpu.memory_space<hbm>> -> memref<10000x128xf32, #tpu.memory_space<hbm>>
        tpu.enqueue_indirect_dma source(%dma_start3A_356 : memref<10000x128xf32, #tpu.memory_space<hbm>>) target(%arg9 : memref<96x128xf32, #tpu.memory_space<vmem>>) offsets(%dma_start3A_353 : memref<96xi32, #tpu.memory_space<vmem>>) semaphore(%arg12 : memref<!tpu.dma_semaphore, #tpu.memory_space<semaphore_mem>>)
      } else {
      }
      %dma_wait3A = arith.constant 0 : i32
      %dma_wait3A_330 = tpu.memref_slice %arg6[%mul3A_322, %dma_wait3A] : memref<53x96xi32, #tpu.memory_space<vmem>> -> memref<1x96xi32, #tpu.memory_space<vmem>>
      %dma_wait3A_331 = tpu.memref_squeeze %dma_wait3A_330 : memref<1x96xi32, #tpu.memory_space<vmem>> -> memref<96xi32, #tpu.memory_space<vmem>>
      %dma_wait3A_332 = arith.constant 0 : i32
      %dma_wait3A_333 = arith.constant 0 : i32
      %dma_wait3A_334 = tpu.memref_slice %arg2[%dma_wait3A_332, %dma_wait3A_333] : memref<10000x128xf32, #tpu.memory_space<hbm>> -> memref<10000x128xf32, #tpu.memory_space<hbm>>
      tpu.wait_indirect_dma semaphore(%arg11 : memref<!tpu.dma_semaphore, #tpu.memory_space<semaphore_mem>>) src(%dma_wait3A_334 : memref<10000x128xf32, #tpu.memory_space<hbm>>) dst(%arg8 : memref<96x128xf32, #tpu.memory_space<vmem>>)
      "tpu.region"() ({
        %run_scoped3A_349 = tpu.sem_alloc : memref<!tpu.dma_semaphore, #tpu.memory_space<semaphore_mem>>
        %dma_start3A_350 = arith.constant 0 : i32
        %dma_start3A_351 = tpu.memref_slice %arg7[%mul3A_322, %dma_start3A_350] : memref<53x96xi32, #tpu.memory_space<vmem>> -> memref<1x96xi32, #tpu.memory_space<vmem>>
        %dma_start3A_352 = tpu.memref_squeeze %dma_start3A_351 : memref<1x96xi32, #tpu.memory_space<vmem>> -> memref<96xi32, #tpu.memory_space<vmem>>
        %dma_start3A_353 = arith.constant 0 : i32
        %dma_start3A_354 = arith.constant 0 : i32
        %dma_start3A_355 = tpu.memref_slice %arg10[%dma_start3A_353, %dma_start3A_354] : memref<10016x128xf32, #tpu.memory_space<vmem_shared>> -> memref<10016x128xf32, #tpu.memory_space<vmem_shared>>
        tpu.enqueue_indirect_dma source(%arg8 : memref<96x128xf32, #tpu.memory_space<vmem>>) target(%dma_start3A_355 : memref<10016x128xf32, #tpu.memory_space<vmem_shared>>) offsets(%dma_start3A_352 : memref<96xi32, #tpu.memory_space<vmem>>) semaphore(%run_scoped3A_349 : memref<!tpu.dma_semaphore, #tpu.memory_space<semaphore_mem>>) {add = true}
        %dma_wait3A_356 = arith.constant 0 : i32
        %dma_wait3A_357 = tpu.memref_slice %arg7[%mul3A_322, %dma_wait3A_356] : memref<53x96xi32, #tpu.memory_space<vmem>> -> memref<1x96xi32, #tpu.memory_space<vmem>>
        %dma_wait3A_358 = tpu.memref_squeeze %dma_wait3A_357 : memref<1x96xi32, #tpu.memory_space<vmem>> -> memref<96xi32, #tpu.memory_space<vmem>>
        %dma_wait3A_359 = arith.constant 0 : i32
        %dma_wait3A_360 = arith.constant 0 : i32
        %dma_wait3A_361 = tpu.memref_slice %arg10[%dma_wait3A_359, %dma_wait3A_360] : memref<10016x128xf32, #tpu.memory_space<vmem_shared>> -> memref<10016x128xf32, #tpu.memory_space<vmem_shared>>
        tpu.wait_indirect_dma semaphore(%run_scoped3A_349 : memref<!tpu.dma_semaphore, #tpu.memory_space<semaphore_mem>>) src(%arg8 : memref<96x128xf32, #tpu.memory_space<vmem>>) dst(%dma_wait3A_361 : memref<10016x128xf32, #tpu.memory_space<vmem_shared>>)
        tpu.yield
      }) : () -> ()
      %add3A_335 = arith.constant 2 : i32
      %add3A_336 = arith.addi %mul3A_322, %add3A_335 : i32
      %lt3A_337 = arith.constant 53 : i32
      %lt3A_338 = arith.cmpi slt, %add3A_336, %lt3A_337 : i32
      %convert_element_type3A_339 = arith.extui %lt3A_338 : i1 to i32
      %cond3A_340 = arith.constant 0 : i32
      %cond3A_341 = arith.cmpi ne, %convert_element_type3A_339, %cond3A_340 : i32
      scf.if %cond3A_341 {
        %add3A_349 = arith.constant 2 : i32
        %add3A_350 = arith.addi %mul3A_322, %add3A_349 : i32
        %dma_start3A_351 = arith.constant 0 : i32
        %dma_start3A_352 = tpu.memref_slice %arg6[%add3A_350, %dma_start3A_351] : memref<53x96xi32, #tpu.memory_space<vmem>> -> memref<1x96xi32, #tpu.memory_space<vmem>>
        %dma_start3A_353 = tpu.memref_squeeze %dma_start3A_352 : memref<1x96xi32, #tpu.memory_space<vmem>> -> memref<96xi32, #tpu.memory_space<vmem>>
        %dma_start3A_354 = arith.constant 0 : i32
        %dma_start3A_355 = arith.constant 0 : i32
        %dma_start3A_356 = tpu.memref_slice %arg2[%dma_start3A_354, %dma_start3A_355] : memref<10000x128xf32, #tpu.memory_space<hbm>> -> memref<10000x128xf32, #tpu.memory_space<hbm>>
        tpu.enqueue_indirect_dma source(%dma_start3A_356 : memref<10000x128xf32, #tpu.memory_space<hbm>>) target(%arg8 : memref<96x128xf32, #tpu.memory_space<vmem>>) offsets(%dma_start3A_353 : memref<96xi32, #tpu.memory_space<vmem>>) semaphore(%arg11 : memref<!tpu.dma_semaphore, #tpu.memory_space<semaphore_mem>>)
      } else {
      }
      %add3A_342 = arith.constant 1 : i32
      %add3A_343 = arith.addi %mul3A_322, %add3A_342 : i32
      %lt3A_344 = arith.constant 53 : i32
      %lt3A_345 = arith.cmpi slt, %add3A_343, %lt3A_344 : i32
      %convert_element_type3A_346 = arith.extui %lt3A_345 : i1 to i32
      %cond3A_347 = arith.constant 0 : i32
      %cond3A_348 = arith.cmpi ne, %convert_element_type3A_346, %cond3A_347 : i32
      scf.if %cond3A_348 {
        %add3A_349 = arith.constant 1 : i32
        %add3A_350 = arith.addi %mul3A_322, %add3A_349 : i32
        %dma_wait3A_351 = arith.constant 0 : i32
        %dma_wait3A_352 = tpu.memref_slice %arg6[%add3A_350, %dma_wait3A_351] : memref<53x96xi32, #tpu.memory_space<vmem>> -> memref<1x96xi32, #tpu.memory_space<vmem>>
        %dma_wait3A_353 = tpu.memref_squeeze %dma_wait3A_352 : memref<1x96xi32, #tpu.memory_space<vmem>> -> memref<96xi32, #tpu.memory_space<vmem>>
        %dma_wait3A_354 = arith.constant 0 : i32
        %dma_wait3A_355 = arith.constant 0 : i32
        %dma_wait3A_356 = tpu.memref_slice %arg2[%dma_wait3A_354, %dma_wait3A_355] : memref<10000x128xf32, #tpu.memory_space<hbm>> -> memref<10000x128xf32, #tpu.memory_space<hbm>>
        tpu.wait_indirect_dma semaphore(%arg12 : memref<!tpu.dma_semaphore, #tpu.memory_space<semaphore_mem>>) src(%dma_wait3A_356 : memref<10000x128xf32, #tpu.memory_space<hbm>>) dst(%arg9 : memref<96x128xf32, #tpu.memory_space<vmem>>)
        %add3A_357 = arith.constant 1 : i32
        %add3A_358 = arith.addi %mul3A_322, %add3A_357 : i32
        "tpu.region"() ({
          %run_scoped3A_359 = tpu.sem_alloc : memref<!tpu.dma_semaphore, #tpu.memory_space<semaphore_mem>>
          %dma_start3A_360 = arith.constant 0 : i32
          %dma_start3A_361 = tpu.memref_slice %arg7[%add3A_358, %dma_start3A_360] : memref<53x96xi32, #tpu.memory_space<vmem>> -> memref<1x96xi32, #tpu.memory_space<vmem>>
          %dma_start3A_362 = tpu.memref_squeeze %dma_start3A_361 : memref<1x96xi32, #tpu.memory_space<vmem>> -> memref<96xi32, #tpu.memory_space<vmem>>
          %dma_start3A_363 = arith.constant 0 : i32
          %dma_start3A_364 = arith.constant 0 : i32
          %dma_start3A_365 = tpu.memref_slice %arg10[%dma_start3A_363, %dma_start3A_364] : memref<10016x128xf32, #tpu.memory_space<vmem_shared>> -> memref<10016x128xf32, #tpu.memory_space<vmem_shared>>
          tpu.enqueue_indirect_dma source(%arg9 : memref<96x128xf32, #tpu.memory_space<vmem>>) target(%dma_start3A_365 : memref<10016x128xf32, #tpu.memory_space<vmem_shared>>) offsets(%dma_start3A_362 : memref<96xi32, #tpu.memory_space<vmem>>) semaphore(%run_scoped3A_359 : memref<!tpu.dma_semaphore, #tpu.memory_space<semaphore_mem>>) {add = true}
          %dma_wait3A_366 = arith.constant 0 : i32
          %dma_wait3A_367 = tpu.memref_slice %arg7[%add3A_358, %dma_wait3A_366] : memref<53x96xi32, #tpu.memory_space<vmem>> -> memref<1x96xi32, #tpu.memory_space<vmem>>
          %dma_wait3A_368 = tpu.memref_squeeze %dma_wait3A_367 : memref<1x96xi32, #tpu.memory_space<vmem>> -> memref<96xi32, #tpu.memory_space<vmem>>
          %dma_wait3A_369 = arith.constant 0 : i32
          %dma_wait3A_370 = arith.constant 0 : i32
          %dma_wait3A_371 = tpu.memref_slice %arg10[%dma_wait3A_369, %dma_wait3A_370] : memref<10016x128xf32, #tpu.memory_space<vmem_shared>> -> memref<10016x128xf32, #tpu.memory_space<vmem_shared>>
          tpu.wait_indirect_dma semaphore(%run_scoped3A_359 : memref<!tpu.dma_semaphore, #tpu.memory_space<semaphore_mem>>) src(%arg9 : memref<96x128xf32, #tpu.memory_space<vmem>>) dst(%dma_wait3A_371 : memref<10016x128xf32, #tpu.memory_space<vmem_shared>>)
          tpu.yield
        }) : () -> ()
      } else {
      }
    }
    %scan3A_174 = arith.constant 27 : i32
    %barrier3A_175 = arith.constant 0 : index
    tpu.barrier barrier_id(%barrier3A_175)
    %mul3A_176 = arith.constant 8 : i32
    %mul3A_177 = arith.muli %arg1, %mul3A_176 : i32
    %add3A_178 = arith.constant 0 : i32
    %add3A_179 = arith.addi %mul3A_177, %add3A_178 : i32
    %lt3A_180 = arith.constant 125 : i32
    %lt3A_181 = arith.cmpi slt, %add3A_179, %lt3A_180 : i32
    %convert_element_type3A_182 = arith.extui %lt3A_181 : i1 to i32
    %cond3A_183 = arith.constant 0 : i32
    %cond3A_184 = arith.cmpi ne, %convert_element_type3A_182, %cond3A_183 : i32
    scf.if %cond3A_184 {
      %mul3A_320 = arith.constant 80 : i32
      %mul3A_321 = arith.muli %add3A_179, %mul3A_320 : i32
      "tpu.region"() ({
        %run_scoped3A_336 = tpu.sem_alloc : memref<!tpu.dma_semaphore, #tpu.memory_space<semaphore_mem>>
        %dma_start3A_337 = arith.constant 0 : i32
        %dma_start3A_338 = arith.constant 0 : i32
        %dma_start3A_339 = tpu.memref_slice %arg8[%dma_start3A_337, %dma_start3A_338] : memref<96x128xf32, #tpu.memory_space<vmem>> -> memref<80x128xf32, #tpu.memory_space<vmem>>
        %dma_start3A_340 = arith.constant 0 : i32
        %dma_start3A_341 = tpu.memref_slice %arg10[%mul3A_321, %dma_start3A_340] : memref<10016x128xf32, #tpu.memory_space<vmem_shared>> -> memref<80x128xf32, #tpu.memory_space<vmem_shared>>
        %dma_start3A_342 = arith.constant 0 : i32
        %dma_start3A_343 = arith.constant 0 : i32
        %dma_start3A_344 = tpu.memref_slice %arg8[%dma_start3A_342, %dma_start3A_343] : memref<96x128xf32, #tpu.memory_space<vmem>> -> memref<80x128xf32, #tpu.memory_space<vmem>>
        %dma_start3A_345 = arith.constant 0 : i32
        %dma_start3A_346 = tpu.memref_slice %arg10[%mul3A_321, %dma_start3A_345] : memref<10016x128xf32, #tpu.memory_space<vmem_shared>> -> memref<80x128xf32, #tpu.memory_space<vmem_shared>>
        tpu.enqueue_dma source(%dma_start3A_346 : memref<80x128xf32, #tpu.memory_space<vmem_shared>>) target(%dma_start3A_344 : memref<80x128xf32, #tpu.memory_space<vmem>>) target_semaphore(%run_scoped3A_336 : memref<!tpu.dma_semaphore, #tpu.memory_space<semaphore_mem>>)
        %dma_wait3A = arith.constant 0 : i32
        %dma_wait3A_347 = arith.constant 0 : i32
        %dma_wait3A_348 = tpu.memref_slice %arg8[%dma_wait3A, %dma_wait3A_347] : memref<96x128xf32, #tpu.memory_space<vmem>> -> memref<80x128xf32, #tpu.memory_space<vmem>>
        %dma_wait3A_349 = arith.constant 0 : i32
        %dma_wait3A_350 = tpu.memref_slice %arg10[%mul3A_321, %dma_wait3A_349] : memref<10016x128xf32, #tpu.memory_space<vmem_shared>> -> memref<80x128xf32, #tpu.memory_space<vmem_shared>>
        %dma_wait3A_351 = arith.constant 0 : i32
        %dma_wait3A_352 = arith.constant 0 : i32
        %dma_wait3A_353 = tpu.memref_slice %arg8[%dma_wait3A_351, %dma_wait3A_352] : memref<96x128xf32, #tpu.memory_space<vmem>> -> memref<80x128xf32, #tpu.memory_space<vmem>>
        %dma_wait3A_354 = arith.constant 0 : i32
        %dma_wait3A_355 = tpu.memref_slice %arg10[%mul3A_321, %dma_wait3A_354] : memref<10016x128xf32, #tpu.memory_space<vmem_shared>> -> memref<80x128xf32, #tpu.memory_space<vmem_shared>>
        tpu.wait_dma2 semaphore(%run_scoped3A_336 : memref<!tpu.dma_semaphore, #tpu.memory_space<semaphore_mem>>) src(%dma_wait3A_355 : memref<80x128xf32, #tpu.memory_space<vmem_shared>>) dst(%dma_wait3A_353 : memref<80x128xf32, #tpu.memory_space<vmem>>)
        tpu.yield
      }) : () -> ()
      %mul3A_322 = arith.constant 80 : i32
      %mul3A_323 = arith.muli %add3A_179, %mul3A_322 : i32
      %dma_start3A_324 = arith.constant 0 : i32
      %dma_start3A_325 = arith.constant 0 : i32
      %dma_start3A_326 = tpu.memref_slice %arg8[%dma_start3A_324, %dma_start3A_325] : memref<96x128xf32, #tpu.memory_space<vmem>> -> memref<80x128xf32, #tpu.memory_space<vmem>>
      %dma_start3A_327 = arith.constant 0 : i32
      %dma_start3A_328 = tpu.memref_slice %arg5[%arg0, %mul3A_323, %dma_start3A_327] : memref<2x10000x128xf32, #tpu.memory_space<hbm>> -> memref<1x80x128xf32, #tpu.memory_space<hbm>>
      %dma_start3A_329 = tpu.memref_squeeze %dma_start3A_328 : memref<1x80x128xf32, #tpu.memory_space<hbm>> -> memref<80x128xf32, #tpu.memory_space<hbm>>
      %dma_start3A_330 = arith.constant 0 : i32
      %dma_start3A_331 = tpu.memref_slice %arg5[%arg0, %mul3A_323, %dma_start3A_330] : memref<2x10000x128xf32, #tpu.memory_space<hbm>> -> memref<1x80x128xf32, #tpu.memory_space<hbm>>
      %dma_start3A_332 = tpu.memref_squeeze %dma_start3A_331 : memref<1x80x128xf32, #tpu.memory_space<hbm>> -> memref<80x128xf32, #tpu.memory_space<hbm>>
      %dma_start3A_333 = arith.constant 0 : i32
      %dma_start3A_334 = arith.constant 0 : i32
      %dma_start3A_335 = tpu.memref_slice %arg8[%dma_start3A_333, %dma_start3A_334] : memref<96x128xf32, #tpu.memory_space<vmem>> -> memref<80x128xf32, #tpu.memory_space<vmem>>
      tpu.enqueue_dma source(%dma_start3A_335 : memref<80x128xf32, #tpu.memory_space<vmem>>) target(%dma_start3A_332 : memref<80x128xf32, #tpu.memory_space<hbm>>) target_semaphore(%arg11 : memref<!tpu.dma_semaphore, #tpu.memory_space<semaphore_mem>>)
    } else {
    }
    %mul3A_185 = arith.constant 8 : i32
    %mul3A_186 = arith.muli %arg1, %mul3A_185 : i32
    %add3A_187 = arith.constant 1 : i32
    %add3A_188 = arith.addi %mul3A_186, %add3A_187 : i32
    %lt3A_189 = arith.constant 125 : i32
    %lt3A_190 = arith.cmpi slt, %add3A_188, %lt3A_189 : i32
    %convert_element_type3A_191 = arith.extui %lt3A_190 : i1 to i32
    %cond3A_192 = arith.constant 0 : i32
    %cond3A_193 = arith.cmpi ne, %convert_element_type3A_191, %cond3A_192 : i32
    scf.if %cond3A_193 {
      %mul3A_320 = arith.constant 80 : i32
      %mul3A_321 = arith.muli %add3A_188, %mul3A_320 : i32
      "tpu.region"() ({
        %run_scoped3A_336 = tpu.sem_alloc : memref<!tpu.dma_semaphore, #tpu.memory_space<semaphore_mem>>
        %dma_start3A_337 = arith.constant 0 : i32
        %dma_start3A_338 = arith.constant 0 : i32
        %dma_start3A_339 = tpu.memref_slice %arg9[%dma_start3A_337, %dma_start3A_338] : memref<96x128xf32, #tpu.memory_space<vmem>> -> memref<80x128xf32, #tpu.memory_space<vmem>>
        %dma_start3A_340 = arith.constant 0 : i32
        %dma_start3A_341 = tpu.memref_slice %arg10[%mul3A_321, %dma_start3A_340] : memref<10016x128xf32, #tpu.memory_space<vmem_shared>> -> memref<80x128xf32, #tpu.memory_space<vmem_shared>>
        %dma_start3A_342 = arith.constant 0 : i32
        %dma_start3A_343 = arith.constant 0 : i32
        %dma_start3A_344 = tpu.memref_slice %arg9[%dma_start3A_342, %dma_start3A_343] : memref<96x128xf32, #tpu.memory_space<vmem>> -> memref<80x128xf32, #tpu.memory_space<vmem>>
        %dma_start3A_345 = arith.constant 0 : i32
        %dma_start3A_346 = tpu.memref_slice %arg10[%mul3A_321, %dma_start3A_345] : memref<10016x128xf32, #tpu.memory_space<vmem_shared>> -> memref<80x128xf32, #tpu.memory_space<vmem_shared>>
        tpu.enqueue_dma source(%dma_start3A_346 : memref<80x128xf32, #tpu.memory_space<vmem_shared>>) target(%dma_start3A_344 : memref<80x128xf32, #tpu.memory_space<vmem>>) target_semaphore(%run_scoped3A_336 : memref<!tpu.dma_semaphore, #tpu.memory_space<semaphore_mem>>)
        %dma_wait3A = arith.constant 0 : i32
        %dma_wait3A_347 = arith.constant 0 : i32
        %dma_wait3A_348 = tpu.memref_slice %arg9[%dma_wait3A, %dma_wait3A_347] : memref<96x128xf32, #tpu.memory_space<vmem>> -> memref<80x128xf32, #tpu.memory_space<vmem>>
        %dma_wait3A_349 = arith.constant 0 : i32
        %dma_wait3A_350 = tpu.memref_slice %arg10[%mul3A_321, %dma_wait3A_349] : memref<10016x128xf32, #tpu.memory_space<vmem_shared>> -> memref<80x128xf32, #tpu.memory_space<vmem_shared>>
        %dma_wait3A_351 = arith.constant 0 : i32
        %dma_wait3A_352 = arith.constant 0 : i32
        %dma_wait3A_353 = tpu.memref_slice %arg9[%dma_wait3A_351, %dma_wait3A_352] : memref<96x128xf32, #tpu.memory_space<vmem>> -> memref<80x128xf32, #tpu.memory_space<vmem>>
        %dma_wait3A_354 = arith.constant 0 : i32
        %dma_wait3A_355 = tpu.memref_slice %arg10[%mul3A_321, %dma_wait3A_354] : memref<10016x128xf32, #tpu.memory_space<vmem_shared>> -> memref<80x128xf32, #tpu.memory_space<vmem_shared>>
        tpu.wait_dma2 semaphore(%run_scoped3A_336 : memref<!tpu.dma_semaphore, #tpu.memory_space<semaphore_mem>>) src(%dma_wait3A_355 : memref<80x128xf32, #tpu.memory_space<vmem_shared>>) dst(%dma_wait3A_353 : memref<80x128xf32, #tpu.memory_space<vmem>>)
        tpu.yield
      }) : () -> ()
      %mul3A_322 = arith.constant 80 : i32
      %mul3A_323 = arith.muli %add3A_188, %mul3A_322 : i32
      %dma_start3A_324 = arith.constant 0 : i32
      %dma_start3A_325 = arith.constant 0 : i32
      %dma_start3A_326 = tpu.memref_slice %arg9[%dma_start3A_324, %dma_start3A_325] : memref<96x128xf32, #tpu.memory_space<vmem>> -> memref<80x128xf32, #tpu.memory_space<vmem>>
      %dma_start3A_327 = arith.constant 0 : i32
      %dma_start3A_328 = tpu.memref_slice %arg5[%arg0, %mul3A_323, %dma_start3A_327] : memref<2x10000x128xf32, #tpu.memory_space<hbm>> -> memref<1x80x128xf32, #tpu.memory_space<hbm>>
      %dma_start3A_329 = tpu.memref_squeeze %dma_start3A_328 : memref<1x80x128xf32, #tpu.memory_space<hbm>> -> memref<80x128xf32, #tpu.memory_space<hbm>>
      %dma_start3A_330 = arith.constant 0 : i32
      %dma_start3A_331 = tpu.memref_slice %arg5[%arg0, %mul3A_323, %dma_start3A_330] : memref<2x10000x128xf32, #tpu.memory_space<hbm>> -> memref<1x80x128xf32, #tpu.memory_space<hbm>>
      %dma_start3A_332 = tpu.memref_squeeze %dma_start3A_331 : memref<1x80x128xf32, #tpu.memory_space<hbm>> -> memref<80x128xf32, #tpu.memory_space<hbm>>
      %dma_start3A_333 = arith.constant 0 : i32
      %dma_start3A_334 = arith.constant 0 : i32
      %dma_start3A_335 = tpu.memref_slice %arg9[%dma_start3A_333, %dma_start3A_334] : memref<96x128xf32, #tpu.memory_space<vmem>> -> memref<80x128xf32, #tpu.memory_space<vmem>>
      tpu.enqueue_dma source(%dma_start3A_335 : memref<80x128xf32, #tpu.memory_space<vmem>>) target(%dma_start3A_332 : memref<80x128xf32, #tpu.memory_space<hbm>>) target_semaphore(%arg12 : memref<!tpu.dma_semaphore, #tpu.memory_space<semaphore_mem>>)
    } else {
    }
    %mul3A_194 = arith.constant 8 : i32
    %mul3A_195 = arith.muli %arg1, %mul3A_194 : i32
    %add3A_196 = arith.constant 2 : i32
    %add3A_197 = arith.addi %mul3A_195, %add3A_196 : i32
    %mul3A_198 = arith.constant 8 : i32
    %mul3A_199 = arith.muli %arg1, %mul3A_198 : i32
    %add3A_200 = arith.constant 0 : i32
    %add3A_201 = arith.addi %mul3A_199, %add3A_200 : i32
    %lt3A_202 = arith.constant 125 : i32
    %lt3A_203 = arith.cmpi slt, %add3A_201, %lt3A_202 : i32
    %convert_element_type3A_204 = arith.extui %lt3A_203 : i1 to i32
    %cond3A_205 = arith.constant 0 : i32
    %cond3A_206 = arith.cmpi ne, %convert_element_type3A_204, %cond3A_205 : i32
    scf.if %cond3A_206 {
      %mul3A_320 = arith.constant 80 : i32
      %mul3A_321 = arith.muli %add3A_201, %mul3A_320 : i32
      %dma_wait3A = arith.constant 0 : i32
      %dma_wait3A_322 = arith.constant 0 : i32
      %dma_wait3A_323 = tpu.memref_slice %arg8[%dma_wait3A, %dma_wait3A_322] : memref<96x128xf32, #tpu.memory_space<vmem>> -> memref<80x128xf32, #tpu.memory_space<vmem>>
      %dma_wait3A_324 = arith.constant 0 : i32
      %dma_wait3A_325 = tpu.memref_slice %arg5[%arg0, %mul3A_321, %dma_wait3A_324] : memref<2x10000x128xf32, #tpu.memory_space<hbm>> -> memref<1x80x128xf32, #tpu.memory_space<hbm>>
      %dma_wait3A_326 = tpu.memref_squeeze %dma_wait3A_325 : memref<1x80x128xf32, #tpu.memory_space<hbm>> -> memref<80x128xf32, #tpu.memory_space<hbm>>
      %dma_wait3A_327 = arith.constant 0 : i32
      %dma_wait3A_328 = tpu.memref_slice %arg5[%arg0, %mul3A_321, %dma_wait3A_327] : memref<2x10000x128xf32, #tpu.memory_space<hbm>> -> memref<1x80x128xf32, #tpu.memory_space<hbm>>
      %dma_wait3A_329 = tpu.memref_squeeze %dma_wait3A_328 : memref<1x80x128xf32, #tpu.memory_space<hbm>> -> memref<80x128xf32, #tpu.memory_space<hbm>>
      %dma_wait3A_330 = arith.constant 0 : i32
      %dma_wait3A_331 = arith.constant 0 : i32
      %dma_wait3A_332 = tpu.memref_slice %arg8[%dma_wait3A_330, %dma_wait3A_331] : memref<96x128xf32, #tpu.memory_space<vmem>> -> memref<80x128xf32, #tpu.memory_space<vmem>>
      tpu.wait_dma2 semaphore(%arg11 : memref<!tpu.dma_semaphore, #tpu.memory_space<semaphore_mem>>) src(%dma_wait3A_332 : memref<80x128xf32, #tpu.memory_space<vmem>>) dst(%dma_wait3A_329 : memref<80x128xf32, #tpu.memory_space<hbm>>)
    } else {
    }
    %lt3A_207 = arith.constant 125 : i32
    %lt3A_208 = arith.cmpi slt, %add3A_197, %lt3A_207 : i32
    %convert_element_type3A_209 = arith.extui %lt3A_208 : i1 to i32
    %cond3A_210 = arith.constant 0 : i32
    %cond3A_211 = arith.cmpi ne, %convert_element_type3A_209, %cond3A_210 : i32
    scf.if %cond3A_211 {
      %mul3A_320 = arith.constant 80 : i32
      %mul3A_321 = arith.muli %add3A_197, %mul3A_320 : i32
      "tpu.region"() ({
        %run_scoped3A_336 = tpu.sem_alloc : memref<!tpu.dma_semaphore, #tpu.memory_space<semaphore_mem>>
        %dma_start3A_337 = arith.constant 0 : i32
        %dma_start3A_338 = arith.constant 0 : i32
        %dma_start3A_339 = tpu.memref_slice %arg8[%dma_start3A_337, %dma_start3A_338] : memref<96x128xf32, #tpu.memory_space<vmem>> -> memref<80x128xf32, #tpu.memory_space<vmem>>
        %dma_start3A_340 = arith.constant 0 : i32
        %dma_start3A_341 = tpu.memref_slice %arg10[%mul3A_321, %dma_start3A_340] : memref<10016x128xf32, #tpu.memory_space<vmem_shared>> -> memref<80x128xf32, #tpu.memory_space<vmem_shared>>
        %dma_start3A_342 = arith.constant 0 : i32
        %dma_start3A_343 = arith.constant 0 : i32
        %dma_start3A_344 = tpu.memref_slice %arg8[%dma_start3A_342, %dma_start3A_343] : memref<96x128xf32, #tpu.memory_space<vmem>> -> memref<80x128xf32, #tpu.memory_space<vmem>>
        %dma_start3A_345 = arith.constant 0 : i32
        %dma_start3A_346 = tpu.memref_slice %arg10[%mul3A_321, %dma_start3A_345] : memref<10016x128xf32, #tpu.memory_space<vmem_shared>> -> memref<80x128xf32, #tpu.memory_space<vmem_shared>>
        tpu.enqueue_dma source(%dma_start3A_346 : memref<80x128xf32, #tpu.memory_space<vmem_shared>>) target(%dma_start3A_344 : memref<80x128xf32, #tpu.memory_space<vmem>>) target_semaphore(%run_scoped3A_336 : memref<!tpu.dma_semaphore, #tpu.memory_space<semaphore_mem>>)
        %dma_wait3A = arith.constant 0 : i32
        %dma_wait3A_347 = arith.constant 0 : i32
        %dma_wait3A_348 = tpu.memref_slice %arg8[%dma_wait3A, %dma_wait3A_347] : memref<96x128xf32, #tpu.memory_space<vmem>> -> memref<80x128xf32, #tpu.memory_space<vmem>>
        %dma_wait3A_349 = arith.constant 0 : i32
        %dma_wait3A_350 = tpu.memref_slice %arg10[%mul3A_321, %dma_wait3A_349] : memref<10016x128xf32, #tpu.memory_space<vmem_shared>> -> memref<80x128xf32, #tpu.memory_space<vmem_shared>>
        %dma_wait3A_351 = arith.constant 0 : i32
        %dma_wait3A_352 = arith.constant 0 : i32
        %dma_wait3A_353 = tpu.memref_slice %arg8[%dma_wait3A_351, %dma_wait3A_352] : memref<96x128xf32, #tpu.memory_space<vmem>> -> memref<80x128xf32, #tpu.memory_space<vmem>>
        %dma_wait3A_354 = arith.constant 0 : i32
        %dma_wait3A_355 = tpu.memref_slice %arg10[%mul3A_321, %dma_wait3A_354] : memref<10016x128xf32, #tpu.memory_space<vmem_shared>> -> memref<80x128xf32, #tpu.memory_space<vmem_shared>>
        tpu.wait_dma2 semaphore(%run_scoped3A_336 : memref<!tpu.dma_semaphore, #tpu.memory_space<semaphore_mem>>) src(%dma_wait3A_355 : memref<80x128xf32, #tpu.memory_space<vmem_shared>>) dst(%dma_wait3A_353 : memref<80x128xf32, #tpu.memory_space<vmem>>)
        tpu.yield
      }) : () -> ()
      %mul3A_322 = arith.constant 80 : i32
      %mul3A_323 = arith.muli %add3A_197, %mul3A_322 : i32
      %dma_start3A_324 = arith.constant 0 : i32
      %dma_start3A_325 = arith.constant 0 : i32
      %dma_start3A_326 = tpu.memref_slice %arg8[%dma_start3A_324, %dma_start3A_325] : memref<96x128xf32, #tpu.memory_space<vmem>> -> memref<80x128xf32, #tpu.memory_space<vmem>>
      %dma_start3A_327 = arith.constant 0 : i32
      %dma_start3A_328 = tpu.memref_slice %arg5[%arg0, %mul3A_323, %dma_start3A_327] : memref<2x10000x128xf32, #tpu.memory_space<hbm>> -> memref<1x80x128xf32, #tpu.memory_space<hbm>>
      %dma_start3A_329 = tpu.memref_squeeze %dma_start3A_328 : memref<1x80x128xf32, #tpu.memory_space<hbm>> -> memref<80x128xf32, #tpu.memory_space<hbm>>
      %dma_start3A_330 = arith.constant 0 : i32
      %dma_start3A_331 = tpu.memref_slice %arg5[%arg0, %mul3A_323, %dma_start3A_330] : memref<2x10000x128xf32, #tpu.memory_space<hbm>> -> memref<1x80x128xf32, #tpu.memory_space<hbm>>
      %dma_start3A_332 = tpu.memref_squeeze %dma_start3A_331 : memref<1x80x128xf32, #tpu.memory_space<hbm>> -> memref<80x128xf32, #tpu.memory_space<hbm>>
      %dma_start3A_333 = arith.constant 0 : i32
      %dma_start3A_334 = arith.constant 0 : i32
      %dma_start3A_335 = tpu.memref_slice %arg8[%dma_start3A_333, %dma_start3A_334] : memref<96x128xf32, #tpu.memory_space<vmem>> -> memref<80x128xf32, #tpu.memory_space<vmem>>
      tpu.enqueue_dma source(%dma_start3A_335 : memref<80x128xf32, #tpu.memory_space<vmem>>) target(%dma_start3A_332 : memref<80x128xf32, #tpu.memory_space<hbm>>) target_semaphore(%arg11 : memref<!tpu.dma_semaphore, #tpu.memory_space<semaphore_mem>>)
    } else {
    }
    %mul3A_212 = arith.constant 8 : i32
    %mul3A_213 = arith.muli %arg1, %mul3A_212 : i32
    %add3A_214 = arith.constant 3 : i32
    %add3A_215 = arith.addi %mul3A_213, %add3A_214 : i32
    %mul3A_216 = arith.constant 8 : i32
    %mul3A_217 = arith.muli %arg1, %mul3A_216 : i32
    %add3A_218 = arith.constant 1 : i32
    %add3A_219 = arith.addi %mul3A_217, %add3A_218 : i32
    %lt3A_220 = arith.constant 125 : i32
    %lt3A_221 = arith.cmpi slt, %add3A_219, %lt3A_220 : i32
    %convert_element_type3A_222 = arith.extui %lt3A_221 : i1 to i32
    %cond3A_223 = arith.constant 0 : i32
    %cond3A_224 = arith.cmpi ne, %convert_element_type3A_222, %cond3A_223 : i32
    scf.if %cond3A_224 {
      %mul3A_320 = arith.constant 80 : i32
      %mul3A_321 = arith.muli %add3A_219, %mul3A_320 : i32
      %dma_wait3A = arith.constant 0 : i32
      %dma_wait3A_322 = arith.constant 0 : i32
      %dma_wait3A_323 = tpu.memref_slice %arg9[%dma_wait3A, %dma_wait3A_322] : memref<96x128xf32, #tpu.memory_space<vmem>> -> memref<80x128xf32, #tpu.memory_space<vmem>>
      %dma_wait3A_324 = arith.constant 0 : i32
      %dma_wait3A_325 = tpu.memref_slice %arg5[%arg0, %mul3A_321, %dma_wait3A_324] : memref<2x10000x128xf32, #tpu.memory_space<hbm>> -> memref<1x80x128xf32, #tpu.memory_space<hbm>>
      %dma_wait3A_326 = tpu.memref_squeeze %dma_wait3A_325 : memref<1x80x128xf32, #tpu.memory_space<hbm>> -> memref<80x128xf32, #tpu.memory_space<hbm>>
      %dma_wait3A_327 = arith.constant 0 : i32
      %dma_wait3A_328 = tpu.memref_slice %arg5[%arg0, %mul3A_321, %dma_wait3A_327] : memref<2x10000x128xf32, #tpu.memory_space<hbm>> -> memref<1x80x128xf32, #tpu.memory_space<hbm>>
      %dma_wait3A_329 = tpu.memref_squeeze %dma_wait3A_328 : memref<1x80x128xf32, #tpu.memory_space<hbm>> -> memref<80x128xf32, #tpu.memory_space<hbm>>
      %dma_wait3A_330 = arith.constant 0 : i32
      %dma_wait3A_331 = arith.constant 0 : i32
      %dma_wait3A_332 = tpu.memref_slice %arg9[%dma_wait3A_330, %dma_wait3A_331] : memref<96x128xf32, #tpu.memory_space<vmem>> -> memref<80x128xf32, #tpu.memory_space<vmem>>
      tpu.wait_dma2 semaphore(%arg12 : memref<!tpu.dma_semaphore, #tpu.memory_space<semaphore_mem>>) src(%dma_wait3A_332 : memref<80x128xf32, #tpu.memory_space<vmem>>) dst(%dma_wait3A_329 : memref<80x128xf32, #tpu.memory_space<hbm>>)
    } else {
    }
    %lt3A_225 = arith.constant 125 : i32
    %lt3A_226 = arith.cmpi slt, %add3A_215, %lt3A_225 : i32
    %convert_element_type3A_227 = arith.extui %lt3A_226 : i1 to i32
    %cond3A_228 = arith.constant 0 : i32
    %cond3A_229 = arith.cmpi ne, %convert_element_type3A_227, %cond3A_228 : i32
    scf.if %cond3A_229 {
      %mul3A_320 = arith.constant 80 : i32
      %mul3A_321 = arith.muli %add3A_215, %mul3A_320 : i32
      "tpu.region"() ({
        %run_scoped3A_336 = tpu.sem_alloc : memref<!tpu.dma_semaphore, #tpu.memory_space<semaphore_mem>>
        %dma_start3A_337 = arith.constant 0 : i32
        %dma_start3A_338 = arith.constant 0 : i32
        %dma_start3A_339 = tpu.memref_slice %arg9[%dma_start3A_337, %dma_start3A_338] : memref<96x128xf32, #tpu.memory_space<vmem>> -> memref<80x128xf32, #tpu.memory_space<vmem>>
        %dma_start3A_340 = arith.constant 0 : i32
        %dma_start3A_341 = tpu.memref_slice %arg10[%mul3A_321, %dma_start3A_340] : memref<10016x128xf32, #tpu.memory_space<vmem_shared>> -> memref<80x128xf32, #tpu.memory_space<vmem_shared>>
        %dma_start3A_342 = arith.constant 0 : i32
        %dma_start3A_343 = arith.constant 0 : i32
        %dma_start3A_344 = tpu.memref_slice %arg9[%dma_start3A_342, %dma_start3A_343] : memref<96x128xf32, #tpu.memory_space<vmem>> -> memref<80x128xf32, #tpu.memory_space<vmem>>
        %dma_start3A_345 = arith.constant 0 : i32
        %dma_start3A_346 = tpu.memref_slice %arg10[%mul3A_321, %dma_start3A_345] : memref<10016x128xf32, #tpu.memory_space<vmem_shared>> -> memref<80x128xf32, #tpu.memory_space<vmem_shared>>
        tpu.enqueue_dma source(%dma_start3A_346 : memref<80x128xf32, #tpu.memory_space<vmem_shared>>) target(%dma_start3A_344 : memref<80x128xf32, #tpu.memory_space<vmem>>) target_semaphore(%run_scoped3A_336 : memref<!tpu.dma_semaphore, #tpu.memory_space<semaphore_mem>>)
        %dma_wait3A = arith.constant 0 : i32
        %dma_wait3A_347 = arith.constant 0 : i32
        %dma_wait3A_348 = tpu.memref_slice %arg9[%dma_wait3A, %dma_wait3A_347] : memref<96x128xf32, #tpu.memory_space<vmem>> -> memref<80x128xf32, #tpu.memory_space<vmem>>
        %dma_wait3A_349 = arith.constant 0 : i32
        %dma_wait3A_350 = tpu.memref_slice %arg10[%mul3A_321, %dma_wait3A_349] : memref<10016x128xf32, #tpu.memory_space<vmem_shared>> -> memref<80x128xf32, #tpu.memory_space<vmem_shared>>
        %dma_wait3A_351 = arith.constant 0 : i32
        %dma_wait3A_352 = arith.constant 0 : i32
        %dma_wait3A_353 = tpu.memref_slice %arg9[%dma_wait3A_351, %dma_wait3A_352] : memref<96x128xf32, #tpu.memory_space<vmem>> -> memref<80x128xf32, #tpu.memory_space<vmem>>
        %dma_wait3A_354 = arith.constant 0 : i32
        %dma_wait3A_355 = tpu.memref_slice %arg10[%mul3A_321, %dma_wait3A_354] : memref<10016x128xf32, #tpu.memory_space<vmem_shared>> -> memref<80x128xf32, #tpu.memory_space<vmem_shared>>
        tpu.wait_dma2 semaphore(%run_scoped3A_336 : memref<!tpu.dma_semaphore, #tpu.memory_space<semaphore_mem>>) src(%dma_wait3A_355 : memref<80x128xf32, #tpu.memory_space<vmem_shared>>) dst(%dma_wait3A_353 : memref<80x128xf32, #tpu.memory_space<vmem>>)
        tpu.yield
      }) : () -> ()
      %mul3A_322 = arith.constant 80 : i32
      %mul3A_323 = arith.muli %add3A_215, %mul3A_322 : i32
      %dma_start3A_324 = arith.constant 0 : i32
      %dma_start3A_325 = arith.constant 0 : i32
      %dma_start3A_326 = tpu.memref_slice %arg9[%dma_start3A_324, %dma_start3A_325] : memref<96x128xf32, #tpu.memory_space<vmem>> -> memref<80x128xf32, #tpu.memory_space<vmem>>
      %dma_start3A_327 = arith.constant 0 : i32
      %dma_start3A_328 = tpu.memref_slice %arg5[%arg0, %mul3A_323, %dma_start3A_327] : memref<2x10000x128xf32, #tpu.memory_space<hbm>> -> memref<1x80x128xf32, #tpu.memory_space<hbm>>
      %dma_start3A_329 = tpu.memref_squeeze %dma_start3A_328 : memref<1x80x128xf32, #tpu.memory_space<hbm>> -> memref<80x128xf32, #tpu.memory_space<hbm>>
      %dma_start3A_330 = arith.constant 0 : i32
      %dma_start3A_331 = tpu.memref_slice %arg5[%arg0, %mul3A_323, %dma_start3A_330] : memref<2x10000x128xf32, #tpu.memory_space<hbm>> -> memref<1x80x128xf32, #tpu.memory_space<hbm>>
      %dma_start3A_332 = tpu.memref_squeeze %dma_start3A_331 : memref<1x80x128xf32, #tpu.memory_space<hbm>> -> memref<80x128xf32, #tpu.memory_space<hbm>>
      %dma_start3A_333 = arith.constant 0 : i32
      %dma_start3A_334 = arith.constant 0 : i32
      %dma_start3A_335 = tpu.memref_slice %arg9[%dma_start3A_333, %dma_start3A_334] : memref<96x128xf32, #tpu.memory_space<vmem>> -> memref<80x128xf32, #tpu.memory_space<vmem>>
      tpu.enqueue_dma source(%dma_start3A_335 : memref<80x128xf32, #tpu.memory_space<vmem>>) target(%dma_start3A_332 : memref<80x128xf32, #tpu.memory_space<hbm>>) target_semaphore(%arg12 : memref<!tpu.dma_semaphore, #tpu.memory_space<semaphore_mem>>)
    } else {
    }
    %mul3A_230 = arith.constant 8 : i32
    %mul3A_231 = arith.muli %arg1, %mul3A_230 : i32
    %add3A_232 = arith.constant 4 : i32
    %add3A_233 = arith.addi %mul3A_231, %add3A_232 : i32
    %mul3A_234 = arith.constant 8 : i32
    %mul3A_235 = arith.muli %arg1, %mul3A_234 : i32
    %add3A_236 = arith.constant 2 : i32
    %add3A_237 = arith.addi %mul3A_235, %add3A_236 : i32
    %lt3A_238 = arith.constant 125 : i32
    %lt3A_239 = arith.cmpi slt, %add3A_237, %lt3A_238 : i32
    %convert_element_type3A_240 = arith.extui %lt3A_239 : i1 to i32
    %cond3A_241 = arith.constant 0 : i32
    %cond3A_242 = arith.cmpi ne, %convert_element_type3A_240, %cond3A_241 : i32
    scf.if %cond3A_242 {
      %mul3A_320 = arith.constant 80 : i32
      %mul3A_321 = arith.muli %add3A_237, %mul3A_320 : i32
      %dma_wait3A = arith.constant 0 : i32
      %dma_wait3A_322 = arith.constant 0 : i32
      %dma_wait3A_323 = tpu.memref_slice %arg8[%dma_wait3A, %dma_wait3A_322] : memref<96x128xf32, #tpu.memory_space<vmem>> -> memref<80x128xf32, #tpu.memory_space<vmem>>
      %dma_wait3A_324 = arith.constant 0 : i32
      %dma_wait3A_325 = tpu.memref_slice %arg5[%arg0, %mul3A_321, %dma_wait3A_324] : memref<2x10000x128xf32, #tpu.memory_space<hbm>> -> memref<1x80x128xf32, #tpu.memory_space<hbm>>
      %dma_wait3A_326 = tpu.memref_squeeze %dma_wait3A_325 : memref<1x80x128xf32, #tpu.memory_space<hbm>> -> memref<80x128xf32, #tpu.memory_space<hbm>>
      %dma_wait3A_327 = arith.constant 0 : i32
      %dma_wait3A_328 = tpu.memref_slice %arg5[%arg0, %mul3A_321, %dma_wait3A_327] : memref<2x10000x128xf32, #tpu.memory_space<hbm>> -> memref<1x80x128xf32, #tpu.memory_space<hbm>>
      %dma_wait3A_329 = tpu.memref_squeeze %dma_wait3A_328 : memref<1x80x128xf32, #tpu.memory_space<hbm>> -> memref<80x128xf32, #tpu.memory_space<hbm>>
      %dma_wait3A_330 = arith.constant 0 : i32
      %dma_wait3A_331 = arith.constant 0 : i32
      %dma_wait3A_332 = tpu.memref_slice %arg8[%dma_wait3A_330, %dma_wait3A_331] : memref<96x128xf32, #tpu.memory_space<vmem>> -> memref<80x128xf32, #tpu.memory_space<vmem>>
      tpu.wait_dma2 semaphore(%arg11 : memref<!tpu.dma_semaphore, #tpu.memory_space<semaphore_mem>>) src(%dma_wait3A_332 : memref<80x128xf32, #tpu.memory_space<vmem>>) dst(%dma_wait3A_329 : memref<80x128xf32, #tpu.memory_space<hbm>>)
    } else {
    }
    %lt3A_243 = arith.constant 125 : i32
    %lt3A_244 = arith.cmpi slt, %add3A_233, %lt3A_243 : i32
    %convert_element_type3A_245 = arith.extui %lt3A_244 : i1 to i32
    %cond3A_246 = arith.constant 0 : i32
    %cond3A_247 = arith.cmpi ne, %convert_element_type3A_245, %cond3A_246 : i32
    scf.if %cond3A_247 {
      %mul3A_320 = arith.constant 80 : i32
      %mul3A_321 = arith.muli %add3A_233, %mul3A_320 : i32
      "tpu.region"() ({
        %run_scoped3A_336 = tpu.sem_alloc : memref<!tpu.dma_semaphore, #tpu.memory_space<semaphore_mem>>
        %dma_start3A_337 = arith.constant 0 : i32
        %dma_start3A_338 = arith.constant 0 : i32
        %dma_start3A_339 = tpu.memref_slice %arg8[%dma_start3A_337, %dma_start3A_338] : memref<96x128xf32, #tpu.memory_space<vmem>> -> memref<80x128xf32, #tpu.memory_space<vmem>>
        %dma_start3A_340 = arith.constant 0 : i32
        %dma_start3A_341 = tpu.memref_slice %arg10[%mul3A_321, %dma_start3A_340] : memref<10016x128xf32, #tpu.memory_space<vmem_shared>> -> memref<80x128xf32, #tpu.memory_space<vmem_shared>>
        %dma_start3A_342 = arith.constant 0 : i32
        %dma_start3A_343 = arith.constant 0 : i32
        %dma_start3A_344 = tpu.memref_slice %arg8[%dma_start3A_342, %dma_start3A_343] : memref<96x128xf32, #tpu.memory_space<vmem>> -> memref<80x128xf32, #tpu.memory_space<vmem>>
        %dma_start3A_345 = arith.constant 0 : i32
        %dma_start3A_346 = tpu.memref_slice %arg10[%mul3A_321, %dma_start3A_345] : memref<10016x128xf32, #tpu.memory_space<vmem_shared>> -> memref<80x128xf32, #tpu.memory_space<vmem_shared>>
        tpu.enqueue_dma source(%dma_start3A_346 : memref<80x128xf32, #tpu.memory_space<vmem_shared>>) target(%dma_start3A_344 : memref<80x128xf32, #tpu.memory_space<vmem>>) target_semaphore(%run_scoped3A_336 : memref<!tpu.dma_semaphore, #tpu.memory_space<semaphore_mem>>)
        %dma_wait3A = arith.constant 0 : i32
        %dma_wait3A_347 = arith.constant 0 : i32
        %dma_wait3A_348 = tpu.memref_slice %arg8[%dma_wait3A, %dma_wait3A_347] : memref<96x128xf32, #tpu.memory_space<vmem>> -> memref<80x128xf32, #tpu.memory_space<vmem>>
        %dma_wait3A_349 = arith.constant 0 : i32
        %dma_wait3A_350 = tpu.memref_slice %arg10[%mul3A_321, %dma_wait3A_349] : memref<10016x128xf32, #tpu.memory_space<vmem_shared>> -> memref<80x128xf32, #tpu.memory_space<vmem_shared>>
        %dma_wait3A_351 = arith.constant 0 : i32
        %dma_wait3A_352 = arith.constant 0 : i32
        %dma_wait3A_353 = tpu.memref_slice %arg8[%dma_wait3A_351, %dma_wait3A_352] : memref<96x128xf32, #tpu.memory_space<vmem>> -> memref<80x128xf32, #tpu.memory_space<vmem>>
        %dma_wait3A_354 = arith.constant 0 : i32
        %dma_wait3A_355 = tpu.memref_slice %arg10[%mul3A_321, %dma_wait3A_354] : memref<10016x128xf32, #tpu.memory_space<vmem_shared>> -> memref<80x128xf32, #tpu.memory_space<vmem_shared>>
        tpu.wait_dma2 semaphore(%run_scoped3A_336 : memref<!tpu.dma_semaphore, #tpu.memory_space<semaphore_mem>>) src(%dma_wait3A_355 : memref<80x128xf32, #tpu.memory_space<vmem_shared>>) dst(%dma_wait3A_353 : memref<80x128xf32, #tpu.memory_space<vmem>>)
        tpu.yield
      }) : () -> ()
      %mul3A_322 = arith.constant 80 : i32
      %mul3A_323 = arith.muli %add3A_233, %mul3A_322 : i32
      %dma_start3A_324 = arith.constant 0 : i32
      %dma_start3A_325 = arith.constant 0 : i32
      %dma_start3A_326 = tpu.memref_slice %arg8[%dma_start3A_324, %dma_start3A_325] : memref<96x128xf32, #tpu.memory_space<vmem>> -> memref<80x128xf32, #tpu.memory_space<vmem>>
      %dma_start3A_327 = arith.constant 0 : i32
      %dma_start3A_328 = tpu.memref_slice %arg5[%arg0, %mul3A_323, %dma_start3A_327] : memref<2x10000x128xf32, #tpu.memory_space<hbm>> -> memref<1x80x128xf32, #tpu.memory_space<hbm>>
      %dma_start3A_329 = tpu.memref_squeeze %dma_start3A_328 : memref<1x80x128xf32, #tpu.memory_space<hbm>> -> memref<80x128xf32, #tpu.memory_space<hbm>>
      %dma_start3A_330 = arith.constant 0 : i32
      %dma_start3A_331 = tpu.memref_slice %arg5[%arg0, %mul3A_323, %dma_start3A_330] : memref<2x10000x128xf32, #tpu.memory_space<hbm>> -> memref<1x80x128xf32, #tpu.memory_space<hbm>>
      %dma_start3A_332 = tpu.memref_squeeze %dma_start3A_331 : memref<1x80x128xf32, #tpu.memory_space<hbm>> -> memref<80x128xf32, #tpu.memory_space<hbm>>
      %dma_start3A_333 = arith.constant 0 : i32
      %dma_start3A_334 = arith.constant 0 : i32
      %dma_start3A_335 = tpu.memref_slice %arg8[%dma_start3A_333, %dma_start3A_334] : memref<96x128xf32, #tpu.memory_space<vmem>> -> memref<80x128xf32, #tpu.memory_space<vmem>>
      tpu.enqueue_dma source(%dma_start3A_335 : memref<80x128xf32, #tpu.memory_space<vmem>>) target(%dma_start3A_332 : memref<80x128xf32, #tpu.memory_space<hbm>>) target_semaphore(%arg11 : memref<!tpu.dma_semaphore, #tpu.memory_space<semaphore_mem>>)
    } else {
    }
    %mul3A_248 = arith.constant 8 : i32
    %mul3A_249 = arith.muli %arg1, %mul3A_248 : i32
    %add3A_250 = arith.constant 5 : i32
    %add3A_251 = arith.addi %mul3A_249, %add3A_250 : i32
    %mul3A_252 = arith.constant 8 : i32
    %mul3A_253 = arith.muli %arg1, %mul3A_252 : i32
    %add3A_254 = arith.constant 3 : i32
    %add3A_255 = arith.addi %mul3A_253, %add3A_254 : i32
    %lt3A_256 = arith.constant 125 : i32
    %lt3A_257 = arith.cmpi slt, %add3A_255, %lt3A_256 : i32
    %convert_element_type3A_258 = arith.extui %lt3A_257 : i1 to i32
    %cond3A_259 = arith.constant 0 : i32
    %cond3A_260 = arith.cmpi ne, %convert_element_type3A_258, %cond3A_259 : i32
    scf.if %cond3A_260 {
      %mul3A_320 = arith.constant 80 : i32
      %mul3A_321 = arith.muli %add3A_255, %mul3A_320 : i32
      %dma_wait3A = arith.constant 0 : i32
      %dma_wait3A_322 = arith.constant 0 : i32
      %dma_wait3A_323 = tpu.memref_slice %arg9[%dma_wait3A, %dma_wait3A_322] : memref<96x128xf32, #tpu.memory_space<vmem>> -> memref<80x128xf32, #tpu.memory_space<vmem>>
      %dma_wait3A_324 = arith.constant 0 : i32
      %dma_wait3A_325 = tpu.memref_slice %arg5[%arg0, %mul3A_321, %dma_wait3A_324] : memref<2x10000x128xf32, #tpu.memory_space<hbm>> -> memref<1x80x128xf32, #tpu.memory_space<hbm>>
      %dma_wait3A_326 = tpu.memref_squeeze %dma_wait3A_325 : memref<1x80x128xf32, #tpu.memory_space<hbm>> -> memref<80x128xf32, #tpu.memory_space<hbm>>
      %dma_wait3A_327 = arith.constant 0 : i32
      %dma_wait3A_328 = tpu.memref_slice %arg5[%arg0, %mul3A_321, %dma_wait3A_327] : memref<2x10000x128xf32, #tpu.memory_space<hbm>> -> memref<1x80x128xf32, #tpu.memory_space<hbm>>
      %dma_wait3A_329 = tpu.memref_squeeze %dma_wait3A_328 : memref<1x80x128xf32, #tpu.memory_space<hbm>> -> memref<80x128xf32, #tpu.memory_space<hbm>>
      %dma_wait3A_330 = arith.constant 0 : i32
      %dma_wait3A_331 = arith.constant 0 : i32
      %dma_wait3A_332 = tpu.memref_slice %arg9[%dma_wait3A_330, %dma_wait3A_331] : memref<96x128xf32, #tpu.memory_space<vmem>> -> memref<80x128xf32, #tpu.memory_space<vmem>>
      tpu.wait_dma2 semaphore(%arg12 : memref<!tpu.dma_semaphore, #tpu.memory_space<semaphore_mem>>) src(%dma_wait3A_332 : memref<80x128xf32, #tpu.memory_space<vmem>>) dst(%dma_wait3A_329 : memref<80x128xf32, #tpu.memory_space<hbm>>)
    } else {
    }
    %lt3A_261 = arith.constant 125 : i32
    %lt3A_262 = arith.cmpi slt, %add3A_251, %lt3A_261 : i32
    %convert_element_type3A_263 = arith.extui %lt3A_262 : i1 to i32
    %cond3A_264 = arith.constant 0 : i32
    %cond3A_265 = arith.cmpi ne, %convert_element_type3A_263, %cond3A_264 : i32
    scf.if %cond3A_265 {
      %mul3A_320 = arith.constant 80 : i32
      %mul3A_321 = arith.muli %add3A_251, %mul3A_320 : i32
      "tpu.region"() ({
        %run_scoped3A_336 = tpu.sem_alloc : memref<!tpu.dma_semaphore, #tpu.memory_space<semaphore_mem>>
        %dma_start3A_337 = arith.constant 0 : i32
        %dma_start3A_338 = arith.constant 0 : i32
        %dma_start3A_339 = tpu.memref_slice %arg9[%dma_start3A_337, %dma_start3A_338] : memref<96x128xf32, #tpu.memory_space<vmem>> -> memref<80x128xf32, #tpu.memory_space<vmem>>
        %dma_start3A_340 = arith.constant 0 : i32
        %dma_start3A_341 = tpu.memref_slice %arg10[%mul3A_321, %dma_start3A_340] : memref<10016x128xf32, #tpu.memory_space<vmem_shared>> -> memref<80x128xf32, #tpu.memory_space<vmem_shared>>
        %dma_start3A_342 = arith.constant 0 : i32
        %dma_start3A_343 = arith.constant 0 : i32
        %dma_start3A_344 = tpu.memref_slice %arg9[%dma_start3A_342, %dma_start3A_343] : memref<96x128xf32, #tpu.memory_space<vmem>> -> memref<80x128xf32, #tpu.memory_space<vmem>>
        %dma_start3A_345 = arith.constant 0 : i32
        %dma_start3A_346 = tpu.memref_slice %arg10[%mul3A_321, %dma_start3A_345] : memref<10016x128xf32, #tpu.memory_space<vmem_shared>> -> memref<80x128xf32, #tpu.memory_space<vmem_shared>>
        tpu.enqueue_dma source(%dma_start3A_346 : memref<80x128xf32, #tpu.memory_space<vmem_shared>>) target(%dma_start3A_344 : memref<80x128xf32, #tpu.memory_space<vmem>>) target_semaphore(%run_scoped3A_336 : memref<!tpu.dma_semaphore, #tpu.memory_space<semaphore_mem>>)
        %dma_wait3A = arith.constant 0 : i32
        %dma_wait3A_347 = arith.constant 0 : i32
        %dma_wait3A_348 = tpu.memref_slice %arg9[%dma_wait3A, %dma_wait3A_347] : memref<96x128xf32, #tpu.memory_space<vmem>> -> memref<80x128xf32, #tpu.memory_space<vmem>>
        %dma_wait3A_349 = arith.constant 0 : i32
        %dma_wait3A_350 = tpu.memref_slice %arg10[%mul3A_321, %dma_wait3A_349] : memref<10016x128xf32, #tpu.memory_space<vmem_shared>> -> memref<80x128xf32, #tpu.memory_space<vmem_shared>>
        %dma_wait3A_351 = arith.constant 0 : i32
        %dma_wait3A_352 = arith.constant 0 : i32
        %dma_wait3A_353 = tpu.memref_slice %arg9[%dma_wait3A_351, %dma_wait3A_352] : memref<96x128xf32, #tpu.memory_space<vmem>> -> memref<80x128xf32, #tpu.memory_space<vmem>>
        %dma_wait3A_354 = arith.constant 0 : i32
        %dma_wait3A_355 = tpu.memref_slice %arg10[%mul3A_321, %dma_wait3A_354] : memref<10016x128xf32, #tpu.memory_space<vmem_shared>> -> memref<80x128xf32, #tpu.memory_space<vmem_shared>>
        tpu.wait_dma2 semaphore(%run_scoped3A_336 : memref<!tpu.dma_semaphore, #tpu.memory_space<semaphore_mem>>) src(%dma_wait3A_355 : memref<80x128xf32, #tpu.memory_space<vmem_shared>>) dst(%dma_wait3A_353 : memref<80x128xf32, #tpu.memory_space<vmem>>)
        tpu.yield
      }) : () -> ()
      %mul3A_322 = arith.constant 80 : i32
      %mul3A_323 = arith.muli %add3A_251, %mul3A_322 : i32
      %dma_start3A_324 = arith.constant 0 : i32
      %dma_start3A_325 = arith.constant 0 : i32
      %dma_start3A_326 = tpu.memref_slice %arg9[%dma_start3A_324, %dma_start3A_325] : memref<96x128xf32, #tpu.memory_space<vmem>> -> memref<80x128xf32, #tpu.memory_space<vmem>>
      %dma_start3A_327 = arith.constant 0 : i32
      %dma_start3A_328 = tpu.memref_slice %arg5[%arg0, %mul3A_323, %dma_start3A_327] : memref<2x10000x128xf32, #tpu.memory_space<hbm>> -> memref<1x80x128xf32, #tpu.memory_space<hbm>>
      %dma_start3A_329 = tpu.memref_squeeze %dma_start3A_328 : memref<1x80x128xf32, #tpu.memory_space<hbm>> -> memref<80x128xf32, #tpu.memory_space<hbm>>
      %dma_start3A_330 = arith.constant 0 : i32
      %dma_start3A_331 = tpu.memref_slice %arg5[%arg0, %mul3A_323, %dma_start3A_330] : memref<2x10000x128xf32, #tpu.memory_space<hbm>> -> memref<1x80x128xf32, #tpu.memory_space<hbm>>
      %dma_start3A_332 = tpu.memref_squeeze %dma_start3A_331 : memref<1x80x128xf32, #tpu.memory_space<hbm>> -> memref<80x128xf32, #tpu.memory_space<hbm>>
      %dma_start3A_333 = arith.constant 0 : i32
      %dma_start3A_334 = arith.constant 0 : i32
      %dma_start3A_335 = tpu.memref_slice %arg9[%dma_start3A_333, %dma_start3A_334] : memref<96x128xf32, #tpu.memory_space<vmem>> -> memref<80x128xf32, #tpu.memory_space<vmem>>
      tpu.enqueue_dma source(%dma_start3A_335 : memref<80x128xf32, #tpu.memory_space<vmem>>) target(%dma_start3A_332 : memref<80x128xf32, #tpu.memory_space<hbm>>) target_semaphore(%arg12 : memref<!tpu.dma_semaphore, #tpu.memory_space<semaphore_mem>>)
    } else {
    }
    %mul3A_266 = arith.constant 8 : i32
    %mul3A_267 = arith.muli %arg1, %mul3A_266 : i32
    %add3A_268 = arith.constant 6 : i32
    %add3A_269 = arith.addi %mul3A_267, %add3A_268 : i32
    %mul3A_270 = arith.constant 8 : i32
    %mul3A_271 = arith.muli %arg1, %mul3A_270 : i32
    %add3A_272 = arith.constant 4 : i32
    %add3A_273 = arith.addi %mul3A_271, %add3A_272 : i32
    %lt3A_274 = arith.constant 125 : i32
    %lt3A_275 = arith.cmpi slt, %add3A_273, %lt3A_274 : i32
    %convert_element_type3A_276 = arith.extui %lt3A_275 : i1 to i32
    %cond3A_277 = arith.constant 0 : i32
    %cond3A_278 = arith.cmpi ne, %convert_element_type3A_276, %cond3A_277 : i32
    scf.if %cond3A_278 {
      %mul3A_320 = arith.constant 80 : i32
      %mul3A_321 = arith.muli %add3A_273, %mul3A_320 : i32
      %dma_wait3A = arith.constant 0 : i32
      %dma_wait3A_322 = arith.constant 0 : i32
      %dma_wait3A_323 = tpu.memref_slice %arg8[%dma_wait3A, %dma_wait3A_322] : memref<96x128xf32, #tpu.memory_space<vmem>> -> memref<80x128xf32, #tpu.memory_space<vmem>>
      %dma_wait3A_324 = arith.constant 0 : i32
      %dma_wait3A_325 = tpu.memref_slice %arg5[%arg0, %mul3A_321, %dma_wait3A_324] : memref<2x10000x128xf32, #tpu.memory_space<hbm>> -> memref<1x80x128xf32, #tpu.memory_space<hbm>>
      %dma_wait3A_326 = tpu.memref_squeeze %dma_wait3A_325 : memref<1x80x128xf32, #tpu.memory_space<hbm>> -> memref<80x128xf32, #tpu.memory_space<hbm>>
      %dma_wait3A_327 = arith.constant 0 : i32
      %dma_wait3A_328 = tpu.memref_slice %arg5[%arg0, %mul3A_321, %dma_wait3A_327] : memref<2x10000x128xf32, #tpu.memory_space<hbm>> -> memref<1x80x128xf32, #tpu.memory_space<hbm>>
      %dma_wait3A_329 = tpu.memref_squeeze %dma_wait3A_328 : memref<1x80x128xf32, #tpu.memory_space<hbm>> -> memref<80x128xf32, #tpu.memory_space<hbm>>
      %dma_wait3A_330 = arith.constant 0 : i32
      %dma_wait3A_331 = arith.constant 0 : i32
      %dma_wait3A_332 = tpu.memref_slice %arg8[%dma_wait3A_330, %dma_wait3A_331] : memref<96x128xf32, #tpu.memory_space<vmem>> -> memref<80x128xf32, #tpu.memory_space<vmem>>
      tpu.wait_dma2 semaphore(%arg11 : memref<!tpu.dma_semaphore, #tpu.memory_space<semaphore_mem>>) src(%dma_wait3A_332 : memref<80x128xf32, #tpu.memory_space<vmem>>) dst(%dma_wait3A_329 : memref<80x128xf32, #tpu.memory_space<hbm>>)
    } else {
    }
    %lt3A_279 = arith.constant 125 : i32
    %lt3A_280 = arith.cmpi slt, %add3A_269, %lt3A_279 : i32
    %convert_element_type3A_281 = arith.extui %lt3A_280 : i1 to i32
    %cond3A_282 = arith.constant 0 : i32
    %cond3A_283 = arith.cmpi ne, %convert_element_type3A_281, %cond3A_282 : i32
    scf.if %cond3A_283 {
      %mul3A_320 = arith.constant 80 : i32
      %mul3A_321 = arith.muli %add3A_269, %mul3A_320 : i32
      "tpu.region"() ({
        %run_scoped3A_336 = tpu.sem_alloc : memref<!tpu.dma_semaphore, #tpu.memory_space<semaphore_mem>>
        %dma_start3A_337 = arith.constant 0 : i32
        %dma_start3A_338 = arith.constant 0 : i32
        %dma_start3A_339 = tpu.memref_slice %arg8[%dma_start3A_337, %dma_start3A_338] : memref<96x128xf32, #tpu.memory_space<vmem>> -> memref<80x128xf32, #tpu.memory_space<vmem>>
        %dma_start3A_340 = arith.constant 0 : i32
        %dma_start3A_341 = tpu.memref_slice %arg10[%mul3A_321, %dma_start3A_340] : memref<10016x128xf32, #tpu.memory_space<vmem_shared>> -> memref<80x128xf32, #tpu.memory_space<vmem_shared>>
        %dma_start3A_342 = arith.constant 0 : i32
        %dma_start3A_343 = arith.constant 0 : i32
        %dma_start3A_344 = tpu.memref_slice %arg8[%dma_start3A_342, %dma_start3A_343] : memref<96x128xf32, #tpu.memory_space<vmem>> -> memref<80x128xf32, #tpu.memory_space<vmem>>
        %dma_start3A_345 = arith.constant 0 : i32
        %dma_start3A_346 = tpu.memref_slice %arg10[%mul3A_321, %dma_start3A_345] : memref<10016x128xf32, #tpu.memory_space<vmem_shared>> -> memref<80x128xf32, #tpu.memory_space<vmem_shared>>
        tpu.enqueue_dma source(%dma_start3A_346 : memref<80x128xf32, #tpu.memory_space<vmem_shared>>) target(%dma_start3A_344 : memref<80x128xf32, #tpu.memory_space<vmem>>) target_semaphore(%run_scoped3A_336 : memref<!tpu.dma_semaphore, #tpu.memory_space<semaphore_mem>>)
        %dma_wait3A = arith.constant 0 : i32
        %dma_wait3A_347 = arith.constant 0 : i32
        %dma_wait3A_348 = tpu.memref_slice %arg8[%dma_wait3A, %dma_wait3A_347] : memref<96x128xf32, #tpu.memory_space<vmem>> -> memref<80x128xf32, #tpu.memory_space<vmem>>
        %dma_wait3A_349 = arith.constant 0 : i32
        %dma_wait3A_350 = tpu.memref_slice %arg10[%mul3A_321, %dma_wait3A_349] : memref<10016x128xf32, #tpu.memory_space<vmem_shared>> -> memref<80x128xf32, #tpu.memory_space<vmem_shared>>
        %dma_wait3A_351 = arith.constant 0 : i32
        %dma_wait3A_352 = arith.constant 0 : i32
        %dma_wait3A_353 = tpu.memref_slice %arg8[%dma_wait3A_351, %dma_wait3A_352] : memref<96x128xf32, #tpu.memory_space<vmem>> -> memref<80x128xf32, #tpu.memory_space<vmem>>
        %dma_wait3A_354 = arith.constant 0 : i32
        %dma_wait3A_355 = tpu.memref_slice %arg10[%mul3A_321, %dma_wait3A_354] : memref<10016x128xf32, #tpu.memory_space<vmem_shared>> -> memref<80x128xf32, #tpu.memory_space<vmem_shared>>
        tpu.wait_dma2 semaphore(%run_scoped3A_336 : memref<!tpu.dma_semaphore, #tpu.memory_space<semaphore_mem>>) src(%dma_wait3A_355 : memref<80x128xf32, #tpu.memory_space<vmem_shared>>) dst(%dma_wait3A_353 : memref<80x128xf32, #tpu.memory_space<vmem>>)
        tpu.yield
      }) : () -> ()
      %mul3A_322 = arith.constant 80 : i32
      %mul3A_323 = arith.muli %add3A_269, %mul3A_322 : i32
      %dma_start3A_324 = arith.constant 0 : i32
      %dma_start3A_325 = arith.constant 0 : i32
      %dma_start3A_326 = tpu.memref_slice %arg8[%dma_start3A_324, %dma_start3A_325] : memref<96x128xf32, #tpu.memory_space<vmem>> -> memref<80x128xf32, #tpu.memory_space<vmem>>
      %dma_start3A_327 = arith.constant 0 : i32
      %dma_start3A_328 = tpu.memref_slice %arg5[%arg0, %mul3A_323, %dma_start3A_327] : memref<2x10000x128xf32, #tpu.memory_space<hbm>> -> memref<1x80x128xf32, #tpu.memory_space<hbm>>
      %dma_start3A_329 = tpu.memref_squeeze %dma_start3A_328 : memref<1x80x128xf32, #tpu.memory_space<hbm>> -> memref<80x128xf32, #tpu.memory_space<hbm>>
      %dma_start3A_330 = arith.constant 0 : i32
      %dma_start3A_331 = tpu.memref_slice %arg5[%arg0, %mul3A_323, %dma_start3A_330] : memref<2x10000x128xf32, #tpu.memory_space<hbm>> -> memref<1x80x128xf32, #tpu.memory_space<hbm>>
      %dma_start3A_332 = tpu.memref_squeeze %dma_start3A_331 : memref<1x80x128xf32, #tpu.memory_space<hbm>> -> memref<80x128xf32, #tpu.memory_space<hbm>>
      %dma_start3A_333 = arith.constant 0 : i32
      %dma_start3A_334 = arith.constant 0 : i32
      %dma_start3A_335 = tpu.memref_slice %arg8[%dma_start3A_333, %dma_start3A_334] : memref<96x128xf32, #tpu.memory_space<vmem>> -> memref<80x128xf32, #tpu.memory_space<vmem>>
      tpu.enqueue_dma source(%dma_start3A_335 : memref<80x128xf32, #tpu.memory_space<vmem>>) target(%dma_start3A_332 : memref<80x128xf32, #tpu.memory_space<hbm>>) target_semaphore(%arg11 : memref<!tpu.dma_semaphore, #tpu.memory_space<semaphore_mem>>)
    } else {
    }
    %mul3A_284 = arith.constant 8 : i32
    %mul3A_285 = arith.muli %arg1, %mul3A_284 : i32
    %add3A_286 = arith.constant 7 : i32
    %add3A_287 = arith.addi %mul3A_285, %add3A_286 : i32
    %mul3A_288 = arith.constant 8 : i32
    %mul3A_289 = arith.muli %arg1, %mul3A_288 : i32
    %add3A_290 = arith.constant 5 : i32
    %add3A_291 = arith.addi %mul3A_289, %add3A_290 : i32
    %lt3A_292 = arith.constant 125 : i32
    %lt3A_293 = arith.cmpi slt, %add3A_291, %lt3A_292 : i32
    %convert_element_type3A_294 = arith.extui %lt3A_293 : i1 to i32
    %cond3A_295 = arith.constant 0 : i32
    %cond3A_296 = arith.cmpi ne, %convert_element_type3A_294, %cond3A_295 : i32
    scf.if %cond3A_296 {
      %mul3A_320 = arith.constant 80 : i32
      %mul3A_321 = arith.muli %add3A_291, %mul3A_320 : i32
      %dma_wait3A = arith.constant 0 : i32
      %dma_wait3A_322 = arith.constant 0 : i32
      %dma_wait3A_323 = tpu.memref_slice %arg9[%dma_wait3A, %dma_wait3A_322] : memref<96x128xf32, #tpu.memory_space<vmem>> -> memref<80x128xf32, #tpu.memory_space<vmem>>
      %dma_wait3A_324 = arith.constant 0 : i32
      %dma_wait3A_325 = tpu.memref_slice %arg5[%arg0, %mul3A_321, %dma_wait3A_324] : memref<2x10000x128xf32, #tpu.memory_space<hbm>> -> memref<1x80x128xf32, #tpu.memory_space<hbm>>
      %dma_wait3A_326 = tpu.memref_squeeze %dma_wait3A_325 : memref<1x80x128xf32, #tpu.memory_space<hbm>> -> memref<80x128xf32, #tpu.memory_space<hbm>>
      %dma_wait3A_327 = arith.constant 0 : i32
      %dma_wait3A_328 = tpu.memref_slice %arg5[%arg0, %mul3A_321, %dma_wait3A_327] : memref<2x10000x128xf32, #tpu.memory_space<hbm>> -> memref<1x80x128xf32, #tpu.memory_space<hbm>>
      %dma_wait3A_329 = tpu.memref_squeeze %dma_wait3A_328 : memref<1x80x128xf32, #tpu.memory_space<hbm>> -> memref<80x128xf32, #tpu.memory_space<hbm>>
      %dma_wait3A_330 = arith.constant 0 : i32
      %dma_wait3A_331 = arith.constant 0 : i32
      %dma_wait3A_332 = tpu.memref_slice %arg9[%dma_wait3A_330, %dma_wait3A_331] : memref<96x128xf32, #tpu.memory_space<vmem>> -> memref<80x128xf32, #tpu.memory_space<vmem>>
      tpu.wait_dma2 semaphore(%arg12 : memref<!tpu.dma_semaphore, #tpu.memory_space<semaphore_mem>>) src(%dma_wait3A_332 : memref<80x128xf32, #tpu.memory_space<vmem>>) dst(%dma_wait3A_329 : memref<80x128xf32, #tpu.memory_space<hbm>>)
    } else {
    }
    %lt3A_297 = arith.constant 125 : i32
    %lt3A_298 = arith.cmpi slt, %add3A_287, %lt3A_297 : i32
    %convert_element_type3A_299 = arith.extui %lt3A_298 : i1 to i32
    %cond3A_300 = arith.constant 0 : i32
    %cond3A_301 = arith.cmpi ne, %convert_element_type3A_299, %cond3A_300 : i32
    scf.if %cond3A_301 {
      %mul3A_320 = arith.constant 80 : i32
      %mul3A_321 = arith.muli %add3A_287, %mul3A_320 : i32
      "tpu.region"() ({
        %run_scoped3A_336 = tpu.sem_alloc : memref<!tpu.dma_semaphore, #tpu.memory_space<semaphore_mem>>
        %dma_start3A_337 = arith.constant 0 : i32
        %dma_start3A_338 = arith.constant 0 : i32
        %dma_start3A_339 = tpu.memref_slice %arg9[%dma_start3A_337, %dma_start3A_338] : memref<96x128xf32, #tpu.memory_space<vmem>> -> memref<80x128xf32, #tpu.memory_space<vmem>>
        %dma_start3A_340 = arith.constant 0 : i32
        %dma_start3A_341 = tpu.memref_slice %arg10[%mul3A_321, %dma_start3A_340] : memref<10016x128xf32, #tpu.memory_space<vmem_shared>> -> memref<80x128xf32, #tpu.memory_space<vmem_shared>>
        %dma_start3A_342 = arith.constant 0 : i32
        %dma_start3A_343 = arith.constant 0 : i32
        %dma_start3A_344 = tpu.memref_slice %arg9[%dma_start3A_342, %dma_start3A_343] : memref<96x128xf32, #tpu.memory_space<vmem>> -> memref<80x128xf32, #tpu.memory_space<vmem>>
        %dma_start3A_345 = arith.constant 0 : i32
        %dma_start3A_346 = tpu.memref_slice %arg10[%mul3A_321, %dma_start3A_345] : memref<10016x128xf32, #tpu.memory_space<vmem_shared>> -> memref<80x128xf32, #tpu.memory_space<vmem_shared>>
        tpu.enqueue_dma source(%dma_start3A_346 : memref<80x128xf32, #tpu.memory_space<vmem_shared>>) target(%dma_start3A_344 : memref<80x128xf32, #tpu.memory_space<vmem>>) target_semaphore(%run_scoped3A_336 : memref<!tpu.dma_semaphore, #tpu.memory_space<semaphore_mem>>)
        %dma_wait3A = arith.constant 0 : i32
        %dma_wait3A_347 = arith.constant 0 : i32
        %dma_wait3A_348 = tpu.memref_slice %arg9[%dma_wait3A, %dma_wait3A_347] : memref<96x128xf32, #tpu.memory_space<vmem>> -> memref<80x128xf32, #tpu.memory_space<vmem>>
        %dma_wait3A_349 = arith.constant 0 : i32
        %dma_wait3A_350 = tpu.memref_slice %arg10[%mul3A_321, %dma_wait3A_349] : memref<10016x128xf32, #tpu.memory_space<vmem_shared>> -> memref<80x128xf32, #tpu.memory_space<vmem_shared>>
        %dma_wait3A_351 = arith.constant 0 : i32
        %dma_wait3A_352 = arith.constant 0 : i32
        %dma_wait3A_353 = tpu.memref_slice %arg9[%dma_wait3A_351, %dma_wait3A_352] : memref<96x128xf32, #tpu.memory_space<vmem>> -> memref<80x128xf32, #tpu.memory_space<vmem>>
        %dma_wait3A_354 = arith.constant 0 : i32
        %dma_wait3A_355 = tpu.memref_slice %arg10[%mul3A_321, %dma_wait3A_354] : memref<10016x128xf32, #tpu.memory_space<vmem_shared>> -> memref<80x128xf32, #tpu.memory_space<vmem_shared>>
        tpu.wait_dma2 semaphore(%run_scoped3A_336 : memref<!tpu.dma_semaphore, #tpu.memory_space<semaphore_mem>>) src(%dma_wait3A_355 : memref<80x128xf32, #tpu.memory_space<vmem_shared>>) dst(%dma_wait3A_353 : memref<80x128xf32, #tpu.memory_space<vmem>>)
        tpu.yield
      }) : () -> ()
      %mul3A_322 = arith.constant 80 : i32
      %mul3A_323 = arith.muli %add3A_287, %mul3A_322 : i32
      %dma_start3A_324 = arith.constant 0 : i32
      %dma_start3A_325 = arith.constant 0 : i32
      %dma_start3A_326 = tpu.memref_slice %arg9[%dma_start3A_324, %dma_start3A_325] : memref<96x128xf32, #tpu.memory_space<vmem>> -> memref<80x128xf32, #tpu.memory_space<vmem>>
      %dma_start3A_327 = arith.constant 0 : i32
      %dma_start3A_328 = tpu.memref_slice %arg5[%arg0, %mul3A_323, %dma_start3A_327] : memref<2x10000x128xf32, #tpu.memory_space<hbm>> -> memref<1x80x128xf32, #tpu.memory_space<hbm>>
      %dma_start3A_329 = tpu.memref_squeeze %dma_start3A_328 : memref<1x80x128xf32, #tpu.memory_space<hbm>> -> memref<80x128xf32, #tpu.memory_space<hbm>>
      %dma_start3A_330 = arith.constant 0 : i32
      %dma_start3A_331 = tpu.memref_slice %arg5[%arg0, %mul3A_323, %dma_start3A_330] : memref<2x10000x128xf32, #tpu.memory_space<hbm>> -> memref<1x80x128xf32, #tpu.memory_space<hbm>>
      %dma_start3A_332 = tpu.memref_squeeze %dma_start3A_331 : memref<1x80x128xf32, #tpu.memory_space<hbm>> -> memref<80x128xf32, #tpu.memory_space<hbm>>
      %dma_start3A_333 = arith.constant 0 : i32
      %dma_start3A_334 = arith.constant 0 : i32
      %dma_start3A_335 = tpu.memref_slice %arg9[%dma_start3A_333, %dma_start3A_334] : memref<96x128xf32, #tpu.memory_space<vmem>> -> memref<80x128xf32, #tpu.memory_space<vmem>>
      tpu.enqueue_dma source(%dma_start3A_335 : memref<80x128xf32, #tpu.memory_space<vmem>>) target(%dma_start3A_332 : memref<80x128xf32, #tpu.memory_space<hbm>>) target_semaphore(%arg12 : memref<!tpu.dma_semaphore, #tpu.memory_space<semaphore_mem>>)
    } else {
    }
    %mul3A_302 = arith.constant 8 : i32
    %mul3A_303 = arith.muli %arg1, %mul3A_302 : i32
    %add3A_304 = arith.constant 6 : i32
    %add3A_305 = arith.addi %mul3A_303, %add3A_304 : i32
    %lt3A_306 = arith.constant 125 : i32
    %lt3A_307 = arith.cmpi slt, %add3A_305, %lt3A_306 : i32
    %convert_element_type3A_308 = arith.extui %lt3A_307 : i1 to i32
    %cond3A_309 = arith.constant 0 : i32
    %cond3A_310 = arith.cmpi ne, %convert_element_type3A_308, %cond3A_309 : i32
    scf.if %cond3A_310 {
      %mul3A_320 = arith.constant 80 : i32
      %mul3A_321 = arith.muli %add3A_305, %mul3A_320 : i32
      %dma_wait3A = arith.constant 0 : i32
      %dma_wait3A_322 = arith.constant 0 : i32
      %dma_wait3A_323 = tpu.memref_slice %arg8[%dma_wait3A, %dma_wait3A_322] : memref<96x128xf32, #tpu.memory_space<vmem>> -> memref<80x128xf32, #tpu.memory_space<vmem>>
      %dma_wait3A_324 = arith.constant 0 : i32
      %dma_wait3A_325 = tpu.memref_slice %arg5[%arg0, %mul3A_321, %dma_wait3A_324] : memref<2x10000x128xf32, #tpu.memory_space<hbm>> -> memref<1x80x128xf32, #tpu.memory_space<hbm>>
      %dma_wait3A_326 = tpu.memref_squeeze %dma_wait3A_325 : memref<1x80x128xf32, #tpu.memory_space<hbm>> -> memref<80x128xf32, #tpu.memory_space<hbm>>
      %dma_wait3A_327 = arith.constant 0 : i32
      %dma_wait3A_328 = tpu.memref_slice %arg5[%arg0, %mul3A_321, %dma_wait3A_327] : memref<2x10000x128xf32, #tpu.memory_space<hbm>> -> memref<1x80x128xf32, #tpu.memory_space<hbm>>
      %dma_wait3A_329 = tpu.memref_squeeze %dma_wait3A_328 : memref<1x80x128xf32, #tpu.memory_space<hbm>> -> memref<80x128xf32, #tpu.memory_space<hbm>>
      %dma_wait3A_330 = arith.constant 0 : i32
      %dma_wait3A_331 = arith.constant 0 : i32
      %dma_wait3A_332 = tpu.memref_slice %arg8[%dma_wait3A_330, %dma_wait3A_331] : memref<96x128xf32, #tpu.memory_space<vmem>> -> memref<80x128xf32, #tpu.memory_space<vmem>>
      tpu.wait_dma2 semaphore(%arg11 : memref<!tpu.dma_semaphore, #tpu.memory_space<semaphore_mem>>) src(%dma_wait3A_332 : memref<80x128xf32, #tpu.memory_space<vmem>>) dst(%dma_wait3A_329 : memref<80x128xf32, #tpu.memory_space<hbm>>)
    } else {
    }
    %mul3A_311 = arith.constant 8 : i32
    %mul3A_312 = arith.muli %arg1, %mul3A_311 : i32
    %add3A_313 = arith.constant 7 : i32
    %add3A_314 = arith.addi %mul3A_312, %add3A_313 : i32
    %lt3A_315 = arith.constant 125 : i32
    %lt3A_316 = arith.cmpi slt, %add3A_314, %lt3A_315 : i32
    %convert_element_type3A_317 = arith.extui %lt3A_316 : i1 to i32
    %cond3A_318 = arith.constant 0 : i32
    %cond3A_319 = arith.cmpi ne, %convert_element_type3A_317, %cond3A_318 : i32
    scf.if %cond3A_319 {
      %mul3A_320 = arith.constant 80 : i32
      %mul3A_321 = arith.muli %add3A_314, %mul3A_320 : i32
      %dma_wait3A = arith.constant 0 : i32
      %dma_wait3A_322 = arith.constant 0 : i32
      %dma_wait3A_323 = tpu.memref_slice %arg9[%dma_wait3A, %dma_wait3A_322] : memref<96x128xf32, #tpu.memory_space<vmem>> -> memref<80x128xf32, #tpu.memory_space<vmem>>
      %dma_wait3A_324 = arith.constant 0 : i32
      %dma_wait3A_325 = tpu.memref_slice %arg5[%arg0, %mul3A_321, %dma_wait3A_324] : memref<2x10000x128xf32, #tpu.memory_space<hbm>> -> memref<1x80x128xf32, #tpu.memory_space<hbm>>
      %dma_wait3A_326 = tpu.memref_squeeze %dma_wait3A_325 : memref<1x80x128xf32, #tpu.memory_space<hbm>> -> memref<80x128xf32, #tpu.memory_space<hbm>>
      %dma_wait3A_327 = arith.constant 0 : i32
      %dma_wait3A_328 = tpu.memref_slice %arg5[%arg0, %mul3A_321, %dma_wait3A_327] : memref<2x10000x128xf32, #tpu.memory_space<hbm>> -> memref<1x80x128xf32, #tpu.memory_space<hbm>>
      %dma_wait3A_329 = tpu.memref_squeeze %dma_wait3A_328 : memref<1x80x128xf32, #tpu.memory_space<hbm>> -> memref<80x128xf32, #tpu.memory_space<hbm>>
      %dma_wait3A_330 = arith.constant 0 : i32
      %dma_wait3A_331 = arith.constant 0 : i32
      %dma_wait3A_332 = tpu.memref_slice %arg9[%dma_wait3A_330, %dma_wait3A_331] : memref<96x128xf32, #tpu.memory_space<vmem>> -> memref<80x128xf32, #tpu.memory_space<vmem>>
      tpu.wait_dma2 semaphore(%arg12 : memref<!tpu.dma_semaphore, #tpu.memory_space<semaphore_mem>>) src(%dma_wait3A_332 : memref<80x128xf32, #tpu.memory_space<vmem>>) dst(%dma_wait3A_329 : memref<80x128xf32, #tpu.memory_space<hbm>>)
    } else {
    }
    return
  }
}

module attributes {stable_mosaic.version = 14 : i64} {
  func.func @_norm_body(%arg0: i32, %arg1: memref<1x1x1000xf32, #tpu.memory_space<vmem>>, %arg2: memref<1x1x1000xf32, #tpu.memory_space<vmem>>, %arg3: memref<1000x128xf32, #tpu.memory_space<vmem>>, %arg4: memref<1000x128xf32, #tpu.memory_space<vmem>>) attributes {dimension_semantics = [#tpu.dimension_semantics<arbitrary>], iteration_bounds = array<i64: 10>, scalar_prefetch = 0 : i64, scratch_operands = 0 : i64, tpu.core_type = #tpu.core_type<tc>, window_params = [{transform_indices = @transform_0, window_bounds = array<i64: 1, 1, 1000>}, {transform_indices = @transform_1, window_bounds = array<i64: 1, 1, 1000>}, {transform_indices = @transform_2, window_bounds = array<i64: 1000, 128>}, {transform_indices = @transform_3, window_bounds = array<i64: 1000, 128>}]} {
    %get3A = arith.constant 0 : index
    %get3A_0 = arith.constant 0 : index
    %get3A_1 = arith.constant 0 : index
    %get3A_2 = vector.load %arg1[%get3A, %get3A_0, %get3A_1] : memref<1x1x1000xf32, #tpu.memory_space<vmem>>, vector<1x1x1000xf32>
    %get3A_3 = vector.shape_cast %get3A_2 : vector<1x1x1000xf32> to vector<1000xf32>
    %get3A_4 = arith.constant 0 : index
    %get3A_5 = arith.constant 0 : index
    %get3A_6 = arith.constant 0 : index
    %get3A_7 = vector.load %arg2[%get3A_4, %get3A_5, %get3A_6] : memref<1x1x1000xf32, #tpu.memory_space<vmem>>, vector<1x1x1000xf32>
    %get3A_8 = vector.shape_cast %get3A_7 : vector<1x1x1000xf32> to vector<1000xf32>
    %add3A = arith.addf %get3A_3, %get3A_8 : vector<1000xf32>
    %max3A = arith.constant 1.000000e+00 : f32
    %max3A_9 = vector.broadcast %max3A : f32 to vector<1000xf32>
    %max3A_10 = arith.maximumf %add3A, %max3A_9 : vector<1000xf32>
    %get3A_11 = arith.constant 0 : index
    %get3A_12 = arith.constant 0 : index
    %get3A_13 = vector.load %arg3[%get3A_11, %get3A_12] : memref<1000x128xf32, #tpu.memory_space<vmem>>, vector<1000x128xf32>
    %div3A = arith.constant 1.000000e+00 : f32
    %div3A_14 = vector.broadcast %div3A : f32 to vector<1000xf32>
    %div3A_15 = arith.divf %div3A_14, %max3A_10 : vector<1000xf32>
    %broadcast_in_dim3A = vector.shape_cast %div3A_15 : vector<1000xf32> to vector<1000x1xf32>
    %mul3A = vector.broadcast %broadcast_in_dim3A : vector<1000x1xf32> to vector<1000x128xf32>
    %mul3A_16 = arith.mulf %get3A_13, %mul3A : vector<1000x128xf32>
    %swap3A = arith.constant 0 : index
    %swap3A_17 = arith.constant 0 : index
    %swap3A_18 = vector.load %arg4[%swap3A, %swap3A_17] : memref<1000x128xf32, #tpu.memory_space<vmem>>, vector<1000x128xf32>
    tpu.vector_store %arg4[%swap3A, %swap3A_17], %mul3A_16 {strides = array<i32>} : memref<1000x128xf32, #tpu.memory_space<vmem>>, vector<1000x128xf32>,
    return
  }
  func.func @transform_0(%arg0: i32) -> (i32, i32, i32) {
    %c0_i32 = arith.constant 0 : i32
    %c0_i32_0 = arith.constant 0 : i32
    %c0_i32_1 = arith.constant 0 : i32
    return %arg0, %c0_i32, %c0_i32_0 : i32, i32, i32
  }
  func.func @transform_1(%arg0: i32) -> (i32, i32, i32) {
    %c0_i32 = arith.constant 0 : i32
    %c0_i32_0 = arith.constant 0 : i32
    %c0_i32_1 = arith.constant 0 : i32
    return %arg0, %c0_i32, %c0_i32_0 : i32, i32, i32
  }
  func.func @transform_2(%arg0: i32) -> (i32, i32) {
    %c0_i32 = arith.constant 0 : i32
    %c0_i32_0 = arith.constant 0 : i32
    return %arg0, %c0_i32 : i32, i32
  }
  func.func @transform_3(%arg0: i32) -> (i32, i32) {
    %c0_i32 = arith.constant 0 : i32
    %c0_i32_0 = arith.constant 0 : i32
    return %arg0, %c0_i32 : i32, i32
  }
}

module attributes {stable_mosaic.version = 14 : i64} {
  func.func @_layer0_body(%arg0: i32, %arg1: memref<1x1x1000xf32, #tpu.memory_space<vmem>>, %arg2: memref<1x1x1000xf32, #tpu.memory_space<vmem>>, %arg3: memref<1000x128xf32, #tpu.memory_space<vmem>>, %arg4: memref<2x1000x128xf32, #tpu.memory_space<vmem>>, %arg5: memref<128x128xf32, #tpu.memory_space<vmem>>, %arg6: memref<128x128xf32, #tpu.memory_space<vmem>>, %arg7: memref<1x128xf32, #tpu.memory_space<vmem>>, %arg8: memref<1000x128xf32, #tpu.memory_space<vmem>>, %arg9: memref<1000x128xf32, #tpu.memory_space<vmem>>) attributes {dimension_semantics = [#tpu.dimension_semantics<arbitrary>], iteration_bounds = array<i64: 10>, scalar_prefetch = 0 : i64, scratch_operands = 0 : i64, tpu.core_type = #tpu.core_type<tc>, window_params = [{transform_indices = @transform_0, window_bounds = array<i64: 1, 1, 1000>}, {transform_indices = @transform_1, window_bounds = array<i64: 1, 1, 1000>}, {transform_indices = @transform_2, window_bounds = array<i64: 1000, 128>}, {transform_indices = @transform_3, window_bounds = array<i64: 2, 1000, 128>}, {pipeline_mode = #tpu.pipeline_mode<synchronous>, transform_indices = @transform_4, window_bounds = array<i64: 128, 128>}, {pipeline_mode = #tpu.pipeline_mode<synchronous>, transform_indices = @transform_5, window_bounds = array<i64: 128, 128>}, {pipeline_mode = #tpu.pipeline_mode<synchronous>, transform_indices = @transform_6, window_bounds = array<i64: 1, 128>}, {transform_indices = @transform_7, window_bounds = array<i64: 1000, 128>}, {transform_indices = @transform_8, window_bounds = array<i64: 1000, 128>}]} {
    %get3A = arith.constant 0 : index
    %get3A_0 = arith.constant 0 : index
    %get3A_1 = arith.constant 0 : index
    %get3A_2 = vector.load %arg4[%get3A, %get3A_0, %get3A_1] : memref<2x1000x128xf32, #tpu.memory_space<vmem>>, vector<1x1000x128xf32>
    %get3A_3 = vector.shape_cast %get3A_2 : vector<1x1000x128xf32> to vector<1000x128xf32>
    %get3A_4 = arith.constant 1 : index
    %get3A_5 = arith.constant 0 : index
    %get3A_6 = arith.constant 0 : index
    %get3A_7 = vector.load %arg4[%get3A_4, %get3A_5, %get3A_6] : memref<2x1000x128xf32, #tpu.memory_space<vmem>>, vector<1x1000x128xf32>
    %get3A_8 = vector.shape_cast %get3A_7 : vector<1x1000x128xf32> to vector<1000x128xf32>
    %add3A = arith.addf %get3A_3, %get3A_8 : vector<1000x128xf32>
    %get3A_9 = arith.constant 0 : index
    %get3A_10 = arith.constant 0 : index
    %get3A_11 = vector.load %arg3[%get3A_9, %get3A_10] : memref<1000x128xf32, #tpu.memory_space<vmem>>, vector<1000x128xf32>
    %get3A_12 = arith.constant 0 : index
    %get3A_13 = arith.constant 0 : index
    %get3A_14 = vector.load %arg5[%get3A_12, %get3A_13] : memref<128x128xf32, #tpu.memory_space<vmem>>, vector<128x128xf32>
    %dot_general3A = arith.constant dense<0.000000e+00> : vector<1000x128xf32>
    %dot_general3A_15 = tpu.matmul %get3A_11, %get3A_14, %dot_general3A {dimension_numbers = #tpu.dot_dimension_numbers<[1], [0], [0], [1], [0, 0, 1, 1], [], []>, transpose_lhs_hint = false} : vector<1000x128xf32>, vector<128x128xf32>, vector<1000x128xf32> -> vector<1000x128xf32>
    %get3A_16 = arith.constant 0 : index
    %get3A_17 = arith.constant 0 : index
    %get3A_18 = vector.load %arg6[%get3A_16, %get3A_17] : memref<128x128xf32, #tpu.memory_space<vmem>>, vector<128x128xf32>
    %dot_general3A_19 = arith.constant dense<0.000000e+00> : vector<1000x128xf32>
    %dot_general3A_20 = tpu.matmul %add3A, %get3A_18, %dot_general3A_19 {dimension_numbers = #tpu.dot_dimension_numbers<[1], [0], [0], [1], [0, 0, 1, 1], [], []>, transpose_lhs_hint = false} : vector<1000x128xf32>, vector<128x128xf32>, vector<1000x128xf32> -> vector<1000x128xf32>
    %add3A_21 = arith.addf %dot_general3A_15, %dot_general3A_20 : vector<1000x128xf32>
    %get3A_22 = arith.constant 0 : index
    %get3A_23 = arith.constant 0 : index
    %get3A_24 = vector.load %arg7[%get3A_22, %get3A_23] : memref<1x128xf32, #tpu.memory_space<vmem>>, vector<1x128xf32>
    %add3A_25 = vector.broadcast %get3A_24 : vector<1x128xf32> to vector<1000x128xf32>
    %add3A_26 = arith.addf %add3A_21, %add3A_25 : vector<1000x128xf32>
    %max3A = arith.constant 0.000000e+00 : f32
    %max3A_27 = vector.broadcast %max3A : f32 to vector<1000x128xf32>
    %max3A_28 = arith.maximumf %add3A_26, %max3A_27 : vector<1000x128xf32>
    %swap3A = arith.constant 0 : index
    %swap3A_29 = arith.constant 0 : index
    %swap3A_30 = vector.load %arg8[%swap3A, %swap3A_29] : memref<1000x128xf32, #tpu.memory_space<vmem>>, vector<1000x128xf32>
    tpu.vector_store %arg8[%swap3A, %swap3A_29], %max3A_28 {strides = array<i32>} : memref<1000x128xf32, #tpu.memory_space<vmem>>, vector<1000x128xf32>,
    %get3A_31 = arith.constant 0 : index
    %get3A_32 = arith.constant 0 : index
    %get3A_33 = arith.constant 0 : index
    %get3A_34 = vector.load %arg1[%get3A_31, %get3A_32, %get3A_33] : memref<1x1x1000xf32, #tpu.memory_space<vmem>>, vector<1x1x1000xf32>
    %get3A_35 = vector.shape_cast %get3A_34 : vector<1x1x1000xf32> to vector<1000xf32>
    %get3A_36 = arith.constant 0 : index
    %get3A_37 = arith.constant 0 : index
    %get3A_38 = arith.constant 0 : index
    %get3A_39 = vector.load %arg2[%get3A_36, %get3A_37, %get3A_38] : memref<1x1x1000xf32, #tpu.memory_space<vmem>>, vector<1x1x1000xf32>
    %get3A_40 = vector.shape_cast %get3A_39 : vector<1x1x1000xf32> to vector<1000xf32>
    %add3A_41 = arith.addf %get3A_35, %get3A_40 : vector<1000xf32>
    %max3A_42 = arith.constant 1.000000e+00 : f32
    %max3A_43 = vector.broadcast %max3A_42 : f32 to vector<1000xf32>
    %max3A_44 = arith.maximumf %add3A_41, %max3A_43 : vector<1000xf32>
    %div3A = arith.constant 1.000000e+00 : f32
    %div3A_45 = vector.broadcast %div3A : f32 to vector<1000xf32>
    %div3A_46 = arith.divf %div3A_45, %max3A_44 : vector<1000xf32>
    %broadcast_in_dim3A = vector.shape_cast %div3A_46 : vector<1000xf32> to vector<1000x1xf32>
    %mul3A = vector.broadcast %broadcast_in_dim3A : vector<1000x1xf32> to vector<1000x128xf32>
    %mul3A_47 = arith.mulf %max3A_28, %mul3A : vector<1000x128xf32>
    %swap3A_48 = arith.constant 0 : index
    %swap3A_49 = arith.constant 0 : index
    %swap3A_50 = vector.load %arg9[%swap3A_48, %swap3A_49] : memref<1000x128xf32, #tpu.memory_space<vmem>>, vector<1000x128xf32>
    tpu.vector_store %arg9[%swap3A_48, %swap3A_49], %mul3A_47 {strides = array<i32>} : memref<1000x128xf32, #tpu.memory_space<vmem>>, vector<1000x128xf32>,
    return
  }
  func.func @transform_0(%arg0: i32) -> (i32, i32, i32) {
    %c0_i32 = arith.constant 0 : i32
    %c0_i32_0 = arith.constant 0 : i32
    %c0_i32_1 = arith.constant 0 : i32
    return %arg0, %c0_i32, %c0_i32_0 : i32, i32, i32
  }
  func.func @transform_1(%arg0: i32) -> (i32, i32, i32) {
    %c0_i32 = arith.constant 0 : i32
    %c0_i32_0 = arith.constant 0 : i32
    %c0_i32_1 = arith.constant 0 : i32
    return %arg0, %c0_i32, %c0_i32_0 : i32, i32, i32
  }
  func.func @transform_2(%arg0: i32) -> (i32, i32) {
    %c0_i32 = arith.constant 0 : i32
    %c0_i32_0 = arith.constant 0 : i32
    return %arg0, %c0_i32 : i32, i32
  }
  func.func @transform_3(%arg0: i32) -> (i32, i32, i32) {
    %c0_i32 = arith.constant 0 : i32
    %c0_i32_0 = arith.constant 0 : i32
    %c0_i32_1 = arith.constant 0 : i32
    return %c0_i32, %arg0, %c0_i32_0 : i32, i32, i32
  }
  func.func @transform_4(%arg0: i32) -> (i32, i32) {
    %c0_i32 = arith.constant 0 : i32
    %c0_i32_0 = arith.constant 0 : i32
    %c0_i32_1 = arith.constant 0 : i32
    return %c0_i32, %c0_i32_0 : i32, i32
  }
  func.func @transform_5(%arg0: i32) -> (i32, i32) {
    %c0_i32 = arith.constant 0 : i32
    %c0_i32_0 = arith.constant 0 : i32
    %c0_i32_1 = arith.constant 0 : i32
    return %c0_i32, %c0_i32_0 : i32, i32
  }
  func.func @transform_6(%arg0: i32) -> (i32, i32) {
    %c0_i32 = arith.constant 0 : i32
    %c0_i32_0 = arith.constant 0 : i32
    %c0_i32_1 = arith.constant 0 : i32
    return %c0_i32, %c0_i32_0 : i32, i32
  }
  func.func @transform_7(%arg0: i32) -> (i32, i32) {
    %c0_i32 = arith.constant 0 : i32
    %c0_i32_0 = arith.constant 0 : i32
    return %arg0, %c0_i32 : i32, i32
  }
  func.func @transform_8(%arg0: i32) -> (i32, i32) {
    %c0_i32 = arith.constant 0 : i32
    %c0_i32_0 = arith.constant 0 : i32
    return %arg0, %c0_i32 : i32, i32
  }
}

module attributes {stable_mosaic.version = 14 : i64} {
  func.func @_layer1_body(%arg0: i32, %arg1: memref<1000x128xf32, #tpu.memory_space<vmem>>, %arg2: memref<2x1000x128xf32, #tpu.memory_space<vmem>>, %arg3: memref<128x128xf32, #tpu.memory_space<vmem>>, %arg4: memref<128x128xf32, #tpu.memory_space<vmem>>, %arg5: memref<1x128xf32, #tpu.memory_space<vmem>>, %arg6: memref<1000x128xf32, #tpu.memory_space<vmem>>) attributes {dimension_semantics = [#tpu.dimension_semantics<arbitrary>], iteration_bounds = array<i64: 10>, scalar_prefetch = 0 : i64, scratch_operands = 0 : i64, tpu.core_type = #tpu.core_type<tc>, window_params = [{transform_indices = @transform_0, window_bounds = array<i64: 1000, 128>}, {transform_indices = @transform_1, window_bounds = array<i64: 2, 1000, 128>}, {pipeline_mode = #tpu.pipeline_mode<synchronous>, transform_indices = @transform_2, window_bounds = array<i64: 128, 128>}, {pipeline_mode = #tpu.pipeline_mode<synchronous>, transform_indices = @transform_3, window_bounds = array<i64: 128, 128>}, {pipeline_mode = #tpu.pipeline_mode<synchronous>, transform_indices = @transform_4, window_bounds = array<i64: 1, 128>}, {transform_indices = @transform_5, window_bounds = array<i64: 1000, 128>}]} {
    %get3A = arith.constant 0 : index
    %get3A_0 = arith.constant 0 : index
    %get3A_1 = arith.constant 0 : index
    %get3A_2 = vector.load %arg2[%get3A, %get3A_0, %get3A_1] : memref<2x1000x128xf32, #tpu.memory_space<vmem>>, vector<1x1000x128xf32>
    %get3A_3 = vector.shape_cast %get3A_2 : vector<1x1000x128xf32> to vector<1000x128xf32>
    %get3A_4 = arith.constant 1 : index
    %get3A_5 = arith.constant 0 : index
    %get3A_6 = arith.constant 0 : index
    %get3A_7 = vector.load %arg2[%get3A_4, %get3A_5, %get3A_6] : memref<2x1000x128xf32, #tpu.memory_space<vmem>>, vector<1x1000x128xf32>
    %get3A_8 = vector.shape_cast %get3A_7 : vector<1x1000x128xf32> to vector<1000x128xf32>
    %add3A = arith.addf %get3A_3, %get3A_8 : vector<1000x128xf32>
    %get3A_9 = arith.constant 0 : index
    %get3A_10 = arith.constant 0 : index
    %get3A_11 = vector.load %arg1[%get3A_9, %get3A_10] : memref<1000x128xf32, #tpu.memory_space<vmem>>, vector<1000x128xf32>
    %get3A_12 = arith.constant 0 : index
    %get3A_13 = arith.constant 0 : index
    %get3A_14 = vector.load %arg3[%get3A_12, %get3A_13] : memref<128x128xf32, #tpu.memory_space<vmem>>, vector<128x128xf32>
    %dot_general3A = arith.constant dense<0.000000e+00> : vector<1000x128xf32>
    %dot_general3A_15 = tpu.matmul %get3A_11, %get3A_14, %dot_general3A {dimension_numbers = #tpu.dot_dimension_numbers<[1], [0], [0], [1], [0, 0, 1, 1], [], []>, transpose_lhs_hint = false} : vector<1000x128xf32>, vector<128x128xf32>, vector<1000x128xf32> -> vector<1000x128xf32>
    %get3A_16 = arith.constant 0 : index
    %get3A_17 = arith.constant 0 : index
    %get3A_18 = vector.load %arg4[%get3A_16, %get3A_17] : memref<128x128xf32, #tpu.memory_space<vmem>>, vector<128x128xf32>
    %dot_general3A_19 = arith.constant dense<0.000000e+00> : vector<1000x128xf32>
    %dot_general3A_20 = tpu.matmul %add3A, %get3A_18, %dot_general3A_19 {dimension_numbers = #tpu.dot_dimension_numbers<[1], [0], [0], [1], [0, 0, 1, 1], [], []>, transpose_lhs_hint = false} : vector<1000x128xf32>, vector<128x128xf32>, vector<1000x128xf32> -> vector<1000x128xf32>
    %add3A_21 = arith.addf %dot_general3A_15, %dot_general3A_20 : vector<1000x128xf32>
    %get3A_22 = arith.constant 0 : index
    %get3A_23 = arith.constant 0 : index
    %get3A_24 = vector.load %arg5[%get3A_22, %get3A_23] : memref<1x128xf32, #tpu.memory_space<vmem>>, vector<1x128xf32>
    %add3A_25 = vector.broadcast %get3A_24 : vector<1x128xf32> to vector<1000x128xf32>
    %add3A_26 = arith.addf %add3A_21, %add3A_25 : vector<1000x128xf32>
    %swap3A = arith.constant 0 : index
    %swap3A_27 = arith.constant 0 : index
    %swap3A_28 = vector.load %arg6[%swap3A, %swap3A_27] : memref<1000x128xf32, #tpu.memory_space<vmem>>, vector<1000x128xf32>
    tpu.vector_store %arg6[%swap3A, %swap3A_27], %add3A_26 {strides = array<i32>} : memref<1000x128xf32, #tpu.memory_space<vmem>>, vector<1000x128xf32>,
    return
  }
  func.func @transform_0(%arg0: i32) -> (i32, i32) {
    %c0_i32 = arith.constant 0 : i32
    %c0_i32_0 = arith.constant 0 : i32
    return %arg0, %c0_i32 : i32, i32
  }
  func.func @transform_1(%arg0: i32) -> (i32, i32, i32) {
    %c0_i32 = arith.constant 0 : i32
    %c0_i32_0 = arith.constant 0 : i32
    %c0_i32_1 = arith.constant 0 : i32
    return %c0_i32, %arg0, %c0_i32_0 : i32, i32, i32
  }
  func.func @transform_2(%arg0: i32) -> (i32, i32) {
    %c0_i32 = arith.constant 0 : i32
    %c0_i32_0 = arith.constant 0 : i32
    %c0_i32_1 = arith.constant 0 : i32
    return %c0_i32, %c0_i32_0 : i32, i32
  }
  func.func @transform_3(%arg0: i32) -> (i32, i32) {
    %c0_i32 = arith.constant 0 : i32
    %c0_i32_0 = arith.constant 0 : i32
    %c0_i32_1 = arith.constant 0 : i32
    return %c0_i32, %c0_i32_0 : i32, i32
  }
  func.func @transform_4(%arg0: i32) -> (i32, i32) {
    %c0_i32 = arith.constant 0 : i32
    %c0_i32_0 = arith.constant 0 : i32
    %c0_i32_1 = arith.constant 0 : i32
    return %c0_i32, %c0_i32_0 : i32, i32
  }
  func.func @transform_5(%arg0: i32) -> (i32, i32) {
    %c0_i32 = arith.constant 0 : i32
    %c0_i32_0 = arith.constant 0 : i32
    return %arg0, %c0_i32 : i32, i32
  }
}

</mosaic_0001>

<sc_bundles>
// kernel: kernel.11.cloned.1.call-start
scs
__scs_entry_jumppad:
0x0: {  	(pc) =	sbr.rel $0x88, $3  }
0x1: {  	(tag) =	ssettag $0x0;
	lr =	simm.s32 $0x1  }
0x2: {  	[smem:$0x3F9B] =	sst lr;
	_ =	strace $0xD0000000  }
0x3: {  	_ = 	snop  }
0x4: {  	_ = 	snop  }
0x5: {  	_ = 	snop  }
0x6: {  	_ = 	snop  }
0x7: {  	_ = 	snop  }
__scs_overlays_trampoline_lowered:
0x8: {  	[smem:$0x3FAA] =	sst s0  }
0x9: {  	[smem:$0x3FAB] =	sst s1  }
0xa: {  	[smem:$0x3FAC] =	sst s2  }
0xb: {  	[smem:$0x3FAD] =	sst s3  }
0xc: {  	[smem:$0x3FAE] =	sst s4  }
0xd: {  	[smem:$0x3FAF] =	sst s5  }
0xe: {  	[smem:$0x3FB0] =	sst s6  }
0xf: {  	[smem:$0x3FB1] =	sst s7  }
0x10: {  	[smem:$0x3FB2] =	sst s8  }
0x11: {  	[smem:$0x3FB3] =	sst s9;
	s0 =	simm.s32 @!p0 $0x0  }
0x12: {  	s1 =	sld [smem:$0x3F99];
	s0 =	simm.s32 @p0 $0x1  }
0x13: {  	[smem:$0x3FB4] =	sst s0;
	s0 =	simm.s32 @!p1 $0x0  }
0x14: {  	s2 =	sld [smem:$0x3F98];
	s0 =	simm.s32 @p1 $0x1  }
0x15: {  	[smem:$0x3FB5] =	sst s0;
	s0 =	simm.s32 @!p2 $0x0  }
0x16: {  	s3 =	sld [smem:$0x3FDB];
	s0 =	simm.s32 @p2 $0x1  }
0x17: {  	s4 =	simm.s32 $0x1BF5;
	[smem:$0x3FB7] =	sst s0  }
0x18: {  	s0 =	sld [smem:$0x3F9A];
	_ =	swait.ge [sflag:s4], $0x0  }
0x19: {  	s7 =	sld [smem:$0x3F9B]  }
0x1a: {  	s8 =	sadd.s32 $0xFFFFE003, lr  }
0x1b: {  	s9 =	sadd.s32 $0xFFFFFEF7, lr;
	s5 =	simm.s32 $0xFFFFFFFF;
	p2 =	slt.u32 s8, $0xFFFFF086  }
0x1c: {  	p1 =	slt.u32 s9, $0xF7A;
	s5 =	simm.s32 @!p2 $0x0  }
0x1d: {  	s5 =	simm.s32 @p1 $0x1;
	p0 =	seq.s32 s7, s2  }
0x1e: {  	s7 =	smul.u32 @!p0 $0xF7A, s2;
	p2 =	seq.s32 @!p0 s5, $0x0  }
0x1f: {  	s9 =	smul.u32 $0xF7A, s1;
	s8 =	simm.s32 @!p0 $0x1BF5;
	p2 =	por !p2, p0  }
0x20: {  	[sflag:s8] =	ssyncset.s32 @!p0 $0xFFFFF086;
	s6 =	sadd.s32 @!p0 s3, s7;
	s7 =	simm.s32 @!p0 $0x108  }
0x21: {  	s3 =	sadd.s32 s3, s9;
	s6 =	sadd.s32 @!p0 $0x88, s6;
	s7 =	simm.s32 @p2 $0x1082  }
0x22: {  	[simem:s7], [sflag:s8] =	dma.local @!p0 [hbm:s6], $0xF7A  }
0x23: {  	s9 =	sor.u32 $0xD0000000, s2;
	s6 =	simm.s32 $0x108;
	_ =	swait.ge @!p0 [sflag:s8], $0x0  }
0x24: {  	s3 =	sadd.s32 $0x88, s3;
	s6 =	simm.s32 @!p1 $0x1082;
	[sflag:s4] =	ssyncset.s32 $0xFFFFF086  }
0x25: {  	[simem:s6], [sflag:s4] =	dma.local [hbm:s3], $0xF7A  }
0x26: {  	[smem:$0x3F9B] =	sst s1;
	(tag) =	ssettag s2;
	_ =	strace s9  }
0x27: {  	s1 =	sld [smem:$0x3FAB]  }
0x28: {  	s2 =	sld [smem:$0x3FAC]  }
0x29: {  	s4 =	sld [smem:$0x3FAE]  }
0x2a: {  	p0 =	seq.s32 s5, $0x0;
	s5 =	sld [smem:$0x3FAF]  }
0x2b: {  	s6 =	sld [smem:$0x3FB0]  }
0x2c: {  	s7 =	sld [smem:$0x3FB1]  }
0x2d: {  	s3 =	simm.s32 $0x108;
	s8 =	sld [smem:$0x3FB2]  }
0x2e: {  	s3 =	simm.s32 @!p0 $0x1082;
	s9 =	sld [smem:$0x3FB3]  }
0x2f: {  	lr =	sadd.s32 s0, s3;
	s0 =	sld [smem:$0x3FAA]  }
0x30: {  	s3 =	sld [smem:$0x3FAD]  }
0x31: {  	[smem:$0x3FB6] =	sst s10  }
0x32: {  	s10 =	sld [smem:$0x3FB4];
	_ =	sdelay $0x3  }
0x33: {  	p0 =	seq.s32 s10, $0x1;
	s10 =	sld [smem:$0x3FB6];
	_ =	sdelay $0x3  }
0x34: {  	[smem:$0x3FB6] =	sst s10  }
0x35: {  	s10 =	sld [smem:$0x3FB5];
	_ =	sdelay $0x3  }
0x36: {  	p1 =	seq.s32 s10, $0x1;
	s10 =	sld [smem:$0x3FB6];
	_ =	sdelay $0x3  }
0x37: {  	[smem:$0x3FB6] =	sst s10  }
0x38: {  	s10 =	sld [smem:$0x3FB7]  }
0x39: {  	_ = 	snop;
	(pc) =	sbr.ind lr, $3  }
0x3a: {  	_ = 	snop  }
0x3b: {  	_ = 	snop  }
0x3c: {  	p2 =	seq.s32 s10, $0x1;
	s10 =	sld [smem:$0x3FB6]  }
0x3d: {  	_ =	shalt  }
0x3e: {  	_ =	shalt  }
0x3f: {  	_ =	shalt  }
0x40: {  	_ =	shalt  }
0x41: {  	_ =	shalt  }
0x42: {  	_ =	shalt  }
0x43: {  	_ =	shalt  }
0x44: {  	_ =	shalt  }
0x45: {  	_ =	shalt  }
0x46: {  	_ =	shalt  }
0x47: {  	_ =	shalt  }
0x48: {  	_ =	shalt  }
0x49: {  	_ =	shalt  }
0x4a: {  	_ =	shalt  }
0x4b: {  	_ =	shalt  }
0x4c: {  	_ =	shalt  }
0x4d: {  	_ =	shalt  }
0x4e: {  	_ =	shalt  }
0x4f: {  	_ =	shalt  }
0x50: {  	_ =	shalt  }
0x51: {  	_ =	shalt  }
0x52: {  	_ =	shalt  }
0x53: {  	_ =	shalt  }
0x54: {  	_ =	shalt  }
0x55: {  	_ =	shalt  }
0x56: {  	_ =	shalt  }
0x57: {  	_ =	shalt  }
0x58: {  	_ =	shalt  }
0x59: {  	_ =	shalt  }
0x5a: {  	_ =	shalt  }
0x5b: {  	_ =	shalt  }
0x5c: {  	_ =	shalt  }
0x5d: {  	_ =	shalt  }
0x5e: {  	_ =	shalt  }
0x5f: {  	_ =	shalt  }
0x60: {  	_ =	shalt  }
0x61: {  	_ =	shalt  }
0x62: {  	_ =	shalt  }
0x63: {  	_ =	shalt  }
0x64: {  	_ =	shalt  }
0x65: {  	_ =	shalt  }
0x66: {  	_ =	shalt  }
0x67: {  	_ =	shalt  }
0x68: {  	_ =	shalt  }
0x69: {  	_ =	shalt  }
0x6a: {  	_ =	shalt  }
0x6b: {  	_ =	shalt  }
0x6c: {  	_ =	shalt  }
0x6d: {  	_ =	shalt  }
0x6e: {  	_ =	shalt  }
0x6f: {  	_ =	shalt  }
0x70: {  	_ =	shalt  }
0x71: {  	_ =	shalt  }
0x72: {  	_ =	shalt  }
0x73: {  	_ =	shalt  }
0x74: {  	_ =	shalt  }
0x75: {  	_ =	shalt  }
0x76: {  	_ =	shalt  }
0x77: {  	_ =	shalt  }
0x78: {  	_ =	shalt  }
0x79: {  	_ =	shalt  }
0x7a: {  	_ =	shalt  }
0x7b: {  	_ =	shalt  }
0x7c: {  	_ =	shalt  }
0x7d: {  	_ =	shalt  }
0x7e: {  	_ =	shalt  }
0x7f: {  	_ =	shalt  }
0x80: {  	_ =	shalt  }
0x81: {  	_ =	shalt  }
0x82: {  	_ =	shalt  }
0x83: {  	_ =	shalt  }
0x84: {  	_ =	shalt  }
0x85: {  	_ =	shalt  }
0x86: {  	_ =	shalt  }
0x87: {  	_ =	shalt  }
.Lfunc_end0:
.L_simem_size_0:
called_computation.1_lowered:
.L_overlay_start_0:
0x88: {  	s2 =	sld [smem:$0x3FD9]  }
0x89: {  	s3 =	sld [smem:$0x3FFE];
	_ =	sdelay $0x1  }
0x8a: {  	s1 =	srdreg.scid  }
0x8b: {  	s0 =	sand.u32 $0x1, s1  }
0x8c: {  	s17 =	sshll.u32 s0, $0xA;
	s2 =	sadd.s32 s3, s2  }
0x8d: {  	s2 =	sadd.s32 s2, s17  }
0x8e: {  	[smem:$0x3FC2] =	sst s2  }
0x8f: {  	_ = 	snop  }
0x90: {  	s2 =	sld [smem:$0x3FD0];
	(tm) =	ssettm $0x1  }
0x91: {  	s18 =	sld [smem:$0x3FFB];
	_ =	sdelay $0x3  }
0x92: {  	_ =	strace s18  }
0x93: {  	s3 =	sld [smem:$0x3FFC];
	_ =	sdelay $0x3  }
0x94: {  	_ =	strace s3  }
0x95: {  	s3 =	sld [smem:$0x3FFD];
	_ =	sdelay $0x3  }
0x96: {  	_ =	strace s3  }
0x97: {  	_ =	strace $0x8FFFFFFF  }
0x98: {  	s19 =	sld [smem:$0x3FDB];
	_ =	sdelay $0x1  }
0x99: {  	s4 =	simm.s32 $_scs_section_size  }
0x9a: {  	s5 =	simm.s32 $_size__tile_overlayer_lowered;
	s6 =	simm.s32 $_tile_overlayer_lowered  }
0x9b: {  	s22 =	simm.s32 $0x1BFF;
	s21 =	sshll.u32 s6, $0x1;
	s3 =	sadd.s32 s4, s19  }
0x9c: {  	s7 =	simm.s32 $0x0;
	s20 =	sshll.u32 s5, $0x1;
	s5 =	sadd.s32 s21, s3  }
0x9d: {  	[timem:s7], [sflag:s22] =	dma.local [hbm:s5], s20  }
0x9e: {  	_ =	swait.ge [sflag:s22], s20  }
0x9f: {  	s4 =	ssub.s32 $0x0, s20;
	[sflag:s22] =	ssyncset.done $0x0  }
0xa0: {  	[sflag:s22] =	ssyncadd.s32 s4;
	_ =	sdelay $0x1  }
0xa1: {  	s23 =	simm.s32 $0x1B8B  }
0xa2: {  	_ =	swait.ge [sflag:s23], $0x1  }
0xa3: {  	[sflag:s23] =	ssyncset.done $0x0  }
0xa4: {  	s25 =	simm.s32 $0x1B8E;
	s24 =	sld [smem:$0x3FFE];
	[sflag:s23] =	ssyncadd.s32 $0xFFFFFFFF  }
0xa5: {  	s26 =	simm.s32 $execute0_lowered;
	[smem:$0x3FD2] =	sst s25  }
0xa6: {  	s5 =	sshll.u32 s26, $0x1;
	_ =	strace $0x80000049;
	[dreg:$0x1] =	wrdreg $0xFFFFFFFF  }
0xa7: {  	s28 =	simm.s32 $_size_execute0_lowered;
	s3 =	sadd.s32 s3, s5;
	[dreg:$0x0] =	wrdreg $0x0  }
0xa8: {  	s5 =	sshll.u32 s28, $0x1;
	[dreg:$0x2] =	wrdreg s3  }
0xa9: {  	[dreg:$0x3] =	wrdreg s5  }
0xaa: {  	[dreg:$0x4] =	wrdreg $0xC0  }
0xab: {  	_ =	task [dreg:s7], $0x5FFFF  }
0xac: {  	[dreg:$0x1] =	wrdreg $0xFFFFFFFF  }
0xad: {  	[dreg:$0x0] =	wrdreg $0x60  }
0xae: {  	[dreg:$0x2] =	wrdreg s2  }
0xaf: {  	[dreg:$0x3] =	wrdreg s24  }
0xb0: {  	[dreg:$0x4] =	wrdreg $0x98000  }
0xb1: {  	[dreg:$0x5] =	wrdreg $0x9  }
0xb2: {  	_ =	task.clear_ibuf [dreg:s7], $0x6FFFF;
	_ =	strace $0x90000049  }
0xb3: {  	s29 =	simm.s32 $0x9;
	_ =	strace $0x8000004B  }
0xb4: {  	_ =	swait.ge [sflag:s29], $0x1  }
0xb5: {  	[sflag:s29] =	ssyncadd.s32 $0xFFFFFFFF  }
0xb6: {  	_ =	strace $0x9000004B  }
0xb7: {  	_ =	sfence  }
0xb8: {  	s30 =	sld [smem:$0x0];
	_ =	sdelay $0x2  }
0xb9: {  	s31 =	sshll.u32 s1, $0xD;
	s1 =	sshrl.u32 s1, $0x2  }
0xba: {  	s3 =	sand.u32 $0x4000, s31;
	s1 =	sadd.s32 s1, s30  }
0xbb: {  	s0 =	sor.u32 s3, s0;
	s1 =	sshll.u32 s1, $0x11  }
0xbc: {  	s0 =	sor.u32 s1, s0  }
0xbd: {  	s0 =	sadd.s32 $0x8F2B, s0  }
0xbe: {  	[sflag:s0] =	ssyncadd.remote.s32 $0x1  }
0xbf: {  	_ =	sfence.sel $0xFFFF  }
0xc0: {  	[dreg:$0x0] =	wrdreg $0xFFFFFFFF;
	(pc) =	sbr.abs _section_cstart, $3  }
0xc1: {  	[dreg:$0x1] =	wrdreg $0xFFFFFFFF  }
0xc2: {  	_ =	task.clear_ibuf [dreg:s7], $0x2FFFF;
	_ =	strace $0x9FFFFFFF  }
0xc3: {  	(tm) =	ssettm $0x7FFFFFFF  }
tec
execute0_lowered:
.L_overlay_start_1:
0x0: {  	(tag) =	ssettag $0x1  }
0x1: {  	s1 =	rddreg [dreg:$0x0]  }
0x2: {  	s2 =	rddreg [dreg:$0x1];
	s0 =	srdreg.scid  }
0x3: {  	s3 =	rddreg [dreg:$0x2];
	s26 =	stileid.u32;
	s28 =	simm.s32 $0x3  }
0x4: {  	s29 =	simm.s32 $0x1C00;
	s30 =	simm.s32 $0x1;
	s31 =	simm.s32 $0x60  }
0x5: {  	s4 =	sand.u32 $0x1, s0;
	s5 =	sadd.s32 $0x2E00, s2;
	s7 =	sadd.s32 $0x10E00, s2  }
0x6: {  	s22 =	sshll.u32 s26, $0x3;
	s23 =	smul.u32 $0x14000, s26;
	s0 =	sshll.u32 s4, $0x4  }
0x7: {  	s6 =	ssub.s32 $0x2, s4;
	s4 =	smul.u32 $0x138800, s4;
	s10 =	sor.u32 $0x1, s22  }
0x8: {  	s21 =	sshllo.u32 s26, $0x3;
	s17 =	sor.u32 $0x2, s22;
	s11 =	smul.u32 $0x2800, s10  }
0x9: {  	s2 =	sadd.s32 $0x1EE00, s2;
	s18 =	sor.u32 $0x3, s22;
	s12 =	smul.u32 $0x2800, s17  }
0xa: {  	p2 =	seq.s32 s26, $0xF;
	s19 =	sor.u32 $0x4, s22;
	s13 =	smul.u32 $0x2800, s18  }
0xb: {  	s20 =	sor.u32 $0x5, s22;
	p1 =	sgt.u32 s21, $0x7C;
	s15 =	smul.u32 $0x2800, s19  }
0xc: {  	s0 =	sor.u32 s26, s0;
	s8 =	sshrl.u32 s6, $0x1;
	s25 =	smul.u32 $0x2800, s20  }
0xd: {  	s9 =	smul.u32 $0x3800, s0;
	s0 =	ssub.s32 s6, s8;
	s6 =	sor.u32 $0x6, s22  }
0xe: {  	s8 =	simm.s32 $0x0;
	s22 =	smul.u32 $0xA000, s10;
	s16 =	sadd.s32 s4, s12  }
0xf: {  	s13 =	sadd.s32 s4, s13;
	[smem:$0x7FF] =	sst s8;
	s9 =	sshrl.u32 s9, $0x3  }
0x10: {  	p0 =	sgt.u32 s6, $0x7C;
	s13 =	sshrl.u32 s13, $0x3;
	s14 =	sadd.s32 s5, s9  }
0x11: {  	s24 =	sadd.s32 $0x380, s9;
	s9 =	sadd.s32 s7, s9;
	[dreg:$0x4] =	wrdreg s14  }
0x12: {  	[dreg:$0x5] =	wrdreg s9;
	s5 =	sadd.s32 s5, s24;
	s7 =	sadd.s32 s7, s24  }
0x13: {  	s9 =	smul.u32 $0x2800, s6;
	s14 =	sadd.s32 s4, s11;
	s24 =	sadd.s32 s4, s15  }
0x14: {  	s11 =	sshrl.u32 s16, $0x3;
	s6 =	smul.u32 $0xA000, s6;
	[dreg:$0x6] =	wrdreg s5  }
0x15: {  	[dreg:$0x7] =	wrdreg s7;
	s7 =	sadd.s32 s23, s4;
	s23 =	smul.u32 $0x2800, s21  }
0x16: {  	s5 =	sadd.s32 s4, s25;
	s16 =	sshrl.u32 s24, $0x3;
	s24 =	smul.u32 $0x50000, s26  }
0x17: {  	s10 =	sshrl.u32 s14, $0x3;
	s12 =	sadd.s32 s2, s11;
	s11 =	smul.u32 $0xA000, s19  }
0x18: {  	s26 =	simm.s32 $0x3800;
	s25 =	sadd.s32 s4, s9;
	s7 =	sshrl.u32 s7, $0x3  }
0x19: {  	[dreg:$0xa] =	wrdreg s12;
	s5 =	sshrl.u32 s5, $0x3;
	s9 =	smul.u32 $0xA000, s18  }
0x1a: {  	s12 =	smul.u32 $0xA000, s20;
	s4 =	sadd.s32 s4, s23;
	s7 =	sadd.s32 s2, s7  }
0x1b: {  	s14 =	sadd.s32 s2, s5;
	s23 =	sshrl.u32 s25, $0x3;
	s25 =	smul.u32 $0xA000, s17  }
0x1c: {  	[dreg:$0x8] =	wrdreg s7;
	s7 =	sadd.s32 s2, s10;
	s15 =	sadd.s32 s2, s23  }
0x1d: {  	s4 =	sshrl.u32 s4, $0x3;
	s10 =	sshrl.u32 s22, $0x2;
	s5 =	sshrl.u32 s9, $0x2  }
0x1e: {  	s22 =	smul.u32 $0xA000, s21;
	s23 =	sshrl.u32 s12, $0x2;
	[dreg:$0x9] =	wrdreg s7  }
0x1f: {  	s7 =	sadd.s32 s2, s13;
	s13 =	sadd.s32 s2, s16;
	s16 =	sadd.s32 s2, s4  }
0x20: {  	s18 =	sadd.s32 s10, s3;
	s2 =	sshrl.u32 s25, $0x2;
	s20 =	sadd.s32 s5, s3  }
0x21: {  	s4 =	simm.s32 $0x2;
	s5 =	simm.s32 $0x3600;
	[dreg:$0xb] =	wrdreg s7  }
0x22: {  	s7 =	sshrl.u32 s24, $0x2;
	s19 =	sadd.s32 s2, s3;
	s24 =	sshrl.u32 s6, $0x2  }
0x23: {  	s25 =	sshrl.u32 s22, $0x2;
	s22 =	sadd.s32 s23, s3;
	s2 =	simm.s32 $0x4  }
0x24: {  	s6 =	simm.s32 $0x0;
	_ =	strace $0x8000004A;
	s17 =	sadd.s32 s7, s3  }
0x25: {  	s7 =	sshrl.u32 s11, $0x2;
	s23 =	sadd.s32 s24, s3;
	s24 =	sadd.s32 s25, s3  }
0x26: {  	v0 =	vimm.f32 $0.0e+00;
	s25 =	smax.u32 s0, $0x1;
	s0 =	simm.s32 $0x6800;
	s21 =	sadd.s32 s7, s3  }
.LBB2_1:
0x27: {  	s7 =	simm.s32 $0x0;
	s9 =	simm.s32 $0x200  }
.LBB2_2:
0x28: {  	p3 =	sne.s32 s9, $0x9E00;
	[tilespmem:s7+$0x3870] =	vst v0  }
0x29: {  	[tilespmem:s7+$0x3800] =	vst v0  }
0x2a: {  	[tilespmem:s7+$0x3810] =	vst v0  }
.Ltmp0:
0x2b: {  	[tilespmem:s7+$0x3820] =	vst v0;
	(pc) =	sbr.rel @p3 .LBB2_2-.Ltmp0, $4  }
0x2c: {  	[tilespmem:s7+$0x3830] =	vst v0  }
0x2d: {  	[tilespmem:s7+$0x3840] =	vst v0  }
0x2e: {  	[tilespmem:s7+$0x3850] =	vst v0  }
0x2f: {  	[tilespmem:s7+$0x3860] =	vst v0;
	s7 =	sshra.s32 s9, $0x2;
	s9 =	sadd.s32 $0x200, s9  }
0x30: {  	[tilespmem:s7+$0x3870] =	vst v0  }
0x31: {  	[tilespmem:s7+$0x3800] =	vst v0  }
0x32: {  	[tilespmem:s7+$0x3810] =	vst v0  }
0x33: {  	[tilespmem:s7+$0x3820] =	vst v0  }
0x34: {  	[tilespmem:s7+$0x3830] =	vst v0  }
0x35: {  	[tilespmem:s7+$0x3840] =	vst v0  }
0x36: {  	[tilespmem:s7+$0x3850] =	vst v0  }
0x37: {  	[tilespmem:s7+$0x3860] =	vst v0  }
0x38: {  	[spmem:s17] =	stream.linear.scatter [tilespmem:s26], [sflag:$0x1], $0x2800, $0x38;
	[tilespmem:$0x1D100] =	vst v63  }
0x39: {  	_ = 	snop  }
0x3a: {  	[spmem:s18] =	stream.linear.scatter [tilespmem:s26], [sflag:$0x1], $0x2800, $0x38;
	[tilespmem:$0x1D100] =	vst v63  }
0x3b: {  	_ = 	snop  }
0x3c: {  	[spmem:s19] =	stream.linear.scatter [tilespmem:s26], [sflag:$0x1], $0x2800, $0x38;
	[tilespmem:$0x1D100] =	vst v63  }
0x3d: {  	_ = 	snop  }
0x3e: {  	[spmem:s20] =	stream.linear.scatter [tilespmem:s26], [sflag:$0x1], $0x2800, $0x38;
	[tilespmem:$0x1D100] =	vst v63  }
0x3f: {  	_ = 	snop  }
0x40: {  	[spmem:s21] =	stream.linear.scatter [tilespmem:s26], [sflag:$0x1], $0x2800, $0x38;
	[tilespmem:$0x1D100] =	vst v63  }
0x41: {  	s7 =	simm.s32 @!p2 $0x3800  }
0x42: {  	[spmem:s22] =	stream.linear.scatter @!p2 [tilespmem:s7], [sflag:$0x1], $0x2800, $0x38;
	[tilespmem:$0x1D100] =	vst v63  }
0x43: {  	s7 =	simm.s32 @!p0 $0x3800  }
0x44: {  	[spmem:s23] =	stream.linear.scatter @!p0 [tilespmem:s7], [sflag:$0x1], $0x2800, $0x38;
	[tilespmem:$0x1D100] =	vst v63  }
0x45: {  	s7 =	simm.s32 @!p1 $0x3800  }
0x46: {  	[spmem:s24] =	stream.linear.scatter @!p1 [tilespmem:s7], [sflag:$0x1], $0x2800, $0x38;
	[tilespmem:$0x1D100] =	vst v63  }
0x47: {  	s10 =	rddreg [dreg:$0x4]  }
0x48: {  	[tilespmem:s8], [sflag:$0x3] =	stream.linear.gather [hbm4b:s10+s8], $0x1A80, $0x38;
	[tilespmem:$0x1D100] =	vst v63  }
0x49: {  	_ =	swait.ge [sflag:s28], $0x1A80  }
0x4a: {  	[sflag:s28] =	ssyncset.done $0x0  }
0x4b: {  	s11 =	rddreg [dreg:$0x5];
	[sflag:s28] =	ssyncadd.s32 $0xFFFFE580  }
0x4c: {  	[tilespmem:s29], [sflag:$0x3] =	stream.linear.gather [hbm4b:s11+s8], $0x1A80, $0x38;
	[tilespmem:$0x1D100] =	vst v63  }
0x4d: {  	_ =	swait.ge [sflag:s28], $0x1A80  }
0x4e: {  	[sflag:s28] =	ssyncset.done $0x0  }
0x4f: {  	[sflag:s28] =	ssyncadd.s32 $0xFFFFE580  }
0x50: {  	_ =	swait.ge [sflag:s30], $0x2800  }
0x51: {  	[sflag:s30] =	ssyncset.done $0x0  }
0x52: {  	[sflag:s30] =	ssyncadd.s32 $0xFFFFD800  }
0x53: {  	_ =	swait.ge [sflag:s30], $0x2800  }
0x54: {  	[sflag:s30] =	ssyncset.done $0x0  }
0x55: {  	[sflag:s30] =	ssyncadd.s32 $0xFFFFD800  }
0x56: {  	_ =	swait.ge [sflag:s30], $0x2800  }
0x57: {  	[sflag:s30] =	ssyncset.done $0x0  }
0x58: {  	[sflag:s30] =	ssyncadd.s32 $0xFFFFD800  }
0x59: {  	_ =	swait.ge [sflag:s30], $0x2800  }
0x5a: {  	[sflag:s30] =	ssyncset.done $0x0  }
0x5b: {  	[sflag:s30] =	ssyncadd.s32 $0xFFFFD800  }
0x5c: {  	_ =	swait.ge [sflag:s30], $0x2800  }
0x5d: {  	[sflag:s30] =	ssyncset.done $0x0  }
0x5e: {  	s7 =	simm.s32 @!p2 $0x1;
	[sflag:s30] =	ssyncadd.s32 $0xFFFFD800  }
0x5f: {  	_ =	swait.ge @!p2 [sflag:s7], $0x2800  }
0x60: {  	[sflag:s7] =	ssyncset.done @!p2 $0x0  }
0x61: {  	[sflag:s7] =	ssyncadd.s32 @!p2 $0xFFFFD800;
	s7 =	simm.s32 @!p0 $0x1  }
0x62: {  	_ =	swait.ge @!p0 [sflag:s7], $0x2800  }
0x63: {  	[sflag:s7] =	ssyncset.done @!p0 $0x0  }
0x64: {  	[sflag:s7] =	ssyncadd.s32 @!p0 $0xFFFFD800;
	s7 =	simm.s32 @!p1 $0x1  }
0x65: {  	_ =	swait.ge @!p1 [sflag:s7], $0x2800  }
0x66: {  	[sflag:s7] =	ssyncset.done @!p1 $0x0  }
0x67: {  	[sflag:s7] =	ssyncadd.s32 @!p1 $0xFFFFD800  }
0x68: {  	s12 =	simm.s32 $0x0;
	[bflag:$0x0] =	sbarrier.arrive $0xFFFF  }
0x69: {  	[tilespmem:s26], [sflag:$0x1] =	stream.indirect.gather [hbm4b:s1+s31], $0x80, s12, s31, $0xb8;
	[tilespmem:$0x1D100] =	vst v63  }
0x6a: {  	s9 =	simm.s32 $0x80  }
0x6b: {  	[tilespmem:s0], [sflag:$0x2] =	stream.indirect.gather [hbm4b:s1+s31], $0x80, s9, s31, $0xb8;
	[tilespmem:$0x1D100] =	vst v63  }
0x6c: {  	_ =	swait.ge [sflag:s30], $0x3000  }
0x6d: {  	[sflag:s30] =	ssyncset.done $0x0  }
0x6e: {  	s10 =	simm.s32 $0x1C00;
	[sflag:s30] =	ssyncadd.s32 $0xFFFFD000  }
0x6f: {  	[spmem:s3] =	stream.indirect.scatter.add.f32 [tilespmem:s26], [sflag:$0x4], $0x80, s10, s31, $0xb8;
	[tilespmem:$0x1D100] =	vst v63  }
0x70: {  	_ =	swait.ge [sflag:s2], $0x3000  }
0x71: {  	[sflag:s2] =	ssyncset.done $0x0  }
0x72: {  	s11 =	simm.s32 $0x100;
	[sflag:s2] =	ssyncadd.s32 $0xFFFFD000  }
0x73: {  	[tilespmem:s26], [sflag:$0x1] =	stream.indirect.gather [hbm4b:s1+s31], $0x80, s11, s31, $0xb8;
	[tilespmem:$0x1D100] =	vst v63  }
0x74: {  	_ =	swait.ge [sflag:s4], $0x3000  }
0x75: {  	[sflag:s4] =	ssyncset.done $0x0  }
0x76: {  	s12 =	simm.s32 $0x1C80;
	[sflag:s4] =	ssyncadd.s32 $0xFFFFD000  }
0x77: {  	[spmem:s3] =	stream.indirect.scatter.add.f32 [tilespmem:s0], [sflag:$0x3], $0x80, s12, s31, $0xb8;
	[tilespmem:$0x1D100] =	vst v63  }
0x78: {  	_ =	swait.ge [sflag:s28], $0x3000  }
0x79: {  	s7 =	simm.s32 $0x100;
	s9 =	simm.s32 $0x800;
	[sflag:s28] =	ssyncset.done $0x0  }
.LBB2_4:
0x7a: {  	s10 =	sadd.s32 $0x80, s7  }
0x7b: {  	[sflag:s28] =	ssyncadd.s32 $0xFFFFD000;
	s11 =	smov.u32 s9;
	s12 =	sadd.s32 $0x400, s9  }
0x7c: {  	[tilespmem:s0], [sflag:$0x2] =	stream.indirect.gather [hbm4b:s1+s31], $0x80, s10, s31, $0xb8;
	[tilespmem:$0x1D100] =	vst v63  }
0x7d: {  	p3 =	sne.s32 s9, $0x6400;
	_ =	swait.ge [sflag:s30], $0x3000  }
0x7e: {  	[sflag:s30] =	ssyncset.done $0x0  }
0x7f: {  	s9 =	sadd.s32 $0x1C00, s7;
	[sflag:s30] =	ssyncadd.s32 $0xFFFFD000  }
0x80: {  	[spmem:s3] =	stream.indirect.scatter.add.f32 [tilespmem:s26], [sflag:$0x4], $0x80, s9, s31, $0xb8;
	[tilespmem:$0x1D100] =	vst v63  }
0x81: {  	_ =	swait.ge [sflag:s2], $0x3000  }
0x82: {  	[sflag:s2] =	ssyncset.done $0x0  }
0x83: {  	s9 =	sadd.s32 $0x100, s7;
	[sflag:s2] =	ssyncadd.s32 $0xFFFFD000  }
0x84: {  	[tilespmem:s26], [sflag:$0x1] =	stream.indirect.gather [hbm4b:s1+s31], $0x80, s9, s31, $0xb8;
	[tilespmem:$0x1D100] =	vst v63  }
0x85: {  	_ =	swait.ge [sflag:s4], $0x3000  }
.Ltmp1:
0x86: {  	[sflag:s4] =	ssyncset.done $0x0;
	(pc) =	sbr.rel @p3 .LBB2_4-.Ltmp1, $4  }
0x87: {  	s7 =	sadd.s32 $0x1C80, s7;
	[sflag:s4] =	ssyncadd.s32 $0xFFFFD000  }
0x88: {  	[spmem:s3] =	stream.indirect.scatter.add.f32 [tilespmem:s0], [sflag:$0x3], $0x80, s7, s31, $0xb8;
	[tilespmem:$0x1D100] =	vst v63  }
0x89: {  	_ =	swait.ge [sflag:s28], $0x3000  }
0x8a: {  	s9 =	smov.u32 s12;
	s7 =	sshra.s32 s11, $0x2;
	[sflag:s28] =	ssyncset.done $0x0  }
0x8b: {  	s9 =	sadd.s32 $0x80, s7;
	[sflag:s28] =	ssyncadd.s32 $0xFFFFD000  }
0x8c: {  	[tilespmem:s0], [sflag:$0x2] =	stream.indirect.gather [hbm4b:s1+s31], $0x80, s9, s31, $0xb8;
	[tilespmem:$0x1D100] =	vst v63  }
0x8d: {  	_ =	swait.ge [sflag:s30], $0x3000  }
0x8e: {  	[sflag:s30] =	ssyncset.done $0x0  }
0x8f: {  	s11 =	sadd.s32 $0x1C00, s7;
	[sflag:s30] =	ssyncadd.s32 $0xFFFFD000  }
0x90: {  	[spmem:s3] =	stream.indirect.scatter.add.f32 [tilespmem:s26], [sflag:$0x4], $0x80, s11, s31, $0xb8;
	[tilespmem:$0x1D100] =	vst v63  }
0x91: {  	_ =	swait.ge [sflag:s2], $0x3000  }
0x92: {  	[sflag:s2] =	ssyncset.done $0x0  }
0x93: {  	s12 =	sadd.s32 $0x100, s7;
	[sflag:s2] =	ssyncadd.s32 $0xFFFFD000  }
0x94: {  	[tilespmem:s26], [sflag:$0x1] =	stream.indirect.gather [hbm4b:s1+s31], $0x80, s12, s31, $0xb8;
	[tilespmem:$0x1D100] =	vst v63  }
0x95: {  	_ =	swait.ge [sflag:s4], $0x3000  }
0x96: {  	[sflag:s4] =	ssyncset.done $0x0  }
0x97: {  	s9 =	sadd.s32 $0x1C80, s7;
	[sflag:s4] =	ssyncadd.s32 $0xFFFFD000  }
0x98: {  	[spmem:s3] =	stream.indirect.scatter.add.f32 [tilespmem:s0], [sflag:$0x3], $0x80, s9, s31, $0xb8;
	[tilespmem:$0x1D100] =	vst v63  }
0x99: {  	_ =	swait.ge [sflag:s28], $0x3000  }
0x9a: {  	[sflag:s28] =	ssyncset.done $0x0  }
0x9b: {  	[sflag:s28] =	ssyncadd.s32 $0xFFFFD000  }
0x9c: {  	_ =	swait.ge [sflag:s30], $0x3000  }
0x9d: {  	[sflag:s30] =	ssyncset.done $0x0  }
0x9e: {  	[sflag:s30] =	ssyncadd.s32 $0xFFFFD000  }
0x9f: {  	[spmem:s3] =	stream.indirect.scatter.add.f32 [tilespmem:s26], [sflag:$0x4], $0x80, s5, s31, $0xb8;
	[tilespmem:$0x1D100] =	vst v63  }
0xa0: {  	_ =	swait.ge [sflag:s2], $0x3000  }
0xa1: {  	[sflag:s2] =	ssyncset.done $0x0  }
0xa2: {  	s10 =	simm.s32 $0x0;
	s11 =	rddreg [dreg:$0x6];
	[sflag:s2] =	ssyncadd.s32 $0xFFFFD000  }
0xa3: {  	[tilespmem:s10], [sflag:$0x3] =	stream.linear.gather [hbm4b:s11+s10], $0x1A80, $0x38;
	[tilespmem:$0x1D100] =	vst v63  }
0xa4: {  	_ =	swait.ge [sflag:s28], $0x1A80  }
0xa5: {  	[sflag:s28] =	ssyncset.done $0x0  }
0xa6: {  	s12 =	rddreg [dreg:$0x7];
	[sflag:s28] =	ssyncadd.s32 $0xFFFFE580  }
0xa7: {  	[tilespmem:s29], [sflag:$0x3] =	stream.linear.gather [hbm4b:s12+s10], $0x1A80, $0x38;
	[tilespmem:$0x1D100] =	vst v63  }
0xa8: {  	_ =	swait.ge [sflag:s28], $0x1A80  }
0xa9: {  	[sflag:s28] =	ssyncset.done $0x0  }
0xaa: {  	[sflag:s28] =	ssyncadd.s32 $0xFFFFE580  }
0xab: {  	[tilespmem:s26], [sflag:$0x1] =	stream.indirect.gather [hbm4b:s1+s31], $0x80, s10, s31, $0xb8;
	[tilespmem:$0x1D100] =	vst v63  }
0xac: {  	s9 =	simm.s32 $0x80  }
0xad: {  	[tilespmem:s0], [sflag:$0x2] =	stream.indirect.gather [hbm4b:s1+s31], $0x80, s9, s31, $0xb8;
	[tilespmem:$0x1D100] =	vst v63  }
0xae: {  	_ =	swait.ge [sflag:s30], $0x3000  }
0xaf: {  	[sflag:s30] =	ssyncset.done $0x0  }
0xb0: {  	s10 =	simm.s32 $0x1C00;
	[sflag:s30] =	ssyncadd.s32 $0xFFFFD000  }
0xb1: {  	[spmem:s3] =	stream.indirect.scatter.add.f32 [tilespmem:s26], [sflag:$0x4], $0x80, s10, s31, $0xb8;
	[tilespmem:$0x1D100] =	vst v63  }
0xb2: {  	_ =	swait.ge [sflag:s2], $0x3000  }
0xb3: {  	[sflag:s2] =	ssyncset.done $0x0  }
0xb4: {  	s11 =	simm.s32 $0x100;
	[sflag:s2] =	ssyncadd.s32 $0xFFFFD000  }
0xb5: {  	[tilespmem:s26], [sflag:$0x1] =	stream.indirect.gather [hbm4b:s1+s31], $0x80, s11, s31, $0xb8;
	[tilespmem:$0x1D100] =	vst v63  }
0xb6: {  	_ =	swait.ge [sflag:s4], $0x3000  }
0xb7: {  	[sflag:s4] =	ssyncset.done $0x0  }
0xb8: {  	s12 =	simm.s32 $0x1C80;
	[sflag:s4] =	ssyncadd.s32 $0xFFFFD000  }
0xb9: {  	[spmem:s3] =	stream.indirect.scatter.add.f32 [tilespmem:s0], [sflag:$0x3], $0x80, s12, s31, $0xb8;
	[tilespmem:$0x1D100] =	vst v63  }
0xba: {  	_ =	swait.ge [sflag:s28], $0x3000  }
0xbb: {  	s7 =	simm.s32 $0x100;
	s9 =	simm.s32 $0x800;
	[sflag:s28] =	ssyncset.done $0x0  }
.LBB2_6:
0xbc: {  	s10 =	sadd.s32 $0x80, s7  }
0xbd: {  	[sflag:s28] =	ssyncadd.s32 $0xFFFFD000;
	s11 =	smov.u32 s9;
	s12 =	sadd.s32 $0x400, s9  }
0xbe: {  	[tilespmem:s0], [sflag:$0x2] =	stream.indirect.gather [hbm4b:s1+s31], $0x80, s10, s31, $0xb8;
	[tilespmem:$0x1D100] =	vst v63  }
0xbf: {  	p3 =	sne.s32 s9, $0x6400;
	_ =	swait.ge [sflag:s30], $0x3000  }
0xc0: {  	[sflag:s30] =	ssyncset.done $0x0  }
0xc1: {  	s9 =	sadd.s32 $0x1C00, s7;
	[sflag:s30] =	ssyncadd.s32 $0xFFFFD000  }
0xc2: {  	[spmem:s3] =	stream.indirect.scatter.add.f32 [tilespmem:s26], [sflag:$0x4], $0x80, s9, s31, $0xb8;
	[tilespmem:$0x1D100] =	vst v63  }
0xc3: {  	_ =	swait.ge [sflag:s2], $0x3000  }
0xc4: {  	[sflag:s2] =	ssyncset.done $0x0  }
0xc5: {  	s9 =	sadd.s32 $0x100, s7;
	[sflag:s2] =	ssyncadd.s32 $0xFFFFD000  }
0xc6: {  	[tilespmem:s26], [sflag:$0x1] =	stream.indirect.gather [hbm4b:s1+s31], $0x80, s9, s31, $0xb8;
	[tilespmem:$0x1D100] =	vst v63  }
0xc7: {  	_ =	swait.ge [sflag:s4], $0x3000  }
.Ltmp2:
0xc8: {  	[sflag:s4] =	ssyncset.done $0x0;
	(pc) =	sbr.rel @p3 .LBB2_6-.Ltmp2, $4  }
0xc9: {  	s7 =	sadd.s32 $0x1C80, s7;
	[sflag:s4] =	ssyncadd.s32 $0xFFFFD000  }
0xca: {  	[spmem:s3] =	stream.indirect.scatter.add.f32 [tilespmem:s0], [sflag:$0x3], $0x80, s7, s31, $0xb8;
	[tilespmem:$0x1D100] =	vst v63  }
0xcb: {  	_ =	swait.ge [sflag:s28], $0x3000  }
0xcc: {  	s9 =	smov.u32 s12;
	s7 =	sshra.s32 s11, $0x2;
	[sflag:s28] =	ssyncset.done $0x0  }
0xcd: {  	s9 =	sadd.s32 $0x80, s7;
	[sflag:s28] =	ssyncadd.s32 $0xFFFFD000  }
0xce: {  	[tilespmem:s0], [sflag:$0x2] =	stream.indirect.gather [hbm4b:s1+s31], $0x80, s9, s31, $0xb8;
	[tilespmem:$0x1D100] =	vst v63  }
0xcf: {  	_ =	swait.ge [sflag:s30], $0x3000  }
0xd0: {  	[sflag:s30] =	ssyncset.done $0x0  }
0xd1: {  	s10 =	sadd.s32 $0x1C00, s7;
	[sflag:s30] =	ssyncadd.s32 $0xFFFFD000  }
0xd2: {  	[spmem:s3] =	stream.indirect.scatter.add.f32 [tilespmem:s26], [sflag:$0x4], $0x80, s10, s31, $0xb8;
	[tilespmem:$0x1D100] =	vst v63  }
0xd3: {  	_ =	swait.ge [sflag:s2], $0x3000  }
0xd4: {  	[sflag:s2] =	ssyncset.done $0x0  }
0xd5: {  	s11 =	sadd.s32 $0x100, s7;
	[sflag:s2] =	ssyncadd.s32 $0xFFFFD000  }
0xd6: {  	[tilespmem:s26], [sflag:$0x1] =	stream.indirect.gather [hbm4b:s1+s31], $0x80, s11, s31, $0xb8;
	[tilespmem:$0x1D100] =	vst v63  }
0xd7: {  	_ =	swait.ge [sflag:s4], $0x3000  }
0xd8: {  	[sflag:s4] =	ssyncset.done $0x0  }
0xd9: {  	s12 =	sadd.s32 $0x1C80, s7;
	[sflag:s4] =	ssyncadd.s32 $0xFFFFD000  }
0xda: {  	[spmem:s3] =	stream.indirect.scatter.add.f32 [tilespmem:s0], [sflag:$0x3], $0x80, s12, s31, $0xb8;
	[tilespmem:$0x1D100] =	vst v63  }
0xdb: {  	_ =	swait.ge [sflag:s28], $0x3000  }
0xdc: {  	[sflag:s28] =	ssyncset.done $0x0  }
0xdd: {  	[sflag:s28] =	ssyncadd.s32 $0xFFFFD000  }
0xde: {  	_ =	swait.ge [sflag:s30], $0x3000  }
0xdf: {  	[sflag:s30] =	ssyncset.done $0x0  }
0xe0: {  	[sflag:s30] =	ssyncadd.s32 $0xFFFFD000  }
0xe1: {  	[spmem:s3] =	stream.indirect.scatter.add.f32 [tilespmem:s26], [sflag:$0x4], $0x80, s5, s31, $0xb8;
	[tilespmem:$0x1D100] =	vst v63  }
0xe2: {  	_ =	swait.ge [sflag:s2], $0x3000  }
0xe3: {  	[sflag:s2] =	ssyncset.done $0x0  }
0xe4: {  	[sflag:s2] =	ssyncadd.s32 $0xFFFFD000  }
0xe5: {  	[bflag:$0x0] =	sbarrier.arrive $0xFFFF  }
0xe6: {  	[tilespmem:s26], [sflag:$0x3] =	stream.linear.gather [spmem:s17], $0x2800, $0x38;
	[tilespmem:$0x1D100] =	vst v63  }
0xe7: {  	_ =	swait.ge [sflag:s28], $0x2800  }
0xe8: {  	[sflag:s28] =	ssyncset.done $0x0  }
0xe9: {  	s9 =	rddreg [dreg:$0x8];
	[sflag:s28] =	ssyncadd.s32 $0xFFFFD800  }
0xea: {  	[hbm4b:s9+s8] =	stream.linear.scatter [tilespmem:s26], [sflag:$0x1], $0x2800, $0x38;
	[tilespmem:$0x1D100] =	vst v63  }
0xeb: {  	_ = 	snop  }
0xec: {  	[tilespmem:s0], [sflag:$0x3] =	stream.linear.gather [spmem:s18], $0x2800, $0x38;
	[tilespmem:$0x1D100] =	vst v63  }
0xed: {  	_ =	swait.ge [sflag:s28], $0x2800  }
0xee: {  	[sflag:s28] =	ssyncset.done $0x0  }
0xef: {  	s10 =	rddreg [dreg:$0x9];
	[sflag:s28] =	ssyncadd.s32 $0xFFFFD800  }
0xf0: {  	[hbm4b:s10+s8] =	stream.linear.scatter [tilespmem:s0], [sflag:$0x2], $0x2800, $0x38;
	[tilespmem:$0x1D100] =	vst v63  }
0xf1: {  	_ =	swait.ge [sflag:s30], $0x2800  }
0xf2: {  	[sflag:s30] =	ssyncset.done $0x0  }
0xf3: {  	[sflag:s30] =	ssyncadd.s32 $0xFFFFD800  }
0xf4: {  	[tilespmem:s26], [sflag:$0x3] =	stream.linear.gather [spmem:s19], $0x2800, $0x38;
	[tilespmem:$0x1D100] =	vst v63  }
0xf5: {  	_ =	swait.ge [sflag:s28], $0x2800  }
0xf6: {  	[sflag:s28] =	ssyncset.done $0x0  }
0xf7: {  	s11 =	rddreg [dreg:$0xa];
	[sflag:s28] =	ssyncadd.s32 $0xFFFFD800  }
0xf8: {  	[hbm4b:s11+s8] =	stream.linear.scatter [tilespmem:s26], [sflag:$0x1], $0x2800, $0x38;
	[tilespmem:$0x1D100] =	vst v63  }
0xf9: {  	_ =	swait.ge [sflag:s4], $0x2800  }
0xfa: {  	[sflag:s4] =	ssyncset.done $0x0  }
0xfb: {  	[sflag:s4] =	ssyncadd.s32 $0xFFFFD800  }
0xfc: {  	[tilespmem:s0], [sflag:$0x3] =	stream.linear.gather [spmem:s20], $0x2800, $0x38;
	[tilespmem:$0x1D100] =	vst v63  }
0xfd: {  	_ =	swait.ge [sflag:s28], $0x2800  }
0xfe: {  	[sflag:s28] =	ssyncset.done $0x0  }
0xff: {  	s12 =	rddreg [dreg:$0xb];
	[sflag:s28] =	ssyncadd.s32 $0xFFFFD800  }
0x100: {  	[hbm4b:s12+s8] =	stream.linear.scatter [tilespmem:s0], [sflag:$0x2], $0x2800, $0x38;
	[tilespmem:$0x1D100] =	vst v63  }
0x101: {  	_ =	swait.ge [sflag:s30], $0x2800  }
0x102: {  	[sflag:s30] =	ssyncset.done $0x0  }
0x103: {  	[sflag:s30] =	ssyncadd.s32 $0xFFFFD800  }
0x104: {  	[tilespmem:s26], [sflag:$0x3] =	stream.linear.gather [spmem:s21], $0x2800, $0x38;
	[tilespmem:$0x1D100] =	vst v63  }
0x105: {  	_ =	swait.ge [sflag:s28], $0x2800  }
0x106: {  	[sflag:s28] =	ssyncset.done $0x0  }
0x107: {  	[sflag:s28] =	ssyncadd.s32 $0xFFFFD800  }
0x108: {  	[hbm4b:s13+s8] =	stream.linear.scatter [tilespmem:s26], [sflag:$0x1], $0x2800, $0x38;
	[tilespmem:$0x1D100] =	vst v63  }
0x109: {  	_ =	swait.ge [sflag:s4], $0x2800  }
0x10a: {  	[sflag:s4] =	ssyncset.done $0x0  }
0x10b: {  	s7 =	simm.s32 @!p2 $0x6800;
	s9 =	simm.s32 @!p2 $0x3;
	[sflag:s4] =	ssyncadd.s32 $0xFFFFD800  }
0x10c: {  	[tilespmem:s7], [sflag:$0x3] =	stream.linear.gather @!p2 [spmem:s22], $0x2800, $0x38;
	[tilespmem:$0x1D100] =	vst v63  }
0x10d: {  	_ =	swait.ge @!p2 [sflag:s9], $0x2800  }
0x10e: {  	[sflag:s9] =	ssyncset.done @!p2 $0x0  }
0x10f: {  	[sflag:s9] =	ssyncadd.s32 @!p2 $0xFFFFD800;
	s9 =	simm.s32 @!p2 $0x0  }
0x110: {  	[hbm4b:s14+s9] =	stream.linear.scatter @!p2 [tilespmem:s7], [sflag:$0x2], $0x2800, $0x38;
	[tilespmem:$0x1D100] =	vst v63  }
0x111: {  	_ =	swait.ge [sflag:s30], $0x2800  }
0x112: {  	[sflag:s30] =	ssyncset.done $0x0  }
0x113: {  	s7 =	simm.s32 @!p0 $0x3800;
	s9 =	simm.s32 @!p0 $0x3;
	[sflag:s30] =	ssyncadd.s32 $0xFFFFD800  }
0x114: {  	[tilespmem:s7], [sflag:$0x3] =	stream.linear.gather @!p0 [spmem:s23], $0x2800, $0x38;
	[tilespmem:$0x1D100] =	vst v63  }
0x115: {  	_ =	swait.ge @!p0 [sflag:s9], $0x2800  }
0x116: {  	[sflag:s9] =	ssyncset.done @!p0 $0x0  }
0x117: {  	[sflag:s9] =	ssyncadd.s32 @!p0 $0xFFFFD800;
	s9 =	simm.s32 @!p0 $0x0  }
0x118: {  	[hbm4b:s15+s9] =	stream.linear.scatter @!p0 [tilespmem:s7], [sflag:$0x1], $0x2800, $0x38;
	[tilespmem:$0x1D100] =	vst v63  }
0x119: {  	s7 =	simm.s32 @!p2 $0x2  }
0x11a: {  	_ =	swait.ge @!p2 [sflag:s7], $0x2800  }
0x11b: {  	[sflag:s7] =	ssyncset.done @!p2 $0x0  }
0x11c: {  	s9 =	simm.s32 @!p1 $0x3;
	[sflag:s7] =	ssyncadd.s32 @!p2 $0xFFFFD800;
	s7 =	simm.s32 @!p1 $0x6800  }
0x11d: {  	[tilespmem:s7], [sflag:$0x3] =	stream.linear.gather @!p1 [spmem:s24], $0x2800, $0x38;
	[tilespmem:$0x1D100] =	vst v63  }
0x11e: {  	_ =	swait.ge @!p1 [sflag:s9], $0x2800  }
0x11f: {  	[sflag:s9] =	ssyncset.done @!p1 $0x0  }
0x120: {  	[sflag:s9] =	ssyncadd.s32 @!p1 $0xFFFFD800;
	s9 =	simm.s32 @!p1 $0x0  }
0x121: {  	[hbm4b:s16+s9] =	stream.linear.scatter @!p1 [tilespmem:s7], [sflag:$0x2], $0x2800, $0x38;
	[tilespmem:$0x1D100] =	vst v63  }
0x122: {  	s6 =	sadd.s32 $0x1, s6;
	s7 =	simm.s32 @!p0 $0x1  }
0x123: {  	p3 =	sne.s32 s6, s25;
	_ =	swait.ge @!p0 [sflag:s7], $0x2800  }
.Ltmp3:
0x124: {  	[sflag:s7] =	ssyncset.done @!p0 $0x0;
	(pc) =	sbr.rel @p3 .LBB2_1-.Ltmp3, $4  }
0x125: {  	[sflag:s7] =	ssyncadd.s32 @!p0 $0xFFFFD800;
	s7 =	simm.s32 @!p1 $0x2  }
0x126: {  	_ =	swait.ge @!p1 [sflag:s7], $0x2800  }
0x127: {  	[sflag:s7] =	ssyncset.done @!p1 $0x0  }
0x128: {  	[sflag:s7] =	ssyncadd.s32 @!p1 $0xFFFFD800  }
0x129: {  	_ =	sfence.sel $0x180000  }
0x12a: {  	[bflag:$0x0] =	sbarrier.arrive $0xFFFF  }
0x12b: {  	_ =	strace $0x9000004A  }
0x12c: {  	s0 =	stileid.u32;
	[bflag:$0x2] =	sbarrier.arrive $0xFFFF  }
0x12d: {  	p0 =	sne.s32 s0, $0x0;
	s0 =	rddreg [dreg:$0x3]  }
0x12e: {  	s0 =	sadd.s32 @!p0 $0x100000, s0  }
0x12f: {  	[sflag:s0] =	ssyncadd.tile.s32 @!p0 $0x1;
	_ =	shalt  }
.Lfunc_end2:
_tile_overlayer_lowered:
.L_overlay_start_2:
0x130: {  	(tag) =	ssettag $0x2  }
0x131: {  	s0 =	rddreg [dreg:$0x0];
	s2 =	stileid.u32  }
0x132: {  	s1 =	rddreg [dreg:$0x1];
	p0 =	sne.s32 s2, $0x0  }
0x133: {  	s3 =	rddreg [dreg:$0x2];
	[bflag:$0x3] =	sbarrier.arrive $0xFFFF;
	s2 =	simm.s32 @!p0 $0x1C03  }
0x134: {  	[timem:s3], [sflag:s2] =	dma.local @!p0 [hbm:s0], s1  }
0x135: {  	s0 =	simm.s32 @!p0 $0x3  }
0x136: {  	_ =	swait.ge @!p0 [sflag:s0], s1  }
0x137: {  	s1 =	ssub.s32 @!p0 $0x0, s1;
	[sflag:s0] =	ssyncset.done @!p0 $0x0  }
0x138: {  	[sflag:s0] =	ssyncadd.s32 @!p0 s1  }
0x139: {  	[bflag:$0x3] =	sbarrier.arrive $0xFFFF  }
0x13a: {  	_ =	shalt  }

// kernel: kernel.14.cloned.1.call-start
scs
__scs_entry_jumppad:
0x0: {  	(pc) =	sbr.rel $0x88, $3  }
0x1: {  	(tag) =	ssettag $0x0;
	lr =	simm.s32 $0x1  }
0x2: {  	[smem:$0x3F9B] =	sst lr;
	_ =	strace $0xD0000000  }
0x3: {  	_ = 	snop  }
0x4: {  	_ = 	snop  }
0x5: {  	_ = 	snop  }
0x6: {  	_ = 	snop  }
0x7: {  	_ = 	snop  }
__scs_overlays_trampoline_lowered:
0x8: {  	[smem:$0x3FAA] =	sst s0  }
0x9: {  	[smem:$0x3FAB] =	sst s1  }
0xa: {  	[smem:$0x3FAC] =	sst s2  }
0xb: {  	[smem:$0x3FAD] =	sst s3  }
0xc: {  	[smem:$0x3FAE] =	sst s4  }
0xd: {  	[smem:$0x3FAF] =	sst s5  }
0xe: {  	[smem:$0x3FB0] =	sst s6  }
0xf: {  	[smem:$0x3FB1] =	sst s7  }
0x10: {  	[smem:$0x3FB2] =	sst s8  }
0x11: {  	[smem:$0x3FB3] =	sst s9;
	s0 =	simm.s32 @!p0 $0x0  }
0x12: {  	s1 =	sld [smem:$0x3F99];
	s0 =	simm.s32 @p0 $0x1  }
0x13: {  	[smem:$0x3FB4] =	sst s0;
	s0 =	simm.s32 @!p1 $0x0  }
0x14: {  	s2 =	sld [smem:$0x3F98];
	s0 =	simm.s32 @p1 $0x1  }
0x15: {  	[smem:$0x3FB5] =	sst s0;
	s0 =	simm.s32 @!p2 $0x0  }
0x16: {  	s3 =	sld [smem:$0x3FDB];
	s0 =	simm.s32 @p2 $0x1  }
0x17: {  	s4 =	simm.s32 $0x1BF5;
	[smem:$0x3FB7] =	sst s0  }
0x18: {  	s0 =	sld [smem:$0x3F9A];
	_ =	swait.ge [sflag:s4], $0x0  }
0x19: {  	s7 =	sld [smem:$0x3F9B]  }
0x1a: {  	s8 =	sadd.s32 $0xFFFFE003, lr  }
0x1b: {  	s9 =	sadd.s32 $0xFFFFFEF7, lr;
	s5 =	simm.s32 $0xFFFFFFFF;
	p2 =	slt.u32 s8, $0xFFFFF086  }
0x1c: {  	p1 =	slt.u32 s9, $0xF7A;
	s5 =	simm.s32 @!p2 $0x0  }
0x1d: {  	s5 =	simm.s32 @p1 $0x1;
	p0 =	seq.s32 s7, s2  }
0x1e: {  	s7 =	smul.u32 @!p0 $0xF7A, s2;
	p2 =	seq.s32 @!p0 s5, $0x0  }
0x1f: {  	s9 =	smul.u32 $0xF7A, s1;
	s8 =	simm.s32 @!p0 $0x1BF5;
	p2 =	por !p2, p0  }
0x20: {  	[sflag:s8] =	ssyncset.s32 @!p0 $0xFFFFF086;
	s6 =	sadd.s32 @!p0 s3, s7;
	s7 =	simm.s32 @!p0 $0x108  }
0x21: {  	s3 =	sadd.s32 s3, s9;
	s6 =	sadd.s32 @!p0 $0x88, s6;
	s7 =	simm.s32 @p2 $0x1082  }
0x22: {  	[simem:s7], [sflag:s8] =	dma.local @!p0 [hbm:s6], $0xF7A  }
0x23: {  	s9 =	sor.u32 $0xD0000000, s2;
	s6 =	simm.s32 $0x108;
	_ =	swait.ge @!p0 [sflag:s8], $0x0  }
0x24: {  	s3 =	sadd.s32 $0x88, s3;
	s6 =	simm.s32 @!p1 $0x1082;
	[sflag:s4] =	ssyncset.s32 $0xFFFFF086  }
0x25: {  	[simem:s6], [sflag:s4] =	dma.local [hbm:s3], $0xF7A  }
0x26: {  	[smem:$0x3F9B] =	sst s1;
	(tag) =	ssettag s2;
	_ =	strace s9  }
0x27: {  	s1 =	sld [smem:$0x3FAB]  }
0x28: {  	s2 =	sld [smem:$0x3FAC]  }
0x29: {  	s4 =	sld [smem:$0x3FAE]  }
0x2a: {  	p0 =	seq.s32 s5, $0x0;
	s5 =	sld [smem:$0x3FAF]  }
0x2b: {  	s6 =	sld [smem:$0x3FB0]  }
0x2c: {  	s7 =	sld [smem:$0x3FB1]  }
0x2d: {  	s3 =	simm.s32 $0x108;
	s8 =	sld [smem:$0x3FB2]  }
0x2e: {  	s3 =	simm.s32 @!p0 $0x1082;
	s9 =	sld [smem:$0x3FB3]  }
0x2f: {  	lr =	sadd.s32 s0, s3;
	s0 =	sld [smem:$0x3FAA]  }
0x30: {  	s3 =	sld [smem:$0x3FAD]  }
0x31: {  	[smem:$0x3FB6] =	sst s10  }
0x32: {  	s10 =	sld [smem:$0x3FB4];
	_ =	sdelay $0x3  }
0x33: {  	p0 =	seq.s32 s10, $0x1;
	s10 =	sld [smem:$0x3FB6];
	_ =	sdelay $0x3  }
0x34: {  	[smem:$0x3FB6] =	sst s10  }
0x35: {  	s10 =	sld [smem:$0x3FB5];
	_ =	sdelay $0x3  }
0x36: {  	p1 =	seq.s32 s10, $0x1;
	s10 =	sld [smem:$0x3FB6];
	_ =	sdelay $0x3  }
0x37: {  	[smem:$0x3FB6] =	sst s10  }
0x38: {  	s10 =	sld [smem:$0x3FB7]  }
0x39: {  	_ = 	snop;
	(pc) =	sbr.ind lr, $3  }
0x3a: {  	_ = 	snop  }
0x3b: {  	_ = 	snop  }
0x3c: {  	p2 =	seq.s32 s10, $0x1;
	s10 =	sld [smem:$0x3FB6]  }
0x3d: {  	_ =	shalt  }
0x3e: {  	_ =	shalt  }
0x3f: {  	_ =	shalt  }
0x40: {  	_ =	shalt  }
0x41: {  	_ =	shalt  }
0x42: {  	_ =	shalt  }
0x43: {  	_ =	shalt  }
0x44: {  	_ =	shalt  }
0x45: {  	_ =	shalt  }
0x46: {  	_ =	shalt  }
0x47: {  	_ =	shalt  }
0x48: {  	_ =	shalt  }
0x49: {  	_ =	shalt  }
0x4a: {  	_ =	shalt  }
0x4b: {  	_ =	shalt  }
0x4c: {  	_ =	shalt  }
0x4d: {  	_ =	shalt  }
0x4e: {  	_ =	shalt  }
0x4f: {  	_ =	shalt  }
0x50: {  	_ =	shalt  }
0x51: {  	_ =	shalt  }
0x52: {  	_ =	shalt  }
0x53: {  	_ =	shalt  }
0x54: {  	_ =	shalt  }
0x55: {  	_ =	shalt  }
0x56: {  	_ =	shalt  }
0x57: {  	_ =	shalt  }
0x58: {  	_ =	shalt  }
0x59: {  	_ =	shalt  }
0x5a: {  	_ =	shalt  }
0x5b: {  	_ =	shalt  }
0x5c: {  	_ =	shalt  }
0x5d: {  	_ =	shalt  }
0x5e: {  	_ =	shalt  }
0x5f: {  	_ =	shalt  }
0x60: {  	_ =	shalt  }
0x61: {  	_ =	shalt  }
0x62: {  	_ =	shalt  }
0x63: {  	_ =	shalt  }
0x64: {  	_ =	shalt  }
0x65: {  	_ =	shalt  }
0x66: {  	_ =	shalt  }
0x67: {  	_ =	shalt  }
0x68: {  	_ =	shalt  }
0x69: {  	_ =	shalt  }
0x6a: {  	_ =	shalt  }
0x6b: {  	_ =	shalt  }
0x6c: {  	_ =	shalt  }
0x6d: {  	_ =	shalt  }
0x6e: {  	_ =	shalt  }
0x6f: {  	_ =	shalt  }
0x70: {  	_ =	shalt  }
0x71: {  	_ =	shalt  }
0x72: {  	_ =	shalt  }
0x73: {  	_ =	shalt  }
0x74: {  	_ =	shalt  }
0x75: {  	_ =	shalt  }
0x76: {  	_ =	shalt  }
0x77: {  	_ =	shalt  }
0x78: {  	_ =	shalt  }
0x79: {  	_ =	shalt  }
0x7a: {  	_ =	shalt  }
0x7b: {  	_ =	shalt  }
0x7c: {  	_ =	shalt  }
0x7d: {  	_ =	shalt  }
0x7e: {  	_ =	shalt  }
0x7f: {  	_ =	shalt  }
0x80: {  	_ =	shalt  }
0x81: {  	_ =	shalt  }
0x82: {  	_ =	shalt  }
0x83: {  	_ =	shalt  }
0x84: {  	_ =	shalt  }
0x85: {  	_ =	shalt  }
0x86: {  	_ =	shalt  }
0x87: {  	_ =	shalt  }
.Lfunc_end0:
.L_simem_size_0:
called_computation.2_lowered:
.L_overlay_start_0:
0x88: {  	s2 =	sld [smem:$0x3FD9]  }
0x89: {  	s3 =	sld [smem:$0x3FFE];
	_ =	sdelay $0x1  }
0x8a: {  	s1 =	srdreg.scid  }
0x8b: {  	s0 =	sand.u32 $0x1, s1  }
0x8c: {  	s17 =	sshll.u32 s0, $0xA;
	s2 =	sadd.s32 s3, s2  }
0x8d: {  	s2 =	sadd.s32 s2, s17  }
0x8e: {  	[smem:$0x3FC2] =	sst s2  }
0x8f: {  	_ = 	snop  }
0x90: {  	s2 =	sld [smem:$0x3FD0];
	(tm) =	ssettm $0x1  }
0x91: {  	s18 =	sld [smem:$0x3FFB];
	_ =	sdelay $0x3  }
0x92: {  	_ =	strace s18  }
0x93: {  	s3 =	sld [smem:$0x3FFC];
	_ =	sdelay $0x3  }
0x94: {  	_ =	strace s3  }
0x95: {  	s3 =	sld [smem:$0x3FFD];
	_ =	sdelay $0x3  }
0x96: {  	_ =	strace s3  }
0x97: {  	_ =	strace $0x8FFFFFFF  }
0x98: {  	s19 =	sld [smem:$0x3FDB];
	_ =	sdelay $0x1  }
0x99: {  	s4 =	simm.s32 $_scs_section_size  }
0x9a: {  	s5 =	simm.s32 $_size__tile_overlayer_lowered;
	s6 =	simm.s32 $_tile_overlayer_lowered  }
0x9b: {  	s22 =	simm.s32 $0x1BFF;
	s21 =	sshll.u32 s6, $0x1;
	s3 =	sadd.s32 s4, s19  }
0x9c: {  	s7 =	simm.s32 $0x0;
	s20 =	sshll.u32 s5, $0x1;
	s5 =	sadd.s32 s21, s3  }
0x9d: {  	[timem:s7], [sflag:s22] =	dma.local [hbm:s5], s20  }
0x9e: {  	_ =	swait.ge [sflag:s22], s20  }
0x9f: {  	s4 =	ssub.s32 $0x0, s20;
	[sflag:s22] =	ssyncset.done $0x0  }
0xa0: {  	[sflag:s22] =	ssyncadd.s32 s4;
	_ =	sdelay $0x1  }
0xa1: {  	s23 =	simm.s32 $0x1B8B  }
0xa2: {  	_ =	swait.ge [sflag:s23], $0x1  }
0xa3: {  	[sflag:s23] =	ssyncset.done $0x0  }
0xa4: {  	s25 =	simm.s32 $0x1B8E;
	s24 =	sld [smem:$0x3FFE];
	[sflag:s23] =	ssyncadd.s32 $0xFFFFFFFF  }
0xa5: {  	s26 =	simm.s32 $execute0_lowered;
	[smem:$0x3FD2] =	sst s25  }
0xa6: {  	s5 =	sshll.u32 s26, $0x1;
	_ =	strace $0x8000004C;
	[dreg:$0x1] =	wrdreg $0xFFFFFFFF  }
0xa7: {  	s28 =	simm.s32 $_size_execute0_lowered;
	s3 =	sadd.s32 s3, s5;
	[dreg:$0x0] =	wrdreg $0x0  }
0xa8: {  	s5 =	sshll.u32 s28, $0x1;
	[dreg:$0x2] =	wrdreg s3  }
0xa9: {  	[dreg:$0x3] =	wrdreg s5  }
0xaa: {  	[dreg:$0x4] =	wrdreg $0xC0  }
0xab: {  	_ =	task [dreg:s7], $0x5FFFF  }
0xac: {  	[dreg:$0x1] =	wrdreg $0xFFFFFFFF  }
0xad: {  	[dreg:$0x0] =	wrdreg $0x60  }
0xae: {  	[dreg:$0x2] =	wrdreg s2  }
0xaf: {  	[dreg:$0x3] =	wrdreg s24  }
0xb0: {  	[dreg:$0x4] =	wrdreg $0x98000  }
0xb1: {  	[dreg:$0x5] =	wrdreg $0x9  }
0xb2: {  	_ =	task.clear_ibuf [dreg:s7], $0x6FFFF;
	_ =	strace $0x9000004C  }
0xb3: {  	s29 =	simm.s32 $0x9;
	_ =	strace $0x8000004E  }
0xb4: {  	_ =	swait.ge [sflag:s29], $0x1  }
0xb5: {  	[sflag:s29] =	ssyncadd.s32 $0xFFFFFFFF  }
0xb6: {  	_ =	strace $0x9000004E  }
0xb7: {  	_ =	sfence  }
0xb8: {  	s30 =	sld [smem:$0x0];
	_ =	sdelay $0x2  }
0xb9: {  	s31 =	sshll.u32 s1, $0xD;
	s1 =	sshrl.u32 s1, $0x2  }
0xba: {  	s3 =	sand.u32 $0x4000, s31;
	s1 =	sadd.s32 s1, s30  }
0xbb: {  	s0 =	sor.u32 s3, s0;
	s1 =	sshll.u32 s1, $0x11  }
0xbc: {  	s0 =	sor.u32 s1, s0  }
0xbd: {  	s0 =	sadd.s32 $0x8F2B, s0  }
0xbe: {  	[sflag:s0] =	ssyncadd.remote.s32 $0x1  }
0xbf: {  	_ =	sfence.sel $0xFFFF  }
0xc0: {  	[dreg:$0x0] =	wrdreg $0xFFFFFFFF;
	(pc) =	sbr.abs _section_cstart, $3  }
0xc1: {  	[dreg:$0x1] =	wrdreg $0xFFFFFFFF  }
0xc2: {  	_ =	task.clear_ibuf [dreg:s7], $0x2FFFF;
	_ =	strace $0x9FFFFFFF  }
0xc3: {  	(tm) =	ssettm $0x7FFFFFFF  }
tec
execute0_lowered:
.L_overlay_start_1:
0x0: {  	(tag) =	ssettag $0x1  }
0x1: {  	s1 =	rddreg [dreg:$0x0]  }
0x2: {  	s2 =	rddreg [dreg:$0x1];
	s0 =	srdreg.scid  }
0x3: {  	s3 =	rddreg [dreg:$0x2];
	s26 =	stileid.u32;
	s28 =	simm.s32 $0x3  }
0x4: {  	s29 =	simm.s32 $0x1C00;
	s30 =	simm.s32 $0x1;
	s31 =	simm.s32 $0x60  }
0x5: {  	s4 =	sand.u32 $0x1, s0;
	s5 =	sadd.s32 $0x2E00, s2;
	s7 =	sadd.s32 $0x10E00, s2  }
0x6: {  	s22 =	sshll.u32 s26, $0x3;
	s23 =	smul.u32 $0x14000, s26;
	s0 =	sshll.u32 s4, $0x4  }
0x7: {  	s6 =	ssub.s32 $0x2, s4;
	s4 =	smul.u32 $0x138800, s4;
	s10 =	sor.u32 $0x1, s22  }
0x8: {  	s21 =	sshllo.u32 s26, $0x3;
	s17 =	sor.u32 $0x2, s22;
	s11 =	smul.u32 $0x2800, s10  }
0x9: {  	s2 =	sadd.s32 $0x1EE00, s2;
	s18 =	sor.u32 $0x3, s22;
	s12 =	smul.u32 $0x2800, s17  }
0xa: {  	p2 =	seq.s32 s26, $0xF;
	s19 =	sor.u32 $0x4, s22;
	s13 =	smul.u32 $0x2800, s18  }
0xb: {  	s20 =	sor.u32 $0x5, s22;
	p1 =	sgt.u32 s21, $0x7C;
	s15 =	smul.u32 $0x2800, s19  }
0xc: {  	s0 =	sor.u32 s26, s0;
	s8 =	sshrl.u32 s6, $0x1;
	s25 =	smul.u32 $0x2800, s20  }
0xd: {  	s9 =	smul.u32 $0x3800, s0;
	s0 =	ssub.s32 s6, s8;
	s6 =	sor.u32 $0x6, s22  }
0xe: {  	s8 =	simm.s32 $0x0;
	s22 =	smul.u32 $0xA000, s10;
	s16 =	sadd.s32 s4, s12  }
0xf: {  	s13 =	sadd.s32 s4, s13;
	[smem:$0x7FF] =	sst s8;
	s9 =	sshrl.u32 s9, $0x3  }
0x10: {  	p0 =	sgt.u32 s6, $0x7C;
	s13 =	sshrl.u32 s13, $0x3;
	s14 =	sadd.s32 s5, s9  }
0x11: {  	s24 =	sadd.s32 $0x380, s9;
	s9 =	sadd.s32 s7, s9;
	[dreg:$0x4] =	wrdreg s14  }
0x12: {  	[dreg:$0x5] =	wrdreg s9;
	s5 =	sadd.s32 s5, s24;
	s7 =	sadd.s32 s7, s24  }
0x13: {  	s9 =	smul.u32 $0x2800, s6;
	s14 =	sadd.s32 s4, s11;
	s24 =	sadd.s32 s4, s15  }
0x14: {  	s11 =	sshrl.u32 s16, $0x3;
	s6 =	smul.u32 $0xA000, s6;
	[dreg:$0x6] =	wrdreg s5  }
0x15: {  	[dreg:$0x7] =	wrdreg s7;
	s7 =	sadd.s32 s23, s4;
	s23 =	smul.u32 $0x2800, s21  }
0x16: {  	s5 =	sadd.s32 s4, s25;
	s16 =	sshrl.u32 s24, $0x3;
	s24 =	smul.u32 $0x50000, s26  }
0x17: {  	s10 =	sshrl.u32 s14, $0x3;
	s12 =	sadd.s32 s2, s11;
	s11 =	smul.u32 $0xA000, s19  }
0x18: {  	s26 =	simm.s32 $0x3800;
	s25 =	sadd.s32 s4, s9;
	s7 =	sshrl.u32 s7, $0x3  }
0x19: {  	[dreg:$0xa] =	wrdreg s12;
	s5 =	sshrl.u32 s5, $0x3;
	s9 =	smul.u32 $0xA000, s18  }
0x1a: {  	s12 =	smul.u32 $0xA000, s20;
	s4 =	sadd.s32 s4, s23;
	s7 =	sadd.s32 s2, s7  }
0x1b: {  	s14 =	sadd.s32 s2, s5;
	s23 =	sshrl.u32 s25, $0x3;
	s25 =	smul.u32 $0xA000, s17  }
0x1c: {  	[dreg:$0x8] =	wrdreg s7;
	s7 =	sadd.s32 s2, s10;
	s15 =	sadd.s32 s2, s23  }
0x1d: {  	s4 =	sshrl.u32 s4, $0x3;
	s10 =	sshrl.u32 s22, $0x2;
	s5 =	sshrl.u32 s9, $0x2  }
0x1e: {  	s22 =	smul.u32 $0xA000, s21;
	s23 =	sshrl.u32 s12, $0x2;
	[dreg:$0x9] =	wrdreg s7  }
0x1f: {  	s7 =	sadd.s32 s2, s13;
	s13 =	sadd.s32 s2, s16;
	s16 =	sadd.s32 s2, s4  }
0x20: {  	s18 =	sadd.s32 s10, s3;
	s2 =	sshrl.u32 s25, $0x2;
	s20 =	sadd.s32 s5, s3  }
0x21: {  	s4 =	simm.s32 $0x2;
	s5 =	simm.s32 $0x3600;
	[dreg:$0xb] =	wrdreg s7  }
0x22: {  	s7 =	sshrl.u32 s24, $0x2;
	s19 =	sadd.s32 s2, s3;
	s24 =	sshrl.u32 s6, $0x2  }
0x23: {  	s25 =	sshrl.u32 s22, $0x2;
	s22 =	sadd.s32 s23, s3;
	s2 =	simm.s32 $0x4  }
0x24: {  	s6 =	simm.s32 $0x0;
	_ =	strace $0x8000004D;
	s17 =	sadd.s32 s7, s3  }
0x25: {  	s7 =	sshrl.u32 s11, $0x2;
	s23 =	sadd.s32 s24, s3;
	s24 =	sadd.s32 s25, s3  }
0x26: {  	v0 =	vimm.f32 $0.0e+00;
	s25 =	smax.u32 s0, $0x1;
	s0 =	simm.s32 $0x6800;
	s21 =	sadd.s32 s7, s3  }
.LBB2_1:
0x27: {  	s7 =	simm.s32 $0x0;
	s9 =	simm.s32 $0x200  }
.LBB2_2:
0x28: {  	p3 =	sne.s32 s9, $0x9E00;
	[tilespmem:s7+$0x3870] =	vst v0  }
0x29: {  	[tilespmem:s7+$0x3800] =	vst v0  }
0x2a: {  	[tilespmem:s7+$0x3810] =	vst v0  }
.Ltmp0:
0x2b: {  	[tilespmem:s7+$0x3820] =	vst v0;
	(pc) =	sbr.rel @p3 .LBB2_2-.Ltmp0, $4  }
0x2c: {  	[tilespmem:s7+$0x3830] =	vst v0  }
0x2d: {  	[tilespmem:s7+$0x3840] =	vst v0  }
0x2e: {  	[tilespmem:s7+$0x3850] =	vst v0  }
0x2f: {  	[tilespmem:s7+$0x3860] =	vst v0;
	s7 =	sshra.s32 s9, $0x2;
	s9 =	sadd.s32 $0x200, s9  }
0x30: {  	[tilespmem:s7+$0x3870] =	vst v0  }
0x31: {  	[tilespmem:s7+$0x3800] =	vst v0  }
0x32: {  	[tilespmem:s7+$0x3810] =	vst v0  }
0x33: {  	[tilespmem:s7+$0x3820] =	vst v0  }
0x34: {  	[tilespmem:s7+$0x3830] =	vst v0  }
0x35: {  	[tilespmem:s7+$0x3840] =	vst v0  }
0x36: {  	[tilespmem:s7+$0x3850] =	vst v0  }
0x37: {  	[tilespmem:s7+$0x3860] =	vst v0  }
0x38: {  	[spmem:s17] =	stream.linear.scatter [tilespmem:s26], [sflag:$0x1], $0x2800, $0x38;
	[tilespmem:$0x1D100] =	vst v63  }
0x39: {  	_ = 	snop  }
0x3a: {  	[spmem:s18] =	stream.linear.scatter [tilespmem:s26], [sflag:$0x1], $0x2800, $0x38;
	[tilespmem:$0x1D100] =	vst v63  }
0x3b: {  	_ = 	snop  }
0x3c: {  	[spmem:s19] =	stream.linear.scatter [tilespmem:s26], [sflag:$0x1], $0x2800, $0x38;
	[tilespmem:$0x1D100] =	vst v63  }
0x3d: {  	_ = 	snop  }
0x3e: {  	[spmem:s20] =	stream.linear.scatter [tilespmem:s26], [sflag:$0x1], $0x2800, $0x38;
	[tilespmem:$0x1D100] =	vst v63  }
0x3f: {  	_ = 	snop  }
0x40: {  	[spmem:s21] =	stream.linear.scatter [tilespmem:s26], [sflag:$0x1], $0x2800, $0x38;
	[tilespmem:$0x1D100] =	vst v63  }
0x41: {  	s7 =	simm.s32 @!p2 $0x3800  }
0x42: {  	[spmem:s22] =	stream.linear.scatter @!p2 [tilespmem:s7], [sflag:$0x1], $0x2800, $0x38;
	[tilespmem:$0x1D100] =	vst v63  }
0x43: {  	s7 =	simm.s32 @!p0 $0x3800  }
0x44: {  	[spmem:s23] =	stream.linear.scatter @!p0 [tilespmem:s7], [sflag:$0x1], $0x2800, $0x38;
	[tilespmem:$0x1D100] =	vst v63  }
0x45: {  	s7 =	simm.s32 @!p1 $0x3800  }
0x46: {  	[spmem:s24] =	stream.linear.scatter @!p1 [tilespmem:s7], [sflag:$0x1], $0x2800, $0x38;
	[tilespmem:$0x1D100] =	vst v63  }
0x47: {  	s10 =	rddreg [dreg:$0x4]  }
0x48: {  	[tilespmem:s8], [sflag:$0x3] =	stream.linear.gather [hbm4b:s10+s8], $0x1A80, $0x38;
	[tilespmem:$0x1D100] =	vst v63  }
0x49: {  	_ =	swait.ge [sflag:s28], $0x1A80  }
0x4a: {  	[sflag:s28] =	ssyncset.done $0x0  }
0x4b: {  	s11 =	rddreg [dreg:$0x5];
	[sflag:s28] =	ssyncadd.s32 $0xFFFFE580  }
0x4c: {  	[tilespmem:s29], [sflag:$0x3] =	stream.linear.gather [hbm4b:s11+s8], $0x1A80, $0x38;
	[tilespmem:$0x1D100] =	vst v63  }
0x4d: {  	_ =	swait.ge [sflag:s28], $0x1A80  }
0x4e: {  	[sflag:s28] =	ssyncset.done $0x0  }
0x4f: {  	[sflag:s28] =	ssyncadd.s32 $0xFFFFE580  }
0x50: {  	_ =	swait.ge [sflag:s30], $0x2800  }
0x51: {  	[sflag:s30] =	ssyncset.done $0x0  }
0x52: {  	[sflag:s30] =	ssyncadd.s32 $0xFFFFD800  }
0x53: {  	_ =	swait.ge [sflag:s30], $0x2800  }
0x54: {  	[sflag:s30] =	ssyncset.done $0x0  }
0x55: {  	[sflag:s30] =	ssyncadd.s32 $0xFFFFD800  }
0x56: {  	_ =	swait.ge [sflag:s30], $0x2800  }
0x57: {  	[sflag:s30] =	ssyncset.done $0x0  }
0x58: {  	[sflag:s30] =	ssyncadd.s32 $0xFFFFD800  }
0x59: {  	_ =	swait.ge [sflag:s30], $0x2800  }
0x5a: {  	[sflag:s30] =	ssyncset.done $0x0  }
0x5b: {  	[sflag:s30] =	ssyncadd.s32 $0xFFFFD800  }
0x5c: {  	_ =	swait.ge [sflag:s30], $0x2800  }
0x5d: {  	[sflag:s30] =	ssyncset.done $0x0  }
0x5e: {  	s7 =	simm.s32 @!p2 $0x1;
	[sflag:s30] =	ssyncadd.s32 $0xFFFFD800  }
0x5f: {  	_ =	swait.ge @!p2 [sflag:s7], $0x2800  }
0x60: {  	[sflag:s7] =	ssyncset.done @!p2 $0x0  }
0x61: {  	[sflag:s7] =	ssyncadd.s32 @!p2 $0xFFFFD800;
	s7 =	simm.s32 @!p0 $0x1  }
0x62: {  	_ =	swait.ge @!p0 [sflag:s7], $0x2800  }
0x63: {  	[sflag:s7] =	ssyncset.done @!p0 $0x0  }
0x64: {  	[sflag:s7] =	ssyncadd.s32 @!p0 $0xFFFFD800;
	s7 =	simm.s32 @!p1 $0x1  }
0x65: {  	_ =	swait.ge @!p1 [sflag:s7], $0x2800  }
0x66: {  	[sflag:s7] =	ssyncset.done @!p1 $0x0  }
0x67: {  	[sflag:s7] =	ssyncadd.s32 @!p1 $0xFFFFD800  }
0x68: {  	s12 =	simm.s32 $0x0;
	[bflag:$0x0] =	sbarrier.arrive $0xFFFF  }
0x69: {  	[tilespmem:s26], [sflag:$0x1] =	stream.indirect.gather [hbm4b:s1+s31], $0x80, s12, s31, $0xb8;
	[tilespmem:$0x1D100] =	vst v63  }
0x6a: {  	s9 =	simm.s32 $0x80  }
0x6b: {  	[tilespmem:s0], [sflag:$0x2] =	stream.indirect.gather [hbm4b:s1+s31], $0x80, s9, s31, $0xb8;
	[tilespmem:$0x1D100] =	vst v63  }
0x6c: {  	_ =	swait.ge [sflag:s30], $0x3000  }
0x6d: {  	[sflag:s30] =	ssyncset.done $0x0  }
0x6e: {  	s10 =	simm.s32 $0x1C00;
	[sflag:s30] =	ssyncadd.s32 $0xFFFFD000  }
0x6f: {  	[spmem:s3] =	stream.indirect.scatter.add.f32 [tilespmem:s26], [sflag:$0x4], $0x80, s10, s31, $0xb8;
	[tilespmem:$0x1D100] =	vst v63  }
0x70: {  	_ =	swait.ge [sflag:s2], $0x3000  }
0x71: {  	[sflag:s2] =	ssyncset.done $0x0  }
0x72: {  	s11 =	simm.s32 $0x100;
	[sflag:s2] =	ssyncadd.s32 $0xFFFFD000  }
0x73: {  	[tilespmem:s26], [sflag:$0x1] =	stream.indirect.gather [hbm4b:s1+s31], $0x80, s11, s31, $0xb8;
	[tilespmem:$0x1D100] =	vst v63  }
0x74: {  	_ =	swait.ge [sflag:s4], $0x3000  }
0x75: {  	[sflag:s4] =	ssyncset.done $0x0  }
0x76: {  	s12 =	simm.s32 $0x1C80;
	[sflag:s4] =	ssyncadd.s32 $0xFFFFD000  }
0x77: {  	[spmem:s3] =	stream.indirect.scatter.add.f32 [tilespmem:s0], [sflag:$0x3], $0x80, s12, s31, $0xb8;
	[tilespmem:$0x1D100] =	vst v63  }
0x78: {  	_ =	swait.ge [sflag:s28], $0x3000  }
0x79: {  	s7 =	simm.s32 $0x100;
	s9 =	simm.s32 $0x800;
	[sflag:s28] =	ssyncset.done $0x0  }
.LBB2_4:
0x7a: {  	s10 =	sadd.s32 $0x80, s7  }
0x7b: {  	[sflag:s28] =	ssyncadd.s32 $0xFFFFD000;
	s11 =	smov.u32 s9;
	s12 =	sadd.s32 $0x400, s9  }
0x7c: {  	[tilespmem:s0], [sflag:$0x2] =	stream.indirect.gather [hbm4b:s1+s31], $0x80, s10, s31, $0xb8;
	[tilespmem:$0x1D100] =	vst v63  }
0x7d: {  	p3 =	sne.s32 s9, $0x6400;
	_ =	swait.ge [sflag:s30], $0x3000  }
0x7e: {  	[sflag:s30] =	ssyncset.done $0x0  }
0x7f: {  	s9 =	sadd.s32 $0x1C00, s7;
	[sflag:s30] =	ssyncadd.s32 $0xFFFFD000  }
0x80: {  	[spmem:s3] =	stream.indirect.scatter.add.f32 [tilespmem:s26], [sflag:$0x4], $0x80, s9, s31, $0xb8;
	[tilespmem:$0x1D100] =	vst v63  }
0x81: {  	_ =	swait.ge [sflag:s2], $0x3000  }
0x82: {  	[sflag:s2] =	ssyncset.done $0x0  }
0x83: {  	s9 =	sadd.s32 $0x100, s7;
	[sflag:s2] =	ssyncadd.s32 $0xFFFFD000  }
0x84: {  	[tilespmem:s26], [sflag:$0x1] =	stream.indirect.gather [hbm4b:s1+s31], $0x80, s9, s31, $0xb8;
	[tilespmem:$0x1D100] =	vst v63  }
0x85: {  	_ =	swait.ge [sflag:s4], $0x3000  }
.Ltmp1:
0x86: {  	[sflag:s4] =	ssyncset.done $0x0;
	(pc) =	sbr.rel @p3 .LBB2_4-.Ltmp1, $4  }
0x87: {  	s7 =	sadd.s32 $0x1C80, s7;
	[sflag:s4] =	ssyncadd.s32 $0xFFFFD000  }
0x88: {  	[spmem:s3] =	stream.indirect.scatter.add.f32 [tilespmem:s0], [sflag:$0x3], $0x80, s7, s31, $0xb8;
	[tilespmem:$0x1D100] =	vst v63  }
0x89: {  	_ =	swait.ge [sflag:s28], $0x3000  }
0x8a: {  	s9 =	smov.u32 s12;
	s7 =	sshra.s32 s11, $0x2;
	[sflag:s28] =	ssyncset.done $0x0  }
0x8b: {  	s9 =	sadd.s32 $0x80, s7;
	[sflag:s28] =	ssyncadd.s32 $0xFFFFD000  }
0x8c: {  	[tilespmem:s0], [sflag:$0x2] =	stream.indirect.gather [hbm4b:s1+s31], $0x80, s9, s31, $0xb8;
	[tilespmem:$0x1D100] =	vst v63  }
0x8d: {  	_ =	swait.ge [sflag:s30], $0x3000  }
0x8e: {  	[sflag:s30] =	ssyncset.done $0x0  }
0x8f: {  	s11 =	sadd.s32 $0x1C00, s7;
	[sflag:s30] =	ssyncadd.s32 $0xFFFFD000  }
0x90: {  	[spmem:s3] =	stream.indirect.scatter.add.f32 [tilespmem:s26], [sflag:$0x4], $0x80, s11, s31, $0xb8;
	[tilespmem:$0x1D100] =	vst v63  }
0x91: {  	_ =	swait.ge [sflag:s2], $0x3000  }
0x92: {  	[sflag:s2] =	ssyncset.done $0x0  }
0x93: {  	s12 =	sadd.s32 $0x100, s7;
	[sflag:s2] =	ssyncadd.s32 $0xFFFFD000  }
0x94: {  	[tilespmem:s26], [sflag:$0x1] =	stream.indirect.gather [hbm4b:s1+s31], $0x80, s12, s31, $0xb8;
	[tilespmem:$0x1D100] =	vst v63  }
0x95: {  	_ =	swait.ge [sflag:s4], $0x3000  }
0x96: {  	[sflag:s4] =	ssyncset.done $0x0  }
0x97: {  	s9 =	sadd.s32 $0x1C80, s7;
	[sflag:s4] =	ssyncadd.s32 $0xFFFFD000  }
0x98: {  	[spmem:s3] =	stream.indirect.scatter.add.f32 [tilespmem:s0], [sflag:$0x3], $0x80, s9, s31, $0xb8;
	[tilespmem:$0x1D100] =	vst v63  }
0x99: {  	_ =	swait.ge [sflag:s28], $0x3000  }
0x9a: {  	[sflag:s28] =	ssyncset.done $0x0  }
0x9b: {  	[sflag:s28] =	ssyncadd.s32 $0xFFFFD000  }
0x9c: {  	_ =	swait.ge [sflag:s30], $0x3000  }
0x9d: {  	[sflag:s30] =	ssyncset.done $0x0  }
0x9e: {  	[sflag:s30] =	ssyncadd.s32 $0xFFFFD000  }
0x9f: {  	[spmem:s3] =	stream.indirect.scatter.add.f32 [tilespmem:s26], [sflag:$0x4], $0x80, s5, s31, $0xb8;
	[tilespmem:$0x1D100] =	vst v63  }
0xa0: {  	_ =	swait.ge [sflag:s2], $0x3000  }
0xa1: {  	[sflag:s2] =	ssyncset.done $0x0  }
0xa2: {  	s10 =	simm.s32 $0x0;
	s11 =	rddreg [dreg:$0x6];
	[sflag:s2] =	ssyncadd.s32 $0xFFFFD000  }
0xa3: {  	[tilespmem:s10], [sflag:$0x3] =	stream.linear.gather [hbm4b:s11+s10], $0x1A80, $0x38;
	[tilespmem:$0x1D100] =	vst v63  }
0xa4: {  	_ =	swait.ge [sflag:s28], $0x1A80  }
0xa5: {  	[sflag:s28] =	ssyncset.done $0x0  }
0xa6: {  	s12 =	rddreg [dreg:$0x7];
	[sflag:s28] =	ssyncadd.s32 $0xFFFFE580  }
0xa7: {  	[tilespmem:s29], [sflag:$0x3] =	stream.linear.gather [hbm4b:s12+s10], $0x1A80, $0x38;
	[tilespmem:$0x1D100] =	vst v63  }
0xa8: {  	_ =	swait.ge [sflag:s28], $0x1A80  }
0xa9: {  	[sflag:s28] =	ssyncset.done $0x0  }
0xaa: {  	[sflag:s28] =	ssyncadd.s32 $0xFFFFE580  }
0xab: {  	[tilespmem:s26], [sflag:$0x1] =	stream.indirect.gather [hbm4b:s1+s31], $0x80, s10, s31, $0xb8;
	[tilespmem:$0x1D100] =	vst v63  }
0xac: {  	s9 =	simm.s32 $0x80  }
0xad: {  	[tilespmem:s0], [sflag:$0x2] =	stream.indirect.gather [hbm4b:s1+s31], $0x80, s9, s31, $0xb8;
	[tilespmem:$0x1D100] =	vst v63  }
0xae: {  	_ =	swait.ge [sflag:s30], $0x3000  }
0xaf: {  	[sflag:s30] =	ssyncset.done $0x0  }
0xb0: {  	s10 =	simm.s32 $0x1C00;
	[sflag:s30] =	ssyncadd.s32 $0xFFFFD000  }
0xb1: {  	[spmem:s3] =	stream.indirect.scatter.add.f32 [tilespmem:s26], [sflag:$0x4], $0x80, s10, s31, $0xb8;
	[tilespmem:$0x1D100] =	vst v63  }
0xb2: {  	_ =	swait.ge [sflag:s2], $0x3000  }
0xb3: {  	[sflag:s2] =	ssyncset.done $0x0  }
0xb4: {  	s11 =	simm.s32 $0x100;
	[sflag:s2] =	ssyncadd.s32 $0xFFFFD000  }
0xb5: {  	[tilespmem:s26], [sflag:$0x1] =	stream.indirect.gather [hbm4b:s1+s31], $0x80, s11, s31, $0xb8;
	[tilespmem:$0x1D100] =	vst v63  }
0xb6: {  	_ =	swait.ge [sflag:s4], $0x3000  }
0xb7: {  	[sflag:s4] =	ssyncset.done $0x0  }
0xb8: {  	s12 =	simm.s32 $0x1C80;
	[sflag:s4] =	ssyncadd.s32 $0xFFFFD000  }
0xb9: {  	[spmem:s3] =	stream.indirect.scatter.add.f32 [tilespmem:s0], [sflag:$0x3], $0x80, s12, s31, $0xb8;
	[tilespmem:$0x1D100] =	vst v63  }
0xba: {  	_ =	swait.ge [sflag:s28], $0x3000  }
0xbb: {  	s7 =	simm.s32 $0x100;
	s9 =	simm.s32 $0x800;
	[sflag:s28] =	ssyncset.done $0x0  }
.LBB2_6:
0xbc: {  	s10 =	sadd.s32 $0x80, s7  }
0xbd: {  	[sflag:s28] =	ssyncadd.s32 $0xFFFFD000;
	s11 =	smov.u32 s9;
	s12 =	sadd.s32 $0x400, s9  }
0xbe: {  	[tilespmem:s0], [sflag:$0x2] =	stream.indirect.gather [hbm4b:s1+s31], $0x80, s10, s31, $0xb8;
	[tilespmem:$0x1D100] =	vst v63  }
0xbf: {  	p3 =	sne.s32 s9, $0x6400;
	_ =	swait.ge [sflag:s30], $0x3000  }
0xc0: {  	[sflag:s30] =	ssyncset.done $0x0  }
0xc1: {  	s9 =	sadd.s32 $0x1C00, s7;
	[sflag:s30] =	ssyncadd.s32 $0xFFFFD000  }
0xc2: {  	[spmem:s3] =	stream.indirect.scatter.add.f32 [tilespmem:s26], [sflag:$0x4], $0x80, s9, s31, $0xb8;
	[tilespmem:$0x1D100] =	vst v63  }
0xc3: {  	_ =	swait.ge [sflag:s2], $0x3000  }
0xc4: {  	[sflag:s2] =	ssyncset.done $0x0  }
0xc5: {  	s9 =	sadd.s32 $0x100, s7;
	[sflag:s2] =	ssyncadd.s32 $0xFFFFD000  }
0xc6: {  	[tilespmem:s26], [sflag:$0x1] =	stream.indirect.gather [hbm4b:s1+s31], $0x80, s9, s31, $0xb8;
	[tilespmem:$0x1D100] =	vst v63  }
0xc7: {  	_ =	swait.ge [sflag:s4], $0x3000  }
.Ltmp2:
0xc8: {  	[sflag:s4] =	ssyncset.done $0x0;
	(pc) =	sbr.rel @p3 .LBB2_6-.Ltmp2, $4  }
0xc9: {  	s7 =	sadd.s32 $0x1C80, s7;
	[sflag:s4] =	ssyncadd.s32 $0xFFFFD000  }
0xca: {  	[spmem:s3] =	stream.indirect.scatter.add.f32 [tilespmem:s0], [sflag:$0x3], $0x80, s7, s31, $0xb8;
	[tilespmem:$0x1D100] =	vst v63  }
0xcb: {  	_ =	swait.ge [sflag:s28], $0x3000  }
0xcc: {  	s9 =	smov.u32 s12;
	s7 =	sshra.s32 s11, $0x2;
	[sflag:s28] =	ssyncset.done $0x0  }
0xcd: {  	s9 =	sadd.s32 $0x80, s7;
	[sflag:s28] =	ssyncadd.s32 $0xFFFFD000  }
0xce: {  	[tilespmem:s0], [sflag:$0x2] =	stream.indirect.gather [hbm4b:s1+s31], $0x80, s9, s31, $0xb8;
	[tilespmem:$0x1D100] =	vst v63  }
0xcf: {  	_ =	swait.ge [sflag:s30], $0x3000  }
0xd0: {  	[sflag:s30] =	ssyncset.done $0x0  }
0xd1: {  	s10 =	sadd.s32 $0x1C00, s7;
	[sflag:s30] =	ssyncadd.s32 $0xFFFFD000  }
0xd2: {  	[spmem:s3] =	stream.indirect.scatter.add.f32 [tilespmem:s26], [sflag:$0x4], $0x80, s10, s31, $0xb8;
	[tilespmem:$0x1D100] =	vst v63  }
0xd3: {  	_ =	swait.ge [sflag:s2], $0x3000  }
0xd4: {  	[sflag:s2] =	ssyncset.done $0x0  }
0xd5: {  	s11 =	sadd.s32 $0x100, s7;
	[sflag:s2] =	ssyncadd.s32 $0xFFFFD000  }
0xd6: {  	[tilespmem:s26], [sflag:$0x1] =	stream.indirect.gather [hbm4b:s1+s31], $0x80, s11, s31, $0xb8;
	[tilespmem:$0x1D100] =	vst v63  }
0xd7: {  	_ =	swait.ge [sflag:s4], $0x3000  }
0xd8: {  	[sflag:s4] =	ssyncset.done $0x0  }
0xd9: {  	s12 =	sadd.s32 $0x1C80, s7;
	[sflag:s4] =	ssyncadd.s32 $0xFFFFD000  }
0xda: {  	[spmem:s3] =	stream.indirect.scatter.add.f32 [tilespmem:s0], [sflag:$0x3], $0x80, s12, s31, $0xb8;
	[tilespmem:$0x1D100] =	vst v63  }
0xdb: {  	_ =	swait.ge [sflag:s28], $0x3000  }
0xdc: {  	[sflag:s28] =	ssyncset.done $0x0  }
0xdd: {  	[sflag:s28] =	ssyncadd.s32 $0xFFFFD000  }
0xde: {  	_ =	swait.ge [sflag:s30], $0x3000  }
0xdf: {  	[sflag:s30] =	ssyncset.done $0x0  }
0xe0: {  	[sflag:s30] =	ssyncadd.s32 $0xFFFFD000  }
0xe1: {  	[spmem:s3] =	stream.indirect.scatter.add.f32 [tilespmem:s26], [sflag:$0x4], $0x80, s5, s31, $0xb8;
	[tilespmem:$0x1D100] =	vst v63  }
0xe2: {  	_ =	swait.ge [sflag:s2], $0x3000  }
0xe3: {  	[sflag:s2] =	ssyncset.done $0x0  }
0xe4: {  	[sflag:s2] =	ssyncadd.s32 $0xFFFFD000  }
0xe5: {  	[bflag:$0x0] =	sbarrier.arrive $0xFFFF  }
0xe6: {  	[tilespmem:s26], [sflag:$0x3] =	stream.linear.gather [spmem:s17], $0x2800, $0x38;
	[tilespmem:$0x1D100] =	vst v63  }
0xe7: {  	_ =	swait.ge [sflag:s28], $0x2800  }
0xe8: {  	[sflag:s28] =	ssyncset.done $0x0  }
0xe9: {  	s9 =	rddreg [dreg:$0x8];
	[sflag:s28] =	ssyncadd.s32 $0xFFFFD800  }
0xea: {  	[hbm4b:s9+s8] =	stream.linear.scatter [tilespmem:s26], [sflag:$0x1], $0x2800, $0x38;
	[tilespmem:$0x1D100] =	vst v63  }
0xeb: {  	_ = 	snop  }
0xec: {  	[tilespmem:s0], [sflag:$0x3] =	stream.linear.gather [spmem:s18], $0x2800, $0x38;
	[tilespmem:$0x1D100] =	vst v63  }
0xed: {  	_ =	swait.ge [sflag:s28], $0x2800  }
0xee: {  	[sflag:s28] =	ssyncset.done $0x0  }
0xef: {  	s10 =	rddreg [dreg:$0x9];
	[sflag:s28] =	ssyncadd.s32 $0xFFFFD800  }
0xf0: {  	[hbm4b:s10+s8] =	stream.linear.scatter [tilespmem:s0], [sflag:$0x2], $0x2800, $0x38;
	[tilespmem:$0x1D100] =	vst v63  }
0xf1: {  	_ =	swait.ge [sflag:s30], $0x2800  }
0xf2: {  	[sflag:s30] =	ssyncset.done $0x0  }
0xf3: {  	[sflag:s30] =	ssyncadd.s32 $0xFFFFD800  }
0xf4: {  	[tilespmem:s26], [sflag:$0x3] =	stream.linear.gather [spmem:s19], $0x2800, $0x38;
	[tilespmem:$0x1D100] =	vst v63  }
0xf5: {  	_ =	swait.ge [sflag:s28], $0x2800  }
0xf6: {  	[sflag:s28] =	ssyncset.done $0x0  }
0xf7: {  	s11 =	rddreg [dreg:$0xa];
	[sflag:s28] =	ssyncadd.s32 $0xFFFFD800  }
0xf8: {  	[hbm4b:s11+s8] =	stream.linear.scatter [tilespmem:s26], [sflag:$0x1], $0x2800, $0x38;
	[tilespmem:$0x1D100] =	vst v63  }
0xf9: {  	_ =	swait.ge [sflag:s4], $0x2800  }
0xfa: {  	[sflag:s4] =	ssyncset.done $0x0  }
0xfb: {  	[sflag:s4] =	ssyncadd.s32 $0xFFFFD800  }
0xfc: {  	[tilespmem:s0], [sflag:$0x3] =	stream.linear.gather [spmem:s20], $0x2800, $0x38;
	[tilespmem:$0x1D100] =	vst v63  }
0xfd: {  	_ =	swait.ge [sflag:s28], $0x2800  }
0xfe: {  	[sflag:s28] =	ssyncset.done $0x0  }
0xff: {  	s12 =	rddreg [dreg:$0xb];
	[sflag:s28] =	ssyncadd.s32 $0xFFFFD800  }
0x100: {  	[hbm4b:s12+s8] =	stream.linear.scatter [tilespmem:s0], [sflag:$0x2], $0x2800, $0x38;
	[tilespmem:$0x1D100] =	vst v63  }
0x101: {  	_ =	swait.ge [sflag:s30], $0x2800  }
0x102: {  	[sflag:s30] =	ssyncset.done $0x0  }
0x103: {  	[sflag:s30] =	ssyncadd.s32 $0xFFFFD800  }
0x104: {  	[tilespmem:s26], [sflag:$0x3] =	stream.linear.gather [spmem:s21], $0x2800, $0x38;
	[tilespmem:$0x1D100] =	vst v63  }
0x105: {  	_ =	swait.ge [sflag:s28], $0x2800  }
0x106: {  	[sflag:s28] =	ssyncset.done $0x0  }
0x107: {  	[sflag:s28] =	ssyncadd.s32 $0xFFFFD800  }
0x108: {  	[hbm4b:s13+s8] =	stream.linear.scatter [tilespmem:s26], [sflag:$0x1], $0x2800, $0x38;
	[tilespmem:$0x1D100] =	vst v63  }
0x109: {  	_ =	swait.ge [sflag:s4], $0x2800  }
0x10a: {  	[sflag:s4] =	ssyncset.done $0x0  }
0x10b: {  	s7 =	simm.s32 @!p2 $0x6800;
	s9 =	simm.s32 @!p2 $0x3;
	[sflag:s4] =	ssyncadd.s32 $0xFFFFD800  }
0x10c: {  	[tilespmem:s7], [sflag:$0x3] =	stream.linear.gather @!p2 [spmem:s22], $0x2800, $0x38;
	[tilespmem:$0x1D100] =	vst v63  }
0x10d: {  	_ =	swait.ge @!p2 [sflag:s9], $0x2800  }
0x10e: {  	[sflag:s9] =	ssyncset.done @!p2 $0x0  }
0x10f: {  	[sflag:s9] =	ssyncadd.s32 @!p2 $0xFFFFD800;
	s9 =	simm.s32 @!p2 $0x0  }
0x110: {  	[hbm4b:s14+s9] =	stream.linear.scatter @!p2 [tilespmem:s7], [sflag:$0x2], $0x2800, $0x38;
	[tilespmem:$0x1D100] =	vst v63  }
0x111: {  	_ =	swait.ge [sflag:s30], $0x2800  }
0x112: {  	[sflag:s30] =	ssyncset.done $0x0  }
0x113: {  	s7 =	simm.s32 @!p0 $0x3800;
	s9 =	simm.s32 @!p0 $0x3;
	[sflag:s30] =	ssyncadd.s32 $0xFFFFD800  }
0x114: {  	[tilespmem:s7], [sflag:$0x3] =	stream.linear.gather @!p0 [spmem:s23], $0x2800, $0x38;
	[tilespmem:$0x1D100] =	vst v63  }
0x115: {  	_ =	swait.ge @!p0 [sflag:s9], $0x2800  }
0x116: {  	[sflag:s9] =	ssyncset.done @!p0 $0x0  }
0x117: {  	[sflag:s9] =	ssyncadd.s32 @!p0 $0xFFFFD800;
	s9 =	simm.s32 @!p0 $0x0  }
0x118: {  	[hbm4b:s15+s9] =	stream.linear.scatter @!p0 [tilespmem:s7], [sflag:$0x1], $0x2800, $0x38;
	[tilespmem:$0x1D100] =	vst v63  }
0x119: {  	s7 =	simm.s32 @!p2 $0x2  }
0x11a: {  	_ =	swait.ge @!p2 [sflag:s7], $0x2800  }
0x11b: {  	[sflag:s7] =	ssyncset.done @!p2 $0x0  }
0x11c: {  	s9 =	simm.s32 @!p1 $0x3;
	[sflag:s7] =	ssyncadd.s32 @!p2 $0xFFFFD800;
	s7 =	simm.s32 @!p1 $0x6800  }
0x11d: {  	[tilespmem:s7], [sflag:$0x3] =	stream.linear.gather @!p1 [spmem:s24], $0x2800, $0x38;
	[tilespmem:$0x1D100] =	vst v63  }
0x11e: {  	_ =	swait.ge @!p1 [sflag:s9], $0x2800  }
0x11f: {  	[sflag:s9] =	ssyncset.done @!p1 $0x0  }
0x120: {  	[sflag:s9] =	ssyncadd.s32 @!p1 $0xFFFFD800;
	s9 =	simm.s32 @!p1 $0x0  }
0x121: {  	[hbm4b:s16+s9] =	stream.linear.scatter @!p1 [tilespmem:s7], [sflag:$0x2], $0x2800, $0x38;
	[tilespmem:$0x1D100] =	vst v63  }
0x122: {  	s6 =	sadd.s32 $0x1, s6;
	s7 =	simm.s32 @!p0 $0x1  }
0x123: {  	p3 =	sne.s32 s6, s25;
	_ =	swait.ge @!p0 [sflag:s7], $0x2800  }
.Ltmp3:
0x124: {  	[sflag:s7] =	ssyncset.done @!p0 $0x0;
	(pc) =	sbr.rel @p3 .LBB2_1-.Ltmp3, $4  }
0x125: {  	[sflag:s7] =	ssyncadd.s32 @!p0 $0xFFFFD800;
	s7 =	simm.s32 @!p1 $0x2  }
0x126: {  	_ =	swait.ge @!p1 [sflag:s7], $0x2800  }
0x127: {  	[sflag:s7] =	ssyncset.done @!p1 $0x0  }
0x128: {  	[sflag:s7] =	ssyncadd.s32 @!p1 $0xFFFFD800  }
0x129: {  	_ =	sfence.sel $0x180000  }
0x12a: {  	[bflag:$0x0] =	sbarrier.arrive $0xFFFF  }
0x12b: {  	_ =	strace $0x9000004D  }
0x12c: {  	s0 =	stileid.u32;
	[bflag:$0x2] =	sbarrier.arrive $0xFFFF  }
0x12d: {  	p0 =	sne.s32 s0, $0x0;
	s0 =	rddreg [dreg:$0x3]  }
0x12e: {  	s0 =	sadd.s32 @!p0 $0x100000, s0  }
0x12f: {  	[sflag:s0] =	ssyncadd.tile.s32 @!p0 $0x1;
	_ =	shalt  }
.Lfunc_end2:
_tile_overlayer_lowered:
.L_overlay_start_2:
0x130: {  	(tag) =	ssettag $0x2  }
0x131: {  	s0 =	rddreg [dreg:$0x0];
	s2 =	stileid.u32  }
0x132: {  	s1 =	rddreg [dreg:$0x1];
	p0 =	sne.s32 s2, $0x0  }
0x133: {  	s3 =	rddreg [dreg:$0x2];
	[bflag:$0x3] =	sbarrier.arrive $0xFFFF;
	s2 =	simm.s32 @!p0 $0x1C03  }
0x134: {  	[timem:s3], [sflag:s2] =	dma.local @!p0 [hbm:s0], s1  }
0x135: {  	s0 =	simm.s32 @!p0 $0x3  }
0x136: {  	_ =	swait.ge @!p0 [sflag:s0], s1  }
0x137: {  	s1 =	ssub.s32 @!p0 $0x0, s1;
	[sflag:s0] =	ssyncset.done @!p0 $0x0  }
0x138: {  	[sflag:s0] =	ssyncadd.s32 @!p0 s1  }
0x139: {  	[bflag:$0x3] =	sbarrier.arrive $0xFFFF  }
0x13a: {  	_ =	shalt  }

// kernel: kernel.8.cloned.1.call-start
scs
__scs_entry_jumppad:
0x0: {  	(pc) =	sbr.rel $0x88, $3  }
0x1: {  	(tag) =	ssettag $0x0;
	lr =	simm.s32 $0x1  }
0x2: {  	[smem:$0x3F9B] =	sst lr;
	_ =	strace $0xD0000000  }
0x3: {  	_ = 	snop  }
0x4: {  	_ = 	snop  }
0x5: {  	_ = 	snop  }
0x6: {  	_ = 	snop  }
0x7: {  	_ = 	snop  }
__scs_overlays_trampoline_lowered:
0x8: {  	[smem:$0x3FAA] =	sst s0  }
0x9: {  	[smem:$0x3FAB] =	sst s1  }
0xa: {  	[smem:$0x3FAC] =	sst s2  }
0xb: {  	[smem:$0x3FAD] =	sst s3  }
0xc: {  	[smem:$0x3FAE] =	sst s4  }
0xd: {  	[smem:$0x3FAF] =	sst s5  }
0xe: {  	[smem:$0x3FB0] =	sst s6  }
0xf: {  	[smem:$0x3FB1] =	sst s7  }
0x10: {  	[smem:$0x3FB2] =	sst s8  }
0x11: {  	[smem:$0x3FB3] =	sst s9;
	s0 =	simm.s32 @!p0 $0x0  }
0x12: {  	s1 =	sld [smem:$0x3F99];
	s0 =	simm.s32 @p0 $0x1  }
0x13: {  	[smem:$0x3FB4] =	sst s0;
	s0 =	simm.s32 @!p1 $0x0  }
0x14: {  	s2 =	sld [smem:$0x3F98];
	s0 =	simm.s32 @p1 $0x1  }
0x15: {  	[smem:$0x3FB5] =	sst s0;
	s0 =	simm.s32 @!p2 $0x0  }
0x16: {  	s3 =	sld [smem:$0x3FDB];
	s0 =	simm.s32 @p2 $0x1  }
0x17: {  	s4 =	simm.s32 $0x1BF5;
	[smem:$0x3FB7] =	sst s0  }
0x18: {  	s0 =	sld [smem:$0x3F9A];
	_ =	swait.ge [sflag:s4], $0x0  }
0x19: {  	s7 =	sld [smem:$0x3F9B]  }
0x1a: {  	s8 =	sadd.s32 $0xFFFFE003, lr  }
0x1b: {  	s9 =	sadd.s32 $0xFFFFFEF7, lr;
	s5 =	simm.s32 $0xFFFFFFFF;
	p2 =	slt.u32 s8, $0xFFFFF086  }
0x1c: {  	p1 =	slt.u32 s9, $0xF7A;
	s5 =	simm.s32 @!p2 $0x0  }
0x1d: {  	s5 =	simm.s32 @p1 $0x1;
	p0 =	seq.s32 s7, s2  }
0x1e: {  	s7 =	smul.u32 @!p0 $0xF7A, s2;
	p2 =	seq.s32 @!p0 s5, $0x0  }
0x1f: {  	s9 =	smul.u32 $0xF7A, s1;
	s8 =	simm.s32 @!p0 $0x1BF5;
	p2 =	por !p2, p0  }
0x20: {  	[sflag:s8] =	ssyncset.s32 @!p0 $0xFFFFF086;
	s6 =	sadd.s32 @!p0 s3, s7;
	s7 =	simm.s32 @!p0 $0x108  }
0x21: {  	s3 =	sadd.s32 s3, s9;
	s6 =	sadd.s32 @!p0 $0x88, s6;
	s7 =	simm.s32 @p2 $0x1082  }
0x22: {  	[simem:s7], [sflag:s8] =	dma.local @!p0 [hbm:s6], $0xF7A  }
0x23: {  	s9 =	sor.u32 $0xD0000000, s2;
	s6 =	simm.s32 $0x108;
	_ =	swait.ge @!p0 [sflag:s8], $0x0  }
0x24: {  	s3 =	sadd.s32 $0x88, s3;
	s6 =	simm.s32 @!p1 $0x1082;
	[sflag:s4] =	ssyncset.s32 $0xFFFFF086  }
0x25: {  	[simem:s6], [sflag:s4] =	dma.local [hbm:s3], $0xF7A  }
0x26: {  	[smem:$0x3F9B] =	sst s1;
	(tag) =	ssettag s2;
	_ =	strace s9  }
0x27: {  	s1 =	sld [smem:$0x3FAB]  }
0x28: {  	s2 =	sld [smem:$0x3FAC]  }
0x29: {  	s4 =	sld [smem:$0x3FAE]  }
0x2a: {  	p0 =	seq.s32 s5, $0x0;
	s5 =	sld [smem:$0x3FAF]  }
0x2b: {  	s6 =	sld [smem:$0x3FB0]  }
0x2c: {  	s7 =	sld [smem:$0x3FB1]  }
0x2d: {  	s3 =	simm.s32 $0x108;
	s8 =	sld [smem:$0x3FB2]  }
0x2e: {  	s3 =	simm.s32 @!p0 $0x1082;
	s9 =	sld [smem:$0x3FB3]  }
0x2f: {  	lr =	sadd.s32 s0, s3;
	s0 =	sld [smem:$0x3FAA]  }
0x30: {  	s3 =	sld [smem:$0x3FAD]  }
0x31: {  	[smem:$0x3FB6] =	sst s10  }
0x32: {  	s10 =	sld [smem:$0x3FB4];
	_ =	sdelay $0x3  }
0x33: {  	p0 =	seq.s32 s10, $0x1;
	s10 =	sld [smem:$0x3FB6];
	_ =	sdelay $0x3  }
0x34: {  	[smem:$0x3FB6] =	sst s10  }
0x35: {  	s10 =	sld [smem:$0x3FB5];
	_ =	sdelay $0x3  }
0x36: {  	p1 =	seq.s32 s10, $0x1;
	s10 =	sld [smem:$0x3FB6];
	_ =	sdelay $0x3  }
0x37: {  	[smem:$0x3FB6] =	sst s10  }
0x38: {  	s10 =	sld [smem:$0x3FB7]  }
0x39: {  	_ = 	snop;
	(pc) =	sbr.ind lr, $3  }
0x3a: {  	_ = 	snop  }
0x3b: {  	_ = 	snop  }
0x3c: {  	p2 =	seq.s32 s10, $0x1;
	s10 =	sld [smem:$0x3FB6]  }
0x3d: {  	_ =	shalt  }
0x3e: {  	_ =	shalt  }
0x3f: {  	_ =	shalt  }
0x40: {  	_ =	shalt  }
0x41: {  	_ =	shalt  }
0x42: {  	_ =	shalt  }
0x43: {  	_ =	shalt  }
0x44: {  	_ =	shalt  }
0x45: {  	_ =	shalt  }
0x46: {  	_ =	shalt  }
0x47: {  	_ =	shalt  }
0x48: {  	_ =	shalt  }
0x49: {  	_ =	shalt  }
0x4a: {  	_ =	shalt  }
0x4b: {  	_ =	shalt  }
0x4c: {  	_ =	shalt  }
0x4d: {  	_ =	shalt  }
0x4e: {  	_ =	shalt  }
0x4f: {  	_ =	shalt  }
0x50: {  	_ =	shalt  }
0x51: {  	_ =	shalt  }
0x52: {  	_ =	shalt  }
0x53: {  	_ =	shalt  }
0x54: {  	_ =	shalt  }
0x55: {  	_ =	shalt  }
0x56: {  	_ =	shalt  }
0x57: {  	_ =	shalt  }
0x58: {  	_ =	shalt  }
0x59: {  	_ =	shalt  }
0x5a: {  	_ =	shalt  }
0x5b: {  	_ =	shalt  }
0x5c: {  	_ =	shalt  }
0x5d: {  	_ =	shalt  }
0x5e: {  	_ =	shalt  }
0x5f: {  	_ =	shalt  }
0x60: {  	_ =	shalt  }
0x61: {  	_ =	shalt  }
0x62: {  	_ =	shalt  }
0x63: {  	_ =	shalt  }
0x64: {  	_ =	shalt  }
0x65: {  	_ =	shalt  }
0x66: {  	_ =	shalt  }
0x67: {  	_ =	shalt  }
0x68: {  	_ =	shalt  }
0x69: {  	_ =	shalt  }
0x6a: {  	_ =	shalt  }
0x6b: {  	_ =	shalt  }
0x6c: {  	_ =	shalt  }
0x6d: {  	_ =	shalt  }
0x6e: {  	_ =	shalt  }
0x6f: {  	_ =	shalt  }
0x70: {  	_ =	shalt  }
0x71: {  	_ =	shalt  }
0x72: {  	_ =	shalt  }
0x73: {  	_ =	shalt  }
0x74: {  	_ =	shalt  }
0x75: {  	_ =	shalt  }
0x76: {  	_ =	shalt  }
0x77: {  	_ =	shalt  }
0x78: {  	_ =	shalt  }
0x79: {  	_ =	shalt  }
0x7a: {  	_ =	shalt  }
0x7b: {  	_ =	shalt  }
0x7c: {  	_ =	shalt  }
0x7d: {  	_ =	shalt  }
0x7e: {  	_ =	shalt  }
0x7f: {  	_ =	shalt  }
0x80: {  	_ =	shalt  }
0x81: {  	_ =	shalt  }
0x82: {  	_ =	shalt  }
0x83: {  	_ =	shalt  }
0x84: {  	_ =	shalt  }
0x85: {  	_ =	shalt  }
0x86: {  	_ =	shalt  }
0x87: {  	_ =	shalt  }
.Lfunc_end0:
.L_simem_size_0:
called_computation_lowered:
.L_overlay_start_0:
0x88: {  	s2 =	sld [smem:$0x3FD9]  }
0x89: {  	s3 =	sld [smem:$0x3FFE];
	_ =	sdelay $0x1  }
0x8a: {  	s1 =	srdreg.scid  }
0x8b: {  	s0 =	sand.u32 $0x1, s1  }
0x8c: {  	s17 =	sshll.u32 s0, $0xA;
	s2 =	sadd.s32 s3, s2  }
0x8d: {  	s2 =	sadd.s32 s2, s17  }
0x8e: {  	[smem:$0x3FC2] =	sst s2  }
0x8f: {  	_ = 	snop  }
0x90: {  	s2 =	sld [smem:$0x3FD0];
	(tm) =	ssettm $0x1  }
0x91: {  	s18 =	sld [smem:$0x3FFB];
	_ =	sdelay $0x3  }
0x92: {  	_ =	strace s18  }
0x93: {  	s3 =	sld [smem:$0x3FFC];
	_ =	sdelay $0x3  }
0x94: {  	_ =	strace s3  }
0x95: {  	s3 =	sld [smem:$0x3FFD];
	_ =	sdelay $0x3  }
0x96: {  	_ =	strace s3  }
0x97: {  	_ =	strace $0x8FFFFFFF  }
0x98: {  	s19 =	sld [smem:$0x3FDB];
	_ =	sdelay $0x1  }
0x99: {  	s4 =	simm.s32 $_scs_section_size  }
0x9a: {  	s5 =	simm.s32 $_size__tile_overlayer_lowered;
	s6 =	simm.s32 $_tile_overlayer_lowered  }
0x9b: {  	s22 =	simm.s32 $0x1BFF;
	s21 =	sshll.u32 s6, $0x1;
	s3 =	sadd.s32 s4, s19  }
0x9c: {  	s7 =	simm.s32 $0x0;
	s20 =	sshll.u32 s5, $0x1;
	s5 =	sadd.s32 s21, s3  }
0x9d: {  	[timem:s7], [sflag:s22] =	dma.local [hbm:s5], s20  }
0x9e: {  	_ =	swait.ge [sflag:s22], s20  }
0x9f: {  	s4 =	ssub.s32 $0x0, s20;
	[sflag:s22] =	ssyncset.done $0x0  }
0xa0: {  	[sflag:s22] =	ssyncadd.s32 s4;
	_ =	sdelay $0x1  }
0xa1: {  	s23 =	simm.s32 $0x1B8B  }
0xa2: {  	_ =	swait.ge [sflag:s23], $0x1  }
0xa3: {  	[sflag:s23] =	ssyncset.done $0x0  }
0xa4: {  	s25 =	simm.s32 $0x1B8E;
	s24 =	sld [smem:$0x3FFE];
	[sflag:s23] =	ssyncadd.s32 $0xFFFFFFFF  }
0xa5: {  	s26 =	simm.s32 $execute0_lowered;
	[smem:$0x3FD2] =	sst s25  }
0xa6: {  	s5 =	sshll.u32 s26, $0x1;
	_ =	strace $0x80000046;
	[dreg:$0x1] =	wrdreg $0xFFFFFFFF  }
0xa7: {  	s28 =	simm.s32 $_size_execute0_lowered;
	s3 =	sadd.s32 s3, s5;
	[dreg:$0x0] =	wrdreg $0x0  }
0xa8: {  	s5 =	sshll.u32 s28, $0x1;
	[dreg:$0x2] =	wrdreg s3  }
0xa9: {  	[dreg:$0x3] =	wrdreg s5  }
0xaa: {  	[dreg:$0x4] =	wrdreg $0xC0  }
0xab: {  	_ =	task [dreg:s7], $0x5FFFF  }
0xac: {  	[dreg:$0x1] =	wrdreg $0xFFFFFFFF  }
0xad: {  	[dreg:$0x0] =	wrdreg $0x60  }
0xae: {  	[dreg:$0x2] =	wrdreg s2  }
0xaf: {  	[dreg:$0x3] =	wrdreg s24  }
0xb0: {  	[dreg:$0x4] =	wrdreg $0x48800  }
0xb1: {  	[dreg:$0x5] =	wrdreg $0x9  }
0xb2: {  	_ =	task.clear_ibuf [dreg:s7], $0x6FFFF;
	_ =	strace $0x90000046  }
0xb3: {  	s29 =	simm.s32 $0x9;
	_ =	strace $0x80000048  }
0xb4: {  	_ =	swait.ge [sflag:s29], $0x1  }
0xb5: {  	[sflag:s29] =	ssyncadd.s32 $0xFFFFFFFF  }
0xb6: {  	_ =	strace $0x90000048  }
0xb7: {  	_ =	sfence  }
0xb8: {  	s30 =	sld [smem:$0x0];
	_ =	sdelay $0x2  }
0xb9: {  	s31 =	sshll.u32 s1, $0xD;
	s1 =	sshrl.u32 s1, $0x2  }
0xba: {  	s3 =	sand.u32 $0x4000, s31;
	s1 =	sadd.s32 s1, s30  }
0xbb: {  	s0 =	sor.u32 s3, s0;
	s1 =	sshll.u32 s1, $0x11  }
0xbc: {  	s0 =	sor.u32 s1, s0  }
0xbd: {  	s0 =	sadd.s32 $0x8F2B, s0  }
0xbe: {  	[sflag:s0] =	ssyncadd.remote.s32 $0x1  }
0xbf: {  	_ =	sfence.sel $0xFFFF  }
0xc0: {  	[dreg:$0x0] =	wrdreg $0xFFFFFFFF;
	(pc) =	sbr.abs _section_cstart, $3  }
0xc1: {  	[dreg:$0x1] =	wrdreg $0xFFFFFFFF  }
0xc2: {  	_ =	task.clear_ibuf [dreg:s7], $0x2FFFF;
	_ =	strace $0x9FFFFFFF  }
0xc3: {  	(tm) =	ssettm $0x7FFFFFFF  }
tec
execute0_lowered:
.L_overlay_start_1:
0x0: {  	(tag) =	ssettag $0x1  }
0x1: {  	s4 =	rddreg [dreg:$0x0]  }
0x2: {  	s5 =	rddreg [dreg:$0x1];
	s1 =	srdreg.scid  }
0x3: {  	s0 =	stileid.u32;
	s2 =	rddreg [dreg:$0x2];
	s3 =	simm.s32 $0x0  }
0x4: {  	s6 =	sand.u32 $0x1, s1;
	s7 =	smul.u32 $0x7D0, s0;
	s1 =	rddreg [dreg:$0x3]  }
0x5: {  	[smem:$0x7FF] =	sst s3;
	s11 =	smul.u32 $0x1F40, s0  }
0x6: {  	s30 =	sshll.u32 s0, $0xB;
	p0 =	sgt.u32 s0, $0x4;
	s8 =	smul.u32 $0x2710, s6  }
0x7: {  	_ =	strace $0x80000047;
	s9 =	ssub.s32 $0x2, s6;
	s6 =	sshll.u32 s6, $0xF  }
0x8: {  	s10 =	sshrl.u32 s9, $0x1;
	s31 =	sshrl.u32 s11, $0x2;
	s8 =	sadd.s32 s7, s8  }
0x9: {  	s11 =	simm.s32 $0x4000;
	s9 =	ssub.s32 s9, s10;
	s8 =	sshrl.u32 s8, $0x3  }
0xa: {  	s10 =	simm.s32 $0x50;
	s8 =	sadd.s32 s8, s5;
	s5 =	sadd.s32 s4, s30  }
0xb: {  	s4 =	sadd.s32 s31, s2;
	s5 =	sadd.s32 s6, s5;
	s6 =	sadd.s32 s7, s2  }
0xc: {  	v0 =	vimm.f32 $0.0e+00;
	v1 =	vimm.f32 $1.000000000e+00;
	s7 =	sadd.s32 $0x2400, s8;
	s8 =	smax.u32 s9, $0x1;
	s9 =	simm.s32 $0x1  }
.LBB2_1:
0xd: {  	s12 =	simm.s32 $0x40;
	s13 =	simm.s32 $0x0  }
.LBB2_2:
0xe: {  	p1 =	sne.s32 s12, $0x1F00;
	[tilespmem:s13+$0x4080] =	vst v0;
	s13 =	smov.u32 s12;
	s12 =	sadd.s32 $0x40, s12  }
.Ltmp0:
0xf: {  	(pc) =	sbr.rel @p1 .LBB2_2-.Ltmp0, $2  }
0x10: {  	_ =	sdelay $0x2  }
0x11: {  	s13 =	sshra.s32 s13, $0x2  }
0x12: {  	[tilespmem:s13+$0x4080] =	vst v0;
	s12 =	simm.s32 @!p0 $0x4080  }
0x13: {  	[spmem:s4] =	stream.linear.scatter @!p0 [tilespmem:s12], [sflag:$0x1], $0x7D0, $0x38;
	[tilespmem:$0x4AF8] =	vst v63  }
0x14: {  	s12 =	simm.s32 @!p0 $0x1  }
0x15: {  	_ =	swait.ge @!p0 [sflag:s12], $0x7D0  }
0x16: {  	[sflag:s12] =	ssyncset.done @!p0 $0x0  }
0x17: {  	s30 =	simm.s32 $0x0;
	[sflag:s12] =	ssyncadd.s32 @!p0 $0xFFFFF830  }
0x18: {  	[tilespmem:s30], [sflag:$0x1] =	stream.linear.gather [hbm4b:s5+s30], $0x3E80, $0x38;
	[tilespmem:$0x4AF8] =	vst v63  }
0x19: {  	_ =	swait.ge [sflag:s9], $0x3E80  }
0x1a: {  	[sflag:s9] =	ssyncset.done $0x0  }
0x1b: {  	[sflag:s9] =	ssyncadd.s32 $0xFFFFC180  }
0x1c: {  	[tilespmem:$0x4000] =	vst v1  }
0x1d: {  	[tilespmem:$0x4010] =	vst v1  }
0x1e: {  	[tilespmem:$0x4020] =	vst v1  }
0x1f: {  	[tilespmem:$0x4030] =	vst v1  }
0x20: {  	[tilespmem:$0x4040] =	vst v1  }
0x21: {  	s31 =	simm.s32 $0x0;
	[bflag:$0x0] =	sbarrier.arrive $0xFFFF  }
0x22: {  	[spmem:s2] =	stream.indirect.scatter.add.f32 [tilespmem:s11], [sflag:$0x1], $0x1, s31, s10, $0xb8;
	[tilespmem:$0x4AF8] =	vst v63  }
0x23: {  	_ =	swait.ge [sflag:s9], $0x50  }
0x24: {  	s12 =	simm.s32 $0x200;
	[sflag:s9] =	ssyncset.done $0x0  }
.LBB2_4:
0x25: {  	s13 =	sshra.s32 s12, $0x2;
	[sflag:s9] =	ssyncadd.s32 $0xFFFFFFB0;
	p1 =	sne.s32 s12, $0xF800  }
0x26: {  	[spmem:s2] =	stream.indirect.scatter.add.f32 [tilespmem:s11], [sflag:$0x1], $0x1, s13, s10, $0xb8;
	[tilespmem:$0x4AF8] =	vst v63  }
.Ltmp1:
0x27: {  	_ = 	snop;
	(pc) =	sbr.rel @p1 .LBB2_4-.Ltmp1, $4  }
0x28: {  	_ = 	snop  }
0x29: {  	s12 =	sadd.s32 $0x200, s12  }
0x2a: {  	_ =	swait.ge [sflag:s9], $0x50  }
0x2b: {  	[sflag:s9] =	ssyncset.done $0x0  }
0x2c: {  	[sflag:s9] =	ssyncadd.s32 $0xFFFFFFB0  }
0x2d: {  	s12 =	simm.s32 @!p0 $0x4080;
	s13 =	simm.s32 @!p0 $0x1;
	[bflag:$0x0] =	sbarrier.arrive $0xFFFF  }
0x2e: {  	[tilespmem:s12], [sflag:$0x1] =	stream.linear.gather @!p0 [spmem:s6], $0x7D0, $0x38;
	[tilespmem:$0x4AF8] =	vst v63  }
0x2f: {  	s3 =	sadd.s32 $0x1, s3;
	_ =	swait.ge @!p0 [sflag:s13], $0x7D0  }
0x30: {  	p1 =	sne.s32 s3, s8;
	[sflag:s13] =	ssyncset.done @!p0 $0x0  }
.Ltmp2:
0x31: {  	s14 =	simm.s32 @!p0 $0x0;
	[sflag:s13] =	ssyncadd.s32 @!p0 $0xFFFFF830;
	(pc) =	sbr.rel @p1 .LBB2_1-.Ltmp2, $4  }
0x32: {  	[hbm4b:s7+s14] =	stream.linear.scatter @!p0 [tilespmem:s12], [sflag:$0x1], $0x7D0, $0x38;
	[tilespmem:$0x4AF8] =	vst v63  }
0x33: {  	_ =	swait.ge @!p0 [sflag:s13], $0x7D0  }
0x34: {  	[sflag:s13] =	ssyncset.done @!p0 $0x0  }
0x35: {  	[sflag:s13] =	ssyncadd.s32 @!p0 $0xFFFFF830  }
0x36: {  	_ =	sfence.sel $0x180000  }
0x37: {  	[bflag:$0x0] =	sbarrier.arrive $0xFFFF  }
0x38: {  	p0 =	sne.s32 s0, $0x0;
	_ =	strace $0x90000047  }
0x39: {  	s0 =	sadd.s32 @!p0 $0x100000, s1;
	[bflag:$0x2] =	sbarrier.arrive $0xFFFF  }
0x3a: {  	[sflag:s0] =	ssyncadd.tile.s32 @!p0 $0x1;
	_ =	shalt  }
.Lfunc_end2:
_tile_overlayer_lowered:
.L_overlay_start_2:
0x3b: {  	(tag) =	ssettag $0x2  }
0x3c: {  	s0 =	rddreg [dreg:$0x0];
	s2 =	stileid.u32  }
0x3d: {  	s1 =	rddreg [dreg:$0x1];
	p0 =	sne.s32 s2, $0x0  }
0x3e: {  	s3 =	rddreg [dreg:$0x2];
	[bflag:$0x3] =	sbarrier.arrive $0xFFFF;
	s2 =	simm.s32 @!p0 $0x1C01  }
0x3f: {  	[timem:s3], [sflag:s2] =	dma.local @!p0 [hbm:s0], s1  }
0x40: {  	s0 =	simm.s32 @!p0 $0x1  }
0x41: {  	_ =	swait.ge @!p0 [sflag:s0], s1  }
0x42: {  	s1 =	ssub.s32 @!p0 $0x0, s1;
	[sflag:s0] =	ssyncset.done @!p0 $0x0  }
0x43: {  	[sflag:s0] =	ssyncadd.s32 @!p0 s1  }
0x44: {  	[bflag:$0x3] =	sbarrier.arrive $0xFFFF  }
0x45: {  	_ =	shalt  }

</sc_bundles>
